<compile_context>
chip_gen: v7x
topology: tpu7x:2x2x1
jax: 0.10.2.dev20260603
libtpu: 0.0.44.dev20260713+nightly
codegen_flags: <defaults>
</compile_context>

<pallas_src>
import functools
import math

import jax
import jax.numpy as jnp
from jax import lax
from jax.experimental import pallas as pl
from jax.experimental.pallas import tpu as pltpu, tpu_sc as plsc

N = 10000
E = 320000
NP = 10240
ZROW = N
NS = 16
NTILES = 32
CH = 80
HALF = CH // 2
EPT = CH * 128
EP = NTILES * EPT
RPT = NP // NS
BLK = 1024
GRID = NP // BLK
LOG2PI = math.log(math.pi) / math.log(2.0)

_mesh = lambda: plsc.VectorSubcoreMesh(core_axis_name="c", subcore_axis_name="s",
                                       num_cores=2, num_subcores=NS)



@functools.cache
def _build_sc_deg():
    @functools.partial(
        pl.kernel,
        out_type=jax.ShapeDtypeStruct((2, NP, 128), jnp.float32),
        mesh=_mesh(),
        scratch_types=[
            pltpu.VMEM((CH, 128), jnp.int32),
            pltpu.VMEM((128, 128), jnp.float32),
            pltpu.VMEM_SHARED((NP, 128), jnp.float32),
            pltpu.SemaphoreType.DMA,
        ],
    )
    def _sc_deg(dst_hbm, zeros_hbm, ones_hbm, out_hbm, dst_v, ones_v, table, sem):
        c = lax.axis_index("c")
        s = lax.axis_index("s")
        wid = c * NS + s
        r0 = s * RPT
        pltpu.sync_copy(zeros_hbm.at[pl.ds(r0, RPT)], table.at[pl.ds(r0, RPT)])
        pltpu.sync_copy(ones_hbm, ones_v)
        pltpu.sync_copy(dst_hbm.at[wid], dst_v)
        plsc.subcore_barrier()

        W = 8

        def fire(j, carry):
            pltpu.async_copy(ones_v, table.at[dst_v.at[j]], sem, add=True)
            return carry

        def fire_drain(j, carry):
            pltpu.async_copy(ones_v, table.at[dst_v.at[j]], sem, add=True)
            pltpu.make_async_copy(ones_v, table.at[dst_v.at[j - W]], sem).wait()
            return carry

        def drain(j, carry):
            pltpu.make_async_copy(ones_v, table.at[dst_v.at[j]], sem).wait()
            return carry

        lax.fori_loop(0, W, fire, 0)
        lax.fori_loop(W, CH, fire_drain, 0)
        lax.fori_loop(CH - W, CH, drain, 0)
        plsc.subcore_barrier()
        pltpu.sync_copy(table.at[pl.ds(r0, RPT)], out_hbm.at[c, pl.ds(r0, RPT)])

    return _sc_deg


@functools.cache
def _build_sc_prop():
    @functools.partial(
        pl.kernel,
        out_type=jax.ShapeDtypeStruct((2, NP, 128), jnp.float32),
        mesh=_mesh(),
        scratch_types=[
            pltpu.VMEM((HALF, 128), jnp.int32),
            pltpu.VMEM((HALF, 128), jnp.int32),
            pltpu.VMEM((128, 128), jnp.float32),
            pltpu.VMEM((128, 128), jnp.float32),
            pltpu.VMEM_SHARED((NP, 128), jnp.float32),
            pltpu.SemaphoreType.DMA,
            pltpu.SemaphoreType.DMA,
        ],
    )
    def _sc_prop(src_hbm, dst_hbm, h_hbm, zeros_hbm, out_hbm,
                 src_v, dst_v, rows_a, rows_b, table, sem_a, sem_b):
        c = lax.axis_index("c")
        s = lax.axis_index("s")
        wid = c * NS + s
        r0 = s * RPT

        def gath(j, buf, sem):
            pltpu.async_copy(h_hbm.at[src_v.at[j]], buf, sem)

        def scat(j, buf, sem):
            pltpu.make_async_copy(h_hbm.at[src_v.at[j]], buf, sem).wait()
            pltpu.sync_copy(buf, table.at[dst_v.at[j]], add=True)

        pltpu.sync_copy(src_hbm.at[wid, pl.ds(0, HALF)], src_v)
        pltpu.sync_copy(dst_hbm.at[wid, pl.ds(0, HALF)], dst_v)
        gath(0, rows_a, sem_a)
        gath(1, rows_b, sem_b)
        pltpu.sync_copy(zeros_hbm.at[pl.ds(r0, RPT)], table.at[pl.ds(r0, RPT)])
        plsc.subcore_barrier()

        for hp in range(2):
            if hp:
                pltpu.sync_copy(src_hbm.at[wid, pl.ds(hp * HALF, HALF)], src_v)
                pltpu.sync_copy(dst_hbm.at[wid, pl.ds(hp * HALF, HALF)], dst_v)
                gath(0, rows_a, sem_a)
                gath(1, rows_b, sem_b)

            def body(p, carry):
                j = 2 * p
                scat(j, rows_a, sem_a)
                gath(j + 2, rows_a, sem_a)
                scat(j + 1, rows_b, sem_b)
                gath(j + 3, rows_b, sem_b)
                return carry

            lax.fori_loop(0, HALF // 2 - 1, body, 0)
            scat(HALF - 2, rows_a, sem_a)
            scat(HALF - 1, rows_b, sem_b)
        plsc.subcore_barrier()
        pltpu.sync_copy(table.at[pl.ds(r0, RPT)], out_hbm.at[c, pl.ds(r0, RPT)])

    return _sc_prop


def _sc_deg(*args):
    return _build_sc_deg()(*args)


def _sc_prop(*args):
    return _build_sc_prop()(*args)



def _rowmask(i):
    rows = lax.broadcasted_iota(jnp.int32, (BLK, 1), 0) + i * BLK
    return rows < N


def _dot(a, b):
    return jnp.dot(a, b, preferred_element_type=jnp.float32,
                   precision=lax.Precision.HIGHEST)


def _tcgate_body(x_ref, wg_ref, bg_ref, h0_ref):
    i = pl.program_id(0)
    h = jax.nn.sigmoid(_dot(x_ref[...], wg_ref[...]) + bg_ref[...])
    h0_ref[...] = jnp.where(_rowmask(i), h, 0.0)


def _tcnorm_body(degp_ref, h0_ref, hs0_ref, norm_ref):
    deg = degp_ref[0, :, 0:1] + degp_ref[1, :, 0:1]
    norm = lax.rsqrt(jnp.maximum(deg, 1.0))
    hs0_ref[...] = h0_ref[...] * norm
    norm_ref[...] = jnp.broadcast_to(norm, (BLK, 128))


def _tcscale_body(norm_ref, ap_ref, f_ref, fs_ref):
    norm = norm_ref[...]
    a = ap_ref[0] + ap_ref[1]
    f = a * norm
    f_ref[...] = f
    fs_ref[...] = f * norm


def _tcpre_body(h_ref, f1_ref, w_ref, b_ref, pc_ref):
    w = w_ref[...]
    pc_ref[...] = _dot(h_ref[...], w[0:128]) + _dot(f1_ref[...], w[128:256]) \
        + b_ref[...]


def _tcconv_body(norm_ref, ap_ref, pc_ref, w_ref, t_ref, ts_ref):
    i = pl.program_id(0)
    norm = norm_ref[...]
    f2 = (ap_ref[0] + ap_ref[1]) * norm
    t = pc_ref[...] + _dot(f2, w_ref[256:384])
    t = jnp.maximum(t, 0.0)
    t = jnp.where(_rowmask(i), t, 0.0)
    t_ref[...] = t
    ts_ref[...] = t * norm


def _tcfinal_body(norm_ref, ap_ref, pc_ref, wc_ref,
                  wd_ref, bd_ref, we1_ref, be1_ref, we21_ref, be21_ref,
                  we22_ref, be22_ref, wdc1_ref, bdc1_ref, wdc21_ref,
                  bdc21_ref, wdc22_ref, bdc22_ref, eps1_ref, eps2_ref,
                  zsum_ref, zest_ref, lrec_ref, kld_ref):
    i = pl.program_id(0)
    norm = norm_ref[...]
    g2 = (ap_ref[0] + ap_ref[1]) * norm
    t2 = pc_ref[...] + _dot(g2, wc_ref[256:384])
    t2 = jnp.maximum(t2, 0.0)
    hfin = _dot(t2, wd_ref[...]) + bd_ref[...]
    hfin = jnp.where(_rowmask(i), hfin, 0.0)

    @pl.when(i == 0)
    def _():
        zsum_ref[...] = jnp.zeros_like(zsum_ref)

    zsum_ref[...] += jnp.sum(hfin, axis=0, keepdims=True)

    @pl.when(i == GRID - 1)
    def _():
        z = zsum_ref[...] * (1.0 / N)
        h1 = jnp.maximum(_dot(z, we1_ref[...]) + be1_ref[...], 0.0)
        mu = _dot(h1, we21_ref[...]) + be21_ref[...]
        logvar = _dot(h1, we22_ref[...]) + be22_ref[...]
        latent = mu + eps1_ref[...] * jnp.exp(0.5 * logvar)
        h2 = jnp.maximum(_dot(latent, wdc1_ref[...]) + bdc1_ref[...], 0.0)
        z_mu = _dot(h2, wdc21_ref[...]) + bdc21_ref[...]
        z_logvar = _dot(h2, wdc22_ref[...]) + bdc22_ref[...]
        zest_ref[...] = z_mu + eps2_ref[...] * jnp.exp(0.5 * z_logvar)
        lrec_ref[...] = (LOG2PI + z_logvar
                         + (z - z_mu) ** 2 / (2.0 * jnp.exp(z_logvar)))
        kld_ref[...] = jnp.full((1, 128), -0.5 * jnp.sum(
            1.0 + logvar - mu ** 2 - jnp.exp(logvar)))


def _blk(ix=None):
    if ix is None:
        return pl.BlockSpec((BLK, 128), lambda i: (i, 0))
    return pl.BlockSpec(ix[0], ix[1])


_DEGP_SPEC = pl.BlockSpec((2, BLK, 128), lambda i: (0, i, 0))
_AP_SPEC = pl.BlockSpec((2, BLK, 128), lambda i: (0, i, 0))
_W128_SPEC = pl.BlockSpec((128, 128), lambda i: (0, 0))
_W384_SPEC = pl.BlockSpec((384, 128), lambda i: (0, 0))
_B_SPEC = pl.BlockSpec((1, 128), lambda i: (0, 0))
_NP_F32 = jax.ShapeDtypeStruct((NP, 128), jnp.float32)


def _tc_gate(x, wg, bg):
    return pl.pallas_call(
        _tcgate_body,
        grid=(GRID,),
        in_specs=[_blk(), _W128_SPEC, _B_SPEC],
        out_specs=_blk(),
        out_shape=_NP_F32,
    )(x, wg, bg)


def _tc_norm(degp, h0):
    return pl.pallas_call(
        _tcnorm_body,
        grid=(GRID,),
        in_specs=[_DEGP_SPEC, _blk()],
        out_specs=[_blk(), _blk()],
        out_shape=[_NP_F32, _NP_F32],
    )(degp, h0)


def _tc_scale(norm, ap):
    return pl.pallas_call(
        _tcscale_body,
        grid=(GRID,),
        in_specs=[_blk(), _AP_SPEC],
        out_specs=[_blk(), _blk()],
        out_shape=[_NP_F32, _NP_F32],
    )(norm, ap)


def _tc_pre(h, f1, w, b):
    return pl.pallas_call(
        _tcpre_body,
        grid=(GRID,),
        in_specs=[_blk(), _blk(), _W384_SPEC, _B_SPEC],
        out_specs=_blk(),
        out_shape=_NP_F32,
    )(h, f1, w, b)


def _tc_conv(norm, ap, pc, w):
    return pl.pallas_call(
        _tcconv_body,
        grid=(GRID,),
        in_specs=[_blk(), _AP_SPEC, _blk(), _W384_SPEC],
        out_specs=[_blk(), _blk()],
        out_shape=[_NP_F32, _NP_F32],
    )(norm, ap, pc, w)


def _tc_final(norm, ap, pc, wc, wd, bd, *vae_ws):
    return pl.pallas_call(
        _tcfinal_body,
        grid=(GRID,),
        in_specs=[_blk(), _AP_SPEC, _blk(), _W384_SPEC,
                  _W128_SPEC, _B_SPEC]
                 + [_W128_SPEC, _B_SPEC] * 6 + [_B_SPEC, _B_SPEC],
        out_specs=[pl.BlockSpec((1, 128), lambda i: (0, 0))] * 4,
        out_shape=[jax.ShapeDtypeStruct((1, 128), jnp.float32)] * 4,
    )(norm, ap, pc, wc, wd, bd, *vae_ws)



def _pad_w(w, b, fin, fout):
    wp = jnp.zeros((128, 128), jnp.float32).at[:fin, :fout].set(w)
    bp = jnp.zeros((1, 128), jnp.float32).at[0, :fout].set(b)
    return wp, bp


def kernel(x, edge_index, W_gate, b_gate, W_c0, b_c0, W_c1, b_c1, W_d, b_d,
           W_e1, b_e1, W_e21, b_e21, W_e22, b_e22,
           W_dc1, b_dc1, W_dc21, b_dc21, W_dc22, b_dc22):
    f32 = jnp.float32
    pad = ZROW + jnp.arange(EP - E, dtype=jnp.int32) % (NP - N)
    src_p = jnp.concatenate([edge_index[0], pad]).reshape(NTILES, CH, 128)
    dst_p = jnp.concatenate([edge_index[1], pad]).reshape(NTILES, CH, 128)
    zeros128 = jnp.zeros((NP, 128), f32)
    ones128 = jnp.ones((128, 128), f32)

    degp = _sc_deg(dst_p, zeros128, ones128)
    h0 = _tc_gate(x, W_gate, b_gate.reshape(1, 128))
    hs0, norm = _tc_norm(degp, h0)
    a1p = _sc_prop(src_p, dst_p, hs0, zeros128)
    f1, f1s = _tc_scale(norm, a1p)
    a2p = _sc_prop(src_p, dst_p, f1s, zeros128)
    pc1 = _tc_pre(h0, f1, W_c0, b_c0.reshape(1, 128))
    t1, t1s = _tc_conv(norm, a2p, pc1, W_c0)
    b1p = _sc_prop(src_p, dst_p, t1s, zeros128)
    g1, g1s = _tc_scale(norm, b1p)
    b2p = _sc_prop(src_p, dst_p, g1s, zeros128)
    pc2 = _tc_pre(t1, g1, W_c1, b_c1.reshape(1, 128))

    we1p, be1p = _pad_w(W_e1, b_e1, 128, 64)
    we21p, be21p = _pad_w(W_e21, b_e21, 64, 32)
    we22p, be22p = _pad_w(W_e22, b_e22, 64, 32)
    wdc1p, bdc1p = _pad_w(W_dc1, b_dc1, 32, 64)
    wdc21p, bdc21p = _pad_w(W_dc21, b_dc21, 64, 128)
    wdc22p, bdc22p = _pad_w(W_dc22, b_dc22, 64, 128)
    eps1 = jnp.zeros((1, 128), f32).at[0, :32].set(
        jax.random.normal(jax.random.key(1), (32,), f32))
    eps2 = jax.random.normal(jax.random.key(2), (128,), f32).reshape(1, 128)

    _, zest, lrec, kld = _tc_final(
        norm, b2p, pc2, W_c1, W_d, b_d.reshape(1, 128),
        we1p, be1p, we21p, be21p, we22p, be22p,
        wdc1p, bdc1p, wdc21p, bdc21p, wdc22p, bdc22p, eps1, eps2)
    return (zest.reshape(128), lrec.reshape(128), kld[0, 0])

# --- scband reference (transcript-rebuilt; emitter-appended) ---
"""Pipeline reference for scband-graph-region-encoder-27582279975434 (READ-ONLY COPY).

The authoritative reference and input builder live on the scoring server;
editing this copy changes nothing except your own understanding.
"""

import jax, jax.numpy as jnp
import numpy as np

N = 10000
E = 320000
D_FEAT = 128
S0 = 128
S1 = 128
GEMB = 128
K = 2  # TAGConv default number of hops
HID = max(GEMB // 2, 5)
LAT = max(HID // 2, 5)


def _lin(key, fin, fout):
    k1, k2 = jax.random.split(key)
    lim = 1.0 / np.sqrt(fin)
    W = jax.random.uniform(k1, (fin, fout), minval=-lim, maxval=lim, dtype=jnp.float32)
    b = jax.random.uniform(k2, (fout,), minval=-lim, maxval=lim, dtype=jnp.float32)
    return W, b


def setup_inputs(seed: int = 0) -> dict:
    key = jax.random.key(seed)
    ks = jax.random.split(key, 12)
    inp = {}
    inp["x"] = jax.random.normal(ks[0], (N, D_FEAT), dtype=jnp.float32)
    inp["edge_index"] = jax.random.randint(ks[1], (2, E), 0, N, dtype=jnp.int32)
    inp["W_gate"], inp["b_gate"] = _lin(ks[2], D_FEAT, S0)
    inp["W_c0"], inp["b_c0"] = _lin(ks[3], (K + 1) * S0, S1)
    inp["W_c1"], inp["b_c1"] = _lin(ks[4], (K + 1) * S1, S1)
    inp["W_d"], inp["b_d"] = _lin(ks[5], S1, GEMB)
    inp["W_e1"], inp["b_e1"] = _lin(ks[6], GEMB, HID)
    inp["W_e21"], inp["b_e21"] = _lin(ks[7], HID, LAT)
    inp["W_e22"], inp["b_e22"] = _lin(ks[8], HID, LAT)
    inp["W_dc1"], inp["b_dc1"] = _lin(ks[9], LAT, HID)
    inp["W_dc21"], inp["b_dc21"] = _lin(ks[10], HID, GEMB)
    inp["W_dc22"], inp["b_dc22"] = _lin(ks[11], HID, GEMB)
    return inp


def _tag_prop(h, src, dst, norm):
    # DGL TAGConv propagation: rst = norm * scatter_add(norm * h gathered at src -> dst)
    m = (h * norm[:, None])[src]
    agg = jax.ops.segment_sum(m, dst, num_segments=N)
    return agg * norm[:, None]


def _tag_conv(h, src, dst, norm, W, b):
    fstack = [h]
    for _ in range(K):
        fstack.append(_tag_prop(fstack[-1], src, dst, norm))
    return jnp.concatenate(fstack, axis=1) @ W + b


def reference(x, edge_index, W_gate, b_gate, W_c0, b_c0, W_c1, b_c1, W_d, b_d,
              W_e1, b_e1, W_e21, b_e21, W_e22, b_e22,
              W_dc1, b_dc1, W_dc21, b_dc21, W_dc22, b_dc22):
    src = edge_index[0]
    dst = edge_index[1]
    deg = jax.ops.segment_sum(jnp.ones((E,), dtype=jnp.float32), dst, num_segments=N)
    norm = jnp.power(jnp.maximum(deg, 1.0), -0.5)
    # GraphEmbed: node gating -> TAGConv stack (ReLU, no batchnorm) -> dense -> mean pool
    h = jax.nn.sigmoid(x @ W_gate + b_gate)
    h = jax.nn.relu(_tag_conv(h, src, dst, norm, W_c0, b_c0))
    h = jax.nn.relu(_tag_conv(h, src, dst, norm, W_c1, b_c1))
    h = h @ W_d + b_d
    z = jnp.mean(h, axis=0)  # [GEMB] graph embedding
    # GraphRegionEncoder.autoencode (VAE)
    h1 = jax.nn.relu(z @ W_e1 + b_e1)
    mu = h1 @ W_e21 + b_e21
    logvar = h1 @ W_e22 + b_e22
    eps1 = jax.random.normal(jax.random.key(1), mu.shape, dtype=jnp.float32)
    latent = mu + eps1 * jnp.exp(0.5 * logvar)
    h2 = jax.nn.relu(latent @ W_dc1 + b_dc1)
    z_mu = h2 @ W_dc21 + b_dc21
    z_logvar = h2 @ W_dc22 + b_dc22
    eps2 = jax.random.normal(jax.random.key(2), z_mu.shape, dtype=jnp.float32)
    z_estimate = z_mu + eps2 * jnp.exp(0.5 * z_logvar)
    log2pi = jnp.log2(jnp.array([np.pi], dtype=jnp.float32))
    loss_rec = log2pi + z_logvar + (z - z_mu) ** 2 / (2.0 * jnp.exp(z_logvar))
    KLD = -0.5 * jnp.sum(1.0 + logvar - mu ** 2 - jnp.exp(logvar))
    return (z_estimate, loss_rec, KLD)

if __name__ == "__main__":
    import jax
    _d = setup_inputs()
    print(jax.jit(kernel)(*tuple(_d.values())))

</pallas_src>

<mosaic_0001>
#map = affine_map<(d0, d1) -> (0, 0, 0)>
#map1 = affine_map<(d0, d1) -> (0, 0)>
module attributes {stable_mosaic.version = 14 : i64} {
  func.func @_sc_deg(%arg0: i32, %arg1: i32, %arg2: memref<32x80x128xi32, #tpu.memory_space<hbm>>, %arg3: memref<10240x128xf32, #tpu.memory_space<hbm>>, %arg4: memref<128x128xf32, #tpu.memory_space<hbm>>, %arg5: memref<2x10240x128xf32, #tpu.memory_space<hbm>>, %arg6: memref<80x128xi32, #tpu.memory_space<vmem>>, %arg7: memref<128x128xf32, #tpu.memory_space<vmem>>, %arg8: memref<10240x128xf32, #tpu.memory_space<vmem_shared>>, %arg9: memref<!tpu.dma_semaphore, #tpu.memory_space<semaphore_mem>>) attributes {dimension_semantics = [#tpu.dimension_semantics<core_parallel>, #tpu.dimension_semantics<subcore_parallel>], iteration_bounds = array<i64: 2, 16>, scalar_prefetch = 0 : i64, scratch_operands = 4 : i64, tpu.core_type = #tpu.core_type<sc_vector_subcore>, window_params = [{transform_indices = #map}, {transform_indices = #map1}, {transform_indices = #map1}, {transform_indices = #map}]} {
    %mul3A = arith.constant 16 : i32
    %mul3A_0 = arith.muli %arg0, %mul3A : i32
    %add3A = arith.addi %mul3A_0, %arg1 : i32
    %mul3A_1 = arith.constant 640 : i32
    %mul3A_2 = arith.muli %arg1, %mul3A_1 : i32
    "tpu.region"() ({
      %run_scoped3A = tpu.sem_alloc : memref<!tpu.dma_semaphore, #tpu.memory_space<semaphore_mem>>
      %dma_start3A = arith.constant 0 : i32
      %dma_start3A_21 = tpu.memref_slice %arg8[%mul3A_2, %dma_start3A] : memref<10240x128xf32, #tpu.memory_space<vmem_shared>> -> memref<640x128xf32, #tpu.memory_space<vmem_shared>>
      %dma_start3A_22 = arith.constant 0 : i32
      %dma_start3A_23 = tpu.memref_slice %arg3[%mul3A_2, %dma_start3A_22] : memref<10240x128xf32, #tpu.memory_space<hbm>> -> memref<640x128xf32, #tpu.memory_space<hbm>>
      tpu.enqueue_dma source(%dma_start3A_23 : memref<640x128xf32, #tpu.memory_space<hbm>>) target(%dma_start3A_21 : memref<640x128xf32, #tpu.memory_space<vmem_shared>>) target_semaphore(%run_scoped3A : memref<!tpu.dma_semaphore, #tpu.memory_space<semaphore_mem>>)
      %dma_wait3A = arith.constant 0 : i32
      %dma_wait3A_24 = tpu.memref_slice %arg8[%mul3A_2, %dma_wait3A] : memref<10240x128xf32, #tpu.memory_space<vmem_shared>> -> memref<640x128xf32, #tpu.memory_space<vmem_shared>>
      %dma_wait3A_25 = arith.constant 0 : i32
      %dma_wait3A_26 = tpu.memref_slice %arg3[%mul3A_2, %dma_wait3A_25] : memref<10240x128xf32, #tpu.memory_space<hbm>> -> memref<640x128xf32, #tpu.memory_space<hbm>>
      tpu.wait_dma2 semaphore(%run_scoped3A : memref<!tpu.dma_semaphore, #tpu.memory_space<semaphore_mem>>) src(%dma_wait3A_26 : memref<640x128xf32, #tpu.memory_space<hbm>>) dst(%dma_wait3A_24 : memref<640x128xf32, #tpu.memory_space<vmem_shared>>)
      tpu.yield
    }) : () -> ()
    "tpu.region"() ({
      %run_scoped3A = tpu.sem_alloc : memref<!tpu.dma_semaphore, #tpu.memory_space<semaphore_mem>>
      tpu.enqueue_dma source(%arg4 : memref<128x128xf32, #tpu.memory_space<hbm>>) target(%arg7 : memref<128x128xf32, #tpu.memory_space<vmem>>) target_semaphore(%run_scoped3A : memref<!tpu.dma_semaphore, #tpu.memory_space<semaphore_mem>>)
      tpu.wait_dma2 semaphore(%run_scoped3A : memref<!tpu.dma_semaphore, #tpu.memory_space<semaphore_mem>>) src(%arg4 : memref<128x128xf32, #tpu.memory_space<hbm>>) dst(%arg7 : memref<128x128xf32, #tpu.memory_space<vmem>>)
      tpu.yield
    }) : () -> ()
    "tpu.region"() ({
      %run_scoped3A = tpu.sem_alloc : memref<!tpu.dma_semaphore, #tpu.memory_space<semaphore_mem>>
      %dma_start3A = arith.constant 0 : i32
      %dma_start3A_21 = arith.constant 0 : i32
      %dma_start3A_22 = tpu.memref_slice %arg2[%add3A, %dma_start3A, %dma_start3A_21] : memref<32x80x128xi32, #tpu.memory_space<hbm>> -> memref<1x80x128xi32, #tpu.memory_space<hbm>>
      %dma_start3A_23 = tpu.memref_squeeze %dma_start3A_22 : memref<1x80x128xi32, #tpu.memory_space<hbm>> -> memref<80x128xi32, #tpu.memory_space<hbm>>
      %dma_start3A_24 = arith.constant 0 : i32
      %dma_start3A_25 = arith.constant 0 : i32
      %dma_start3A_26 = tpu.memref_slice %arg2[%add3A, %dma_start3A_24, %dma_start3A_25] : memref<32x80x128xi32, #tpu.memory_space<hbm>> -> memref<1x80x128xi32, #tpu.memory_space<hbm>>
      %dma_start3A_27 = tpu.memref_squeeze %dma_start3A_26 : memref<1x80x128xi32, #tpu.memory_space<hbm>> -> memref<80x128xi32, #tpu.memory_space<hbm>>
      tpu.enqueue_dma source(%dma_start3A_27 : memref<80x128xi32, #tpu.memory_space<hbm>>) target(%arg6 : memref<80x128xi32, #tpu.memory_space<vmem>>) target_semaphore(%run_scoped3A : memref<!tpu.dma_semaphore, #tpu.memory_space<semaphore_mem>>)
      %dma_wait3A = arith.constant 0 : i32
      %dma_wait3A_28 = arith.constant 0 : i32
      %dma_wait3A_29 = tpu.memref_slice %arg2[%add3A, %dma_wait3A, %dma_wait3A_28] : memref<32x80x128xi32, #tpu.memory_space<hbm>> -> memref<1x80x128xi32, #tpu.memory_space<hbm>>
      %dma_wait3A_30 = tpu.memref_squeeze %dma_wait3A_29 : memref<1x80x128xi32, #tpu.memory_space<hbm>> -> memref<80x128xi32, #tpu.memory_space<hbm>>
      %dma_wait3A_31 = arith.constant 0 : i32
      %dma_wait3A_32 = arith.constant 0 : i32
      %dma_wait3A_33 = tpu.memref_slice %arg2[%add3A, %dma_wait3A_31, %dma_wait3A_32] : memref<32x80x128xi32, #tpu.memory_space<hbm>> -> memref<1x80x128xi32, #tpu.memory_space<hbm>>
      %dma_wait3A_34 = tpu.memref_squeeze %dma_wait3A_33 : memref<1x80x128xi32, #tpu.memory_space<hbm>> -> memref<80x128xi32, #tpu.memory_space<hbm>>
      tpu.wait_dma2 semaphore(%run_scoped3A : memref<!tpu.dma_semaphore, #tpu.memory_space<semaphore_mem>>) src(%dma_wait3A_34 : memref<80x128xi32, #tpu.memory_space<hbm>>) dst(%arg6 : memref<80x128xi32, #tpu.memory_space<vmem>>)
      tpu.yield
    }) : () -> ()
    %barrier3A = arith.constant 0 : index
    tpu.barrier barrier_id(%barrier3A)
    %scan3A = arith.constant 0 : i32
    %scan3A_3 = arith.constant 0 : i32
    %scan3A_4 = arith.constant 8 : i32
    %scan3A_5 = arith.addi %scan3A_3, %scan3A_4 : i32
    %scan3A_6 = arith.constant 1 : i32
    scf.for %scan3A_21 = %scan3A_3 to %scan3A_5 step %scan3A_6  : i32 {
      %dma_start3A = arith.constant 0 : i32
      %dma_start3A_22 = tpu.memref_slice %arg6[%scan3A_21, %dma_start3A] : memref<80x128xi32, #tpu.memory_space<vmem>> -> memref<1x128xi32, #tpu.memory_space<vmem>>
      %dma_start3A_23 = tpu.memref_squeeze %dma_start3A_22 : memref<1x128xi32, #tpu.memory_space<vmem>> -> memref<128xi32, #tpu.memory_space<vmem>>
      %dma_start3A_24 = arith.constant 0 : i32
      %dma_start3A_25 = arith.constant 0 : i32
      %dma_start3A_26 = tpu.memref_slice %arg8[%dma_start3A_24, %dma_start3A_25] : memref<10240x128xf32, #tpu.memory_space<vmem_shared>> -> memref<10240x128xf32, #tpu.memory_space<vmem_shared>>
      tpu.enqueue_indirect_dma source(%arg7 : memref<128x128xf32, #tpu.memory_space<vmem>>) target(%dma_start3A_26 : memref<10240x128xf32, #tpu.memory_space<vmem_shared>>) offsets(%dma_start3A_23 : memref<128xi32, #tpu.memory_space<vmem>>) semaphore(%arg9 : memref<!tpu.dma_semaphore, #tpu.memory_space<semaphore_mem>>) {add = true}
    }
    %scan3A_7 = arith.constant 8 : i32
    %scan3A_8 = arith.constant 0 : i32
    %scan3A_9 = arith.constant 8 : i32
    %scan3A_10 = arith.constant 72 : i32
    %scan3A_11 = arith.addi %scan3A_9, %scan3A_10 : i32
    %scan3A_12 = arith.constant 1 : i32
    scf.for %scan3A_21 = %scan3A_9 to %scan3A_11 step %scan3A_12  : i32 {
      %dma_start3A = arith.constant 0 : i32
      %dma_start3A_22 = tpu.memref_slice %arg6[%scan3A_21, %dma_start3A] : memref<80x128xi32, #tpu.memory_space<vmem>> -> memref<1x128xi32, #tpu.memory_space<vmem>>
      %dma_start3A_23 = tpu.memref_squeeze %dma_start3A_22 : memref<1x128xi32, #tpu.memory_space<vmem>> -> memref<128xi32, #tpu.memory_space<vmem>>
      %dma_start3A_24 = arith.constant 0 : i32
      %dma_start3A_25 = arith.constant 0 : i32
      %dma_start3A_26 = tpu.memref_slice %arg8[%dma_start3A_24, %dma_start3A_25] : memref<10240x128xf32, #tpu.memory_space<vmem_shared>> -> memref<10240x128xf32, #tpu.memory_space<vmem_shared>>
      tpu.enqueue_indirect_dma source(%arg7 : memref<128x128xf32, #tpu.memory_space<vmem>>) target(%dma_start3A_26 : memref<10240x128xf32, #tpu.memory_space<vmem_shared>>) offsets(%dma_start3A_23 : memref<128xi32, #tpu.memory_space<vmem>>) semaphore(%arg9 : memref<!tpu.dma_semaphore, #tpu.memory_space<semaphore_mem>>) {add = true}
      %sub3A = arith.constant 8 : i32
      %sub3A_27 = arith.subi %scan3A_21, %sub3A : i32
      %dma_wait3A = arith.constant 0 : i32
      %dma_wait3A_28 = tpu.memref_slice %arg6[%sub3A_27, %dma_wait3A] : memref<80x128xi32, #tpu.memory_space<vmem>> -> memref<1x128xi32, #tpu.memory_space<vmem>>
      %dma_wait3A_29 = tpu.memref_squeeze %dma_wait3A_28 : memref<1x128xi32, #tpu.memory_space<vmem>> -> memref<128xi32, #tpu.memory_space<vmem>>
      %dma_wait3A_30 = arith.constant 0 : i32
      %dma_wait3A_31 = arith.constant 0 : i32
      %dma_wait3A_32 = tpu.memref_slice %arg8[%dma_wait3A_30, %dma_wait3A_31] : memref<10240x128xf32, #tpu.memory_space<vmem_shared>> -> memref<10240x128xf32, #tpu.memory_space<vmem_shared>>
      tpu.wait_indirect_dma semaphore(%arg9 : memref<!tpu.dma_semaphore, #tpu.memory_space<semaphore_mem>>) src(%arg7 : memref<128x128xf32, #tpu.memory_space<vmem>>) dst(%dma_wait3A_32 : memref<10240x128xf32, #tpu.memory_space<vmem_shared>>)
    }
    %scan3A_13 = arith.constant 72 : i32
    %scan3A_14 = arith.constant 0 : i32
    %scan3A_15 = arith.constant 72 : i32
    %scan3A_16 = arith.constant 8 : i32
    %scan3A_17 = arith.addi %scan3A_15, %scan3A_16 : i32
    %scan3A_18 = arith.constant 1 : i32
    scf.for %scan3A_21 = %scan3A_15 to %scan3A_17 step %scan3A_18  : i32 {
      %dma_wait3A = arith.constant 0 : i32
      %dma_wait3A_22 = tpu.memref_slice %arg6[%scan3A_21, %dma_wait3A] : memref<80x128xi32, #tpu.memory_space<vmem>> -> memref<1x128xi32, #tpu.memory_space<vmem>>
      %dma_wait3A_23 = tpu.memref_squeeze %dma_wait3A_22 : memref<1x128xi32, #tpu.memory_space<vmem>> -> memref<128xi32, #tpu.memory_space<vmem>>
      %dma_wait3A_24 = arith.constant 0 : i32
      %dma_wait3A_25 = arith.constant 0 : i32
      %dma_wait3A_26 = tpu.memref_slice %arg8[%dma_wait3A_24, %dma_wait3A_25] : memref<10240x128xf32, #tpu.memory_space<vmem_shared>> -> memref<10240x128xf32, #tpu.memory_space<vmem_shared>>
      tpu.wait_indirect_dma semaphore(%arg9 : memref<!tpu.dma_semaphore, #tpu.memory_space<semaphore_mem>>) src(%arg7 : memref<128x128xf32, #tpu.memory_space<vmem>>) dst(%dma_wait3A_26 : memref<10240x128xf32, #tpu.memory_space<vmem_shared>>)
    }
    %scan3A_19 = arith.constant 8 : i32
    %barrier3A_20 = arith.constant 0 : index
    tpu.barrier barrier_id(%barrier3A_20)
    "tpu.region"() ({
      %run_scoped3A = tpu.sem_alloc : memref<!tpu.dma_semaphore, #tpu.memory_space<semaphore_mem>>
      %dma_start3A = arith.constant 0 : i32
      %dma_start3A_21 = tpu.memref_slice %arg5[%arg0, %mul3A_2, %dma_start3A] : memref<2x10240x128xf32, #tpu.memory_space<hbm>> -> memref<1x640x128xf32, #tpu.memory_space<hbm>>
      %dma_start3A_22 = tpu.memref_squeeze %dma_start3A_21 : memref<1x640x128xf32, #tpu.memory_space<hbm>> -> memref<640x128xf32, #tpu.memory_space<hbm>>
      %dma_start3A_23 = arith.constant 0 : i32
      %dma_start3A_24 = tpu.memref_slice %arg8[%mul3A_2, %dma_start3A_23] : memref<10240x128xf32, #tpu.memory_space<vmem_shared>> -> memref<640x128xf32, #tpu.memory_space<vmem_shared>>
      tpu.enqueue_dma source(%dma_start3A_24 : memref<640x128xf32, #tpu.memory_space<vmem_shared>>) target(%dma_start3A_22 : memref<640x128xf32, #tpu.memory_space<hbm>>) target_semaphore(%run_scoped3A : memref<!tpu.dma_semaphore, #tpu.memory_space<semaphore_mem>>)
      %dma_wait3A = arith.constant 0 : i32
      %dma_wait3A_25 = tpu.memref_slice %arg5[%arg0, %mul3A_2, %dma_wait3A] : memref<2x10240x128xf32, #tpu.memory_space<hbm>> -> memref<1x640x128xf32, #tpu.memory_space<hbm>>
      %dma_wait3A_26 = tpu.memref_squeeze %dma_wait3A_25 : memref<1x640x128xf32, #tpu.memory_space<hbm>> -> memref<640x128xf32, #tpu.memory_space<hbm>>
      %dma_wait3A_27 = arith.constant 0 : i32
      %dma_wait3A_28 = tpu.memref_slice %arg8[%mul3A_2, %dma_wait3A_27] : memref<10240x128xf32, #tpu.memory_space<vmem_shared>> -> memref<640x128xf32, #tpu.memory_space<vmem_shared>>
      tpu.wait_dma2 semaphore(%run_scoped3A : memref<!tpu.dma_semaphore, #tpu.memory_space<semaphore_mem>>) src(%dma_wait3A_28 : memref<640x128xf32, #tpu.memory_space<vmem_shared>>) dst(%dma_wait3A_26 : memref<640x128xf32, #tpu.memory_space<hbm>>)
      tpu.yield
    }) : () -> ()
    return
  }
}

#map = affine_map<(d0, d1) -> (0, 0, 0)>
#map1 = affine_map<(d0, d1) -> (0, 0)>
module attributes {stable_mosaic.version = 14 : i64} {
  func.func @_sc_prop(%arg0: i32, %arg1: i32, %arg2: memref<32x80x128xi32, #tpu.memory_space<hbm>>, %arg3: memref<32x80x128xi32, #tpu.memory_space<hbm>>, %arg4: memref<10240x128xf32, #tpu.memory_space<hbm>>, %arg5: memref<10240x128xf32, #tpu.memory_space<hbm>>, %arg6: memref<2x10240x128xf32, #tpu.memory_space<hbm>>, %arg7: memref<40x128xi32, #tpu.memory_space<vmem>>, %arg8: memref<40x128xi32, #tpu.memory_space<vmem>>, %arg9: memref<128x128xf32, #tpu.memory_space<vmem>>, %arg10: memref<128x128xf32, #tpu.memory_space<vmem>>, %arg11: memref<10240x128xf32, #tpu.memory_space<vmem_shared>>, %arg12: memref<!tpu.dma_semaphore, #tpu.memory_space<semaphore_mem>>, %arg13: memref<!tpu.dma_semaphore, #tpu.memory_space<semaphore_mem>>) attributes {dimension_semantics = [#tpu.dimension_semantics<core_parallel>, #tpu.dimension_semantics<subcore_parallel>], iteration_bounds = array<i64: 2, 16>, scalar_prefetch = 0 : i64, scratch_operands = 7 : i64, tpu.core_type = #tpu.core_type<sc_vector_subcore>, window_params = [{transform_indices = #map}, {transform_indices = #map}, {transform_indices = #map1}, {transform_indices = #map1}, {transform_indices = #map}]} {
    %mul3A = arith.constant 16 : i32
    %mul3A_0 = arith.muli %arg0, %mul3A : i32
    %add3A = arith.addi %mul3A_0, %arg1 : i32
    %mul3A_1 = arith.constant 640 : i32
    %mul3A_2 = arith.muli %arg1, %mul3A_1 : i32
    "tpu.region"() ({
      %run_scoped3A_72 = tpu.sem_alloc : memref<!tpu.dma_semaphore, #tpu.memory_space<semaphore_mem>>
      %dma_start3A_73 = arith.constant 0 : i32
      %dma_start3A_74 = arith.constant 0 : i32
      %dma_start3A_75 = tpu.memref_slice %arg2[%add3A, %dma_start3A_73, %dma_start3A_74] : memref<32x80x128xi32, #tpu.memory_space<hbm>> -> memref<1x40x128xi32, #tpu.memory_space<hbm>>
      %dma_start3A_76 = tpu.memref_squeeze %dma_start3A_75 : memref<1x40x128xi32, #tpu.memory_space<hbm>> -> memref<40x128xi32, #tpu.memory_space<hbm>>
      %dma_start3A_77 = arith.constant 0 : i32
      %dma_start3A_78 = arith.constant 0 : i32
      %dma_start3A_79 = tpu.memref_slice %arg2[%add3A, %dma_start3A_77, %dma_start3A_78] : memref<32x80x128xi32, #tpu.memory_space<hbm>> -> memref<1x40x128xi32, #tpu.memory_space<hbm>>
      %dma_start3A_80 = tpu.memref_squeeze %dma_start3A_79 : memref<1x40x128xi32, #tpu.memory_space<hbm>> -> memref<40x128xi32, #tpu.memory_space<hbm>>
      tpu.enqueue_dma source(%dma_start3A_80 : memref<40x128xi32, #tpu.memory_space<hbm>>) target(%arg7 : memref<40x128xi32, #tpu.memory_space<vmem>>) target_semaphore(%run_scoped3A_72 : memref<!tpu.dma_semaphore, #tpu.memory_space<semaphore_mem>>)
      %dma_wait3A_81 = arith.constant 0 : i32
      %dma_wait3A_82 = arith.constant 0 : i32
      %dma_wait3A_83 = tpu.memref_slice %arg2[%add3A, %dma_wait3A_81, %dma_wait3A_82] : memref<32x80x128xi32, #tpu.memory_space<hbm>> -> memref<1x40x128xi32, #tpu.memory_space<hbm>>
      %dma_wait3A_84 = tpu.memref_squeeze %dma_wait3A_83 : memref<1x40x128xi32, #tpu.memory_space<hbm>> -> memref<40x128xi32, #tpu.memory_space<hbm>>
      %dma_wait3A_85 = arith.constant 0 : i32
      %dma_wait3A_86 = arith.constant 0 : i32
      %dma_wait3A_87 = tpu.memref_slice %arg2[%add3A, %dma_wait3A_85, %dma_wait3A_86] : memref<32x80x128xi32, #tpu.memory_space<hbm>> -> memref<1x40x128xi32, #tpu.memory_space<hbm>>
      %dma_wait3A_88 = tpu.memref_squeeze %dma_wait3A_87 : memref<1x40x128xi32, #tpu.memory_space<hbm>> -> memref<40x128xi32, #tpu.memory_space<hbm>>
      tpu.wait_dma2 semaphore(%run_scoped3A_72 : memref<!tpu.dma_semaphore, #tpu.memory_space<semaphore_mem>>) src(%dma_wait3A_88 : memref<40x128xi32, #tpu.memory_space<hbm>>) dst(%arg7 : memref<40x128xi32, #tpu.memory_space<vmem>>)
      tpu.yield
    }) : () -> ()
    "tpu.region"() ({
      %run_scoped3A_72 = tpu.sem_alloc : memref<!tpu.dma_semaphore, #tpu.memory_space<semaphore_mem>>
      %dma_start3A_73 = arith.constant 0 : i32
      %dma_start3A_74 = arith.constant 0 : i32
      %dma_start3A_75 = tpu.memref_slice %arg3[%add3A, %dma_start3A_73, %dma_start3A_74] : memref<32x80x128xi32, #tpu.memory_space<hbm>> -> memref<1x40x128xi32, #tpu.memory_space<hbm>>
      %dma_start3A_76 = tpu.memref_squeeze %dma_start3A_75 : memref<1x40x128xi32, #tpu.memory_space<hbm>> -> memref<40x128xi32, #tpu.memory_space<hbm>>
      %dma_start3A_77 = arith.constant 0 : i32
      %dma_start3A_78 = arith.constant 0 : i32
      %dma_start3A_79 = tpu.memref_slice %arg3[%add3A, %dma_start3A_77, %dma_start3A_78] : memref<32x80x128xi32, #tpu.memory_space<hbm>> -> memref<1x40x128xi32, #tpu.memory_space<hbm>>
      %dma_start3A_80 = tpu.memref_squeeze %dma_start3A_79 : memref<1x40x128xi32, #tpu.memory_space<hbm>> -> memref<40x128xi32, #tpu.memory_space<hbm>>
      tpu.enqueue_dma source(%dma_start3A_80 : memref<40x128xi32, #tpu.memory_space<hbm>>) target(%arg8 : memref<40x128xi32, #tpu.memory_space<vmem>>) target_semaphore(%run_scoped3A_72 : memref<!tpu.dma_semaphore, #tpu.memory_space<semaphore_mem>>)
      %dma_wait3A_81 = arith.constant 0 : i32
      %dma_wait3A_82 = arith.constant 0 : i32
      %dma_wait3A_83 = tpu.memref_slice %arg3[%add3A, %dma_wait3A_81, %dma_wait3A_82] : memref<32x80x128xi32, #tpu.memory_space<hbm>> -> memref<1x40x128xi32, #tpu.memory_space<hbm>>
      %dma_wait3A_84 = tpu.memref_squeeze %dma_wait3A_83 : memref<1x40x128xi32, #tpu.memory_space<hbm>> -> memref<40x128xi32, #tpu.memory_space<hbm>>
      %dma_wait3A_85 = arith.constant 0 : i32
      %dma_wait3A_86 = arith.constant 0 : i32
      %dma_wait3A_87 = tpu.memref_slice %arg3[%add3A, %dma_wait3A_85, %dma_wait3A_86] : memref<32x80x128xi32, #tpu.memory_space<hbm>> -> memref<1x40x128xi32, #tpu.memory_space<hbm>>
      %dma_wait3A_88 = tpu.memref_squeeze %dma_wait3A_87 : memref<1x40x128xi32, #tpu.memory_space<hbm>> -> memref<40x128xi32, #tpu.memory_space<hbm>>
      tpu.wait_dma2 semaphore(%run_scoped3A_72 : memref<!tpu.dma_semaphore, #tpu.memory_space<semaphore_mem>>) src(%dma_wait3A_88 : memref<40x128xi32, #tpu.memory_space<hbm>>) dst(%arg8 : memref<40x128xi32, #tpu.memory_space<vmem>>)
      tpu.yield
    }) : () -> ()
    %dma_start3A = arith.constant 0 : i32
    %dma_start3A_3 = arith.constant 0 : i32
    %dma_start3A_4 = tpu.memref_slice %arg7[%dma_start3A, %dma_start3A_3] : memref<40x128xi32, #tpu.memory_space<vmem>> -> memref<1x128xi32, #tpu.memory_space<vmem>>
    %dma_start3A_5 = tpu.memref_squeeze %dma_start3A_4 : memref<1x128xi32, #tpu.memory_space<vmem>> -> memref<128xi32, #tpu.memory_space<vmem>>
    %dma_start3A_6 = arith.constant 0 : i32
    %dma_start3A_7 = arith.constant 0 : i32
    %dma_start3A_8 = tpu.memref_slice %arg4[%dma_start3A_6, %dma_start3A_7] : memref<10240x128xf32, #tpu.memory_space<hbm>> -> memref<10240x128xf32, #tpu.memory_space<hbm>>
    tpu.enqueue_indirect_dma source(%dma_start3A_8 : memref<10240x128xf32, #tpu.memory_space<hbm>>) target(%arg9 : memref<128x128xf32, #tpu.memory_space<vmem>>) offsets(%dma_start3A_5 : memref<128xi32, #tpu.memory_space<vmem>>) semaphore(%arg12 : memref<!tpu.dma_semaphore, #tpu.memory_space<semaphore_mem>>)
    %dma_start3A_9 = arith.constant 1 : i32
    %dma_start3A_10 = arith.constant 0 : i32
    %dma_start3A_11 = tpu.memref_slice %arg7[%dma_start3A_9, %dma_start3A_10] : memref<40x128xi32, #tpu.memory_space<vmem>> -> memref<1x128xi32, #tpu.memory_space<vmem>>
    %dma_start3A_12 = tpu.memref_squeeze %dma_start3A_11 : memref<1x128xi32, #tpu.memory_space<vmem>> -> memref<128xi32, #tpu.memory_space<vmem>>
    %dma_start3A_13 = arith.constant 0 : i32
    %dma_start3A_14 = arith.constant 0 : i32
    %dma_start3A_15 = tpu.memref_slice %arg4[%dma_start3A_13, %dma_start3A_14] : memref<10240x128xf32, #tpu.memory_space<hbm>> -> memref<10240x128xf32, #tpu.memory_space<hbm>>
    tpu.enqueue_indirect_dma source(%dma_start3A_15 : memref<10240x128xf32, #tpu.memory_space<hbm>>) target(%arg10 : memref<128x128xf32, #tpu.memory_space<vmem>>) offsets(%dma_start3A_12 : memref<128xi32, #tpu.memory_space<vmem>>) semaphore(%arg13 : memref<!tpu.dma_semaphore, #tpu.memory_space<semaphore_mem>>)
    "tpu.region"() ({
      %run_scoped3A_72 = tpu.sem_alloc : memref<!tpu.dma_semaphore, #tpu.memory_space<semaphore_mem>>
      %dma_start3A_73 = arith.constant 0 : i32
      %dma_start3A_74 = tpu.memref_slice %arg11[%mul3A_2, %dma_start3A_73] : memref<10240x128xf32, #tpu.memory_space<vmem_shared>> -> memref<640x128xf32, #tpu.memory_space<vmem_shared>>
      %dma_start3A_75 = arith.constant 0 : i32
      %dma_start3A_76 = tpu.memref_slice %arg5[%mul3A_2, %dma_start3A_75] : memref<10240x128xf32, #tpu.memory_space<hbm>> -> memref<640x128xf32, #tpu.memory_space<hbm>>
      tpu.enqueue_dma source(%dma_start3A_76 : memref<640x128xf32, #tpu.memory_space<hbm>>) target(%dma_start3A_74 : memref<640x128xf32, #tpu.memory_space<vmem_shared>>) target_semaphore(%run_scoped3A_72 : memref<!tpu.dma_semaphore, #tpu.memory_space<semaphore_mem>>)
      %dma_wait3A_77 = arith.constant 0 : i32
      %dma_wait3A_78 = tpu.memref_slice %arg11[%mul3A_2, %dma_wait3A_77] : memref<10240x128xf32, #tpu.memory_space<vmem_shared>> -> memref<640x128xf32, #tpu.memory_space<vmem_shared>>
      %dma_wait3A_79 = arith.constant 0 : i32
      %dma_wait3A_80 = tpu.memref_slice %arg5[%mul3A_2, %dma_wait3A_79] : memref<10240x128xf32, #tpu.memory_space<hbm>> -> memref<640x128xf32, #tpu.memory_space<hbm>>
      tpu.wait_dma2 semaphore(%run_scoped3A_72 : memref<!tpu.dma_semaphore, #tpu.memory_space<semaphore_mem>>) src(%dma_wait3A_80 : memref<640x128xf32, #tpu.memory_space<hbm>>) dst(%dma_wait3A_78 : memref<640x128xf32, #tpu.memory_space<vmem_shared>>)
      tpu.yield
    }) : () -> ()
    %barrier3A = arith.constant 0 : index
    tpu.barrier barrier_id(%barrier3A)
    %scan3A = arith.constant 0 : i32
    %scan3A_16 = arith.constant 0 : i32
    %scan3A_17 = arith.constant 19 : i32
    %scan3A_18 = arith.addi %scan3A_16, %scan3A_17 : i32
    %scan3A_19 = arith.constant 1 : i32
    scf.for %scan3A_72 = %scan3A_16 to %scan3A_18 step %scan3A_19  : i32 {
      %mul3A_73 = arith.constant 2 : i32
      %mul3A_74 = arith.muli %mul3A_73, %scan3A_72 : i32
      %dma_wait3A_75 = arith.constant 0 : i32
      %dma_wait3A_76 = tpu.memref_slice %arg7[%mul3A_74, %dma_wait3A_75] : memref<40x128xi32, #tpu.memory_space<vmem>> -> memref<1x128xi32, #tpu.memory_space<vmem>>
      %dma_wait3A_77 = tpu.memref_squeeze %dma_wait3A_76 : memref<1x128xi32, #tpu.memory_space<vmem>> -> memref<128xi32, #tpu.memory_space<vmem>>
      %dma_wait3A_78 = arith.constant 0 : i32
      %dma_wait3A_79 = arith.constant 0 : i32
      %dma_wait3A_80 = tpu.memref_slice %arg4[%dma_wait3A_78, %dma_wait3A_79] : memref<10240x128xf32, #tpu.memory_space<hbm>> -> memref<10240x128xf32, #tpu.memory_space<hbm>>
      tpu.wait_indirect_dma semaphore(%arg12 : memref<!tpu.dma_semaphore, #tpu.memory_space<semaphore_mem>>) src(%dma_wait3A_80 : memref<10240x128xf32, #tpu.memory_space<hbm>>) dst(%arg9 : memref<128x128xf32, #tpu.memory_space<vmem>>)
      "tpu.region"() ({
        %run_scoped3A_105 = tpu.sem_alloc : memref<!tpu.dma_semaphore, #tpu.memory_space<semaphore_mem>>
        %dma_start3A_106 = arith.constant 0 : i32
        %dma_start3A_107 = tpu.memref_slice %arg8[%mul3A_74, %dma_start3A_106] : memref<40x128xi32, #tpu.memory_space<vmem>> -> memref<1x128xi32, #tpu.memory_space<vmem>>
        %dma_start3A_108 = tpu.memref_squeeze %dma_start3A_107 : memref<1x128xi32, #tpu.memory_space<vmem>> -> memref<128xi32, #tpu.memory_space<vmem>>
        %dma_start3A_109 = arith.constant 0 : i32
        %dma_start3A_110 = arith.constant 0 : i32
        %dma_start3A_111 = tpu.memref_slice %arg11[%dma_start3A_109, %dma_start3A_110] : memref<10240x128xf32, #tpu.memory_space<vmem_shared>> -> memref<10240x128xf32, #tpu.memory_space<vmem_shared>>
        tpu.enqueue_indirect_dma source(%arg9 : memref<128x128xf32, #tpu.memory_space<vmem>>) target(%dma_start3A_111 : memref<10240x128xf32, #tpu.memory_space<vmem_shared>>) offsets(%dma_start3A_108 : memref<128xi32, #tpu.memory_space<vmem>>) semaphore(%run_scoped3A_105 : memref<!tpu.dma_semaphore, #tpu.memory_space<semaphore_mem>>) {add = true}
        %dma_wait3A_112 = arith.constant 0 : i32
        %dma_wait3A_113 = tpu.memref_slice %arg8[%mul3A_74, %dma_wait3A_112] : memref<40x128xi32, #tpu.memory_space<vmem>> -> memref<1x128xi32, #tpu.memory_space<vmem>>
        %dma_wait3A_114 = tpu.memref_squeeze %dma_wait3A_113 : memref<1x128xi32, #tpu.memory_space<vmem>> -> memref<128xi32, #tpu.memory_space<vmem>>
        %dma_wait3A_115 = arith.constant 0 : i32
        %dma_wait3A_116 = arith.constant 0 : i32
        %dma_wait3A_117 = tpu.memref_slice %arg11[%dma_wait3A_115, %dma_wait3A_116] : memref<10240x128xf32, #tpu.memory_space<vmem_shared>> -> memref<10240x128xf32, #tpu.memory_space<vmem_shared>>
        tpu.wait_indirect_dma semaphore(%run_scoped3A_105 : memref<!tpu.dma_semaphore, #tpu.memory_space<semaphore_mem>>) src(%arg9 : memref<128x128xf32, #tpu.memory_space<vmem>>) dst(%dma_wait3A_117 : memref<10240x128xf32, #tpu.memory_space<vmem_shared>>)
        tpu.yield
      }) : () -> ()
      %add3A_81 = arith.constant 2 : i32
      %add3A_82 = arith.addi %mul3A_74, %add3A_81 : i32
      %dma_start3A_83 = arith.constant 0 : i32
      %dma_start3A_84 = tpu.memref_slice %arg7[%add3A_82, %dma_start3A_83] : memref<40x128xi32, #tpu.memory_space<vmem>> -> memref<1x128xi32, #tpu.memory_space<vmem>>
      %dma_start3A_85 = tpu.memref_squeeze %dma_start3A_84 : memref<1x128xi32, #tpu.memory_space<vmem>> -> memref<128xi32, #tpu.memory_space<vmem>>
      %dma_start3A_86 = arith.constant 0 : i32
      %dma_start3A_87 = arith.constant 0 : i32
      %dma_start3A_88 = tpu.memref_slice %arg4[%dma_start3A_86, %dma_start3A_87] : memref<10240x128xf32, #tpu.memory_space<hbm>> -> memref<10240x128xf32, #tpu.memory_space<hbm>>
      tpu.enqueue_indirect_dma source(%dma_start3A_88 : memref<10240x128xf32, #tpu.memory_space<hbm>>) target(%arg9 : memref<128x128xf32, #tpu.memory_space<vmem>>) offsets(%dma_start3A_85 : memref<128xi32, #tpu.memory_space<vmem>>) semaphore(%arg12 : memref<!tpu.dma_semaphore, #tpu.memory_space<semaphore_mem>>)
      %add3A_89 = arith.constant 1 : i32
      %add3A_90 = arith.addi %mul3A_74, %add3A_89 : i32
      %dma_wait3A_91 = arith.constant 0 : i32
      %dma_wait3A_92 = tpu.memref_slice %arg7[%add3A_90, %dma_wait3A_91] : memref<40x128xi32, #tpu.memory_space<vmem>> -> memref<1x128xi32, #tpu.memory_space<vmem>>
      %dma_wait3A_93 = tpu.memref_squeeze %dma_wait3A_92 : memref<1x128xi32, #tpu.memory_space<vmem>> -> memref<128xi32, #tpu.memory_space<vmem>>
      %dma_wait3A_94 = arith.constant 0 : i32
      %dma_wait3A_95 = arith.constant 0 : i32
      %dma_wait3A_96 = tpu.memref_slice %arg4[%dma_wait3A_94, %dma_wait3A_95] : memref<10240x128xf32, #tpu.memory_space<hbm>> -> memref<10240x128xf32, #tpu.memory_space<hbm>>
      tpu.wait_indirect_dma semaphore(%arg13 : memref<!tpu.dma_semaphore, #tpu.memory_space<semaphore_mem>>) src(%dma_wait3A_96 : memref<10240x128xf32, #tpu.memory_space<hbm>>) dst(%arg10 : memref<128x128xf32, #tpu.memory_space<vmem>>)
      "tpu.region"() ({
        %run_scoped3A_105 = tpu.sem_alloc : memref<!tpu.dma_semaphore, #tpu.memory_space<semaphore_mem>>
        %dma_start3A_106 = arith.constant 0 : i32
        %dma_start3A_107 = tpu.memref_slice %arg8[%add3A_90, %dma_start3A_106] : memref<40x128xi32, #tpu.memory_space<vmem>> -> memref<1x128xi32, #tpu.memory_space<vmem>>
        %dma_start3A_108 = tpu.memref_squeeze %dma_start3A_107 : memref<1x128xi32, #tpu.memory_space<vmem>> -> memref<128xi32, #tpu.memory_space<vmem>>
        %dma_start3A_109 = arith.constant 0 : i32
        %dma_start3A_110 = arith.constant 0 : i32
        %dma_start3A_111 = tpu.memref_slice %arg11[%dma_start3A_109, %dma_start3A_110] : memref<10240x128xf32, #tpu.memory_space<vmem_shared>> -> memref<10240x128xf32, #tpu.memory_space<vmem_shared>>
        tpu.enqueue_indirect_dma source(%arg10 : memref<128x128xf32, #tpu.memory_space<vmem>>) target(%dma_start3A_111 : memref<10240x128xf32, #tpu.memory_space<vmem_shared>>) offsets(%dma_start3A_108 : memref<128xi32, #tpu.memory_space<vmem>>) semaphore(%run_scoped3A_105 : memref<!tpu.dma_semaphore, #tpu.memory_space<semaphore_mem>>) {add = true}
        %dma_wait3A_112 = arith.constant 0 : i32
        %dma_wait3A_113 = tpu.memref_slice %arg8[%add3A_90, %dma_wait3A_112] : memref<40x128xi32, #tpu.memory_space<vmem>> -> memref<1x128xi32, #tpu.memory_space<vmem>>
        %dma_wait3A_114 = tpu.memref_squeeze %dma_wait3A_113 : memref<1x128xi32, #tpu.memory_space<vmem>> -> memref<128xi32, #tpu.memory_space<vmem>>
        %dma_wait3A_115 = arith.constant 0 : i32
        %dma_wait3A_116 = arith.constant 0 : i32
        %dma_wait3A_117 = tpu.memref_slice %arg11[%dma_wait3A_115, %dma_wait3A_116] : memref<10240x128xf32, #tpu.memory_space<vmem_shared>> -> memref<10240x128xf32, #tpu.memory_space<vmem_shared>>
        tpu.wait_indirect_dma semaphore(%run_scoped3A_105 : memref<!tpu.dma_semaphore, #tpu.memory_space<semaphore_mem>>) src(%arg10 : memref<128x128xf32, #tpu.memory_space<vmem>>) dst(%dma_wait3A_117 : memref<10240x128xf32, #tpu.memory_space<vmem_shared>>)
        tpu.yield
      }) : () -> ()
      %add3A_97 = arith.constant 3 : i32
      %add3A_98 = arith.addi %mul3A_74, %add3A_97 : i32
      %dma_start3A_99 = arith.constant 0 : i32
      %dma_start3A_100 = tpu.memref_slice %arg7[%add3A_98, %dma_start3A_99] : memref<40x128xi32, #tpu.memory_space<vmem>> -> memref<1x128xi32, #tpu.memory_space<vmem>>
      %dma_start3A_101 = tpu.memref_squeeze %dma_start3A_100 : memref<1x128xi32, #tpu.memory_space<vmem>> -> memref<128xi32, #tpu.memory_space<vmem>>
      %dma_start3A_102 = arith.constant 0 : i32
      %dma_start3A_103 = arith.constant 0 : i32
      %dma_start3A_104 = tpu.memref_slice %arg4[%dma_start3A_102, %dma_start3A_103] : memref<10240x128xf32, #tpu.memory_space<hbm>> -> memref<10240x128xf32, #tpu.memory_space<hbm>>
      tpu.enqueue_indirect_dma source(%dma_start3A_104 : memref<10240x128xf32, #tpu.memory_space<hbm>>) target(%arg10 : memref<128x128xf32, #tpu.memory_space<vmem>>) offsets(%dma_start3A_101 : memref<128xi32, #tpu.memory_space<vmem>>) semaphore(%arg13 : memref<!tpu.dma_semaphore, #tpu.memory_space<semaphore_mem>>)
    }
    %scan3A_20 = arith.constant 19 : i32
    %dma_wait3A = arith.constant 38 : i32
    %dma_wait3A_21 = arith.constant 0 : i32
    %dma_wait3A_22 = tpu.memref_slice %arg7[%dma_wait3A, %dma_wait3A_21] : memref<40x128xi32, #tpu.memory_space<vmem>> -> memref<1x128xi32, #tpu.memory_space<vmem>>
    %dma_wait3A_23 = tpu.memref_squeeze %dma_wait3A_22 : memref<1x128xi32, #tpu.memory_space<vmem>> -> memref<128xi32, #tpu.memory_space<vmem>>
    %dma_wait3A_24 = arith.constant 0 : i32
    %dma_wait3A_25 = arith.constant 0 : i32
    %dma_wait3A_26 = tpu.memref_slice %arg4[%dma_wait3A_24, %dma_wait3A_25] : memref<10240x128xf32, #tpu.memory_space<hbm>> -> memref<10240x128xf32, #tpu.memory_space<hbm>>
    tpu.wait_indirect_dma semaphore(%arg12 : memref<!tpu.dma_semaphore, #tpu.memory_space<semaphore_mem>>) src(%dma_wait3A_26 : memref<10240x128xf32, #tpu.memory_space<hbm>>) dst(%arg9 : memref<128x128xf32, #tpu.memory_space<vmem>>)
    %run_scoped3A = arith.constant 38 : i32
    "tpu.region"() ({
      %run_scoped3A_72 = tpu.sem_alloc : memref<!tpu.dma_semaphore, #tpu.memory_space<semaphore_mem>>
      %dma_start3A_73 = arith.constant 0 : i32
      %dma_start3A_74 = tpu.memref_slice %arg8[%run_scoped3A, %dma_start3A_73] : memref<40x128xi32, #tpu.memory_space<vmem>> -> memref<1x128xi32, #tpu.memory_space<vmem>>
      %dma_start3A_75 = tpu.memref_squeeze %dma_start3A_74 : memref<1x128xi32, #tpu.memory_space<vmem>> -> memref<128xi32, #tpu.memory_space<vmem>>
      %dma_start3A_76 = arith.constant 0 : i32
      %dma_start3A_77 = arith.constant 0 : i32
      %dma_start3A_78 = tpu.memref_slice %arg11[%dma_start3A_76, %dma_start3A_77] : memref<10240x128xf32, #tpu.memory_space<vmem_shared>> -> memref<10240x128xf32, #tpu.memory_space<vmem_shared>>
      tpu.enqueue_indirect_dma source(%arg9 : memref<128x128xf32, #tpu.memory_space<vmem>>) target(%dma_start3A_78 : memref<10240x128xf32, #tpu.memory_space<vmem_shared>>) offsets(%dma_start3A_75 : memref<128xi32, #tpu.memory_space<vmem>>) semaphore(%run_scoped3A_72 : memref<!tpu.dma_semaphore, #tpu.memory_space<semaphore_mem>>) {add = true}
      %dma_wait3A_79 = arith.constant 0 : i32
      %dma_wait3A_80 = tpu.memref_slice %arg8[%run_scoped3A, %dma_wait3A_79] : memref<40x128xi32, #tpu.memory_space<vmem>> -> memref<1x128xi32, #tpu.memory_space<vmem>>
      %dma_wait3A_81 = tpu.memref_squeeze %dma_wait3A_80 : memref<1x128xi32, #tpu.memory_space<vmem>> -> memref<128xi32, #tpu.memory_space<vmem>>
      %dma_wait3A_82 = arith.constant 0 : i32
      %dma_wait3A_83 = arith.constant 0 : i32
      %dma_wait3A_84 = tpu.memref_slice %arg11[%dma_wait3A_82, %dma_wait3A_83] : memref<10240x128xf32, #tpu.memory_space<vmem_shared>> -> memref<10240x128xf32, #tpu.memory_space<vmem_shared>>
      tpu.wait_indirect_dma semaphore(%run_scoped3A_72 : memref<!tpu.dma_semaphore, #tpu.memory_space<semaphore_mem>>) src(%arg9 : memref<128x128xf32, #tpu.memory_space<vmem>>) dst(%dma_wait3A_84 : memref<10240x128xf32, #tpu.memory_space<vmem_shared>>)
      tpu.yield
    }) : () -> ()
    %dma_wait3A_27 = arith.constant 39 : i32
    %dma_wait3A_28 = arith.constant 0 : i32
    %dma_wait3A_29 = tpu.memref_slice %arg7[%dma_wait3A_27, %dma_wait3A_28] : memref<40x128xi32, #tpu.memory_space<vmem>> -> memref<1x128xi32, #tpu.memory_space<vmem>>
    %dma_wait3A_30 = tpu.memref_squeeze %dma_wait3A_29 : memref<1x128xi32, #tpu.memory_space<vmem>> -> memref<128xi32, #tpu.memory_space<vmem>>
    %dma_wait3A_31 = arith.constant 0 : i32
    %dma_wait3A_32 = arith.constant 0 : i32
    %dma_wait3A_33 = tpu.memref_slice %arg4[%dma_wait3A_31, %dma_wait3A_32] : memref<10240x128xf32, #tpu.memory_space<hbm>> -> memref<10240x128xf32, #tpu.memory_space<hbm>>
    tpu.wait_indirect_dma semaphore(%arg13 : memref<!tpu.dma_semaphore, #tpu.memory_space<semaphore_mem>>) src(%dma_wait3A_33 : memref<10240x128xf32, #tpu.memory_space<hbm>>) dst(%arg10 : memref<128x128xf32, #tpu.memory_space<vmem>>)
    %run_scoped3A_34 = arith.constant 39 : i32
    "tpu.region"() ({
      %run_scoped3A_72 = tpu.sem_alloc : memref<!tpu.dma_semaphore, #tpu.memory_space<semaphore_mem>>
      %dma_start3A_73 = arith.constant 0 : i32
      %dma_start3A_74 = tpu.memref_slice %arg8[%run_scoped3A_34, %dma_start3A_73] : memref<40x128xi32, #tpu.memory_space<vmem>> -> memref<1x128xi32, #tpu.memory_space<vmem>>
      %dma_start3A_75 = tpu.memref_squeeze %dma_start3A_74 : memref<1x128xi32, #tpu.memory_space<vmem>> -> memref<128xi32, #tpu.memory_space<vmem>>
      %dma_start3A_76 = arith.constant 0 : i32
      %dma_start3A_77 = arith.constant 0 : i32
      %dma_start3A_78 = tpu.memref_slice %arg11[%dma_start3A_76, %dma_start3A_77] : memref<10240x128xf32, #tpu.memory_space<vmem_shared>> -> memref<10240x128xf32, #tpu.memory_space<vmem_shared>>
      tpu.enqueue_indirect_dma source(%arg10 : memref<128x128xf32, #tpu.memory_space<vmem>>) target(%dma_start3A_78 : memref<10240x128xf32, #tpu.memory_space<vmem_shared>>) offsets(%dma_start3A_75 : memref<128xi32, #tpu.memory_space<vmem>>) semaphore(%run_scoped3A_72 : memref<!tpu.dma_semaphore, #tpu.memory_space<semaphore_mem>>) {add = true}
      %dma_wait3A_79 = arith.constant 0 : i32
      %dma_wait3A_80 = tpu.memref_slice %arg8[%run_scoped3A_34, %dma_wait3A_79] : memref<40x128xi32, #tpu.memory_space<vmem>> -> memref<1x128xi32, #tpu.memory_space<vmem>>
      %dma_wait3A_81 = tpu.memref_squeeze %dma_wait3A_80 : memref<1x128xi32, #tpu.memory_space<vmem>> -> memref<128xi32, #tpu.memory_space<vmem>>
      %dma_wait3A_82 = arith.constant 0 : i32
      %dma_wait3A_83 = arith.constant 0 : i32
      %dma_wait3A_84 = tpu.memref_slice %arg11[%dma_wait3A_82, %dma_wait3A_83] : memref<10240x128xf32, #tpu.memory_space<vmem_shared>> -> memref<10240x128xf32, #tpu.memory_space<vmem_shared>>
      tpu.wait_indirect_dma semaphore(%run_scoped3A_72 : memref<!tpu.dma_semaphore, #tpu.memory_space<semaphore_mem>>) src(%arg10 : memref<128x128xf32, #tpu.memory_space<vmem>>) dst(%dma_wait3A_84 : memref<10240x128xf32, #tpu.memory_space<vmem_shared>>)
      tpu.yield
    }) : () -> ()
    "tpu.region"() ({
      %run_scoped3A_72 = tpu.sem_alloc : memref<!tpu.dma_semaphore, #tpu.memory_space<semaphore_mem>>
      %dma_start3A_73 = arith.constant 40 : i32
      %dma_start3A_74 = arith.constant 0 : i32
      %dma_start3A_75 = tpu.memref_slice %arg2[%add3A, %dma_start3A_73, %dma_start3A_74] : memref<32x80x128xi32, #tpu.memory_space<hbm>> -> memref<1x40x128xi32, #tpu.memory_space<hbm>>
      %dma_start3A_76 = tpu.memref_squeeze %dma_start3A_75 : memref<1x40x128xi32, #tpu.memory_space<hbm>> -> memref<40x128xi32, #tpu.memory_space<hbm>>
      %dma_start3A_77 = arith.constant 40 : i32
      %dma_start3A_78 = arith.constant 0 : i32
      %dma_start3A_79 = tpu.memref_slice %arg2[%add3A, %dma_start3A_77, %dma_start3A_78] : memref<32x80x128xi32, #tpu.memory_space<hbm>> -> memref<1x40x128xi32, #tpu.memory_space<hbm>>
      %dma_start3A_80 = tpu.memref_squeeze %dma_start3A_79 : memref<1x40x128xi32, #tpu.memory_space<hbm>> -> memref<40x128xi32, #tpu.memory_space<hbm>>
      tpu.enqueue_dma source(%dma_start3A_80 : memref<40x128xi32, #tpu.memory_space<hbm>>) target(%arg7 : memref<40x128xi32, #tpu.memory_space<vmem>>) target_semaphore(%run_scoped3A_72 : memref<!tpu.dma_semaphore, #tpu.memory_space<semaphore_mem>>)
      %dma_wait3A_81 = arith.constant 40 : i32
      %dma_wait3A_82 = arith.constant 0 : i32
      %dma_wait3A_83 = tpu.memref_slice %arg2[%add3A, %dma_wait3A_81, %dma_wait3A_82] : memref<32x80x128xi32, #tpu.memory_space<hbm>> -> memref<1x40x128xi32, #tpu.memory_space<hbm>>
      %dma_wait3A_84 = tpu.memref_squeeze %dma_wait3A_83 : memref<1x40x128xi32, #tpu.memory_space<hbm>> -> memref<40x128xi32, #tpu.memory_space<hbm>>
      %dma_wait3A_85 = arith.constant 40 : i32
      %dma_wait3A_86 = arith.constant 0 : i32
      %dma_wait3A_87 = tpu.memref_slice %arg2[%add3A, %dma_wait3A_85, %dma_wait3A_86] : memref<32x80x128xi32, #tpu.memory_space<hbm>> -> memref<1x40x128xi32, #tpu.memory_space<hbm>>
      %dma_wait3A_88 = tpu.memref_squeeze %dma_wait3A_87 : memref<1x40x128xi32, #tpu.memory_space<hbm>> -> memref<40x128xi32, #tpu.memory_space<hbm>>
      tpu.wait_dma2 semaphore(%run_scoped3A_72 : memref<!tpu.dma_semaphore, #tpu.memory_space<semaphore_mem>>) src(%dma_wait3A_88 : memref<40x128xi32, #tpu.memory_space<hbm>>) dst(%arg7 : memref<40x128xi32, #tpu.memory_space<vmem>>)
      tpu.yield
    }) : () -> ()
    "tpu.region"() ({
      %run_scoped3A_72 = tpu.sem_alloc : memref<!tpu.dma_semaphore, #tpu.memory_space<semaphore_mem>>
      %dma_start3A_73 = arith.constant 40 : i32
      %dma_start3A_74 = arith.constant 0 : i32
      %dma_start3A_75 = tpu.memref_slice %arg3[%add3A, %dma_start3A_73, %dma_start3A_74] : memref<32x80x128xi32, #tpu.memory_space<hbm>> -> memref<1x40x128xi32, #tpu.memory_space<hbm>>
      %dma_start3A_76 = tpu.memref_squeeze %dma_start3A_75 : memref<1x40x128xi32, #tpu.memory_space<hbm>> -> memref<40x128xi32, #tpu.memory_space<hbm>>
      %dma_start3A_77 = arith.constant 40 : i32
      %dma_start3A_78 = arith.constant 0 : i32
      %dma_start3A_79 = tpu.memref_slice %arg3[%add3A, %dma_start3A_77, %dma_start3A_78] : memref<32x80x128xi32, #tpu.memory_space<hbm>> -> memref<1x40x128xi32, #tpu.memory_space<hbm>>
      %dma_start3A_80 = tpu.memref_squeeze %dma_start3A_79 : memref<1x40x128xi32, #tpu.memory_space<hbm>> -> memref<40x128xi32, #tpu.memory_space<hbm>>
      tpu.enqueue_dma source(%dma_start3A_80 : memref<40x128xi32, #tpu.memory_space<hbm>>) target(%arg8 : memref<40x128xi32, #tpu.memory_space<vmem>>) target_semaphore(%run_scoped3A_72 : memref<!tpu.dma_semaphore, #tpu.memory_space<semaphore_mem>>)
      %dma_wait3A_81 = arith.constant 40 : i32
      %dma_wait3A_82 = arith.constant 0 : i32
      %dma_wait3A_83 = tpu.memref_slice %arg3[%add3A, %dma_wait3A_81, %dma_wait3A_82] : memref<32x80x128xi32, #tpu.memory_space<hbm>> -> memref<1x40x128xi32, #tpu.memory_space<hbm>>
      %dma_wait3A_84 = tpu.memref_squeeze %dma_wait3A_83 : memref<1x40x128xi32, #tpu.memory_space<hbm>> -> memref<40x128xi32, #tpu.memory_space<hbm>>
      %dma_wait3A_85 = arith.constant 40 : i32
      %dma_wait3A_86 = arith.constant 0 : i32
      %dma_wait3A_87 = tpu.memref_slice %arg3[%add3A, %dma_wait3A_85, %dma_wait3A_86] : memref<32x80x128xi32, #tpu.memory_space<hbm>> -> memref<1x40x128xi32, #tpu.memory_space<hbm>>
      %dma_wait3A_88 = tpu.memref_squeeze %dma_wait3A_87 : memref<1x40x128xi32, #tpu.memory_space<hbm>> -> memref<40x128xi32, #tpu.memory_space<hbm>>
      tpu.wait_dma2 semaphore(%run_scoped3A_72 : memref<!tpu.dma_semaphore, #tpu.memory_space<semaphore_mem>>) src(%dma_wait3A_88 : memref<40x128xi32, #tpu.memory_space<hbm>>) dst(%arg8 : memref<40x128xi32, #tpu.memory_space<vmem>>)
      tpu.yield
    }) : () -> ()
    %dma_start3A_35 = arith.constant 0 : i32
    %dma_start3A_36 = arith.constant 0 : i32
    %dma_start3A_37 = tpu.memref_slice %arg7[%dma_start3A_35, %dma_start3A_36] : memref<40x128xi32, #tpu.memory_space<vmem>> -> memref<1x128xi32, #tpu.memory_space<vmem>>
    %dma_start3A_38 = tpu.memref_squeeze %dma_start3A_37 : memref<1x128xi32, #tpu.memory_space<vmem>> -> memref<128xi32, #tpu.memory_space<vmem>>
    %dma_start3A_39 = arith.constant 0 : i32
    %dma_start3A_40 = arith.constant 0 : i32
    %dma_start3A_41 = tpu.memref_slice %arg4[%dma_start3A_39, %dma_start3A_40] : memref<10240x128xf32, #tpu.memory_space<hbm>> -> memref<10240x128xf32, #tpu.memory_space<hbm>>
    tpu.enqueue_indirect_dma source(%dma_start3A_41 : memref<10240x128xf32, #tpu.memory_space<hbm>>) target(%arg9 : memref<128x128xf32, #tpu.memory_space<vmem>>) offsets(%dma_start3A_38 : memref<128xi32, #tpu.memory_space<vmem>>) semaphore(%arg12 : memref<!tpu.dma_semaphore, #tpu.memory_space<semaphore_mem>>)
    %dma_start3A_42 = arith.constant 1 : i32
    %dma_start3A_43 = arith.constant 0 : i32
    %dma_start3A_44 = tpu.memref_slice %arg7[%dma_start3A_42, %dma_start3A_43] : memref<40x128xi32, #tpu.memory_space<vmem>> -> memref<1x128xi32, #tpu.memory_space<vmem>>
    %dma_start3A_45 = tpu.memref_squeeze %dma_start3A_44 : memref<1x128xi32, #tpu.memory_space<vmem>> -> memref<128xi32, #tpu.memory_space<vmem>>
    %dma_start3A_46 = arith.constant 0 : i32
    %dma_start3A_47 = arith.constant 0 : i32
    %dma_start3A_48 = tpu.memref_slice %arg4[%dma_start3A_46, %dma_start3A_47] : memref<10240x128xf32, #tpu.memory_space<hbm>> -> memref<10240x128xf32, #tpu.memory_space<hbm>>
    tpu.enqueue_indirect_dma source(%dma_start3A_48 : memref<10240x128xf32, #tpu.memory_space<hbm>>) target(%arg10 : memref<128x128xf32, #tpu.memory_space<vmem>>) offsets(%dma_start3A_45 : memref<128xi32, #tpu.memory_space<vmem>>) semaphore(%arg13 : memref<!tpu.dma_semaphore, #tpu.memory_space<semaphore_mem>>)
    %scan3A_49 = arith.constant 0 : i32
    %scan3A_50 = arith.constant 0 : i32
    %scan3A_51 = arith.constant 19 : i32
    %scan3A_52 = arith.addi %scan3A_50, %scan3A_51 : i32
    %scan3A_53 = arith.constant 1 : i32
    scf.for %scan3A_72 = %scan3A_50 to %scan3A_52 step %scan3A_53  : i32 {
      %mul3A_73 = arith.constant 2 : i32
      %mul3A_74 = arith.muli %mul3A_73, %scan3A_72 : i32
      %dma_wait3A_75 = arith.constant 0 : i32
      %dma_wait3A_76 = tpu.memref_slice %arg7[%mul3A_74, %dma_wait3A_75] : memref<40x128xi32, #tpu.memory_space<vmem>> -> memref<1x128xi32, #tpu.memory_space<vmem>>
      %dma_wait3A_77 = tpu.memref_squeeze %dma_wait3A_76 : memref<1x128xi32, #tpu.memory_space<vmem>> -> memref<128xi32, #tpu.memory_space<vmem>>
      %dma_wait3A_78 = arith.constant 0 : i32
      %dma_wait3A_79 = arith.constant 0 : i32
      %dma_wait3A_80 = tpu.memref_slice %arg4[%dma_wait3A_78, %dma_wait3A_79] : memref<10240x128xf32, #tpu.memory_space<hbm>> -> memref<10240x128xf32, #tpu.memory_space<hbm>>
      tpu.wait_indirect_dma semaphore(%arg12 : memref<!tpu.dma_semaphore, #tpu.memory_space<semaphore_mem>>) src(%dma_wait3A_80 : memref<10240x128xf32, #tpu.memory_space<hbm>>) dst(%arg9 : memref<128x128xf32, #tpu.memory_space<vmem>>)
      "tpu.region"() ({
        %run_scoped3A_105 = tpu.sem_alloc : memref<!tpu.dma_semaphore, #tpu.memory_space<semaphore_mem>>
        %dma_start3A_106 = arith.constant 0 : i32
        %dma_start3A_107 = tpu.memref_slice %arg8[%mul3A_74, %dma_start3A_106] : memref<40x128xi32, #tpu.memory_space<vmem>> -> memref<1x128xi32, #tpu.memory_space<vmem>>
        %dma_start3A_108 = tpu.memref_squeeze %dma_start3A_107 : memref<1x128xi32, #tpu.memory_space<vmem>> -> memref<128xi32, #tpu.memory_space<vmem>>
        %dma_start3A_109 = arith.constant 0 : i32
        %dma_start3A_110 = arith.constant 0 : i32
        %dma_start3A_111 = tpu.memref_slice %arg11[%dma_start3A_109, %dma_start3A_110] : memref<10240x128xf32, #tpu.memory_space<vmem_shared>> -> memref<10240x128xf32, #tpu.memory_space<vmem_shared>>
        tpu.enqueue_indirect_dma source(%arg9 : memref<128x128xf32, #tpu.memory_space<vmem>>) target(%dma_start3A_111 : memref<10240x128xf32, #tpu.memory_space<vmem_shared>>) offsets(%dma_start3A_108 : memref<128xi32, #tpu.memory_space<vmem>>) semaphore(%run_scoped3A_105 : memref<!tpu.dma_semaphore, #tpu.memory_space<semaphore_mem>>) {add = true}
        %dma_wait3A_112 = arith.constant 0 : i32
        %dma_wait3A_113 = tpu.memref_slice %arg8[%mul3A_74, %dma_wait3A_112] : memref<40x128xi32, #tpu.memory_space<vmem>> -> memref<1x128xi32, #tpu.memory_space<vmem>>
        %dma_wait3A_114 = tpu.memref_squeeze %dma_wait3A_113 : memref<1x128xi32, #tpu.memory_space<vmem>> -> memref<128xi32, #tpu.memory_space<vmem>>
        %dma_wait3A_115 = arith.constant 0 : i32
        %dma_wait3A_116 = arith.constant 0 : i32
        %dma_wait3A_117 = tpu.memref_slice %arg11[%dma_wait3A_115, %dma_wait3A_116] : memref<10240x128xf32, #tpu.memory_space<vmem_shared>> -> memref<10240x128xf32, #tpu.memory_space<vmem_shared>>
        tpu.wait_indirect_dma semaphore(%run_scoped3A_105 : memref<!tpu.dma_semaphore, #tpu.memory_space<semaphore_mem>>) src(%arg9 : memref<128x128xf32, #tpu.memory_space<vmem>>) dst(%dma_wait3A_117 : memref<10240x128xf32, #tpu.memory_space<vmem_shared>>)
        tpu.yield
      }) : () -> ()
      %add3A_81 = arith.constant 2 : i32
      %add3A_82 = arith.addi %mul3A_74, %add3A_81 : i32
      %dma_start3A_83 = arith.constant 0 : i32
      %dma_start3A_84 = tpu.memref_slice %arg7[%add3A_82, %dma_start3A_83] : memref<40x128xi32, #tpu.memory_space<vmem>> -> memref<1x128xi32, #tpu.memory_space<vmem>>
      %dma_start3A_85 = tpu.memref_squeeze %dma_start3A_84 : memref<1x128xi32, #tpu.memory_space<vmem>> -> memref<128xi32, #tpu.memory_space<vmem>>
      %dma_start3A_86 = arith.constant 0 : i32
      %dma_start3A_87 = arith.constant 0 : i32
      %dma_start3A_88 = tpu.memref_slice %arg4[%dma_start3A_86, %dma_start3A_87] : memref<10240x128xf32, #tpu.memory_space<hbm>> -> memref<10240x128xf32, #tpu.memory_space<hbm>>
      tpu.enqueue_indirect_dma source(%dma_start3A_88 : memref<10240x128xf32, #tpu.memory_space<hbm>>) target(%arg9 : memref<128x128xf32, #tpu.memory_space<vmem>>) offsets(%dma_start3A_85 : memref<128xi32, #tpu.memory_space<vmem>>) semaphore(%arg12 : memref<!tpu.dma_semaphore, #tpu.memory_space<semaphore_mem>>)
      %add3A_89 = arith.constant 1 : i32
      %add3A_90 = arith.addi %mul3A_74, %add3A_89 : i32
      %dma_wait3A_91 = arith.constant 0 : i32
      %dma_wait3A_92 = tpu.memref_slice %arg7[%add3A_90, %dma_wait3A_91] : memref<40x128xi32, #tpu.memory_space<vmem>> -> memref<1x128xi32, #tpu.memory_space<vmem>>
      %dma_wait3A_93 = tpu.memref_squeeze %dma_wait3A_92 : memref<1x128xi32, #tpu.memory_space<vmem>> -> memref<128xi32, #tpu.memory_space<vmem>>
      %dma_wait3A_94 = arith.constant 0 : i32
      %dma_wait3A_95 = arith.constant 0 : i32
      %dma_wait3A_96 = tpu.memref_slice %arg4[%dma_wait3A_94, %dma_wait3A_95] : memref<10240x128xf32, #tpu.memory_space<hbm>> -> memref<10240x128xf32, #tpu.memory_space<hbm>>
      tpu.wait_indirect_dma semaphore(%arg13 : memref<!tpu.dma_semaphore, #tpu.memory_space<semaphore_mem>>) src(%dma_wait3A_96 : memref<10240x128xf32, #tpu.memory_space<hbm>>) dst(%arg10 : memref<128x128xf32, #tpu.memory_space<vmem>>)
      "tpu.region"() ({
        %run_scoped3A_105 = tpu.sem_alloc : memref<!tpu.dma_semaphore, #tpu.memory_space<semaphore_mem>>
        %dma_start3A_106 = arith.constant 0 : i32
        %dma_start3A_107 = tpu.memref_slice %arg8[%add3A_90, %dma_start3A_106] : memref<40x128xi32, #tpu.memory_space<vmem>> -> memref<1x128xi32, #tpu.memory_space<vmem>>
        %dma_start3A_108 = tpu.memref_squeeze %dma_start3A_107 : memref<1x128xi32, #tpu.memory_space<vmem>> -> memref<128xi32, #tpu.memory_space<vmem>>
        %dma_start3A_109 = arith.constant 0 : i32
        %dma_start3A_110 = arith.constant 0 : i32
        %dma_start3A_111 = tpu.memref_slice %arg11[%dma_start3A_109, %dma_start3A_110] : memref<10240x128xf32, #tpu.memory_space<vmem_shared>> -> memref<10240x128xf32, #tpu.memory_space<vmem_shared>>
        tpu.enqueue_indirect_dma source(%arg10 : memref<128x128xf32, #tpu.memory_space<vmem>>) target(%dma_start3A_111 : memref<10240x128xf32, #tpu.memory_space<vmem_shared>>) offsets(%dma_start3A_108 : memref<128xi32, #tpu.memory_space<vmem>>) semaphore(%run_scoped3A_105 : memref<!tpu.dma_semaphore, #tpu.memory_space<semaphore_mem>>) {add = true}
        %dma_wait3A_112 = arith.constant 0 : i32
        %dma_wait3A_113 = tpu.memref_slice %arg8[%add3A_90, %dma_wait3A_112] : memref<40x128xi32, #tpu.memory_space<vmem>> -> memref<1x128xi32, #tpu.memory_space<vmem>>
        %dma_wait3A_114 = tpu.memref_squeeze %dma_wait3A_113 : memref<1x128xi32, #tpu.memory_space<vmem>> -> memref<128xi32, #tpu.memory_space<vmem>>
        %dma_wait3A_115 = arith.constant 0 : i32
        %dma_wait3A_116 = arith.constant 0 : i32
        %dma_wait3A_117 = tpu.memref_slice %arg11[%dma_wait3A_115, %dma_wait3A_116] : memref<10240x128xf32, #tpu.memory_space<vmem_shared>> -> memref<10240x128xf32, #tpu.memory_space<vmem_shared>>
        tpu.wait_indirect_dma semaphore(%run_scoped3A_105 : memref<!tpu.dma_semaphore, #tpu.memory_space<semaphore_mem>>) src(%arg10 : memref<128x128xf32, #tpu.memory_space<vmem>>) dst(%dma_wait3A_117 : memref<10240x128xf32, #tpu.memory_space<vmem_shared>>)
        tpu.yield
      }) : () -> ()
      %add3A_97 = arith.constant 3 : i32
      %add3A_98 = arith.addi %mul3A_74, %add3A_97 : i32
      %dma_start3A_99 = arith.constant 0 : i32
      %dma_start3A_100 = tpu.memref_slice %arg7[%add3A_98, %dma_start3A_99] : memref<40x128xi32, #tpu.memory_space<vmem>> -> memref<1x128xi32, #tpu.memory_space<vmem>>
      %dma_start3A_101 = tpu.memref_squeeze %dma_start3A_100 : memref<1x128xi32, #tpu.memory_space<vmem>> -> memref<128xi32, #tpu.memory_space<vmem>>
      %dma_start3A_102 = arith.constant 0 : i32
      %dma_start3A_103 = arith.constant 0 : i32
      %dma_start3A_104 = tpu.memref_slice %arg4[%dma_start3A_102, %dma_start3A_103] : memref<10240x128xf32, #tpu.memory_space<hbm>> -> memref<10240x128xf32, #tpu.memory_space<hbm>>
      tpu.enqueue_indirect_dma source(%dma_start3A_104 : memref<10240x128xf32, #tpu.memory_space<hbm>>) target(%arg10 : memref<128x128xf32, #tpu.memory_space<vmem>>) offsets(%dma_start3A_101 : memref<128xi32, #tpu.memory_space<vmem>>) semaphore(%arg13 : memref<!tpu.dma_semaphore, #tpu.memory_space<semaphore_mem>>)
    }
    %scan3A_54 = arith.constant 19 : i32
    %dma_wait3A_55 = arith.constant 38 : i32
    %dma_wait3A_56 = arith.constant 0 : i32
    %dma_wait3A_57 = tpu.memref_slice %arg7[%dma_wait3A_55, %dma_wait3A_56] : memref<40x128xi32, #tpu.memory_space<vmem>> -> memref<1x128xi32, #tpu.memory_space<vmem>>
    %dma_wait3A_58 = tpu.memref_squeeze %dma_wait3A_57 : memref<1x128xi32, #tpu.memory_space<vmem>> -> memref<128xi32, #tpu.memory_space<vmem>>
    %dma_wait3A_59 = arith.constant 0 : i32
    %dma_wait3A_60 = arith.constant 0 : i32
    %dma_wait3A_61 = tpu.memref_slice %arg4[%dma_wait3A_59, %dma_wait3A_60] : memref<10240x128xf32, #tpu.memory_space<hbm>> -> memref<10240x128xf32, #tpu.memory_space<hbm>>
    tpu.wait_indirect_dma semaphore(%arg12 : memref<!tpu.dma_semaphore, #tpu.memory_space<semaphore_mem>>) src(%dma_wait3A_61 : memref<10240x128xf32, #tpu.memory_space<hbm>>) dst(%arg9 : memref<128x128xf32, #tpu.memory_space<vmem>>)
    %run_scoped3A_62 = arith.constant 38 : i32
    "tpu.region"() ({
      %run_scoped3A_72 = tpu.sem_alloc : memref<!tpu.dma_semaphore, #tpu.memory_space<semaphore_mem>>
      %dma_start3A_73 = arith.constant 0 : i32
      %dma_start3A_74 = tpu.memref_slice %arg8[%run_scoped3A_62, %dma_start3A_73] : memref<40x128xi32, #tpu.memory_space<vmem>> -> memref<1x128xi32, #tpu.memory_space<vmem>>
      %dma_start3A_75 = tpu.memref_squeeze %dma_start3A_74 : memref<1x128xi32, #tpu.memory_space<vmem>> -> memref<128xi32, #tpu.memory_space<vmem>>
      %dma_start3A_76 = arith.constant 0 : i32
      %dma_start3A_77 = arith.constant 0 : i32
      %dma_start3A_78 = tpu.memref_slice %arg11[%dma_start3A_76, %dma_start3A_77] : memref<10240x128xf32, #tpu.memory_space<vmem_shared>> -> memref<10240x128xf32, #tpu.memory_space<vmem_shared>>
      tpu.enqueue_indirect_dma source(%arg9 : memref<128x128xf32, #tpu.memory_space<vmem>>) target(%dma_start3A_78 : memref<10240x128xf32, #tpu.memory_space<vmem_shared>>) offsets(%dma_start3A_75 : memref<128xi32, #tpu.memory_space<vmem>>) semaphore(%run_scoped3A_72 : memref<!tpu.dma_semaphore, #tpu.memory_space<semaphore_mem>>) {add = true}
      %dma_wait3A_79 = arith.constant 0 : i32
      %dma_wait3A_80 = tpu.memref_slice %arg8[%run_scoped3A_62, %dma_wait3A_79] : memref<40x128xi32, #tpu.memory_space<vmem>> -> memref<1x128xi32, #tpu.memory_space<vmem>>
      %dma_wait3A_81 = tpu.memref_squeeze %dma_wait3A_80 : memref<1x128xi32, #tpu.memory_space<vmem>> -> memref<128xi32, #tpu.memory_space<vmem>>
      %dma_wait3A_82 = arith.constant 0 : i32
      %dma_wait3A_83 = arith.constant 0 : i32
      %dma_wait3A_84 = tpu.memref_slice %arg11[%dma_wait3A_82, %dma_wait3A_83] : memref<10240x128xf32, #tpu.memory_space<vmem_shared>> -> memref<10240x128xf32, #tpu.memory_space<vmem_shared>>
      tpu.wait_indirect_dma semaphore(%run_scoped3A_72 : memref<!tpu.dma_semaphore, #tpu.memory_space<semaphore_mem>>) src(%arg9 : memref<128x128xf32, #tpu.memory_space<vmem>>) dst(%dma_wait3A_84 : memref<10240x128xf32, #tpu.memory_space<vmem_shared>>)
      tpu.yield
    }) : () -> ()
    %dma_wait3A_63 = arith.constant 39 : i32
    %dma_wait3A_64 = arith.constant 0 : i32
    %dma_wait3A_65 = tpu.memref_slice %arg7[%dma_wait3A_63, %dma_wait3A_64] : memref<40x128xi32, #tpu.memory_space<vmem>> -> memref<1x128xi32, #tpu.memory_space<vmem>>
    %dma_wait3A_66 = tpu.memref_squeeze %dma_wait3A_65 : memref<1x128xi32, #tpu.memory_space<vmem>> -> memref<128xi32, #tpu.memory_space<vmem>>
    %dma_wait3A_67 = arith.constant 0 : i32
    %dma_wait3A_68 = arith.constant 0 : i32
    %dma_wait3A_69 = tpu.memref_slice %arg4[%dma_wait3A_67, %dma_wait3A_68] : memref<10240x128xf32, #tpu.memory_space<hbm>> -> memref<10240x128xf32, #tpu.memory_space<hbm>>
    tpu.wait_indirect_dma semaphore(%arg13 : memref<!tpu.dma_semaphore, #tpu.memory_space<semaphore_mem>>) src(%dma_wait3A_69 : memref<10240x128xf32, #tpu.memory_space<hbm>>) dst(%arg10 : memref<128x128xf32, #tpu.memory_space<vmem>>)
    %run_scoped3A_70 = arith.constant 39 : i32
    "tpu.region"() ({
      %run_scoped3A_72 = tpu.sem_alloc : memref<!tpu.dma_semaphore, #tpu.memory_space<semaphore_mem>>
      %dma_start3A_73 = arith.constant 0 : i32
      %dma_start3A_74 = tpu.memref_slice %arg8[%run_scoped3A_70, %dma_start3A_73] : memref<40x128xi32, #tpu.memory_space<vmem>> -> memref<1x128xi32, #tpu.memory_space<vmem>>
      %dma_start3A_75 = tpu.memref_squeeze %dma_start3A_74 : memref<1x128xi32, #tpu.memory_space<vmem>> -> memref<128xi32, #tpu.memory_space<vmem>>
      %dma_start3A_76 = arith.constant 0 : i32
      %dma_start3A_77 = arith.constant 0 : i32
      %dma_start3A_78 = tpu.memref_slice %arg11[%dma_start3A_76, %dma_start3A_77] : memref<10240x128xf32, #tpu.memory_space<vmem_shared>> -> memref<10240x128xf32, #tpu.memory_space<vmem_shared>>
      tpu.enqueue_indirect_dma source(%arg10 : memref<128x128xf32, #tpu.memory_space<vmem>>) target(%dma_start3A_78 : memref<10240x128xf32, #tpu.memory_space<vmem_shared>>) offsets(%dma_start3A_75 : memref<128xi32, #tpu.memory_space<vmem>>) semaphore(%run_scoped3A_72 : memref<!tpu.dma_semaphore, #tpu.memory_space<semaphore_mem>>) {add = true}
      %dma_wait3A_79 = arith.constant 0 : i32
      %dma_wait3A_80 = tpu.memref_slice %arg8[%run_scoped3A_70, %dma_wait3A_79] : memref<40x128xi32, #tpu.memory_space<vmem>> -> memref<1x128xi32, #tpu.memory_space<vmem>>
      %dma_wait3A_81 = tpu.memref_squeeze %dma_wait3A_80 : memref<1x128xi32, #tpu.memory_space<vmem>> -> memref<128xi32, #tpu.memory_space<vmem>>
      %dma_wait3A_82 = arith.constant 0 : i32
      %dma_wait3A_83 = arith.constant 0 : i32
      %dma_wait3A_84 = tpu.memref_slice %arg11[%dma_wait3A_82, %dma_wait3A_83] : memref<10240x128xf32, #tpu.memory_space<vmem_shared>> -> memref<10240x128xf32, #tpu.memory_space<vmem_shared>>
      tpu.wait_indirect_dma semaphore(%run_scoped3A_72 : memref<!tpu.dma_semaphore, #tpu.memory_space<semaphore_mem>>) src(%arg10 : memref<128x128xf32, #tpu.memory_space<vmem>>) dst(%dma_wait3A_84 : memref<10240x128xf32, #tpu.memory_space<vmem_shared>>)
      tpu.yield
    }) : () -> ()
    %barrier3A_71 = arith.constant 0 : index
    tpu.barrier barrier_id(%barrier3A_71)
    "tpu.region"() ({
      %run_scoped3A_72 = tpu.sem_alloc : memref<!tpu.dma_semaphore, #tpu.memory_space<semaphore_mem>>
      %dma_start3A_73 = arith.constant 0 : i32
      %dma_start3A_74 = tpu.memref_slice %arg6[%arg0, %mul3A_2, %dma_start3A_73] : memref<2x10240x128xf32, #tpu.memory_space<hbm>> -> memref<1x640x128xf32, #tpu.memory_space<hbm>>
      %dma_start3A_75 = tpu.memref_squeeze %dma_start3A_74 : memref<1x640x128xf32, #tpu.memory_space<hbm>> -> memref<640x128xf32, #tpu.memory_space<hbm>>
      %dma_start3A_76 = arith.constant 0 : i32
      %dma_start3A_77 = tpu.memref_slice %arg11[%mul3A_2, %dma_start3A_76] : memref<10240x128xf32, #tpu.memory_space<vmem_shared>> -> memref<640x128xf32, #tpu.memory_space<vmem_shared>>
      tpu.enqueue_dma source(%dma_start3A_77 : memref<640x128xf32, #tpu.memory_space<vmem_shared>>) target(%dma_start3A_75 : memref<640x128xf32, #tpu.memory_space<hbm>>) target_semaphore(%run_scoped3A_72 : memref<!tpu.dma_semaphore, #tpu.memory_space<semaphore_mem>>)
      %dma_wait3A_78 = arith.constant 0 : i32
      %dma_wait3A_79 = tpu.memref_slice %arg6[%arg0, %mul3A_2, %dma_wait3A_78] : memref<2x10240x128xf32, #tpu.memory_space<hbm>> -> memref<1x640x128xf32, #tpu.memory_space<hbm>>
      %dma_wait3A_80 = tpu.memref_squeeze %dma_wait3A_79 : memref<1x640x128xf32, #tpu.memory_space<hbm>> -> memref<640x128xf32, #tpu.memory_space<hbm>>
      %dma_wait3A_81 = arith.constant 0 : i32
      %dma_wait3A_82 = tpu.memref_slice %arg11[%mul3A_2, %dma_wait3A_81] : memref<10240x128xf32, #tpu.memory_space<vmem_shared>> -> memref<640x128xf32, #tpu.memory_space<vmem_shared>>
      tpu.wait_dma2 semaphore(%run_scoped3A_72 : memref<!tpu.dma_semaphore, #tpu.memory_space<semaphore_mem>>) src(%dma_wait3A_82 : memref<640x128xf32, #tpu.memory_space<vmem_shared>>) dst(%dma_wait3A_80 : memref<640x128xf32, #tpu.memory_space<hbm>>)
      tpu.yield
    }) : () -> ()
    return
  }
}

#map = affine_map<(d0, d1) -> (0, 0, 0)>
#map1 = affine_map<(d0, d1) -> (0, 0)>
module attributes {stable_mosaic.version = 14 : i64} {
  func.func @_sc_prop(%arg0: i32, %arg1: i32, %arg2: memref<32x80x128xi32, #tpu.memory_space<hbm>>, %arg3: memref<32x80x128xi32, #tpu.memory_space<hbm>>, %arg4: memref<10240x128xf32, #tpu.memory_space<hbm>>, %arg5: memref<10240x128xf32, #tpu.memory_space<hbm>>, %arg6: memref<2x10240x128xf32, #tpu.memory_space<hbm>>, %arg7: memref<40x128xi32, #tpu.memory_space<vmem>>, %arg8: memref<40x128xi32, #tpu.memory_space<vmem>>, %arg9: memref<128x128xf32, #tpu.memory_space<vmem>>, %arg10: memref<128x128xf32, #tpu.memory_space<vmem>>, %arg11: memref<10240x128xf32, #tpu.memory_space<vmem_shared>>, %arg12: memref<!tpu.dma_semaphore, #tpu.memory_space<semaphore_mem>>, %arg13: memref<!tpu.dma_semaphore, #tpu.memory_space<semaphore_mem>>) attributes {dimension_semantics = [#tpu.dimension_semantics<core_parallel>, #tpu.dimension_semantics<subcore_parallel>], iteration_bounds = array<i64: 2, 16>, scalar_prefetch = 0 : i64, scratch_operands = 7 : i64, tpu.core_type = #tpu.core_type<sc_vector_subcore>, window_params = [{transform_indices = #map}, {transform_indices = #map}, {transform_indices = #map1}, {transform_indices = #map1}, {transform_indices = #map}]} {
    %mul3A = arith.constant 16 : i32
    %mul3A_0 = arith.muli %arg0, %mul3A : i32
    %add3A = arith.addi %mul3A_0, %arg1 : i32
    %mul3A_1 = arith.constant 640 : i32
    %mul3A_2 = arith.muli %arg1, %mul3A_1 : i32
    "tpu.region"() ({
      %run_scoped3A_72 = tpu.sem_alloc : memref<!tpu.dma_semaphore, #tpu.memory_space<semaphore_mem>>
      %dma_start3A_73 = arith.constant 0 : i32
      %dma_start3A_74 = arith.constant 0 : i32
      %dma_start3A_75 = tpu.memref_slice %arg2[%add3A, %dma_start3A_73, %dma_start3A_74] : memref<32x80x128xi32, #tpu.memory_space<hbm>> -> memref<1x40x128xi32, #tpu.memory_space<hbm>>
      %dma_start3A_76 = tpu.memref_squeeze %dma_start3A_75 : memref<1x40x128xi32, #tpu.memory_space<hbm>> -> memref<40x128xi32, #tpu.memory_space<hbm>>
      %dma_start3A_77 = arith.constant 0 : i32
      %dma_start3A_78 = arith.constant 0 : i32
      %dma_start3A_79 = tpu.memref_slice %arg2[%add3A, %dma_start3A_77, %dma_start3A_78] : memref<32x80x128xi32, #tpu.memory_space<hbm>> -> memref<1x40x128xi32, #tpu.memory_space<hbm>>
      %dma_start3A_80 = tpu.memref_squeeze %dma_start3A_79 : memref<1x40x128xi32, #tpu.memory_space<hbm>> -> memref<40x128xi32, #tpu.memory_space<hbm>>
      tpu.enqueue_dma source(%dma_start3A_80 : memref<40x128xi32, #tpu.memory_space<hbm>>) target(%arg7 : memref<40x128xi32, #tpu.memory_space<vmem>>) target_semaphore(%run_scoped3A_72 : memref<!tpu.dma_semaphore, #tpu.memory_space<semaphore_mem>>)
      %dma_wait3A_81 = arith.constant 0 : i32
      %dma_wait3A_82 = arith.constant 0 : i32
      %dma_wait3A_83 = tpu.memref_slice %arg2[%add3A, %dma_wait3A_81, %dma_wait3A_82] : memref<32x80x128xi32, #tpu.memory_space<hbm>> -> memref<1x40x128xi32, #tpu.memory_space<hbm>>
      %dma_wait3A_84 = tpu.memref_squeeze %dma_wait3A_83 : memref<1x40x128xi32, #tpu.memory_space<hbm>> -> memref<40x128xi32, #tpu.memory_space<hbm>>
      %dma_wait3A_85 = arith.constant 0 : i32
      %dma_wait3A_86 = arith.constant 0 : i32
      %dma_wait3A_87 = tpu.memref_slice %arg2[%add3A, %dma_wait3A_85, %dma_wait3A_86] : memref<32x80x128xi32, #tpu.memory_space<hbm>> -> memref<1x40x128xi32, #tpu.memory_space<hbm>>
      %dma_wait3A_88 = tpu.memref_squeeze %dma_wait3A_87 : memref<1x40x128xi32, #tpu.memory_space<hbm>> -> memref<40x128xi32, #tpu.memory_space<hbm>>
      tpu.wait_dma2 semaphore(%run_scoped3A_72 : memref<!tpu.dma_semaphore, #tpu.memory_space<semaphore_mem>>) src(%dma_wait3A_88 : memref<40x128xi32, #tpu.memory_space<hbm>>) dst(%arg7 : memref<40x128xi32, #tpu.memory_space<vmem>>)
      tpu.yield
    }) : () -> ()
    "tpu.region"() ({
      %run_scoped3A_72 = tpu.sem_alloc : memref<!tpu.dma_semaphore, #tpu.memory_space<semaphore_mem>>
      %dma_start3A_73 = arith.constant 0 : i32
      %dma_start3A_74 = arith.constant 0 : i32
      %dma_start3A_75 = tpu.memref_slice %arg3[%add3A, %dma_start3A_73, %dma_start3A_74] : memref<32x80x128xi32, #tpu.memory_space<hbm>> -> memref<1x40x128xi32, #tpu.memory_space<hbm>>
      %dma_start3A_76 = tpu.memref_squeeze %dma_start3A_75 : memref<1x40x128xi32, #tpu.memory_space<hbm>> -> memref<40x128xi32, #tpu.memory_space<hbm>>
      %dma_start3A_77 = arith.constant 0 : i32
      %dma_start3A_78 = arith.constant 0 : i32
      %dma_start3A_79 = tpu.memref_slice %arg3[%add3A, %dma_start3A_77, %dma_start3A_78] : memref<32x80x128xi32, #tpu.memory_space<hbm>> -> memref<1x40x128xi32, #tpu.memory_space<hbm>>
      %dma_start3A_80 = tpu.memref_squeeze %dma_start3A_79 : memref<1x40x128xi32, #tpu.memory_space<hbm>> -> memref<40x128xi32, #tpu.memory_space<hbm>>
      tpu.enqueue_dma source(%dma_start3A_80 : memref<40x128xi32, #tpu.memory_space<hbm>>) target(%arg8 : memref<40x128xi32, #tpu.memory_space<vmem>>) target_semaphore(%run_scoped3A_72 : memref<!tpu.dma_semaphore, #tpu.memory_space<semaphore_mem>>)
      %dma_wait3A_81 = arith.constant 0 : i32
      %dma_wait3A_82 = arith.constant 0 : i32
      %dma_wait3A_83 = tpu.memref_slice %arg3[%add3A, %dma_wait3A_81, %dma_wait3A_82] : memref<32x80x128xi32, #tpu.memory_space<hbm>> -> memref<1x40x128xi32, #tpu.memory_space<hbm>>
      %dma_wait3A_84 = tpu.memref_squeeze %dma_wait3A_83 : memref<1x40x128xi32, #tpu.memory_space<hbm>> -> memref<40x128xi32, #tpu.memory_space<hbm>>
      %dma_wait3A_85 = arith.constant 0 : i32
      %dma_wait3A_86 = arith.constant 0 : i32
      %dma_wait3A_87 = tpu.memref_slice %arg3[%add3A, %dma_wait3A_85, %dma_wait3A_86] : memref<32x80x128xi32, #tpu.memory_space<hbm>> -> memref<1x40x128xi32, #tpu.memory_space<hbm>>
      %dma_wait3A_88 = tpu.memref_squeeze %dma_wait3A_87 : memref<1x40x128xi32, #tpu.memory_space<hbm>> -> memref<40x128xi32, #tpu.memory_space<hbm>>
      tpu.wait_dma2 semaphore(%run_scoped3A_72 : memref<!tpu.dma_semaphore, #tpu.memory_space<semaphore_mem>>) src(%dma_wait3A_88 : memref<40x128xi32, #tpu.memory_space<hbm>>) dst(%arg8 : memref<40x128xi32, #tpu.memory_space<vmem>>)
      tpu.yield
    }) : () -> ()
    %dma_start3A = arith.constant 0 : i32
    %dma_start3A_3 = arith.constant 0 : i32
    %dma_start3A_4 = tpu.memref_slice %arg7[%dma_start3A, %dma_start3A_3] : memref<40x128xi32, #tpu.memory_space<vmem>> -> memref<1x128xi32, #tpu.memory_space<vmem>>
    %dma_start3A_5 = tpu.memref_squeeze %dma_start3A_4 : memref<1x128xi32, #tpu.memory_space<vmem>> -> memref<128xi32, #tpu.memory_space<vmem>>
    %dma_start3A_6 = arith.constant 0 : i32
    %dma_start3A_7 = arith.constant 0 : i32
    %dma_start3A_8 = tpu.memref_slice %arg4[%dma_start3A_6, %dma_start3A_7] : memref<10240x128xf32, #tpu.memory_space<hbm>> -> memref<10240x128xf32, #tpu.memory_space<hbm>>
    tpu.enqueue_indirect_dma source(%dma_start3A_8 : memref<10240x128xf32, #tpu.memory_space<hbm>>) target(%arg9 : memref<128x128xf32, #tpu.memory_space<vmem>>) offsets(%dma_start3A_5 : memref<128xi32, #tpu.memory_space<vmem>>) semaphore(%arg12 : memref<!tpu.dma_semaphore, #tpu.memory_space<semaphore_mem>>)
    %dma_start3A_9 = arith.constant 1 : i32
    %dma_start3A_10 = arith.constant 0 : i32
    %dma_start3A_11 = tpu.memref_slice %arg7[%dma_start3A_9, %dma_start3A_10] : memref<40x128xi32, #tpu.memory_space<vmem>> -> memref<1x128xi32, #tpu.memory_space<vmem>>
    %dma_start3A_12 = tpu.memref_squeeze %dma_start3A_11 : memref<1x128xi32, #tpu.memory_space<vmem>> -> memref<128xi32, #tpu.memory_space<vmem>>
    %dma_start3A_13 = arith.constant 0 : i32
    %dma_start3A_14 = arith.constant 0 : i32
    %dma_start3A_15 = tpu.memref_slice %arg4[%dma_start3A_13, %dma_start3A_14] : memref<10240x128xf32, #tpu.memory_space<hbm>> -> memref<10240x128xf32, #tpu.memory_space<hbm>>
    tpu.enqueue_indirect_dma source(%dma_start3A_15 : memref<10240x128xf32, #tpu.memory_space<hbm>>) target(%arg10 : memref<128x128xf32, #tpu.memory_space<vmem>>) offsets(%dma_start3A_12 : memref<128xi32, #tpu.memory_space<vmem>>) semaphore(%arg13 : memref<!tpu.dma_semaphore, #tpu.memory_space<semaphore_mem>>)
    "tpu.region"() ({
      %run_scoped3A_72 = tpu.sem_alloc : memref<!tpu.dma_semaphore, #tpu.memory_space<semaphore_mem>>
      %dma_start3A_73 = arith.constant 0 : i32
      %dma_start3A_74 = tpu.memref_slice %arg11[%mul3A_2, %dma_start3A_73] : memref<10240x128xf32, #tpu.memory_space<vmem_shared>> -> memref<640x128xf32, #tpu.memory_space<vmem_shared>>
      %dma_start3A_75 = arith.constant 0 : i32
      %dma_start3A_76 = tpu.memref_slice %arg5[%mul3A_2, %dma_start3A_75] : memref<10240x128xf32, #tpu.memory_space<hbm>> -> memref<640x128xf32, #tpu.memory_space<hbm>>
      tpu.enqueue_dma source(%dma_start3A_76 : memref<640x128xf32, #tpu.memory_space<hbm>>) target(%dma_start3A_74 : memref<640x128xf32, #tpu.memory_space<vmem_shared>>) target_semaphore(%run_scoped3A_72 : memref<!tpu.dma_semaphore, #tpu.memory_space<semaphore_mem>>)
      %dma_wait3A_77 = arith.constant 0 : i32
      %dma_wait3A_78 = tpu.memref_slice %arg11[%mul3A_2, %dma_wait3A_77] : memref<10240x128xf32, #tpu.memory_space<vmem_shared>> -> memref<640x128xf32, #tpu.memory_space<vmem_shared>>
      %dma_wait3A_79 = arith.constant 0 : i32
      %dma_wait3A_80 = tpu.memref_slice %arg5[%mul3A_2, %dma_wait3A_79] : memref<10240x128xf32, #tpu.memory_space<hbm>> -> memref<640x128xf32, #tpu.memory_space<hbm>>
      tpu.wait_dma2 semaphore(%run_scoped3A_72 : memref<!tpu.dma_semaphore, #tpu.memory_space<semaphore_mem>>) src(%dma_wait3A_80 : memref<640x128xf32, #tpu.memory_space<hbm>>) dst(%dma_wait3A_78 : memref<640x128xf32, #tpu.memory_space<vmem_shared>>)
      tpu.yield
    }) : () -> ()
    %barrier3A = arith.constant 0 : index
    tpu.barrier barrier_id(%barrier3A)
    %scan3A = arith.constant 0 : i32
    %scan3A_16 = arith.constant 0 : i32
    %scan3A_17 = arith.constant 19 : i32
    %scan3A_18 = arith.addi %scan3A_16, %scan3A_17 : i32
    %scan3A_19 = arith.constant 1 : i32
    scf.for %scan3A_72 = %scan3A_16 to %scan3A_18 step %scan3A_19  : i32 {
      %mul3A_73 = arith.constant 2 : i32
      %mul3A_74 = arith.muli %mul3A_73, %scan3A_72 : i32
      %dma_wait3A_75 = arith.constant 0 : i32
      %dma_wait3A_76 = tpu.memref_slice %arg7[%mul3A_74, %dma_wait3A_75] : memref<40x128xi32, #tpu.memory_space<vmem>> -> memref<1x128xi32, #tpu.memory_space<vmem>>
      %dma_wait3A_77 = tpu.memref_squeeze %dma_wait3A_76 : memref<1x128xi32, #tpu.memory_space<vmem>> -> memref<128xi32, #tpu.memory_space<vmem>>
      %dma_wait3A_78 = arith.constant 0 : i32
      %dma_wait3A_79 = arith.constant 0 : i32
      %dma_wait3A_80 = tpu.memref_slice %arg4[%dma_wait3A_78, %dma_wait3A_79] : memref<10240x128xf32, #tpu.memory_space<hbm>> -> memref<10240x128xf32, #tpu.memory_space<hbm>>
      tpu.wait_indirect_dma semaphore(%arg12 : memref<!tpu.dma_semaphore, #tpu.memory_space<semaphore_mem>>) src(%dma_wait3A_80 : memref<10240x128xf32, #tpu.memory_space<hbm>>) dst(%arg9 : memref<128x128xf32, #tpu.memory_space<vmem>>)
      "tpu.region"() ({
        %run_scoped3A_105 = tpu.sem_alloc : memref<!tpu.dma_semaphore, #tpu.memory_space<semaphore_mem>>
        %dma_start3A_106 = arith.constant 0 : i32
        %dma_start3A_107 = tpu.memref_slice %arg8[%mul3A_74, %dma_start3A_106] : memref<40x128xi32, #tpu.memory_space<vmem>> -> memref<1x128xi32, #tpu.memory_space<vmem>>
        %dma_start3A_108 = tpu.memref_squeeze %dma_start3A_107 : memref<1x128xi32, #tpu.memory_space<vmem>> -> memref<128xi32, #tpu.memory_space<vmem>>
        %dma_start3A_109 = arith.constant 0 : i32
        %dma_start3A_110 = arith.constant 0 : i32
        %dma_start3A_111 = tpu.memref_slice %arg11[%dma_start3A_109, %dma_start3A_110] : memref<10240x128xf32, #tpu.memory_space<vmem_shared>> -> memref<10240x128xf32, #tpu.memory_space<vmem_shared>>
        tpu.enqueue_indirect_dma source(%arg9 : memref<128x128xf32, #tpu.memory_space<vmem>>) target(%dma_start3A_111 : memref<10240x128xf32, #tpu.memory_space<vmem_shared>>) offsets(%dma_start3A_108 : memref<128xi32, #tpu.memory_space<vmem>>) semaphore(%run_scoped3A_105 : memref<!tpu.dma_semaphore, #tpu.memory_space<semaphore_mem>>) {add = true}
        %dma_wait3A_112 = arith.constant 0 : i32
        %dma_wait3A_113 = tpu.memref_slice %arg8[%mul3A_74, %dma_wait3A_112] : memref<40x128xi32, #tpu.memory_space<vmem>> -> memref<1x128xi32, #tpu.memory_space<vmem>>
        %dma_wait3A_114 = tpu.memref_squeeze %dma_wait3A_113 : memref<1x128xi32, #tpu.memory_space<vmem>> -> memref<128xi32, #tpu.memory_space<vmem>>
        %dma_wait3A_115 = arith.constant 0 : i32
        %dma_wait3A_116 = arith.constant 0 : i32
        %dma_wait3A_117 = tpu.memref_slice %arg11[%dma_wait3A_115, %dma_wait3A_116] : memref<10240x128xf32, #tpu.memory_space<vmem_shared>> -> memref<10240x128xf32, #tpu.memory_space<vmem_shared>>
        tpu.wait_indirect_dma semaphore(%run_scoped3A_105 : memref<!tpu.dma_semaphore, #tpu.memory_space<semaphore_mem>>) src(%arg9 : memref<128x128xf32, #tpu.memory_space<vmem>>) dst(%dma_wait3A_117 : memref<10240x128xf32, #tpu.memory_space<vmem_shared>>)
        tpu.yield
      }) : () -> ()
      %add3A_81 = arith.constant 2 : i32
      %add3A_82 = arith.addi %mul3A_74, %add3A_81 : i32
      %dma_start3A_83 = arith.constant 0 : i32
      %dma_start3A_84 = tpu.memref_slice %arg7[%add3A_82, %dma_start3A_83] : memref<40x128xi32, #tpu.memory_space<vmem>> -> memref<1x128xi32, #tpu.memory_space<vmem>>
      %dma_start3A_85 = tpu.memref_squeeze %dma_start3A_84 : memref<1x128xi32, #tpu.memory_space<vmem>> -> memref<128xi32, #tpu.memory_space<vmem>>
      %dma_start3A_86 = arith.constant 0 : i32
      %dma_start3A_87 = arith.constant 0 : i32
      %dma_start3A_88 = tpu.memref_slice %arg4[%dma_start3A_86, %dma_start3A_87] : memref<10240x128xf32, #tpu.memory_space<hbm>> -> memref<10240x128xf32, #tpu.memory_space<hbm>>
      tpu.enqueue_indirect_dma source(%dma_start3A_88 : memref<10240x128xf32, #tpu.memory_space<hbm>>) target(%arg9 : memref<128x128xf32, #tpu.memory_space<vmem>>) offsets(%dma_start3A_85 : memref<128xi32, #tpu.memory_space<vmem>>) semaphore(%arg12 : memref<!tpu.dma_semaphore, #tpu.memory_space<semaphore_mem>>)
      %add3A_89 = arith.constant 1 : i32
      %add3A_90 = arith.addi %mul3A_74, %add3A_89 : i32
      %dma_wait3A_91 = arith.constant 0 : i32
      %dma_wait3A_92 = tpu.memref_slice %arg7[%add3A_90, %dma_wait3A_91] : memref<40x128xi32, #tpu.memory_space<vmem>> -> memref<1x128xi32, #tpu.memory_space<vmem>>
      %dma_wait3A_93 = tpu.memref_squeeze %dma_wait3A_92 : memref<1x128xi32, #tpu.memory_space<vmem>> -> memref<128xi32, #tpu.memory_space<vmem>>
      %dma_wait3A_94 = arith.constant 0 : i32
      %dma_wait3A_95 = arith.constant 0 : i32
      %dma_wait3A_96 = tpu.memref_slice %arg4[%dma_wait3A_94, %dma_wait3A_95] : memref<10240x128xf32, #tpu.memory_space<hbm>> -> memref<10240x128xf32, #tpu.memory_space<hbm>>
      tpu.wait_indirect_dma semaphore(%arg13 : memref<!tpu.dma_semaphore, #tpu.memory_space<semaphore_mem>>) src(%dma_wait3A_96 : memref<10240x128xf32, #tpu.memory_space<hbm>>) dst(%arg10 : memref<128x128xf32, #tpu.memory_space<vmem>>)
      "tpu.region"() ({
        %run_scoped3A_105 = tpu.sem_alloc : memref<!tpu.dma_semaphore, #tpu.memory_space<semaphore_mem>>
        %dma_start3A_106 = arith.constant 0 : i32
        %dma_start3A_107 = tpu.memref_slice %arg8[%add3A_90, %dma_start3A_106] : memref<40x128xi32, #tpu.memory_space<vmem>> -> memref<1x128xi32, #tpu.memory_space<vmem>>
        %dma_start3A_108 = tpu.memref_squeeze %dma_start3A_107 : memref<1x128xi32, #tpu.memory_space<vmem>> -> memref<128xi32, #tpu.memory_space<vmem>>
        %dma_start3A_109 = arith.constant 0 : i32
        %dma_start3A_110 = arith.constant 0 : i32
        %dma_start3A_111 = tpu.memref_slice %arg11[%dma_start3A_109, %dma_start3A_110] : memref<10240x128xf32, #tpu.memory_space<vmem_shared>> -> memref<10240x128xf32, #tpu.memory_space<vmem_shared>>
        tpu.enqueue_indirect_dma source(%arg10 : memref<128x128xf32, #tpu.memory_space<vmem>>) target(%dma_start3A_111 : memref<10240x128xf32, #tpu.memory_space<vmem_shared>>) offsets(%dma_start3A_108 : memref<128xi32, #tpu.memory_space<vmem>>) semaphore(%run_scoped3A_105 : memref<!tpu.dma_semaphore, #tpu.memory_space<semaphore_mem>>) {add = true}
        %dma_wait3A_112 = arith.constant 0 : i32
        %dma_wait3A_113 = tpu.memref_slice %arg8[%add3A_90, %dma_wait3A_112] : memref<40x128xi32, #tpu.memory_space<vmem>> -> memref<1x128xi32, #tpu.memory_space<vmem>>
        %dma_wait3A_114 = tpu.memref_squeeze %dma_wait3A_113 : memref<1x128xi32, #tpu.memory_space<vmem>> -> memref<128xi32, #tpu.memory_space<vmem>>
        %dma_wait3A_115 = arith.constant 0 : i32
        %dma_wait3A_116 = arith.constant 0 : i32
        %dma_wait3A_117 = tpu.memref_slice %arg11[%dma_wait3A_115, %dma_wait3A_116] : memref<10240x128xf32, #tpu.memory_space<vmem_shared>> -> memref<10240x128xf32, #tpu.memory_space<vmem_shared>>
        tpu.wait_indirect_dma semaphore(%run_scoped3A_105 : memref<!tpu.dma_semaphore, #tpu.memory_space<semaphore_mem>>) src(%arg10 : memref<128x128xf32, #tpu.memory_space<vmem>>) dst(%dma_wait3A_117 : memref<10240x128xf32, #tpu.memory_space<vmem_shared>>)
        tpu.yield
      }) : () -> ()
      %add3A_97 = arith.constant 3 : i32
      %add3A_98 = arith.addi %mul3A_74, %add3A_97 : i32
      %dma_start3A_99 = arith.constant 0 : i32
      %dma_start3A_100 = tpu.memref_slice %arg7[%add3A_98, %dma_start3A_99] : memref<40x128xi32, #tpu.memory_space<vmem>> -> memref<1x128xi32, #tpu.memory_space<vmem>>
      %dma_start3A_101 = tpu.memref_squeeze %dma_start3A_100 : memref<1x128xi32, #tpu.memory_space<vmem>> -> memref<128xi32, #tpu.memory_space<vmem>>
      %dma_start3A_102 = arith.constant 0 : i32
      %dma_start3A_103 = arith.constant 0 : i32
      %dma_start3A_104 = tpu.memref_slice %arg4[%dma_start3A_102, %dma_start3A_103] : memref<10240x128xf32, #tpu.memory_space<hbm>> -> memref<10240x128xf32, #tpu.memory_space<hbm>>
      tpu.enqueue_indirect_dma source(%dma_start3A_104 : memref<10240x128xf32, #tpu.memory_space<hbm>>) target(%arg10 : memref<128x128xf32, #tpu.memory_space<vmem>>) offsets(%dma_start3A_101 : memref<128xi32, #tpu.memory_space<vmem>>) semaphore(%arg13 : memref<!tpu.dma_semaphore, #tpu.memory_space<semaphore_mem>>)
    }
    %scan3A_20 = arith.constant 19 : i32
    %dma_wait3A = arith.constant 38 : i32
    %dma_wait3A_21 = arith.constant 0 : i32
    %dma_wait3A_22 = tpu.memref_slice %arg7[%dma_wait3A, %dma_wait3A_21] : memref<40x128xi32, #tpu.memory_space<vmem>> -> memref<1x128xi32, #tpu.memory_space<vmem>>
    %dma_wait3A_23 = tpu.memref_squeeze %dma_wait3A_22 : memref<1x128xi32, #tpu.memory_space<vmem>> -> memref<128xi32, #tpu.memory_space<vmem>>
    %dma_wait3A_24 = arith.constant 0 : i32
    %dma_wait3A_25 = arith.constant 0 : i32
    %dma_wait3A_26 = tpu.memref_slice %arg4[%dma_wait3A_24, %dma_wait3A_25] : memref<10240x128xf32, #tpu.memory_space<hbm>> -> memref<10240x128xf32, #tpu.memory_space<hbm>>
    tpu.wait_indirect_dma semaphore(%arg12 : memref<!tpu.dma_semaphore, #tpu.memory_space<semaphore_mem>>) src(%dma_wait3A_26 : memref<10240x128xf32, #tpu.memory_space<hbm>>) dst(%arg9 : memref<128x128xf32, #tpu.memory_space<vmem>>)
    %run_scoped3A = arith.constant 38 : i32
    "tpu.region"() ({
      %run_scoped3A_72 = tpu.sem_alloc : memref<!tpu.dma_semaphore, #tpu.memory_space<semaphore_mem>>
      %dma_start3A_73 = arith.constant 0 : i32
      %dma_start3A_74 = tpu.memref_slice %arg8[%run_scoped3A, %dma_start3A_73] : memref<40x128xi32, #tpu.memory_space<vmem>> -> memref<1x128xi32, #tpu.memory_space<vmem>>
      %dma_start3A_75 = tpu.memref_squeeze %dma_start3A_74 : memref<1x128xi32, #tpu.memory_space<vmem>> -> memref<128xi32, #tpu.memory_space<vmem>>
      %dma_start3A_76 = arith.constant 0 : i32
      %dma_start3A_77 = arith.constant 0 : i32
      %dma_start3A_78 = tpu.memref_slice %arg11[%dma_start3A_76, %dma_start3A_77] : memref<10240x128xf32, #tpu.memory_space<vmem_shared>> -> memref<10240x128xf32, #tpu.memory_space<vmem_shared>>
      tpu.enqueue_indirect_dma source(%arg9 : memref<128x128xf32, #tpu.memory_space<vmem>>) target(%dma_start3A_78 : memref<10240x128xf32, #tpu.memory_space<vmem_shared>>) offsets(%dma_start3A_75 : memref<128xi32, #tpu.memory_space<vmem>>) semaphore(%run_scoped3A_72 : memref<!tpu.dma_semaphore, #tpu.memory_space<semaphore_mem>>) {add = true}
      %dma_wait3A_79 = arith.constant 0 : i32
      %dma_wait3A_80 = tpu.memref_slice %arg8[%run_scoped3A, %dma_wait3A_79] : memref<40x128xi32, #tpu.memory_space<vmem>> -> memref<1x128xi32, #tpu.memory_space<vmem>>
      %dma_wait3A_81 = tpu.memref_squeeze %dma_wait3A_80 : memref<1x128xi32, #tpu.memory_space<vmem>> -> memref<128xi32, #tpu.memory_space<vmem>>
      %dma_wait3A_82 = arith.constant 0 : i32
      %dma_wait3A_83 = arith.constant 0 : i32
      %dma_wait3A_84 = tpu.memref_slice %arg11[%dma_wait3A_82, %dma_wait3A_83] : memref<10240x128xf32, #tpu.memory_space<vmem_shared>> -> memref<10240x128xf32, #tpu.memory_space<vmem_shared>>
      tpu.wait_indirect_dma semaphore(%run_scoped3A_72 : memref<!tpu.dma_semaphore, #tpu.memory_space<semaphore_mem>>) src(%arg9 : memref<128x128xf32, #tpu.memory_space<vmem>>) dst(%dma_wait3A_84 : memref<10240x128xf32, #tpu.memory_space<vmem_shared>>)
      tpu.yield
    }) : () -> ()
    %dma_wait3A_27 = arith.constant 39 : i32
    %dma_wait3A_28 = arith.constant 0 : i32
    %dma_wait3A_29 = tpu.memref_slice %arg7[%dma_wait3A_27, %dma_wait3A_28] : memref<40x128xi32, #tpu.memory_space<vmem>> -> memref<1x128xi32, #tpu.memory_space<vmem>>
    %dma_wait3A_30 = tpu.memref_squeeze %dma_wait3A_29 : memref<1x128xi32, #tpu.memory_space<vmem>> -> memref<128xi32, #tpu.memory_space<vmem>>
    %dma_wait3A_31 = arith.constant 0 : i32
    %dma_wait3A_32 = arith.constant 0 : i32
    %dma_wait3A_33 = tpu.memref_slice %arg4[%dma_wait3A_31, %dma_wait3A_32] : memref<10240x128xf32, #tpu.memory_space<hbm>> -> memref<10240x128xf32, #tpu.memory_space<hbm>>
    tpu.wait_indirect_dma semaphore(%arg13 : memref<!tpu.dma_semaphore, #tpu.memory_space<semaphore_mem>>) src(%dma_wait3A_33 : memref<10240x128xf32, #tpu.memory_space<hbm>>) dst(%arg10 : memref<128x128xf32, #tpu.memory_space<vmem>>)
    %run_scoped3A_34 = arith.constant 39 : i32
    "tpu.region"() ({
      %run_scoped3A_72 = tpu.sem_alloc : memref<!tpu.dma_semaphore, #tpu.memory_space<semaphore_mem>>
      %dma_start3A_73 = arith.constant 0 : i32
      %dma_start3A_74 = tpu.memref_slice %arg8[%run_scoped3A_34, %dma_start3A_73] : memref<40x128xi32, #tpu.memory_space<vmem>> -> memref<1x128xi32, #tpu.memory_space<vmem>>
      %dma_start3A_75 = tpu.memref_squeeze %dma_start3A_74 : memref<1x128xi32, #tpu.memory_space<vmem>> -> memref<128xi32, #tpu.memory_space<vmem>>
      %dma_start3A_76 = arith.constant 0 : i32
      %dma_start3A_77 = arith.constant 0 : i32
      %dma_start3A_78 = tpu.memref_slice %arg11[%dma_start3A_76, %dma_start3A_77] : memref<10240x128xf32, #tpu.memory_space<vmem_shared>> -> memref<10240x128xf32, #tpu.memory_space<vmem_shared>>
      tpu.enqueue_indirect_dma source(%arg10 : memref<128x128xf32, #tpu.memory_space<vmem>>) target(%dma_start3A_78 : memref<10240x128xf32, #tpu.memory_space<vmem_shared>>) offsets(%dma_start3A_75 : memref<128xi32, #tpu.memory_space<vmem>>) semaphore(%run_scoped3A_72 : memref<!tpu.dma_semaphore, #tpu.memory_space<semaphore_mem>>) {add = true}
      %dma_wait3A_79 = arith.constant 0 : i32
      %dma_wait3A_80 = tpu.memref_slice %arg8[%run_scoped3A_34, %dma_wait3A_79] : memref<40x128xi32, #tpu.memory_space<vmem>> -> memref<1x128xi32, #tpu.memory_space<vmem>>
      %dma_wait3A_81 = tpu.memref_squeeze %dma_wait3A_80 : memref<1x128xi32, #tpu.memory_space<vmem>> -> memref<128xi32, #tpu.memory_space<vmem>>
      %dma_wait3A_82 = arith.constant 0 : i32
      %dma_wait3A_83 = arith.constant 0 : i32
      %dma_wait3A_84 = tpu.memref_slice %arg11[%dma_wait3A_82, %dma_wait3A_83] : memref<10240x128xf32, #tpu.memory_space<vmem_shared>> -> memref<10240x128xf32, #tpu.memory_space<vmem_shared>>
      tpu.wait_indirect_dma semaphore(%run_scoped3A_72 : memref<!tpu.dma_semaphore, #tpu.memory_space<semaphore_mem>>) src(%arg10 : memref<128x128xf32, #tpu.memory_space<vmem>>) dst(%dma_wait3A_84 : memref<10240x128xf32, #tpu.memory_space<vmem_shared>>)
      tpu.yield
    }) : () -> ()
    "tpu.region"() ({
      %run_scoped3A_72 = tpu.sem_alloc : memref<!tpu.dma_semaphore, #tpu.memory_space<semaphore_mem>>
      %dma_start3A_73 = arith.constant 40 : i32
      %dma_start3A_74 = arith.constant 0 : i32
      %dma_start3A_75 = tpu.memref_slice %arg2[%add3A, %dma_start3A_73, %dma_start3A_74] : memref<32x80x128xi32, #tpu.memory_space<hbm>> -> memref<1x40x128xi32, #tpu.memory_space<hbm>>
      %dma_start3A_76 = tpu.memref_squeeze %dma_start3A_75 : memref<1x40x128xi32, #tpu.memory_space<hbm>> -> memref<40x128xi32, #tpu.memory_space<hbm>>
      %dma_start3A_77 = arith.constant 40 : i32
      %dma_start3A_78 = arith.constant 0 : i32
      %dma_start3A_79 = tpu.memref_slice %arg2[%add3A, %dma_start3A_77, %dma_start3A_78] : memref<32x80x128xi32, #tpu.memory_space<hbm>> -> memref<1x40x128xi32, #tpu.memory_space<hbm>>
      %dma_start3A_80 = tpu.memref_squeeze %dma_start3A_79 : memref<1x40x128xi32, #tpu.memory_space<hbm>> -> memref<40x128xi32, #tpu.memory_space<hbm>>
      tpu.enqueue_dma source(%dma_start3A_80 : memref<40x128xi32, #tpu.memory_space<hbm>>) target(%arg7 : memref<40x128xi32, #tpu.memory_space<vmem>>) target_semaphore(%run_scoped3A_72 : memref<!tpu.dma_semaphore, #tpu.memory_space<semaphore_mem>>)
      %dma_wait3A_81 = arith.constant 40 : i32
      %dma_wait3A_82 = arith.constant 0 : i32
      %dma_wait3A_83 = tpu.memref_slice %arg2[%add3A, %dma_wait3A_81, %dma_wait3A_82] : memref<32x80x128xi32, #tpu.memory_space<hbm>> -> memref<1x40x128xi32, #tpu.memory_space<hbm>>
      %dma_wait3A_84 = tpu.memref_squeeze %dma_wait3A_83 : memref<1x40x128xi32, #tpu.memory_space<hbm>> -> memref<40x128xi32, #tpu.memory_space<hbm>>
      %dma_wait3A_85 = arith.constant 40 : i32
      %dma_wait3A_86 = arith.constant 0 : i32
      %dma_wait3A_87 = tpu.memref_slice %arg2[%add3A, %dma_wait3A_85, %dma_wait3A_86] : memref<32x80x128xi32, #tpu.memory_space<hbm>> -> memref<1x40x128xi32, #tpu.memory_space<hbm>>
      %dma_wait3A_88 = tpu.memref_squeeze %dma_wait3A_87 : memref<1x40x128xi32, #tpu.memory_space<hbm>> -> memref<40x128xi32, #tpu.memory_space<hbm>>
      tpu.wait_dma2 semaphore(%run_scoped3A_72 : memref<!tpu.dma_semaphore, #tpu.memory_space<semaphore_mem>>) src(%dma_wait3A_88 : memref<40x128xi32, #tpu.memory_space<hbm>>) dst(%arg7 : memref<40x128xi32, #tpu.memory_space<vmem>>)
      tpu.yield
    }) : () -> ()
    "tpu.region"() ({
      %run_scoped3A_72 = tpu.sem_alloc : memref<!tpu.dma_semaphore, #tpu.memory_space<semaphore_mem>>
      %dma_start3A_73 = arith.constant 40 : i32
      %dma_start3A_74 = arith.constant 0 : i32
      %dma_start3A_75 = tpu.memref_slice %arg3[%add3A, %dma_start3A_73, %dma_start3A_74] : memref<32x80x128xi32, #tpu.memory_space<hbm>> -> memref<1x40x128xi32, #tpu.memory_space<hbm>>
      %dma_start3A_76 = tpu.memref_squeeze %dma_start3A_75 : memref<1x40x128xi32, #tpu.memory_space<hbm>> -> memref<40x128xi32, #tpu.memory_space<hbm>>
      %dma_start3A_77 = arith.constant 40 : i32
      %dma_start3A_78 = arith.constant 0 : i32
      %dma_start3A_79 = tpu.memref_slice %arg3[%add3A, %dma_start3A_77, %dma_start3A_78] : memref<32x80x128xi32, #tpu.memory_space<hbm>> -> memref<1x40x128xi32, #tpu.memory_space<hbm>>
      %dma_start3A_80 = tpu.memref_squeeze %dma_start3A_79 : memref<1x40x128xi32, #tpu.memory_space<hbm>> -> memref<40x128xi32, #tpu.memory_space<hbm>>
      tpu.enqueue_dma source(%dma_start3A_80 : memref<40x128xi32, #tpu.memory_space<hbm>>) target(%arg8 : memref<40x128xi32, #tpu.memory_space<vmem>>) target_semaphore(%run_scoped3A_72 : memref<!tpu.dma_semaphore, #tpu.memory_space<semaphore_mem>>)
      %dma_wait3A_81 = arith.constant 40 : i32
      %dma_wait3A_82 = arith.constant 0 : i32
      %dma_wait3A_83 = tpu.memref_slice %arg3[%add3A, %dma_wait3A_81, %dma_wait3A_82] : memref<32x80x128xi32, #tpu.memory_space<hbm>> -> memref<1x40x128xi32, #tpu.memory_space<hbm>>
      %dma_wait3A_84 = tpu.memref_squeeze %dma_wait3A_83 : memref<1x40x128xi32, #tpu.memory_space<hbm>> -> memref<40x128xi32, #tpu.memory_space<hbm>>
      %dma_wait3A_85 = arith.constant 40 : i32
      %dma_wait3A_86 = arith.constant 0 : i32
      %dma_wait3A_87 = tpu.memref_slice %arg3[%add3A, %dma_wait3A_85, %dma_wait3A_86] : memref<32x80x128xi32, #tpu.memory_space<hbm>> -> memref<1x40x128xi32, #tpu.memory_space<hbm>>
      %dma_wait3A_88 = tpu.memref_squeeze %dma_wait3A_87 : memref<1x40x128xi32, #tpu.memory_space<hbm>> -> memref<40x128xi32, #tpu.memory_space<hbm>>
      tpu.wait_dma2 semaphore(%run_scoped3A_72 : memref<!tpu.dma_semaphore, #tpu.memory_space<semaphore_mem>>) src(%dma_wait3A_88 : memref<40x128xi32, #tpu.memory_space<hbm>>) dst(%arg8 : memref<40x128xi32, #tpu.memory_space<vmem>>)
      tpu.yield
    }) : () -> ()
    %dma_start3A_35 = arith.constant 0 : i32
    %dma_start3A_36 = arith.constant 0 : i32
    %dma_start3A_37 = tpu.memref_slice %arg7[%dma_start3A_35, %dma_start3A_36] : memref<40x128xi32, #tpu.memory_space<vmem>> -> memref<1x128xi32, #tpu.memory_space<vmem>>
    %dma_start3A_38 = tpu.memref_squeeze %dma_start3A_37 : memref<1x128xi32, #tpu.memory_space<vmem>> -> memref<128xi32, #tpu.memory_space<vmem>>
    %dma_start3A_39 = arith.constant 0 : i32
    %dma_start3A_40 = arith.constant 0 : i32
    %dma_start3A_41 = tpu.memref_slice %arg4[%dma_start3A_39, %dma_start3A_40] : memref<10240x128xf32, #tpu.memory_space<hbm>> -> memref<10240x128xf32, #tpu.memory_space<hbm>>
    tpu.enqueue_indirect_dma source(%dma_start3A_41 : memref<10240x128xf32, #tpu.memory_space<hbm>>) target(%arg9 : memref<128x128xf32, #tpu.memory_space<vmem>>) offsets(%dma_start3A_38 : memref<128xi32, #tpu.memory_space<vmem>>) semaphore(%arg12 : memref<!tpu.dma_semaphore, #tpu.memory_space<semaphore_mem>>)
    %dma_start3A_42 = arith.constant 1 : i32
    %dma_start3A_43 = arith.constant 0 : i32
    %dma_start3A_44 = tpu.memref_slice %arg7[%dma_start3A_42, %dma_start3A_43] : memref<40x128xi32, #tpu.memory_space<vmem>> -> memref<1x128xi32, #tpu.memory_space<vmem>>
    %dma_start3A_45 = tpu.memref_squeeze %dma_start3A_44 : memref<1x128xi32, #tpu.memory_space<vmem>> -> memref<128xi32, #tpu.memory_space<vmem>>
    %dma_start3A_46 = arith.constant 0 : i32
    %dma_start3A_47 = arith.constant 0 : i32
    %dma_start3A_48 = tpu.memref_slice %arg4[%dma_start3A_46, %dma_start3A_47] : memref<10240x128xf32, #tpu.memory_space<hbm>> -> memref<10240x128xf32, #tpu.memory_space<hbm>>
    tpu.enqueue_indirect_dma source(%dma_start3A_48 : memref<10240x128xf32, #tpu.memory_space<hbm>>) target(%arg10 : memref<128x128xf32, #tpu.memory_space<vmem>>) offsets(%dma_start3A_45 : memref<128xi32, #tpu.memory_space<vmem>>) semaphore(%arg13 : memref<!tpu.dma_semaphore, #tpu.memory_space<semaphore_mem>>)
    %scan3A_49 = arith.constant 0 : i32
    %scan3A_50 = arith.constant 0 : i32
    %scan3A_51 = arith.constant 19 : i32
    %scan3A_52 = arith.addi %scan3A_50, %scan3A_51 : i32
    %scan3A_53 = arith.constant 1 : i32
    scf.for %scan3A_72 = %scan3A_50 to %scan3A_52 step %scan3A_53  : i32 {
      %mul3A_73 = arith.constant 2 : i32
      %mul3A_74 = arith.muli %mul3A_73, %scan3A_72 : i32
      %dma_wait3A_75 = arith.constant 0 : i32
      %dma_wait3A_76 = tpu.memref_slice %arg7[%mul3A_74, %dma_wait3A_75] : memref<40x128xi32, #tpu.memory_space<vmem>> -> memref<1x128xi32, #tpu.memory_space<vmem>>
      %dma_wait3A_77 = tpu.memref_squeeze %dma_wait3A_76 : memref<1x128xi32, #tpu.memory_space<vmem>> -> memref<128xi32, #tpu.memory_space<vmem>>
      %dma_wait3A_78 = arith.constant 0 : i32
      %dma_wait3A_79 = arith.constant 0 : i32
      %dma_wait3A_80 = tpu.memref_slice %arg4[%dma_wait3A_78, %dma_wait3A_79] : memref<10240x128xf32, #tpu.memory_space<hbm>> -> memref<10240x128xf32, #tpu.memory_space<hbm>>
      tpu.wait_indirect_dma semaphore(%arg12 : memref<!tpu.dma_semaphore, #tpu.memory_space<semaphore_mem>>) src(%dma_wait3A_80 : memref<10240x128xf32, #tpu.memory_space<hbm>>) dst(%arg9 : memref<128x128xf32, #tpu.memory_space<vmem>>)
      "tpu.region"() ({
        %run_scoped3A_105 = tpu.sem_alloc : memref<!tpu.dma_semaphore, #tpu.memory_space<semaphore_mem>>
        %dma_start3A_106 = arith.constant 0 : i32
        %dma_start3A_107 = tpu.memref_slice %arg8[%mul3A_74, %dma_start3A_106] : memref<40x128xi32, #tpu.memory_space<vmem>> -> memref<1x128xi32, #tpu.memory_space<vmem>>
        %dma_start3A_108 = tpu.memref_squeeze %dma_start3A_107 : memref<1x128xi32, #tpu.memory_space<vmem>> -> memref<128xi32, #tpu.memory_space<vmem>>
        %dma_start3A_109 = arith.constant 0 : i32
        %dma_start3A_110 = arith.constant 0 : i32
        %dma_start3A_111 = tpu.memref_slice %arg11[%dma_start3A_109, %dma_start3A_110] : memref<10240x128xf32, #tpu.memory_space<vmem_shared>> -> memref<10240x128xf32, #tpu.memory_space<vmem_shared>>
        tpu.enqueue_indirect_dma source(%arg9 : memref<128x128xf32, #tpu.memory_space<vmem>>) target(%dma_start3A_111 : memref<10240x128xf32, #tpu.memory_space<vmem_shared>>) offsets(%dma_start3A_108 : memref<128xi32, #tpu.memory_space<vmem>>) semaphore(%run_scoped3A_105 : memref<!tpu.dma_semaphore, #tpu.memory_space<semaphore_mem>>) {add = true}
        %dma_wait3A_112 = arith.constant 0 : i32
        %dma_wait3A_113 = tpu.memref_slice %arg8[%mul3A_74, %dma_wait3A_112] : memref<40x128xi32, #tpu.memory_space<vmem>> -> memref<1x128xi32, #tpu.memory_space<vmem>>
        %dma_wait3A_114 = tpu.memref_squeeze %dma_wait3A_113 : memref<1x128xi32, #tpu.memory_space<vmem>> -> memref<128xi32, #tpu.memory_space<vmem>>
        %dma_wait3A_115 = arith.constant 0 : i32
        %dma_wait3A_116 = arith.constant 0 : i32
        %dma_wait3A_117 = tpu.memref_slice %arg11[%dma_wait3A_115, %dma_wait3A_116] : memref<10240x128xf32, #tpu.memory_space<vmem_shared>> -> memref<10240x128xf32, #tpu.memory_space<vmem_shared>>
        tpu.wait_indirect_dma semaphore(%run_scoped3A_105 : memref<!tpu.dma_semaphore, #tpu.memory_space<semaphore_mem>>) src(%arg9 : memref<128x128xf32, #tpu.memory_space<vmem>>) dst(%dma_wait3A_117 : memref<10240x128xf32, #tpu.memory_space<vmem_shared>>)
        tpu.yield
      }) : () -> ()
      %add3A_81 = arith.constant 2 : i32
      %add3A_82 = arith.addi %mul3A_74, %add3A_81 : i32
      %dma_start3A_83 = arith.constant 0 : i32
      %dma_start3A_84 = tpu.memref_slice %arg7[%add3A_82, %dma_start3A_83] : memref<40x128xi32, #tpu.memory_space<vmem>> -> memref<1x128xi32, #tpu.memory_space<vmem>>
      %dma_start3A_85 = tpu.memref_squeeze %dma_start3A_84 : memref<1x128xi32, #tpu.memory_space<vmem>> -> memref<128xi32, #tpu.memory_space<vmem>>
      %dma_start3A_86 = arith.constant 0 : i32
      %dma_start3A_87 = arith.constant 0 : i32
      %dma_start3A_88 = tpu.memref_slice %arg4[%dma_start3A_86, %dma_start3A_87] : memref<10240x128xf32, #tpu.memory_space<hbm>> -> memref<10240x128xf32, #tpu.memory_space<hbm>>
      tpu.enqueue_indirect_dma source(%dma_start3A_88 : memref<10240x128xf32, #tpu.memory_space<hbm>>) target(%arg9 : memref<128x128xf32, #tpu.memory_space<vmem>>) offsets(%dma_start3A_85 : memref<128xi32, #tpu.memory_space<vmem>>) semaphore(%arg12 : memref<!tpu.dma_semaphore, #tpu.memory_space<semaphore_mem>>)
      %add3A_89 = arith.constant 1 : i32
      %add3A_90 = arith.addi %mul3A_74, %add3A_89 : i32
      %dma_wait3A_91 = arith.constant 0 : i32
      %dma_wait3A_92 = tpu.memref_slice %arg7[%add3A_90, %dma_wait3A_91] : memref<40x128xi32, #tpu.memory_space<vmem>> -> memref<1x128xi32, #tpu.memory_space<vmem>>
      %dma_wait3A_93 = tpu.memref_squeeze %dma_wait3A_92 : memref<1x128xi32, #tpu.memory_space<vmem>> -> memref<128xi32, #tpu.memory_space<vmem>>
      %dma_wait3A_94 = arith.constant 0 : i32
      %dma_wait3A_95 = arith.constant 0 : i32
      %dma_wait3A_96 = tpu.memref_slice %arg4[%dma_wait3A_94, %dma_wait3A_95] : memref<10240x128xf32, #tpu.memory_space<hbm>> -> memref<10240x128xf32, #tpu.memory_space<hbm>>
      tpu.wait_indirect_dma semaphore(%arg13 : memref<!tpu.dma_semaphore, #tpu.memory_space<semaphore_mem>>) src(%dma_wait3A_96 : memref<10240x128xf32, #tpu.memory_space<hbm>>) dst(%arg10 : memref<128x128xf32, #tpu.memory_space<vmem>>)
      "tpu.region"() ({
        %run_scoped3A_105 = tpu.sem_alloc : memref<!tpu.dma_semaphore, #tpu.memory_space<semaphore_mem>>
        %dma_start3A_106 = arith.constant 0 : i32
        %dma_start3A_107 = tpu.memref_slice %arg8[%add3A_90, %dma_start3A_106] : memref<40x128xi32, #tpu.memory_space<vmem>> -> memref<1x128xi32, #tpu.memory_space<vmem>>
        %dma_start3A_108 = tpu.memref_squeeze %dma_start3A_107 : memref<1x128xi32, #tpu.memory_space<vmem>> -> memref<128xi32, #tpu.memory_space<vmem>>
        %dma_start3A_109 = arith.constant 0 : i32
        %dma_start3A_110 = arith.constant 0 : i32
        %dma_start3A_111 = tpu.memref_slice %arg11[%dma_start3A_109, %dma_start3A_110] : memref<10240x128xf32, #tpu.memory_space<vmem_shared>> -> memref<10240x128xf32, #tpu.memory_space<vmem_shared>>
        tpu.enqueue_indirect_dma source(%arg10 : memref<128x128xf32, #tpu.memory_space<vmem>>) target(%dma_start3A_111 : memref<10240x128xf32, #tpu.memory_space<vmem_shared>>) offsets(%dma_start3A_108 : memref<128xi32, #tpu.memory_space<vmem>>) semaphore(%run_scoped3A_105 : memref<!tpu.dma_semaphore, #tpu.memory_space<semaphore_mem>>) {add = true}
        %dma_wait3A_112 = arith.constant 0 : i32
        %dma_wait3A_113 = tpu.memref_slice %arg8[%add3A_90, %dma_wait3A_112] : memref<40x128xi32, #tpu.memory_space<vmem>> -> memref<1x128xi32, #tpu.memory_space<vmem>>
        %dma_wait3A_114 = tpu.memref_squeeze %dma_wait3A_113 : memref<1x128xi32, #tpu.memory_space<vmem>> -> memref<128xi32, #tpu.memory_space<vmem>>
        %dma_wait3A_115 = arith.constant 0 : i32
        %dma_wait3A_116 = arith.constant 0 : i32
        %dma_wait3A_117 = tpu.memref_slice %arg11[%dma_wait3A_115, %dma_wait3A_116] : memref<10240x128xf32, #tpu.memory_space<vmem_shared>> -> memref<10240x128xf32, #tpu.memory_space<vmem_shared>>
        tpu.wait_indirect_dma semaphore(%run_scoped3A_105 : memref<!tpu.dma_semaphore, #tpu.memory_space<semaphore_mem>>) src(%arg10 : memref<128x128xf32, #tpu.memory_space<vmem>>) dst(%dma_wait3A_117 : memref<10240x128xf32, #tpu.memory_space<vmem_shared>>)
        tpu.yield
      }) : () -> ()
      %add3A_97 = arith.constant 3 : i32
      %add3A_98 = arith.addi %mul3A_74, %add3A_97 : i32
      %dma_start3A_99 = arith.constant 0 : i32
      %dma_start3A_100 = tpu.memref_slice %arg7[%add3A_98, %dma_start3A_99] : memref<40x128xi32, #tpu.memory_space<vmem>> -> memref<1x128xi32, #tpu.memory_space<vmem>>
      %dma_start3A_101 = tpu.memref_squeeze %dma_start3A_100 : memref<1x128xi32, #tpu.memory_space<vmem>> -> memref<128xi32, #tpu.memory_space<vmem>>
      %dma_start3A_102 = arith.constant 0 : i32
      %dma_start3A_103 = arith.constant 0 : i32
      %dma_start3A_104 = tpu.memref_slice %arg4[%dma_start3A_102, %dma_start3A_103] : memref<10240x128xf32, #tpu.memory_space<hbm>> -> memref<10240x128xf32, #tpu.memory_space<hbm>>
      tpu.enqueue_indirect_dma source(%dma_start3A_104 : memref<10240x128xf32, #tpu.memory_space<hbm>>) target(%arg10 : memref<128x128xf32, #tpu.memory_space<vmem>>) offsets(%dma_start3A_101 : memref<128xi32, #tpu.memory_space<vmem>>) semaphore(%arg13 : memref<!tpu.dma_semaphore, #tpu.memory_space<semaphore_mem>>)
    }
    %scan3A_54 = arith.constant 19 : i32
    %dma_wait3A_55 = arith.constant 38 : i32
    %dma_wait3A_56 = arith.constant 0 : i32
    %dma_wait3A_57 = tpu.memref_slice %arg7[%dma_wait3A_55, %dma_wait3A_56] : memref<40x128xi32, #tpu.memory_space<vmem>> -> memref<1x128xi32, #tpu.memory_space<vmem>>
    %dma_wait3A_58 = tpu.memref_squeeze %dma_wait3A_57 : memref<1x128xi32, #tpu.memory_space<vmem>> -> memref<128xi32, #tpu.memory_space<vmem>>
    %dma_wait3A_59 = arith.constant 0 : i32
    %dma_wait3A_60 = arith.constant 0 : i32
    %dma_wait3A_61 = tpu.memref_slice %arg4[%dma_wait3A_59, %dma_wait3A_60] : memref<10240x128xf32, #tpu.memory_space<hbm>> -> memref<10240x128xf32, #tpu.memory_space<hbm>>
    tpu.wait_indirect_dma semaphore(%arg12 : memref<!tpu.dma_semaphore, #tpu.memory_space<semaphore_mem>>) src(%dma_wait3A_61 : memref<10240x128xf32, #tpu.memory_space<hbm>>) dst(%arg9 : memref<128x128xf32, #tpu.memory_space<vmem>>)
    %run_scoped3A_62 = arith.constant 38 : i32
    "tpu.region"() ({
      %run_scoped3A_72 = tpu.sem_alloc : memref<!tpu.dma_semaphore, #tpu.memory_space<semaphore_mem>>
      %dma_start3A_73 = arith.constant 0 : i32
      %dma_start3A_74 = tpu.memref_slice %arg8[%run_scoped3A_62, %dma_start3A_73] : memref<40x128xi32, #tpu.memory_space<vmem>> -> memref<1x128xi32, #tpu.memory_space<vmem>>
      %dma_start3A_75 = tpu.memref_squeeze %dma_start3A_74 : memref<1x128xi32, #tpu.memory_space<vmem>> -> memref<128xi32, #tpu.memory_space<vmem>>
      %dma_start3A_76 = arith.constant 0 : i32
      %dma_start3A_77 = arith.constant 0 : i32
      %dma_start3A_78 = tpu.memref_slice %arg11[%dma_start3A_76, %dma_start3A_77] : memref<10240x128xf32, #tpu.memory_space<vmem_shared>> -> memref<10240x128xf32, #tpu.memory_space<vmem_shared>>
      tpu.enqueue_indirect_dma source(%arg9 : memref<128x128xf32, #tpu.memory_space<vmem>>) target(%dma_start3A_78 : memref<10240x128xf32, #tpu.memory_space<vmem_shared>>) offsets(%dma_start3A_75 : memref<128xi32, #tpu.memory_space<vmem>>) semaphore(%run_scoped3A_72 : memref<!tpu.dma_semaphore, #tpu.memory_space<semaphore_mem>>) {add = true}
      %dma_wait3A_79 = arith.constant 0 : i32
      %dma_wait3A_80 = tpu.memref_slice %arg8[%run_scoped3A_62, %dma_wait3A_79] : memref<40x128xi32, #tpu.memory_space<vmem>> -> memref<1x128xi32, #tpu.memory_space<vmem>>
      %dma_wait3A_81 = tpu.memref_squeeze %dma_wait3A_80 : memref<1x128xi32, #tpu.memory_space<vmem>> -> memref<128xi32, #tpu.memory_space<vmem>>
      %dma_wait3A_82 = arith.constant 0 : i32
      %dma_wait3A_83 = arith.constant 0 : i32
      %dma_wait3A_84 = tpu.memref_slice %arg11[%dma_wait3A_82, %dma_wait3A_83] : memref<10240x128xf32, #tpu.memory_space<vmem_shared>> -> memref<10240x128xf32, #tpu.memory_space<vmem_shared>>
      tpu.wait_indirect_dma semaphore(%run_scoped3A_72 : memref<!tpu.dma_semaphore, #tpu.memory_space<semaphore_mem>>) src(%arg9 : memref<128x128xf32, #tpu.memory_space<vmem>>) dst(%dma_wait3A_84 : memref<10240x128xf32, #tpu.memory_space<vmem_shared>>)
      tpu.yield
    }) : () -> ()
    %dma_wait3A_63 = arith.constant 39 : i32
    %dma_wait3A_64 = arith.constant 0 : i32
    %dma_wait3A_65 = tpu.memref_slice %arg7[%dma_wait3A_63, %dma_wait3A_64] : memref<40x128xi32, #tpu.memory_space<vmem>> -> memref<1x128xi32, #tpu.memory_space<vmem>>
    %dma_wait3A_66 = tpu.memref_squeeze %dma_wait3A_65 : memref<1x128xi32, #tpu.memory_space<vmem>> -> memref<128xi32, #tpu.memory_space<vmem>>
    %dma_wait3A_67 = arith.constant 0 : i32
    %dma_wait3A_68 = arith.constant 0 : i32
    %dma_wait3A_69 = tpu.memref_slice %arg4[%dma_wait3A_67, %dma_wait3A_68] : memref<10240x128xf32, #tpu.memory_space<hbm>> -> memref<10240x128xf32, #tpu.memory_space<hbm>>
    tpu.wait_indirect_dma semaphore(%arg13 : memref<!tpu.dma_semaphore, #tpu.memory_space<semaphore_mem>>) src(%dma_wait3A_69 : memref<10240x128xf32, #tpu.memory_space<hbm>>) dst(%arg10 : memref<128x128xf32, #tpu.memory_space<vmem>>)
    %run_scoped3A_70 = arith.constant 39 : i32
    "tpu.region"() ({
      %run_scoped3A_72 = tpu.sem_alloc : memref<!tpu.dma_semaphore, #tpu.memory_space<semaphore_mem>>
      %dma_start3A_73 = arith.constant 0 : i32
      %dma_start3A_74 = tpu.memref_slice %arg8[%run_scoped3A_70, %dma_start3A_73] : memref<40x128xi32, #tpu.memory_space<vmem>> -> memref<1x128xi32, #tpu.memory_space<vmem>>
      %dma_start3A_75 = tpu.memref_squeeze %dma_start3A_74 : memref<1x128xi32, #tpu.memory_space<vmem>> -> memref<128xi32, #tpu.memory_space<vmem>>
      %dma_start3A_76 = arith.constant 0 : i32
      %dma_start3A_77 = arith.constant 0 : i32
      %dma_start3A_78 = tpu.memref_slice %arg11[%dma_start3A_76, %dma_start3A_77] : memref<10240x128xf32, #tpu.memory_space<vmem_shared>> -> memref<10240x128xf32, #tpu.memory_space<vmem_shared>>
      tpu.enqueue_indirect_dma source(%arg10 : memref<128x128xf32, #tpu.memory_space<vmem>>) target(%dma_start3A_78 : memref<10240x128xf32, #tpu.memory_space<vmem_shared>>) offsets(%dma_start3A_75 : memref<128xi32, #tpu.memory_space<vmem>>) semaphore(%run_scoped3A_72 : memref<!tpu.dma_semaphore, #tpu.memory_space<semaphore_mem>>) {add = true}
      %dma_wait3A_79 = arith.constant 0 : i32
      %dma_wait3A_80 = tpu.memref_slice %arg8[%run_scoped3A_70, %dma_wait3A_79] : memref<40x128xi32, #tpu.memory_space<vmem>> -> memref<1x128xi32, #tpu.memory_space<vmem>>
      %dma_wait3A_81 = tpu.memref_squeeze %dma_wait3A_80 : memref<1x128xi32, #tpu.memory_space<vmem>> -> memref<128xi32, #tpu.memory_space<vmem>>
      %dma_wait3A_82 = arith.constant 0 : i32
      %dma_wait3A_83 = arith.constant 0 : i32
      %dma_wait3A_84 = tpu.memref_slice %arg11[%dma_wait3A_82, %dma_wait3A_83] : memref<10240x128xf32, #tpu.memory_space<vmem_shared>> -> memref<10240x128xf32, #tpu.memory_space<vmem_shared>>
      tpu.wait_indirect_dma semaphore(%run_scoped3A_72 : memref<!tpu.dma_semaphore, #tpu.memory_space<semaphore_mem>>) src(%arg10 : memref<128x128xf32, #tpu.memory_space<vmem>>) dst(%dma_wait3A_84 : memref<10240x128xf32, #tpu.memory_space<vmem_shared>>)
      tpu.yield
    }) : () -> ()
    %barrier3A_71 = arith.constant 0 : index
    tpu.barrier barrier_id(%barrier3A_71)
    "tpu.region"() ({
      %run_scoped3A_72 = tpu.sem_alloc : memref<!tpu.dma_semaphore, #tpu.memory_space<semaphore_mem>>
      %dma_start3A_73 = arith.constant 0 : i32
      %dma_start3A_74 = tpu.memref_slice %arg6[%arg0, %mul3A_2, %dma_start3A_73] : memref<2x10240x128xf32, #tpu.memory_space<hbm>> -> memref<1x640x128xf32, #tpu.memory_space<hbm>>
      %dma_start3A_75 = tpu.memref_squeeze %dma_start3A_74 : memref<1x640x128xf32, #tpu.memory_space<hbm>> -> memref<640x128xf32, #tpu.memory_space<hbm>>
      %dma_start3A_76 = arith.constant 0 : i32
      %dma_start3A_77 = tpu.memref_slice %arg11[%mul3A_2, %dma_start3A_76] : memref<10240x128xf32, #tpu.memory_space<vmem_shared>> -> memref<640x128xf32, #tpu.memory_space<vmem_shared>>
      tpu.enqueue_dma source(%dma_start3A_77 : memref<640x128xf32, #tpu.memory_space<vmem_shared>>) target(%dma_start3A_75 : memref<640x128xf32, #tpu.memory_space<hbm>>) target_semaphore(%run_scoped3A_72 : memref<!tpu.dma_semaphore, #tpu.memory_space<semaphore_mem>>)
      %dma_wait3A_78 = arith.constant 0 : i32
      %dma_wait3A_79 = tpu.memref_slice %arg6[%arg0, %mul3A_2, %dma_wait3A_78] : memref<2x10240x128xf32, #tpu.memory_space<hbm>> -> memref<1x640x128xf32, #tpu.memory_space<hbm>>
      %dma_wait3A_80 = tpu.memref_squeeze %dma_wait3A_79 : memref<1x640x128xf32, #tpu.memory_space<hbm>> -> memref<640x128xf32, #tpu.memory_space<hbm>>
      %dma_wait3A_81 = arith.constant 0 : i32
      %dma_wait3A_82 = tpu.memref_slice %arg11[%mul3A_2, %dma_wait3A_81] : memref<10240x128xf32, #tpu.memory_space<vmem_shared>> -> memref<640x128xf32, #tpu.memory_space<vmem_shared>>
      tpu.wait_dma2 semaphore(%run_scoped3A_72 : memref<!tpu.dma_semaphore, #tpu.memory_space<semaphore_mem>>) src(%dma_wait3A_82 : memref<640x128xf32, #tpu.memory_space<vmem_shared>>) dst(%dma_wait3A_80 : memref<640x128xf32, #tpu.memory_space<hbm>>)
      tpu.yield
    }) : () -> ()
    return
  }
}

#map = affine_map<(d0, d1) -> (0, 0, 0)>
#map1 = affine_map<(d0, d1) -> (0, 0)>
module attributes {stable_mosaic.version = 14 : i64} {
  func.func @_sc_prop(%arg0: i32, %arg1: i32, %arg2: memref<32x80x128xi32, #tpu.memory_space<hbm>>, %arg3: memref<32x80x128xi32, #tpu.memory_space<hbm>>, %arg4: memref<10240x128xf32, #tpu.memory_space<hbm>>, %arg5: memref<10240x128xf32, #tpu.memory_space<hbm>>, %arg6: memref<2x10240x128xf32, #tpu.memory_space<hbm>>, %arg7: memref<40x128xi32, #tpu.memory_space<vmem>>, %arg8: memref<40x128xi32, #tpu.memory_space<vmem>>, %arg9: memref<128x128xf32, #tpu.memory_space<vmem>>, %arg10: memref<128x128xf32, #tpu.memory_space<vmem>>, %arg11: memref<10240x128xf32, #tpu.memory_space<vmem_shared>>, %arg12: memref<!tpu.dma_semaphore, #tpu.memory_space<semaphore_mem>>, %arg13: memref<!tpu.dma_semaphore, #tpu.memory_space<semaphore_mem>>) attributes {dimension_semantics = [#tpu.dimension_semantics<core_parallel>, #tpu.dimension_semantics<subcore_parallel>], iteration_bounds = array<i64: 2, 16>, scalar_prefetch = 0 : i64, scratch_operands = 7 : i64, tpu.core_type = #tpu.core_type<sc_vector_subcore>, window_params = [{transform_indices = #map}, {transform_indices = #map}, {transform_indices = #map1}, {transform_indices = #map1}, {transform_indices = #map}]} {
    %mul3A = arith.constant 16 : i32
    %mul3A_0 = arith.muli %arg0, %mul3A : i32
    %add3A = arith.addi %mul3A_0, %arg1 : i32
    %mul3A_1 = arith.constant 640 : i32
    %mul3A_2 = arith.muli %arg1, %mul3A_1 : i32
    "tpu.region"() ({
      %run_scoped3A_72 = tpu.sem_alloc : memref<!tpu.dma_semaphore, #tpu.memory_space<semaphore_mem>>
      %dma_start3A_73 = arith.constant 0 : i32
      %dma_start3A_74 = arith.constant 0 : i32
      %dma_start3A_75 = tpu.memref_slice %arg2[%add3A, %dma_start3A_73, %dma_start3A_74] : memref<32x80x128xi32, #tpu.memory_space<hbm>> -> memref<1x40x128xi32, #tpu.memory_space<hbm>>
      %dma_start3A_76 = tpu.memref_squeeze %dma_start3A_75 : memref<1x40x128xi32, #tpu.memory_space<hbm>> -> memref<40x128xi32, #tpu.memory_space<hbm>>
      %dma_start3A_77 = arith.constant 0 : i32
      %dma_start3A_78 = arith.constant 0 : i32
      %dma_start3A_79 = tpu.memref_slice %arg2[%add3A, %dma_start3A_77, %dma_start3A_78] : memref<32x80x128xi32, #tpu.memory_space<hbm>> -> memref<1x40x128xi32, #tpu.memory_space<hbm>>
      %dma_start3A_80 = tpu.memref_squeeze %dma_start3A_79 : memref<1x40x128xi32, #tpu.memory_space<hbm>> -> memref<40x128xi32, #tpu.memory_space<hbm>>
      tpu.enqueue_dma source(%dma_start3A_80 : memref<40x128xi32, #tpu.memory_space<hbm>>) target(%arg7 : memref<40x128xi32, #tpu.memory_space<vmem>>) target_semaphore(%run_scoped3A_72 : memref<!tpu.dma_semaphore, #tpu.memory_space<semaphore_mem>>)
      %dma_wait3A_81 = arith.constant 0 : i32
      %dma_wait3A_82 = arith.constant 0 : i32
      %dma_wait3A_83 = tpu.memref_slice %arg2[%add3A, %dma_wait3A_81, %dma_wait3A_82] : memref<32x80x128xi32, #tpu.memory_space<hbm>> -> memref<1x40x128xi32, #tpu.memory_space<hbm>>
      %dma_wait3A_84 = tpu.memref_squeeze %dma_wait3A_83 : memref<1x40x128xi32, #tpu.memory_space<hbm>> -> memref<40x128xi32, #tpu.memory_space<hbm>>
      %dma_wait3A_85 = arith.constant 0 : i32
      %dma_wait3A_86 = arith.constant 0 : i32
      %dma_wait3A_87 = tpu.memref_slice %arg2[%add3A, %dma_wait3A_85, %dma_wait3A_86] : memref<32x80x128xi32, #tpu.memory_space<hbm>> -> memref<1x40x128xi32, #tpu.memory_space<hbm>>
      %dma_wait3A_88 = tpu.memref_squeeze %dma_wait3A_87 : memref<1x40x128xi32, #tpu.memory_space<hbm>> -> memref<40x128xi32, #tpu.memory_space<hbm>>
      tpu.wait_dma2 semaphore(%run_scoped3A_72 : memref<!tpu.dma_semaphore, #tpu.memory_space<semaphore_mem>>) src(%dma_wait3A_88 : memref<40x128xi32, #tpu.memory_space<hbm>>) dst(%arg7 : memref<40x128xi32, #tpu.memory_space<vmem>>)
      tpu.yield
    }) : () -> ()
    "tpu.region"() ({
      %run_scoped3A_72 = tpu.sem_alloc : memref<!tpu.dma_semaphore, #tpu.memory_space<semaphore_mem>>
      %dma_start3A_73 = arith.constant 0 : i32
      %dma_start3A_74 = arith.constant 0 : i32
      %dma_start3A_75 = tpu.memref_slice %arg3[%add3A, %dma_start3A_73, %dma_start3A_74] : memref<32x80x128xi32, #tpu.memory_space<hbm>> -> memref<1x40x128xi32, #tpu.memory_space<hbm>>
      %dma_start3A_76 = tpu.memref_squeeze %dma_start3A_75 : memref<1x40x128xi32, #tpu.memory_space<hbm>> -> memref<40x128xi32, #tpu.memory_space<hbm>>
      %dma_start3A_77 = arith.constant 0 : i32
      %dma_start3A_78 = arith.constant 0 : i32
      %dma_start3A_79 = tpu.memref_slice %arg3[%add3A, %dma_start3A_77, %dma_start3A_78] : memref<32x80x128xi32, #tpu.memory_space<hbm>> -> memref<1x40x128xi32, #tpu.memory_space<hbm>>
      %dma_start3A_80 = tpu.memref_squeeze %dma_start3A_79 : memref<1x40x128xi32, #tpu.memory_space<hbm>> -> memref<40x128xi32, #tpu.memory_space<hbm>>
      tpu.enqueue_dma source(%dma_start3A_80 : memref<40x128xi32, #tpu.memory_space<hbm>>) target(%arg8 : memref<40x128xi32, #tpu.memory_space<vmem>>) target_semaphore(%run_scoped3A_72 : memref<!tpu.dma_semaphore, #tpu.memory_space<semaphore_mem>>)
      %dma_wait3A_81 = arith.constant 0 : i32
      %dma_wait3A_82 = arith.constant 0 : i32
      %dma_wait3A_83 = tpu.memref_slice %arg3[%add3A, %dma_wait3A_81, %dma_wait3A_82] : memref<32x80x128xi32, #tpu.memory_space<hbm>> -> memref<1x40x128xi32, #tpu.memory_space<hbm>>
      %dma_wait3A_84 = tpu.memref_squeeze %dma_wait3A_83 : memref<1x40x128xi32, #tpu.memory_space<hbm>> -> memref<40x128xi32, #tpu.memory_space<hbm>>
      %dma_wait3A_85 = arith.constant 0 : i32
      %dma_wait3A_86 = arith.constant 0 : i32
      %dma_wait3A_87 = tpu.memref_slice %arg3[%add3A, %dma_wait3A_85, %dma_wait3A_86] : memref<32x80x128xi32, #tpu.memory_space<hbm>> -> memref<1x40x128xi32, #tpu.memory_space<hbm>>
      %dma_wait3A_88 = tpu.memref_squeeze %dma_wait3A_87 : memref<1x40x128xi32, #tpu.memory_space<hbm>> -> memref<40x128xi32, #tpu.memory_space<hbm>>
      tpu.wait_dma2 semaphore(%run_scoped3A_72 : memref<!tpu.dma_semaphore, #tpu.memory_space<semaphore_mem>>) src(%dma_wait3A_88 : memref<40x128xi32, #tpu.memory_space<hbm>>) dst(%arg8 : memref<40x128xi32, #tpu.memory_space<vmem>>)
      tpu.yield
    }) : () -> ()
    %dma_start3A = arith.constant 0 : i32
    %dma_start3A_3 = arith.constant 0 : i32
    %dma_start3A_4 = tpu.memref_slice %arg7[%dma_start3A, %dma_start3A_3] : memref<40x128xi32, #tpu.memory_space<vmem>> -> memref<1x128xi32, #tpu.memory_space<vmem>>
    %dma_start3A_5 = tpu.memref_squeeze %dma_start3A_4 : memref<1x128xi32, #tpu.memory_space<vmem>> -> memref<128xi32, #tpu.memory_space<vmem>>
    %dma_start3A_6 = arith.constant 0 : i32
    %dma_start3A_7 = arith.constant 0 : i32
    %dma_start3A_8 = tpu.memref_slice %arg4[%dma_start3A_6, %dma_start3A_7] : memref<10240x128xf32, #tpu.memory_space<hbm>> -> memref<10240x128xf32, #tpu.memory_space<hbm>>
    tpu.enqueue_indirect_dma source(%dma_start3A_8 : memref<10240x128xf32, #tpu.memory_space<hbm>>) target(%arg9 : memref<128x128xf32, #tpu.memory_space<vmem>>) offsets(%dma_start3A_5 : memref<128xi32, #tpu.memory_space<vmem>>) semaphore(%arg12 : memref<!tpu.dma_semaphore, #tpu.memory_space<semaphore_mem>>)
    %dma_start3A_9 = arith.constant 1 : i32
    %dma_start3A_10 = arith.constant 0 : i32
    %dma_start3A_11 = tpu.memref_slice %arg7[%dma_start3A_9, %dma_start3A_10] : memref<40x128xi32, #tpu.memory_space<vmem>> -> memref<1x128xi32, #tpu.memory_space<vmem>>
    %dma_start3A_12 = tpu.memref_squeeze %dma_start3A_11 : memref<1x128xi32, #tpu.memory_space<vmem>> -> memref<128xi32, #tpu.memory_space<vmem>>
    %dma_start3A_13 = arith.constant 0 : i32
    %dma_start3A_14 = arith.constant 0 : i32
    %dma_start3A_15 = tpu.memref_slice %arg4[%dma_start3A_13, %dma_start3A_14] : memref<10240x128xf32, #tpu.memory_space<hbm>> -> memref<10240x128xf32, #tpu.memory_space<hbm>>
    tpu.enqueue_indirect_dma source(%dma_start3A_15 : memref<10240x128xf32, #tpu.memory_space<hbm>>) target(%arg10 : memref<128x128xf32, #tpu.memory_space<vmem>>) offsets(%dma_start3A_12 : memref<128xi32, #tpu.memory_space<vmem>>) semaphore(%arg13 : memref<!tpu.dma_semaphore, #tpu.memory_space<semaphore_mem>>)
    "tpu.region"() ({
      %run_scoped3A_72 = tpu.sem_alloc : memref<!tpu.dma_semaphore, #tpu.memory_space<semaphore_mem>>
      %dma_start3A_73 = arith.constant 0 : i32
      %dma_start3A_74 = tpu.memref_slice %arg11[%mul3A_2, %dma_start3A_73] : memref<10240x128xf32, #tpu.memory_space<vmem_shared>> -> memref<640x128xf32, #tpu.memory_space<vmem_shared>>
      %dma_start3A_75 = arith.constant 0 : i32
      %dma_start3A_76 = tpu.memref_slice %arg5[%mul3A_2, %dma_start3A_75] : memref<10240x128xf32, #tpu.memory_space<hbm>> -> memref<640x128xf32, #tpu.memory_space<hbm>>
      tpu.enqueue_dma source(%dma_start3A_76 : memref<640x128xf32, #tpu.memory_space<hbm>>) target(%dma_start3A_74 : memref<640x128xf32, #tpu.memory_space<vmem_shared>>) target_semaphore(%run_scoped3A_72 : memref<!tpu.dma_semaphore, #tpu.memory_space<semaphore_mem>>)
      %dma_wait3A_77 = arith.constant 0 : i32
      %dma_wait3A_78 = tpu.memref_slice %arg11[%mul3A_2, %dma_wait3A_77] : memref<10240x128xf32, #tpu.memory_space<vmem_shared>> -> memref<640x128xf32, #tpu.memory_space<vmem_shared>>
      %dma_wait3A_79 = arith.constant 0 : i32
      %dma_wait3A_80 = tpu.memref_slice %arg5[%mul3A_2, %dma_wait3A_79] : memref<10240x128xf32, #tpu.memory_space<hbm>> -> memref<640x128xf32, #tpu.memory_space<hbm>>
      tpu.wait_dma2 semaphore(%run_scoped3A_72 : memref<!tpu.dma_semaphore, #tpu.memory_space<semaphore_mem>>) src(%dma_wait3A_80 : memref<640x128xf32, #tpu.memory_space<hbm>>) dst(%dma_wait3A_78 : memref<640x128xf32, #tpu.memory_space<vmem_shared>>)
      tpu.yield
    }) : () -> ()
    %barrier3A = arith.constant 0 : index
    tpu.barrier barrier_id(%barrier3A)
    %scan3A = arith.constant 0 : i32
    %scan3A_16 = arith.constant 0 : i32
    %scan3A_17 = arith.constant 19 : i32
    %scan3A_18 = arith.addi %scan3A_16, %scan3A_17 : i32
    %scan3A_19 = arith.constant 1 : i32
    scf.for %scan3A_72 = %scan3A_16 to %scan3A_18 step %scan3A_19  : i32 {
      %mul3A_73 = arith.constant 2 : i32
      %mul3A_74 = arith.muli %mul3A_73, %scan3A_72 : i32
      %dma_wait3A_75 = arith.constant 0 : i32
      %dma_wait3A_76 = tpu.memref_slice %arg7[%mul3A_74, %dma_wait3A_75] : memref<40x128xi32, #tpu.memory_space<vmem>> -> memref<1x128xi32, #tpu.memory_space<vmem>>
      %dma_wait3A_77 = tpu.memref_squeeze %dma_wait3A_76 : memref<1x128xi32, #tpu.memory_space<vmem>> -> memref<128xi32, #tpu.memory_space<vmem>>
      %dma_wait3A_78 = arith.constant 0 : i32
      %dma_wait3A_79 = arith.constant 0 : i32
      %dma_wait3A_80 = tpu.memref_slice %arg4[%dma_wait3A_78, %dma_wait3A_79] : memref<10240x128xf32, #tpu.memory_space<hbm>> -> memref<10240x128xf32, #tpu.memory_space<hbm>>
      tpu.wait_indirect_dma semaphore(%arg12 : memref<!tpu.dma_semaphore, #tpu.memory_space<semaphore_mem>>) src(%dma_wait3A_80 : memref<10240x128xf32, #tpu.memory_space<hbm>>) dst(%arg9 : memref<128x128xf32, #tpu.memory_space<vmem>>)
      "tpu.region"() ({
        %run_scoped3A_105 = tpu.sem_alloc : memref<!tpu.dma_semaphore, #tpu.memory_space<semaphore_mem>>
        %dma_start3A_106 = arith.constant 0 : i32
        %dma_start3A_107 = tpu.memref_slice %arg8[%mul3A_74, %dma_start3A_106] : memref<40x128xi32, #tpu.memory_space<vmem>> -> memref<1x128xi32, #tpu.memory_space<vmem>>
        %dma_start3A_108 = tpu.memref_squeeze %dma_start3A_107 : memref<1x128xi32, #tpu.memory_space<vmem>> -> memref<128xi32, #tpu.memory_space<vmem>>
        %dma_start3A_109 = arith.constant 0 : i32
        %dma_start3A_110 = arith.constant 0 : i32
        %dma_start3A_111 = tpu.memref_slice %arg11[%dma_start3A_109, %dma_start3A_110] : memref<10240x128xf32, #tpu.memory_space<vmem_shared>> -> memref<10240x128xf32, #tpu.memory_space<vmem_shared>>
        tpu.enqueue_indirect_dma source(%arg9 : memref<128x128xf32, #tpu.memory_space<vmem>>) target(%dma_start3A_111 : memref<10240x128xf32, #tpu.memory_space<vmem_shared>>) offsets(%dma_start3A_108 : memref<128xi32, #tpu.memory_space<vmem>>) semaphore(%run_scoped3A_105 : memref<!tpu.dma_semaphore, #tpu.memory_space<semaphore_mem>>) {add = true}
        %dma_wait3A_112 = arith.constant 0 : i32
        %dma_wait3A_113 = tpu.memref_slice %arg8[%mul3A_74, %dma_wait3A_112] : memref<40x128xi32, #tpu.memory_space<vmem>> -> memref<1x128xi32, #tpu.memory_space<vmem>>
        %dma_wait3A_114 = tpu.memref_squeeze %dma_wait3A_113 : memref<1x128xi32, #tpu.memory_space<vmem>> -> memref<128xi32, #tpu.memory_space<vmem>>
        %dma_wait3A_115 = arith.constant 0 : i32
        %dma_wait3A_116 = arith.constant 0 : i32
        %dma_wait3A_117 = tpu.memref_slice %arg11[%dma_wait3A_115, %dma_wait3A_116] : memref<10240x128xf32, #tpu.memory_space<vmem_shared>> -> memref<10240x128xf32, #tpu.memory_space<vmem_shared>>
        tpu.wait_indirect_dma semaphore(%run_scoped3A_105 : memref<!tpu.dma_semaphore, #tpu.memory_space<semaphore_mem>>) src(%arg9 : memref<128x128xf32, #tpu.memory_space<vmem>>) dst(%dma_wait3A_117 : memref<10240x128xf32, #tpu.memory_space<vmem_shared>>)
        tpu.yield
      }) : () -> ()
      %add3A_81 = arith.constant 2 : i32
      %add3A_82 = arith.addi %mul3A_74, %add3A_81 : i32
      %dma_start3A_83 = arith.constant 0 : i32
      %dma_start3A_84 = tpu.memref_slice %arg7[%add3A_82, %dma_start3A_83] : memref<40x128xi32, #tpu.memory_space<vmem>> -> memref<1x128xi32, #tpu.memory_space<vmem>>
      %dma_start3A_85 = tpu.memref_squeeze %dma_start3A_84 : memref<1x128xi32, #tpu.memory_space<vmem>> -> memref<128xi32, #tpu.memory_space<vmem>>
      %dma_start3A_86 = arith.constant 0 : i32
      %dma_start3A_87 = arith.constant 0 : i32
      %dma_start3A_88 = tpu.memref_slice %arg4[%dma_start3A_86, %dma_start3A_87] : memref<10240x128xf32, #tpu.memory_space<hbm>> -> memref<10240x128xf32, #tpu.memory_space<hbm>>
      tpu.enqueue_indirect_dma source(%dma_start3A_88 : memref<10240x128xf32, #tpu.memory_space<hbm>>) target(%arg9 : memref<128x128xf32, #tpu.memory_space<vmem>>) offsets(%dma_start3A_85 : memref<128xi32, #tpu.memory_space<vmem>>) semaphore(%arg12 : memref<!tpu.dma_semaphore, #tpu.memory_space<semaphore_mem>>)
      %add3A_89 = arith.constant 1 : i32
      %add3A_90 = arith.addi %mul3A_74, %add3A_89 : i32
      %dma_wait3A_91 = arith.constant 0 : i32
      %dma_wait3A_92 = tpu.memref_slice %arg7[%add3A_90, %dma_wait3A_91] : memref<40x128xi32, #tpu.memory_space<vmem>> -> memref<1x128xi32, #tpu.memory_space<vmem>>
      %dma_wait3A_93 = tpu.memref_squeeze %dma_wait3A_92 : memref<1x128xi32, #tpu.memory_space<vmem>> -> memref<128xi32, #tpu.memory_space<vmem>>
      %dma_wait3A_94 = arith.constant 0 : i32
      %dma_wait3A_95 = arith.constant 0 : i32
      %dma_wait3A_96 = tpu.memref_slice %arg4[%dma_wait3A_94, %dma_wait3A_95] : memref<10240x128xf32, #tpu.memory_space<hbm>> -> memref<10240x128xf32, #tpu.memory_space<hbm>>
      tpu.wait_indirect_dma semaphore(%arg13 : memref<!tpu.dma_semaphore, #tpu.memory_space<semaphore_mem>>) src(%dma_wait3A_96 : memref<10240x128xf32, #tpu.memory_space<hbm>>) dst(%arg10 : memref<128x128xf32, #tpu.memory_space<vmem>>)
      "tpu.region"() ({
        %run_scoped3A_105 = tpu.sem_alloc : memref<!tpu.dma_semaphore, #tpu.memory_space<semaphore_mem>>
        %dma_start3A_106 = arith.constant 0 : i32
        %dma_start3A_107 = tpu.memref_slice %arg8[%add3A_90, %dma_start3A_106] : memref<40x128xi32, #tpu.memory_space<vmem>> -> memref<1x128xi32, #tpu.memory_space<vmem>>
        %dma_start3A_108 = tpu.memref_squeeze %dma_start3A_107 : memref<1x128xi32, #tpu.memory_space<vmem>> -> memref<128xi32, #tpu.memory_space<vmem>>
        %dma_start3A_109 = arith.constant 0 : i32
        %dma_start3A_110 = arith.constant 0 : i32
        %dma_start3A_111 = tpu.memref_slice %arg11[%dma_start3A_109, %dma_start3A_110] : memref<10240x128xf32, #tpu.memory_space<vmem_shared>> -> memref<10240x128xf32, #tpu.memory_space<vmem_shared>>
        tpu.enqueue_indirect_dma source(%arg10 : memref<128x128xf32, #tpu.memory_space<vmem>>) target(%dma_start3A_111 : memref<10240x128xf32, #tpu.memory_space<vmem_shared>>) offsets(%dma_start3A_108 : memref<128xi32, #tpu.memory_space<vmem>>) semaphore(%run_scoped3A_105 : memref<!tpu.dma_semaphore, #tpu.memory_space<semaphore_mem>>) {add = true}
        %dma_wait3A_112 = arith.constant 0 : i32
        %dma_wait3A_113 = tpu.memref_slice %arg8[%add3A_90, %dma_wait3A_112] : memref<40x128xi32, #tpu.memory_space<vmem>> -> memref<1x128xi32, #tpu.memory_space<vmem>>
        %dma_wait3A_114 = tpu.memref_squeeze %dma_wait3A_113 : memref<1x128xi32, #tpu.memory_space<vmem>> -> memref<128xi32, #tpu.memory_space<vmem>>
        %dma_wait3A_115 = arith.constant 0 : i32
        %dma_wait3A_116 = arith.constant 0 : i32
        %dma_wait3A_117 = tpu.memref_slice %arg11[%dma_wait3A_115, %dma_wait3A_116] : memref<10240x128xf32, #tpu.memory_space<vmem_shared>> -> memref<10240x128xf32, #tpu.memory_space<vmem_shared>>
        tpu.wait_indirect_dma semaphore(%run_scoped3A_105 : memref<!tpu.dma_semaphore, #tpu.memory_space<semaphore_mem>>) src(%arg10 : memref<128x128xf32, #tpu.memory_space<vmem>>) dst(%dma_wait3A_117 : memref<10240x128xf32, #tpu.memory_space<vmem_shared>>)
        tpu.yield
      }) : () -> ()
      %add3A_97 = arith.constant 3 : i32
      %add3A_98 = arith.addi %mul3A_74, %add3A_97 : i32
      %dma_start3A_99 = arith.constant 0 : i32
      %dma_start3A_100 = tpu.memref_slice %arg7[%add3A_98, %dma_start3A_99] : memref<40x128xi32, #tpu.memory_space<vmem>> -> memref<1x128xi32, #tpu.memory_space<vmem>>
      %dma_start3A_101 = tpu.memref_squeeze %dma_start3A_100 : memref<1x128xi32, #tpu.memory_space<vmem>> -> memref<128xi32, #tpu.memory_space<vmem>>
      %dma_start3A_102 = arith.constant 0 : i32
      %dma_start3A_103 = arith.constant 0 : i32
      %dma_start3A_104 = tpu.memref_slice %arg4[%dma_start3A_102, %dma_start3A_103] : memref<10240x128xf32, #tpu.memory_space<hbm>> -> memref<10240x128xf32, #tpu.memory_space<hbm>>
      tpu.enqueue_indirect_dma source(%dma_start3A_104 : memref<10240x128xf32, #tpu.memory_space<hbm>>) target(%arg10 : memref<128x128xf32, #tpu.memory_space<vmem>>) offsets(%dma_start3A_101 : memref<128xi32, #tpu.memory_space<vmem>>) semaphore(%arg13 : memref<!tpu.dma_semaphore, #tpu.memory_space<semaphore_mem>>)
    }
    %scan3A_20 = arith.constant 19 : i32
    %dma_wait3A = arith.constant 38 : i32
    %dma_wait3A_21 = arith.constant 0 : i32
    %dma_wait3A_22 = tpu.memref_slice %arg7[%dma_wait3A, %dma_wait3A_21] : memref<40x128xi32, #tpu.memory_space<vmem>> -> memref<1x128xi32, #tpu.memory_space<vmem>>
    %dma_wait3A_23 = tpu.memref_squeeze %dma_wait3A_22 : memref<1x128xi32, #tpu.memory_space<vmem>> -> memref<128xi32, #tpu.memory_space<vmem>>
    %dma_wait3A_24 = arith.constant 0 : i32
    %dma_wait3A_25 = arith.constant 0 : i32
    %dma_wait3A_26 = tpu.memref_slice %arg4[%dma_wait3A_24, %dma_wait3A_25] : memref<10240x128xf32, #tpu.memory_space<hbm>> -> memref<10240x128xf32, #tpu.memory_space<hbm>>
    tpu.wait_indirect_dma semaphore(%arg12 : memref<!tpu.dma_semaphore, #tpu.memory_space<semaphore_mem>>) src(%dma_wait3A_26 : memref<10240x128xf32, #tpu.memory_space<hbm>>) dst(%arg9 : memref<128x128xf32, #tpu.memory_space<vmem>>)
    %run_scoped3A = arith.constant 38 : i32
    "tpu.region"() ({
      %run_scoped3A_72 = tpu.sem_alloc : memref<!tpu.dma_semaphore, #tpu.memory_space<semaphore_mem>>
      %dma_start3A_73 = arith.constant 0 : i32
      %dma_start3A_74 = tpu.memref_slice %arg8[%run_scoped3A, %dma_start3A_73] : memref<40x128xi32, #tpu.memory_space<vmem>> -> memref<1x128xi32, #tpu.memory_space<vmem>>
      %dma_start3A_75 = tpu.memref_squeeze %dma_start3A_74 : memref<1x128xi32, #tpu.memory_space<vmem>> -> memref<128xi32, #tpu.memory_space<vmem>>
      %dma_start3A_76 = arith.constant 0 : i32
      %dma_start3A_77 = arith.constant 0 : i32
      %dma_start3A_78 = tpu.memref_slice %arg11[%dma_start3A_76, %dma_start3A_77] : memref<10240x128xf32, #tpu.memory_space<vmem_shared>> -> memref<10240x128xf32, #tpu.memory_space<vmem_shared>>
      tpu.enqueue_indirect_dma source(%arg9 : memref<128x128xf32, #tpu.memory_space<vmem>>) target(%dma_start3A_78 : memref<10240x128xf32, #tpu.memory_space<vmem_shared>>) offsets(%dma_start3A_75 : memref<128xi32, #tpu.memory_space<vmem>>) semaphore(%run_scoped3A_72 : memref<!tpu.dma_semaphore, #tpu.memory_space<semaphore_mem>>) {add = true}
      %dma_wait3A_79 = arith.constant 0 : i32
      %dma_wait3A_80 = tpu.memref_slice %arg8[%run_scoped3A, %dma_wait3A_79] : memref<40x128xi32, #tpu.memory_space<vmem>> -> memref<1x128xi32, #tpu.memory_space<vmem>>
      %dma_wait3A_81 = tpu.memref_squeeze %dma_wait3A_80 : memref<1x128xi32, #tpu.memory_space<vmem>> -> memref<128xi32, #tpu.memory_space<vmem>>
      %dma_wait3A_82 = arith.constant 0 : i32
      %dma_wait3A_83 = arith.constant 0 : i32
      %dma_wait3A_84 = tpu.memref_slice %arg11[%dma_wait3A_82, %dma_wait3A_83] : memref<10240x128xf32, #tpu.memory_space<vmem_shared>> -> memref<10240x128xf32, #tpu.memory_space<vmem_shared>>
      tpu.wait_indirect_dma semaphore(%run_scoped3A_72 : memref<!tpu.dma_semaphore, #tpu.memory_space<semaphore_mem>>) src(%arg9 : memref<128x128xf32, #tpu.memory_space<vmem>>) dst(%dma_wait3A_84 : memref<10240x128xf32, #tpu.memory_space<vmem_shared>>)
      tpu.yield
    }) : () -> ()
    %dma_wait3A_27 = arith.constant 39 : i32
    %dma_wait3A_28 = arith.constant 0 : i32
    %dma_wait3A_29 = tpu.memref_slice %arg7[%dma_wait3A_27, %dma_wait3A_28] : memref<40x128xi32, #tpu.memory_space<vmem>> -> memref<1x128xi32, #tpu.memory_space<vmem>>
    %dma_wait3A_30 = tpu.memref_squeeze %dma_wait3A_29 : memref<1x128xi32, #tpu.memory_space<vmem>> -> memref<128xi32, #tpu.memory_space<vmem>>
    %dma_wait3A_31 = arith.constant 0 : i32
    %dma_wait3A_32 = arith.constant 0 : i32
    %dma_wait3A_33 = tpu.memref_slice %arg4[%dma_wait3A_31, %dma_wait3A_32] : memref<10240x128xf32, #tpu.memory_space<hbm>> -> memref<10240x128xf32, #tpu.memory_space<hbm>>
    tpu.wait_indirect_dma semaphore(%arg13 : memref<!tpu.dma_semaphore, #tpu.memory_space<semaphore_mem>>) src(%dma_wait3A_33 : memref<10240x128xf32, #tpu.memory_space<hbm>>) dst(%arg10 : memref<128x128xf32, #tpu.memory_space<vmem>>)
    %run_scoped3A_34 = arith.constant 39 : i32
    "tpu.region"() ({
      %run_scoped3A_72 = tpu.sem_alloc : memref<!tpu.dma_semaphore, #tpu.memory_space<semaphore_mem>>
      %dma_start3A_73 = arith.constant 0 : i32
      %dma_start3A_74 = tpu.memref_slice %arg8[%run_scoped3A_34, %dma_start3A_73] : memref<40x128xi32, #tpu.memory_space<vmem>> -> memref<1x128xi32, #tpu.memory_space<vmem>>
      %dma_start3A_75 = tpu.memref_squeeze %dma_start3A_74 : memref<1x128xi32, #tpu.memory_space<vmem>> -> memref<128xi32, #tpu.memory_space<vmem>>
      %dma_start3A_76 = arith.constant 0 : i32
      %dma_start3A_77 = arith.constant 0 : i32
      %dma_start3A_78 = tpu.memref_slice %arg11[%dma_start3A_76, %dma_start3A_77] : memref<10240x128xf32, #tpu.memory_space<vmem_shared>> -> memref<10240x128xf32, #tpu.memory_space<vmem_shared>>
      tpu.enqueue_indirect_dma source(%arg10 : memref<128x128xf32, #tpu.memory_space<vmem>>) target(%dma_start3A_78 : memref<10240x128xf32, #tpu.memory_space<vmem_shared>>) offsets(%dma_start3A_75 : memref<128xi32, #tpu.memory_space<vmem>>) semaphore(%run_scoped3A_72 : memref<!tpu.dma_semaphore, #tpu.memory_space<semaphore_mem>>) {add = true}
      %dma_wait3A_79 = arith.constant 0 : i32
      %dma_wait3A_80 = tpu.memref_slice %arg8[%run_scoped3A_34, %dma_wait3A_79] : memref<40x128xi32, #tpu.memory_space<vmem>> -> memref<1x128xi32, #tpu.memory_space<vmem>>
      %dma_wait3A_81 = tpu.memref_squeeze %dma_wait3A_80 : memref<1x128xi32, #tpu.memory_space<vmem>> -> memref<128xi32, #tpu.memory_space<vmem>>
      %dma_wait3A_82 = arith.constant 0 : i32
      %dma_wait3A_83 = arith.constant 0 : i32
      %dma_wait3A_84 = tpu.memref_slice %arg11[%dma_wait3A_82, %dma_wait3A_83] : memref<10240x128xf32, #tpu.memory_space<vmem_shared>> -> memref<10240x128xf32, #tpu.memory_space<vmem_shared>>
      tpu.wait_indirect_dma semaphore(%run_scoped3A_72 : memref<!tpu.dma_semaphore, #tpu.memory_space<semaphore_mem>>) src(%arg10 : memref<128x128xf32, #tpu.memory_space<vmem>>) dst(%dma_wait3A_84 : memref<10240x128xf32, #tpu.memory_space<vmem_shared>>)
      tpu.yield
    }) : () -> ()
    "tpu.region"() ({
      %run_scoped3A_72 = tpu.sem_alloc : memref<!tpu.dma_semaphore, #tpu.memory_space<semaphore_mem>>
      %dma_start3A_73 = arith.constant 40 : i32
      %dma_start3A_74 = arith.constant 0 : i32
      %dma_start3A_75 = tpu.memref_slice %arg2[%add3A, %dma_start3A_73, %dma_start3A_74] : memref<32x80x128xi32, #tpu.memory_space<hbm>> -> memref<1x40x128xi32, #tpu.memory_space<hbm>>
      %dma_start3A_76 = tpu.memref_squeeze %dma_start3A_75 : memref<1x40x128xi32, #tpu.memory_space<hbm>> -> memref<40x128xi32, #tpu.memory_space<hbm>>
      %dma_start3A_77 = arith.constant 40 : i32
      %dma_start3A_78 = arith.constant 0 : i32
      %dma_start3A_79 = tpu.memref_slice %arg2[%add3A, %dma_start3A_77, %dma_start3A_78] : memref<32x80x128xi32, #tpu.memory_space<hbm>> -> memref<1x40x128xi32, #tpu.memory_space<hbm>>
      %dma_start3A_80 = tpu.memref_squeeze %dma_start3A_79 : memref<1x40x128xi32, #tpu.memory_space<hbm>> -> memref<40x128xi32, #tpu.memory_space<hbm>>
      tpu.enqueue_dma source(%dma_start3A_80 : memref<40x128xi32, #tpu.memory_space<hbm>>) target(%arg7 : memref<40x128xi32, #tpu.memory_space<vmem>>) target_semaphore(%run_scoped3A_72 : memref<!tpu.dma_semaphore, #tpu.memory_space<semaphore_mem>>)
      %dma_wait3A_81 = arith.constant 40 : i32
      %dma_wait3A_82 = arith.constant 0 : i32
      %dma_wait3A_83 = tpu.memref_slice %arg2[%add3A, %dma_wait3A_81, %dma_wait3A_82] : memref<32x80x128xi32, #tpu.memory_space<hbm>> -> memref<1x40x128xi32, #tpu.memory_space<hbm>>
      %dma_wait3A_84 = tpu.memref_squeeze %dma_wait3A_83 : memref<1x40x128xi32, #tpu.memory_space<hbm>> -> memref<40x128xi32, #tpu.memory_space<hbm>>
      %dma_wait3A_85 = arith.constant 40 : i32
      %dma_wait3A_86 = arith.constant 0 : i32
      %dma_wait3A_87 = tpu.memref_slice %arg2[%add3A, %dma_wait3A_85, %dma_wait3A_86] : memref<32x80x128xi32, #tpu.memory_space<hbm>> -> memref<1x40x128xi32, #tpu.memory_space<hbm>>
      %dma_wait3A_88 = tpu.memref_squeeze %dma_wait3A_87 : memref<1x40x128xi32, #tpu.memory_space<hbm>> -> memref<40x128xi32, #tpu.memory_space<hbm>>
      tpu.wait_dma2 semaphore(%run_scoped3A_72 : memref<!tpu.dma_semaphore, #tpu.memory_space<semaphore_mem>>) src(%dma_wait3A_88 : memref<40x128xi32, #tpu.memory_space<hbm>>) dst(%arg7 : memref<40x128xi32, #tpu.memory_space<vmem>>)
      tpu.yield
    }) : () -> ()
    "tpu.region"() ({
      %run_scoped3A_72 = tpu.sem_alloc : memref<!tpu.dma_semaphore, #tpu.memory_space<semaphore_mem>>
      %dma_start3A_73 = arith.constant 40 : i32
      %dma_start3A_74 = arith.constant 0 : i32
      %dma_start3A_75 = tpu.memref_slice %arg3[%add3A, %dma_start3A_73, %dma_start3A_74] : memref<32x80x128xi32, #tpu.memory_space<hbm>> -> memref<1x40x128xi32, #tpu.memory_space<hbm>>
      %dma_start3A_76 = tpu.memref_squeeze %dma_start3A_75 : memref<1x40x128xi32, #tpu.memory_space<hbm>> -> memref<40x128xi32, #tpu.memory_space<hbm>>
      %dma_start3A_77 = arith.constant 40 : i32
      %dma_start3A_78 = arith.constant 0 : i32
      %dma_start3A_79 = tpu.memref_slice %arg3[%add3A, %dma_start3A_77, %dma_start3A_78] : memref<32x80x128xi32, #tpu.memory_space<hbm>> -> memref<1x40x128xi32, #tpu.memory_space<hbm>>
      %dma_start3A_80 = tpu.memref_squeeze %dma_start3A_79 : memref<1x40x128xi32, #tpu.memory_space<hbm>> -> memref<40x128xi32, #tpu.memory_space<hbm>>
      tpu.enqueue_dma source(%dma_start3A_80 : memref<40x128xi32, #tpu.memory_space<hbm>>) target(%arg8 : memref<40x128xi32, #tpu.memory_space<vmem>>) target_semaphore(%run_scoped3A_72 : memref<!tpu.dma_semaphore, #tpu.memory_space<semaphore_mem>>)
      %dma_wait3A_81 = arith.constant 40 : i32
      %dma_wait3A_82 = arith.constant 0 : i32
      %dma_wait3A_83 = tpu.memref_slice %arg3[%add3A, %dma_wait3A_81, %dma_wait3A_82] : memref<32x80x128xi32, #tpu.memory_space<hbm>> -> memref<1x40x128xi32, #tpu.memory_space<hbm>>
      %dma_wait3A_84 = tpu.memref_squeeze %dma_wait3A_83 : memref<1x40x128xi32, #tpu.memory_space<hbm>> -> memref<40x128xi32, #tpu.memory_space<hbm>>
      %dma_wait3A_85 = arith.constant 40 : i32
      %dma_wait3A_86 = arith.constant 0 : i32
      %dma_wait3A_87 = tpu.memref_slice %arg3[%add3A, %dma_wait3A_85, %dma_wait3A_86] : memref<32x80x128xi32, #tpu.memory_space<hbm>> -> memref<1x40x128xi32, #tpu.memory_space<hbm>>
      %dma_wait3A_88 = tpu.memref_squeeze %dma_wait3A_87 : memref<1x40x128xi32, #tpu.memory_space<hbm>> -> memref<40x128xi32, #tpu.memory_space<hbm>>
      tpu.wait_dma2 semaphore(%run_scoped3A_72 : memref<!tpu.dma_semaphore, #tpu.memory_space<semaphore_mem>>) src(%dma_wait3A_88 : memref<40x128xi32, #tpu.memory_space<hbm>>) dst(%arg8 : memref<40x128xi32, #tpu.memory_space<vmem>>)
      tpu.yield
    }) : () -> ()
    %dma_start3A_35 = arith.constant 0 : i32
    %dma_start3A_36 = arith.constant 0 : i32
    %dma_start3A_37 = tpu.memref_slice %arg7[%dma_start3A_35, %dma_start3A_36] : memref<40x128xi32, #tpu.memory_space<vmem>> -> memref<1x128xi32, #tpu.memory_space<vmem>>
    %dma_start3A_38 = tpu.memref_squeeze %dma_start3A_37 : memref<1x128xi32, #tpu.memory_space<vmem>> -> memref<128xi32, #tpu.memory_space<vmem>>
    %dma_start3A_39 = arith.constant 0 : i32
    %dma_start3A_40 = arith.constant 0 : i32
    %dma_start3A_41 = tpu.memref_slice %arg4[%dma_start3A_39, %dma_start3A_40] : memref<10240x128xf32, #tpu.memory_space<hbm>> -> memref<10240x128xf32, #tpu.memory_space<hbm>>
    tpu.enqueue_indirect_dma source(%dma_start3A_41 : memref<10240x128xf32, #tpu.memory_space<hbm>>) target(%arg9 : memref<128x128xf32, #tpu.memory_space<vmem>>) offsets(%dma_start3A_38 : memref<128xi32, #tpu.memory_space<vmem>>) semaphore(%arg12 : memref<!tpu.dma_semaphore, #tpu.memory_space<semaphore_mem>>)
    %dma_start3A_42 = arith.constant 1 : i32
    %dma_start3A_43 = arith.constant 0 : i32
    %dma_start3A_44 = tpu.memref_slice %arg7[%dma_start3A_42, %dma_start3A_43] : memref<40x128xi32, #tpu.memory_space<vmem>> -> memref<1x128xi32, #tpu.memory_space<vmem>>
    %dma_start3A_45 = tpu.memref_squeeze %dma_start3A_44 : memref<1x128xi32, #tpu.memory_space<vmem>> -> memref<128xi32, #tpu.memory_space<vmem>>
    %dma_start3A_46 = arith.constant 0 : i32
    %dma_start3A_47 = arith.constant 0 : i32
    %dma_start3A_48 = tpu.memref_slice %arg4[%dma_start3A_46, %dma_start3A_47] : memref<10240x128xf32, #tpu.memory_space<hbm>> -> memref<10240x128xf32, #tpu.memory_space<hbm>>
    tpu.enqueue_indirect_dma source(%dma_start3A_48 : memref<10240x128xf32, #tpu.memory_space<hbm>>) target(%arg10 : memref<128x128xf32, #tpu.memory_space<vmem>>) offsets(%dma_start3A_45 : memref<128xi32, #tpu.memory_space<vmem>>) semaphore(%arg13 : memref<!tpu.dma_semaphore, #tpu.memory_space<semaphore_mem>>)
    %scan3A_49 = arith.constant 0 : i32
    %scan3A_50 = arith.constant 0 : i32
    %scan3A_51 = arith.constant 19 : i32
    %scan3A_52 = arith.addi %scan3A_50, %scan3A_51 : i32
    %scan3A_53 = arith.constant 1 : i32
    scf.for %scan3A_72 = %scan3A_50 to %scan3A_52 step %scan3A_53  : i32 {
      %mul3A_73 = arith.constant 2 : i32
      %mul3A_74 = arith.muli %mul3A_73, %scan3A_72 : i32
      %dma_wait3A_75 = arith.constant 0 : i32
      %dma_wait3A_76 = tpu.memref_slice %arg7[%mul3A_74, %dma_wait3A_75] : memref<40x128xi32, #tpu.memory_space<vmem>> -> memref<1x128xi32, #tpu.memory_space<vmem>>
      %dma_wait3A_77 = tpu.memref_squeeze %dma_wait3A_76 : memref<1x128xi32, #tpu.memory_space<vmem>> -> memref<128xi32, #tpu.memory_space<vmem>>
      %dma_wait3A_78 = arith.constant 0 : i32
      %dma_wait3A_79 = arith.constant 0 : i32
      %dma_wait3A_80 = tpu.memref_slice %arg4[%dma_wait3A_78, %dma_wait3A_79] : memref<10240x128xf32, #tpu.memory_space<hbm>> -> memref<10240x128xf32, #tpu.memory_space<hbm>>
      tpu.wait_indirect_dma semaphore(%arg12 : memref<!tpu.dma_semaphore, #tpu.memory_space<semaphore_mem>>) src(%dma_wait3A_80 : memref<10240x128xf32, #tpu.memory_space<hbm>>) dst(%arg9 : memref<128x128xf32, #tpu.memory_space<vmem>>)
      "tpu.region"() ({
        %run_scoped3A_105 = tpu.sem_alloc : memref<!tpu.dma_semaphore, #tpu.memory_space<semaphore_mem>>
        %dma_start3A_106 = arith.constant 0 : i32
        %dma_start3A_107 = tpu.memref_slice %arg8[%mul3A_74, %dma_start3A_106] : memref<40x128xi32, #tpu.memory_space<vmem>> -> memref<1x128xi32, #tpu.memory_space<vmem>>
        %dma_start3A_108 = tpu.memref_squeeze %dma_start3A_107 : memref<1x128xi32, #tpu.memory_space<vmem>> -> memref<128xi32, #tpu.memory_space<vmem>>
        %dma_start3A_109 = arith.constant 0 : i32
        %dma_start3A_110 = arith.constant 0 : i32
        %dma_start3A_111 = tpu.memref_slice %arg11[%dma_start3A_109, %dma_start3A_110] : memref<10240x128xf32, #tpu.memory_space<vmem_shared>> -> memref<10240x128xf32, #tpu.memory_space<vmem_shared>>
        tpu.enqueue_indirect_dma source(%arg9 : memref<128x128xf32, #tpu.memory_space<vmem>>) target(%dma_start3A_111 : memref<10240x128xf32, #tpu.memory_space<vmem_shared>>) offsets(%dma_start3A_108 : memref<128xi32, #tpu.memory_space<vmem>>) semaphore(%run_scoped3A_105 : memref<!tpu.dma_semaphore, #tpu.memory_space<semaphore_mem>>) {add = true}
        %dma_wait3A_112 = arith.constant 0 : i32
        %dma_wait3A_113 = tpu.memref_slice %arg8[%mul3A_74, %dma_wait3A_112] : memref<40x128xi32, #tpu.memory_space<vmem>> -> memref<1x128xi32, #tpu.memory_space<vmem>>
        %dma_wait3A_114 = tpu.memref_squeeze %dma_wait3A_113 : memref<1x128xi32, #tpu.memory_space<vmem>> -> memref<128xi32, #tpu.memory_space<vmem>>
        %dma_wait3A_115 = arith.constant 0 : i32
        %dma_wait3A_116 = arith.constant 0 : i32
        %dma_wait3A_117 = tpu.memref_slice %arg11[%dma_wait3A_115, %dma_wait3A_116] : memref<10240x128xf32, #tpu.memory_space<vmem_shared>> -> memref<10240x128xf32, #tpu.memory_space<vmem_shared>>
        tpu.wait_indirect_dma semaphore(%run_scoped3A_105 : memref<!tpu.dma_semaphore, #tpu.memory_space<semaphore_mem>>) src(%arg9 : memref<128x128xf32, #tpu.memory_space<vmem>>) dst(%dma_wait3A_117 : memref<10240x128xf32, #tpu.memory_space<vmem_shared>>)
        tpu.yield
      }) : () -> ()
      %add3A_81 = arith.constant 2 : i32
      %add3A_82 = arith.addi %mul3A_74, %add3A_81 : i32
      %dma_start3A_83 = arith.constant 0 : i32
      %dma_start3A_84 = tpu.memref_slice %arg7[%add3A_82, %dma_start3A_83] : memref<40x128xi32, #tpu.memory_space<vmem>> -> memref<1x128xi32, #tpu.memory_space<vmem>>
      %dma_start3A_85 = tpu.memref_squeeze %dma_start3A_84 : memref<1x128xi32, #tpu.memory_space<vmem>> -> memref<128xi32, #tpu.memory_space<vmem>>
      %dma_start3A_86 = arith.constant 0 : i32
      %dma_start3A_87 = arith.constant 0 : i32
      %dma_start3A_88 = tpu.memref_slice %arg4[%dma_start3A_86, %dma_start3A_87] : memref<10240x128xf32, #tpu.memory_space<hbm>> -> memref<10240x128xf32, #tpu.memory_space<hbm>>
      tpu.enqueue_indirect_dma source(%dma_start3A_88 : memref<10240x128xf32, #tpu.memory_space<hbm>>) target(%arg9 : memref<128x128xf32, #tpu.memory_space<vmem>>) offsets(%dma_start3A_85 : memref<128xi32, #tpu.memory_space<vmem>>) semaphore(%arg12 : memref<!tpu.dma_semaphore, #tpu.memory_space<semaphore_mem>>)
      %add3A_89 = arith.constant 1 : i32
      %add3A_90 = arith.addi %mul3A_74, %add3A_89 : i32
      %dma_wait3A_91 = arith.constant 0 : i32
      %dma_wait3A_92 = tpu.memref_slice %arg7[%add3A_90, %dma_wait3A_91] : memref<40x128xi32, #tpu.memory_space<vmem>> -> memref<1x128xi32, #tpu.memory_space<vmem>>
      %dma_wait3A_93 = tpu.memref_squeeze %dma_wait3A_92 : memref<1x128xi32, #tpu.memory_space<vmem>> -> memref<128xi32, #tpu.memory_space<vmem>>
      %dma_wait3A_94 = arith.constant 0 : i32
      %dma_wait3A_95 = arith.constant 0 : i32
      %dma_wait3A_96 = tpu.memref_slice %arg4[%dma_wait3A_94, %dma_wait3A_95] : memref<10240x128xf32, #tpu.memory_space<hbm>> -> memref<10240x128xf32, #tpu.memory_space<hbm>>
      tpu.wait_indirect_dma semaphore(%arg13 : memref<!tpu.dma_semaphore, #tpu.memory_space<semaphore_mem>>) src(%dma_wait3A_96 : memref<10240x128xf32, #tpu.memory_space<hbm>>) dst(%arg10 : memref<128x128xf32, #tpu.memory_space<vmem>>)
      "tpu.region"() ({
        %run_scoped3A_105 = tpu.sem_alloc : memref<!tpu.dma_semaphore, #tpu.memory_space<semaphore_mem>>
        %dma_start3A_106 = arith.constant 0 : i32
        %dma_start3A_107 = tpu.memref_slice %arg8[%add3A_90, %dma_start3A_106] : memref<40x128xi32, #tpu.memory_space<vmem>> -> memref<1x128xi32, #tpu.memory_space<vmem>>
        %dma_start3A_108 = tpu.memref_squeeze %dma_start3A_107 : memref<1x128xi32, #tpu.memory_space<vmem>> -> memref<128xi32, #tpu.memory_space<vmem>>
        %dma_start3A_109 = arith.constant 0 : i32
        %dma_start3A_110 = arith.constant 0 : i32
        %dma_start3A_111 = tpu.memref_slice %arg11[%dma_start3A_109, %dma_start3A_110] : memref<10240x128xf32, #tpu.memory_space<vmem_shared>> -> memref<10240x128xf32, #tpu.memory_space<vmem_shared>>
        tpu.enqueue_indirect_dma source(%arg10 : memref<128x128xf32, #tpu.memory_space<vmem>>) target(%dma_start3A_111 : memref<10240x128xf32, #tpu.memory_space<vmem_shared>>) offsets(%dma_start3A_108 : memref<128xi32, #tpu.memory_space<vmem>>) semaphore(%run_scoped3A_105 : memref<!tpu.dma_semaphore, #tpu.memory_space<semaphore_mem>>) {add = true}
        %dma_wait3A_112 = arith.constant 0 : i32
        %dma_wait3A_113 = tpu.memref_slice %arg8[%add3A_90, %dma_wait3A_112] : memref<40x128xi32, #tpu.memory_space<vmem>> -> memref<1x128xi32, #tpu.memory_space<vmem>>
        %dma_wait3A_114 = tpu.memref_squeeze %dma_wait3A_113 : memref<1x128xi32, #tpu.memory_space<vmem>> -> memref<128xi32, #tpu.memory_space<vmem>>
        %dma_wait3A_115 = arith.constant 0 : i32
        %dma_wait3A_116 = arith.constant 0 : i32
        %dma_wait3A_117 = tpu.memref_slice %arg11[%dma_wait3A_115, %dma_wait3A_116] : memref<10240x128xf32, #tpu.memory_space<vmem_shared>> -> memref<10240x128xf32, #tpu.memory_space<vmem_shared>>
        tpu.wait_indirect_dma semaphore(%run_scoped3A_105 : memref<!tpu.dma_semaphore, #tpu.memory_space<semaphore_mem>>) src(%arg10 : memref<128x128xf32, #tpu.memory_space<vmem>>) dst(%dma_wait3A_117 : memref<10240x128xf32, #tpu.memory_space<vmem_shared>>)
        tpu.yield
      }) : () -> ()
      %add3A_97 = arith.constant 3 : i32
      %add3A_98 = arith.addi %mul3A_74, %add3A_97 : i32
      %dma_start3A_99 = arith.constant 0 : i32
      %dma_start3A_100 = tpu.memref_slice %arg7[%add3A_98, %dma_start3A_99] : memref<40x128xi32, #tpu.memory_space<vmem>> -> memref<1x128xi32, #tpu.memory_space<vmem>>
      %dma_start3A_101 = tpu.memref_squeeze %dma_start3A_100 : memref<1x128xi32, #tpu.memory_space<vmem>> -> memref<128xi32, #tpu.memory_space<vmem>>
      %dma_start3A_102 = arith.constant 0 : i32
      %dma_start3A_103 = arith.constant 0 : i32
      %dma_start3A_104 = tpu.memref_slice %arg4[%dma_start3A_102, %dma_start3A_103] : memref<10240x128xf32, #tpu.memory_space<hbm>> -> memref<10240x128xf32, #tpu.memory_space<hbm>>
      tpu.enqueue_indirect_dma source(%dma_start3A_104 : memref<10240x128xf32, #tpu.memory_space<hbm>>) target(%arg10 : memref<128x128xf32, #tpu.memory_space<vmem>>) offsets(%dma_start3A_101 : memref<128xi32, #tpu.memory_space<vmem>>) semaphore(%arg13 : memref<!tpu.dma_semaphore, #tpu.memory_space<semaphore_mem>>)
    }
    %scan3A_54 = arith.constant 19 : i32
    %dma_wait3A_55 = arith.constant 38 : i32
    %dma_wait3A_56 = arith.constant 0 : i32
    %dma_wait3A_57 = tpu.memref_slice %arg7[%dma_wait3A_55, %dma_wait3A_56] : memref<40x128xi32, #tpu.memory_space<vmem>> -> memref<1x128xi32, #tpu.memory_space<vmem>>
    %dma_wait3A_58 = tpu.memref_squeeze %dma_wait3A_57 : memref<1x128xi32, #tpu.memory_space<vmem>> -> memref<128xi32, #tpu.memory_space<vmem>>
    %dma_wait3A_59 = arith.constant 0 : i32
    %dma_wait3A_60 = arith.constant 0 : i32
    %dma_wait3A_61 = tpu.memref_slice %arg4[%dma_wait3A_59, %dma_wait3A_60] : memref<10240x128xf32, #tpu.memory_space<hbm>> -> memref<10240x128xf32, #tpu.memory_space<hbm>>
    tpu.wait_indirect_dma semaphore(%arg12 : memref<!tpu.dma_semaphore, #tpu.memory_space<semaphore_mem>>) src(%dma_wait3A_61 : memref<10240x128xf32, #tpu.memory_space<hbm>>) dst(%arg9 : memref<128x128xf32, #tpu.memory_space<vmem>>)
    %run_scoped3A_62 = arith.constant 38 : i32
    "tpu.region"() ({
      %run_scoped3A_72 = tpu.sem_alloc : memref<!tpu.dma_semaphore, #tpu.memory_space<semaphore_mem>>
      %dma_start3A_73 = arith.constant 0 : i32
      %dma_start3A_74 = tpu.memref_slice %arg8[%run_scoped3A_62, %dma_start3A_73] : memref<40x128xi32, #tpu.memory_space<vmem>> -> memref<1x128xi32, #tpu.memory_space<vmem>>
      %dma_start3A_75 = tpu.memref_squeeze %dma_start3A_74 : memref<1x128xi32, #tpu.memory_space<vmem>> -> memref<128xi32, #tpu.memory_space<vmem>>
      %dma_start3A_76 = arith.constant 0 : i32
      %dma_start3A_77 = arith.constant 0 : i32
      %dma_start3A_78 = tpu.memref_slice %arg11[%dma_start3A_76, %dma_start3A_77] : memref<10240x128xf32, #tpu.memory_space<vmem_shared>> -> memref<10240x128xf32, #tpu.memory_space<vmem_shared>>
      tpu.enqueue_indirect_dma source(%arg9 : memref<128x128xf32, #tpu.memory_space<vmem>>) target(%dma_start3A_78 : memref<10240x128xf32, #tpu.memory_space<vmem_shared>>) offsets(%dma_start3A_75 : memref<128xi32, #tpu.memory_space<vmem>>) semaphore(%run_scoped3A_72 : memref<!tpu.dma_semaphore, #tpu.memory_space<semaphore_mem>>) {add = true}
      %dma_wait3A_79 = arith.constant 0 : i32
      %dma_wait3A_80 = tpu.memref_slice %arg8[%run_scoped3A_62, %dma_wait3A_79] : memref<40x128xi32, #tpu.memory_space<vmem>> -> memref<1x128xi32, #tpu.memory_space<vmem>>
      %dma_wait3A_81 = tpu.memref_squeeze %dma_wait3A_80 : memref<1x128xi32, #tpu.memory_space<vmem>> -> memref<128xi32, #tpu.memory_space<vmem>>
      %dma_wait3A_82 = arith.constant 0 : i32
      %dma_wait3A_83 = arith.constant 0 : i32
      %dma_wait3A_84 = tpu.memref_slice %arg11[%dma_wait3A_82, %dma_wait3A_83] : memref<10240x128xf32, #tpu.memory_space<vmem_shared>> -> memref<10240x128xf32, #tpu.memory_space<vmem_shared>>
      tpu.wait_indirect_dma semaphore(%run_scoped3A_72 : memref<!tpu.dma_semaphore, #tpu.memory_space<semaphore_mem>>) src(%arg9 : memref<128x128xf32, #tpu.memory_space<vmem>>) dst(%dma_wait3A_84 : memref<10240x128xf32, #tpu.memory_space<vmem_shared>>)
      tpu.yield
    }) : () -> ()
    %dma_wait3A_63 = arith.constant 39 : i32
    %dma_wait3A_64 = arith.constant 0 : i32
    %dma_wait3A_65 = tpu.memref_slice %arg7[%dma_wait3A_63, %dma_wait3A_64] : memref<40x128xi32, #tpu.memory_space<vmem>> -> memref<1x128xi32, #tpu.memory_space<vmem>>
    %dma_wait3A_66 = tpu.memref_squeeze %dma_wait3A_65 : memref<1x128xi32, #tpu.memory_space<vmem>> -> memref<128xi32, #tpu.memory_space<vmem>>
    %dma_wait3A_67 = arith.constant 0 : i32
    %dma_wait3A_68 = arith.constant 0 : i32
    %dma_wait3A_69 = tpu.memref_slice %arg4[%dma_wait3A_67, %dma_wait3A_68] : memref<10240x128xf32, #tpu.memory_space<hbm>> -> memref<10240x128xf32, #tpu.memory_space<hbm>>
    tpu.wait_indirect_dma semaphore(%arg13 : memref<!tpu.dma_semaphore, #tpu.memory_space<semaphore_mem>>) src(%dma_wait3A_69 : memref<10240x128xf32, #tpu.memory_space<hbm>>) dst(%arg10 : memref<128x128xf32, #tpu.memory_space<vmem>>)
    %run_scoped3A_70 = arith.constant 39 : i32
    "tpu.region"() ({
      %run_scoped3A_72 = tpu.sem_alloc : memref<!tpu.dma_semaphore, #tpu.memory_space<semaphore_mem>>
      %dma_start3A_73 = arith.constant 0 : i32
      %dma_start3A_74 = tpu.memref_slice %arg8[%run_scoped3A_70, %dma_start3A_73] : memref<40x128xi32, #tpu.memory_space<vmem>> -> memref<1x128xi32, #tpu.memory_space<vmem>>
      %dma_start3A_75 = tpu.memref_squeeze %dma_start3A_74 : memref<1x128xi32, #tpu.memory_space<vmem>> -> memref<128xi32, #tpu.memory_space<vmem>>
      %dma_start3A_76 = arith.constant 0 : i32
      %dma_start3A_77 = arith.constant 0 : i32
      %dma_start3A_78 = tpu.memref_slice %arg11[%dma_start3A_76, %dma_start3A_77] : memref<10240x128xf32, #tpu.memory_space<vmem_shared>> -> memref<10240x128xf32, #tpu.memory_space<vmem_shared>>
      tpu.enqueue_indirect_dma source(%arg10 : memref<128x128xf32, #tpu.memory_space<vmem>>) target(%dma_start3A_78 : memref<10240x128xf32, #tpu.memory_space<vmem_shared>>) offsets(%dma_start3A_75 : memref<128xi32, #tpu.memory_space<vmem>>) semaphore(%run_scoped3A_72 : memref<!tpu.dma_semaphore, #tpu.memory_space<semaphore_mem>>) {add = true}
      %dma_wait3A_79 = arith.constant 0 : i32
      %dma_wait3A_80 = tpu.memref_slice %arg8[%run_scoped3A_70, %dma_wait3A_79] : memref<40x128xi32, #tpu.memory_space<vmem>> -> memref<1x128xi32, #tpu.memory_space<vmem>>
      %dma_wait3A_81 = tpu.memref_squeeze %dma_wait3A_80 : memref<1x128xi32, #tpu.memory_space<vmem>> -> memref<128xi32, #tpu.memory_space<vmem>>
      %dma_wait3A_82 = arith.constant 0 : i32
      %dma_wait3A_83 = arith.constant 0 : i32
      %dma_wait3A_84 = tpu.memref_slice %arg11[%dma_wait3A_82, %dma_wait3A_83] : memref<10240x128xf32, #tpu.memory_space<vmem_shared>> -> memref<10240x128xf32, #tpu.memory_space<vmem_shared>>
      tpu.wait_indirect_dma semaphore(%run_scoped3A_72 : memref<!tpu.dma_semaphore, #tpu.memory_space<semaphore_mem>>) src(%arg10 : memref<128x128xf32, #tpu.memory_space<vmem>>) dst(%dma_wait3A_84 : memref<10240x128xf32, #tpu.memory_space<vmem_shared>>)
      tpu.yield
    }) : () -> ()
    %barrier3A_71 = arith.constant 0 : index
    tpu.barrier barrier_id(%barrier3A_71)
    "tpu.region"() ({
      %run_scoped3A_72 = tpu.sem_alloc : memref<!tpu.dma_semaphore, #tpu.memory_space<semaphore_mem>>
      %dma_start3A_73 = arith.constant 0 : i32
      %dma_start3A_74 = tpu.memref_slice %arg6[%arg0, %mul3A_2, %dma_start3A_73] : memref<2x10240x128xf32, #tpu.memory_space<hbm>> -> memref<1x640x128xf32, #tpu.memory_space<hbm>>
      %dma_start3A_75 = tpu.memref_squeeze %dma_start3A_74 : memref<1x640x128xf32, #tpu.memory_space<hbm>> -> memref<640x128xf32, #tpu.memory_space<hbm>>
      %dma_start3A_76 = arith.constant 0 : i32
      %dma_start3A_77 = tpu.memref_slice %arg11[%mul3A_2, %dma_start3A_76] : memref<10240x128xf32, #tpu.memory_space<vmem_shared>> -> memref<640x128xf32, #tpu.memory_space<vmem_shared>>
      tpu.enqueue_dma source(%dma_start3A_77 : memref<640x128xf32, #tpu.memory_space<vmem_shared>>) target(%dma_start3A_75 : memref<640x128xf32, #tpu.memory_space<hbm>>) target_semaphore(%run_scoped3A_72 : memref<!tpu.dma_semaphore, #tpu.memory_space<semaphore_mem>>)
      %dma_wait3A_78 = arith.constant 0 : i32
      %dma_wait3A_79 = tpu.memref_slice %arg6[%arg0, %mul3A_2, %dma_wait3A_78] : memref<2x10240x128xf32, #tpu.memory_space<hbm>> -> memref<1x640x128xf32, #tpu.memory_space<hbm>>
      %dma_wait3A_80 = tpu.memref_squeeze %dma_wait3A_79 : memref<1x640x128xf32, #tpu.memory_space<hbm>> -> memref<640x128xf32, #tpu.memory_space<hbm>>
      %dma_wait3A_81 = arith.constant 0 : i32
      %dma_wait3A_82 = tpu.memref_slice %arg11[%mul3A_2, %dma_wait3A_81] : memref<10240x128xf32, #tpu.memory_space<vmem_shared>> -> memref<640x128xf32, #tpu.memory_space<vmem_shared>>
      tpu.wait_dma2 semaphore(%run_scoped3A_72 : memref<!tpu.dma_semaphore, #tpu.memory_space<semaphore_mem>>) src(%dma_wait3A_82 : memref<640x128xf32, #tpu.memory_space<vmem_shared>>) dst(%dma_wait3A_80 : memref<640x128xf32, #tpu.memory_space<hbm>>)
      tpu.yield
    }) : () -> ()
    return
  }
}

#map = affine_map<(d0, d1) -> (0, 0, 0)>
#map1 = affine_map<(d0, d1) -> (0, 0)>
module attributes {stable_mosaic.version = 14 : i64} {
  func.func @_sc_prop(%arg0: i32, %arg1: i32, %arg2: memref<32x80x128xi32, #tpu.memory_space<hbm>>, %arg3: memref<32x80x128xi32, #tpu.memory_space<hbm>>, %arg4: memref<10240x128xf32, #tpu.memory_space<hbm>>, %arg5: memref<10240x128xf32, #tpu.memory_space<hbm>>, %arg6: memref<2x10240x128xf32, #tpu.memory_space<hbm>>, %arg7: memref<40x128xi32, #tpu.memory_space<vmem>>, %arg8: memref<40x128xi32, #tpu.memory_space<vmem>>, %arg9: memref<128x128xf32, #tpu.memory_space<vmem>>, %arg10: memref<128x128xf32, #tpu.memory_space<vmem>>, %arg11: memref<10240x128xf32, #tpu.memory_space<vmem_shared>>, %arg12: memref<!tpu.dma_semaphore, #tpu.memory_space<semaphore_mem>>, %arg13: memref<!tpu.dma_semaphore, #tpu.memory_space<semaphore_mem>>) attributes {dimension_semantics = [#tpu.dimension_semantics<core_parallel>, #tpu.dimension_semantics<subcore_parallel>], iteration_bounds = array<i64: 2, 16>, scalar_prefetch = 0 : i64, scratch_operands = 7 : i64, tpu.core_type = #tpu.core_type<sc_vector_subcore>, window_params = [{transform_indices = #map}, {transform_indices = #map}, {transform_indices = #map1}, {transform_indices = #map1}, {transform_indices = #map}]} {
    %mul3A = arith.constant 16 : i32
    %mul3A_0 = arith.muli %arg0, %mul3A : i32
    %add3A = arith.addi %mul3A_0, %arg1 : i32
    %mul3A_1 = arith.constant 640 : i32
    %mul3A_2 = arith.muli %arg1, %mul3A_1 : i32
    "tpu.region"() ({
      %run_scoped3A_72 = tpu.sem_alloc : memref<!tpu.dma_semaphore, #tpu.memory_space<semaphore_mem>>
      %dma_start3A_73 = arith.constant 0 : i32
      %dma_start3A_74 = arith.constant 0 : i32
      %dma_start3A_75 = tpu.memref_slice %arg2[%add3A, %dma_start3A_73, %dma_start3A_74] : memref<32x80x128xi32, #tpu.memory_space<hbm>> -> memref<1x40x128xi32, #tpu.memory_space<hbm>>
      %dma_start3A_76 = tpu.memref_squeeze %dma_start3A_75 : memref<1x40x128xi32, #tpu.memory_space<hbm>> -> memref<40x128xi32, #tpu.memory_space<hbm>>
      %dma_start3A_77 = arith.constant 0 : i32
      %dma_start3A_78 = arith.constant 0 : i32
      %dma_start3A_79 = tpu.memref_slice %arg2[%add3A, %dma_start3A_77, %dma_start3A_78] : memref<32x80x128xi32, #tpu.memory_space<hbm>> -> memref<1x40x128xi32, #tpu.memory_space<hbm>>
      %dma_start3A_80 = tpu.memref_squeeze %dma_start3A_79 : memref<1x40x128xi32, #tpu.memory_space<hbm>> -> memref<40x128xi32, #tpu.memory_space<hbm>>
      tpu.enqueue_dma source(%dma_start3A_80 : memref<40x128xi32, #tpu.memory_space<hbm>>) target(%arg7 : memref<40x128xi32, #tpu.memory_space<vmem>>) target_semaphore(%run_scoped3A_72 : memref<!tpu.dma_semaphore, #tpu.memory_space<semaphore_mem>>)
      %dma_wait3A_81 = arith.constant 0 : i32
      %dma_wait3A_82 = arith.constant 0 : i32
      %dma_wait3A_83 = tpu.memref_slice %arg2[%add3A, %dma_wait3A_81, %dma_wait3A_82] : memref<32x80x128xi32, #tpu.memory_space<hbm>> -> memref<1x40x128xi32, #tpu.memory_space<hbm>>
      %dma_wait3A_84 = tpu.memref_squeeze %dma_wait3A_83 : memref<1x40x128xi32, #tpu.memory_space<hbm>> -> memref<40x128xi32, #tpu.memory_space<hbm>>
      %dma_wait3A_85 = arith.constant 0 : i32
      %dma_wait3A_86 = arith.constant 0 : i32
      %dma_wait3A_87 = tpu.memref_slice %arg2[%add3A, %dma_wait3A_85, %dma_wait3A_86] : memref<32x80x128xi32, #tpu.memory_space<hbm>> -> memref<1x40x128xi32, #tpu.memory_space<hbm>>
      %dma_wait3A_88 = tpu.memref_squeeze %dma_wait3A_87 : memref<1x40x128xi32, #tpu.memory_space<hbm>> -> memref<40x128xi32, #tpu.memory_space<hbm>>
      tpu.wait_dma2 semaphore(%run_scoped3A_72 : memref<!tpu.dma_semaphore, #tpu.memory_space<semaphore_mem>>) src(%dma_wait3A_88 : memref<40x128xi32, #tpu.memory_space<hbm>>) dst(%arg7 : memref<40x128xi32, #tpu.memory_space<vmem>>)
      tpu.yield
    }) : () -> ()
    "tpu.region"() ({
      %run_scoped3A_72 = tpu.sem_alloc : memref<!tpu.dma_semaphore, #tpu.memory_space<semaphore_mem>>
      %dma_start3A_73 = arith.constant 0 : i32
      %dma_start3A_74 = arith.constant 0 : i32
      %dma_start3A_75 = tpu.memref_slice %arg3[%add3A, %dma_start3A_73, %dma_start3A_74] : memref<32x80x128xi32, #tpu.memory_space<hbm>> -> memref<1x40x128xi32, #tpu.memory_space<hbm>>
      %dma_start3A_76 = tpu.memref_squeeze %dma_start3A_75 : memref<1x40x128xi32, #tpu.memory_space<hbm>> -> memref<40x128xi32, #tpu.memory_space<hbm>>
      %dma_start3A_77 = arith.constant 0 : i32
      %dma_start3A_78 = arith.constant 0 : i32
      %dma_start3A_79 = tpu.memref_slice %arg3[%add3A, %dma_start3A_77, %dma_start3A_78] : memref<32x80x128xi32, #tpu.memory_space<hbm>> -> memref<1x40x128xi32, #tpu.memory_space<hbm>>
      %dma_start3A_80 = tpu.memref_squeeze %dma_start3A_79 : memref<1x40x128xi32, #tpu.memory_space<hbm>> -> memref<40x128xi32, #tpu.memory_space<hbm>>
      tpu.enqueue_dma source(%dma_start3A_80 : memref<40x128xi32, #tpu.memory_space<hbm>>) target(%arg8 : memref<40x128xi32, #tpu.memory_space<vmem>>) target_semaphore(%run_scoped3A_72 : memref<!tpu.dma_semaphore, #tpu.memory_space<semaphore_mem>>)
      %dma_wait3A_81 = arith.constant 0 : i32
      %dma_wait3A_82 = arith.constant 0 : i32
      %dma_wait3A_83 = tpu.memref_slice %arg3[%add3A, %dma_wait3A_81, %dma_wait3A_82] : memref<32x80x128xi32, #tpu.memory_space<hbm>> -> memref<1x40x128xi32, #tpu.memory_space<hbm>>
      %dma_wait3A_84 = tpu.memref_squeeze %dma_wait3A_83 : memref<1x40x128xi32, #tpu.memory_space<hbm>> -> memref<40x128xi32, #tpu.memory_space<hbm>>
      %dma_wait3A_85 = arith.constant 0 : i32
      %dma_wait3A_86 = arith.constant 0 : i32
      %dma_wait3A_87 = tpu.memref_slice %arg3[%add3A, %dma_wait3A_85, %dma_wait3A_86] : memref<32x80x128xi32, #tpu.memory_space<hbm>> -> memref<1x40x128xi32, #tpu.memory_space<hbm>>
      %dma_wait3A_88 = tpu.memref_squeeze %dma_wait3A_87 : memref<1x40x128xi32, #tpu.memory_space<hbm>> -> memref<40x128xi32, #tpu.memory_space<hbm>>
      tpu.wait_dma2 semaphore(%run_scoped3A_72 : memref<!tpu.dma_semaphore, #tpu.memory_space<semaphore_mem>>) src(%dma_wait3A_88 : memref<40x128xi32, #tpu.memory_space<hbm>>) dst(%arg8 : memref<40x128xi32, #tpu.memory_space<vmem>>)
      tpu.yield
    }) : () -> ()
    %dma_start3A = arith.constant 0 : i32
    %dma_start3A_3 = arith.constant 0 : i32
    %dma_start3A_4 = tpu.memref_slice %arg7[%dma_start3A, %dma_start3A_3] : memref<40x128xi32, #tpu.memory_space<vmem>> -> memref<1x128xi32, #tpu.memory_space<vmem>>
    %dma_start3A_5 = tpu.memref_squeeze %dma_start3A_4 : memref<1x128xi32, #tpu.memory_space<vmem>> -> memref<128xi32, #tpu.memory_space<vmem>>
    %dma_start3A_6 = arith.constant 0 : i32
    %dma_start3A_7 = arith.constant 0 : i32
    %dma_start3A_8 = tpu.memref_slice %arg4[%dma_start3A_6, %dma_start3A_7] : memref<10240x128xf32, #tpu.memory_space<hbm>> -> memref<10240x128xf32, #tpu.memory_space<hbm>>
    tpu.enqueue_indirect_dma source(%dma_start3A_8 : memref<10240x128xf32, #tpu.memory_space<hbm>>) target(%arg9 : memref<128x128xf32, #tpu.memory_space<vmem>>) offsets(%dma_start3A_5 : memref<128xi32, #tpu.memory_space<vmem>>) semaphore(%arg12 : memref<!tpu.dma_semaphore, #tpu.memory_space<semaphore_mem>>)
    %dma_start3A_9 = arith.constant 1 : i32
    %dma_start3A_10 = arith.constant 0 : i32
    %dma_start3A_11 = tpu.memref_slice %arg7[%dma_start3A_9, %dma_start3A_10] : memref<40x128xi32, #tpu.memory_space<vmem>> -> memref<1x128xi32, #tpu.memory_space<vmem>>
    %dma_start3A_12 = tpu.memref_squeeze %dma_start3A_11 : memref<1x128xi32, #tpu.memory_space<vmem>> -> memref<128xi32, #tpu.memory_space<vmem>>
    %dma_start3A_13 = arith.constant 0 : i32
    %dma_start3A_14 = arith.constant 0 : i32
    %dma_start3A_15 = tpu.memref_slice %arg4[%dma_start3A_13, %dma_start3A_14] : memref<10240x128xf32, #tpu.memory_space<hbm>> -> memref<10240x128xf32, #tpu.memory_space<hbm>>
    tpu.enqueue_indirect_dma source(%dma_start3A_15 : memref<10240x128xf32, #tpu.memory_space<hbm>>) target(%arg10 : memref<128x128xf32, #tpu.memory_space<vmem>>) offsets(%dma_start3A_12 : memref<128xi32, #tpu.memory_space<vmem>>) semaphore(%arg13 : memref<!tpu.dma_semaphore, #tpu.memory_space<semaphore_mem>>)
    "tpu.region"() ({
      %run_scoped3A_72 = tpu.sem_alloc : memref<!tpu.dma_semaphore, #tpu.memory_space<semaphore_mem>>
      %dma_start3A_73 = arith.constant 0 : i32
      %dma_start3A_74 = tpu.memref_slice %arg11[%mul3A_2, %dma_start3A_73] : memref<10240x128xf32, #tpu.memory_space<vmem_shared>> -> memref<640x128xf32, #tpu.memory_space<vmem_shared>>
      %dma_start3A_75 = arith.constant 0 : i32
      %dma_start3A_76 = tpu.memref_slice %arg5[%mul3A_2, %dma_start3A_75] : memref<10240x128xf32, #tpu.memory_space<hbm>> -> memref<640x128xf32, #tpu.memory_space<hbm>>
      tpu.enqueue_dma source(%dma_start3A_76 : memref<640x128xf32, #tpu.memory_space<hbm>>) target(%dma_start3A_74 : memref<640x128xf32, #tpu.memory_space<vmem_shared>>) target_semaphore(%run_scoped3A_72 : memref<!tpu.dma_semaphore, #tpu.memory_space<semaphore_mem>>)
      %dma_wait3A_77 = arith.constant 0 : i32
      %dma_wait3A_78 = tpu.memref_slice %arg11[%mul3A_2, %dma_wait3A_77] : memref<10240x128xf32, #tpu.memory_space<vmem_shared>> -> memref<640x128xf32, #tpu.memory_space<vmem_shared>>
      %dma_wait3A_79 = arith.constant 0 : i32
      %dma_wait3A_80 = tpu.memref_slice %arg5[%mul3A_2, %dma_wait3A_79] : memref<10240x128xf32, #tpu.memory_space<hbm>> -> memref<640x128xf32, #tpu.memory_space<hbm>>
      tpu.wait_dma2 semaphore(%run_scoped3A_72 : memref<!tpu.dma_semaphore, #tpu.memory_space<semaphore_mem>>) src(%dma_wait3A_80 : memref<640x128xf32, #tpu.memory_space<hbm>>) dst(%dma_wait3A_78 : memref<640x128xf32, #tpu.memory_space<vmem_shared>>)
      tpu.yield
    }) : () -> ()
    %barrier3A = arith.constant 0 : index
    tpu.barrier barrier_id(%barrier3A)
    %scan3A = arith.constant 0 : i32
    %scan3A_16 = arith.constant 0 : i32
    %scan3A_17 = arith.constant 19 : i32
    %scan3A_18 = arith.addi %scan3A_16, %scan3A_17 : i32
    %scan3A_19 = arith.constant 1 : i32
    scf.for %scan3A_72 = %scan3A_16 to %scan3A_18 step %scan3A_19  : i32 {
      %mul3A_73 = arith.constant 2 : i32
      %mul3A_74 = arith.muli %mul3A_73, %scan3A_72 : i32
      %dma_wait3A_75 = arith.constant 0 : i32
      %dma_wait3A_76 = tpu.memref_slice %arg7[%mul3A_74, %dma_wait3A_75] : memref<40x128xi32, #tpu.memory_space<vmem>> -> memref<1x128xi32, #tpu.memory_space<vmem>>
      %dma_wait3A_77 = tpu.memref_squeeze %dma_wait3A_76 : memref<1x128xi32, #tpu.memory_space<vmem>> -> memref<128xi32, #tpu.memory_space<vmem>>
      %dma_wait3A_78 = arith.constant 0 : i32
      %dma_wait3A_79 = arith.constant 0 : i32
      %dma_wait3A_80 = tpu.memref_slice %arg4[%dma_wait3A_78, %dma_wait3A_79] : memref<10240x128xf32, #tpu.memory_space<hbm>> -> memref<10240x128xf32, #tpu.memory_space<hbm>>
      tpu.wait_indirect_dma semaphore(%arg12 : memref<!tpu.dma_semaphore, #tpu.memory_space<semaphore_mem>>) src(%dma_wait3A_80 : memref<10240x128xf32, #tpu.memory_space<hbm>>) dst(%arg9 : memref<128x128xf32, #tpu.memory_space<vmem>>)
      "tpu.region"() ({
        %run_scoped3A_105 = tpu.sem_alloc : memref<!tpu.dma_semaphore, #tpu.memory_space<semaphore_mem>>
        %dma_start3A_106 = arith.constant 0 : i32
        %dma_start3A_107 = tpu.memref_slice %arg8[%mul3A_74, %dma_start3A_106] : memref<40x128xi32, #tpu.memory_space<vmem>> -> memref<1x128xi32, #tpu.memory_space<vmem>>
        %dma_start3A_108 = tpu.memref_squeeze %dma_start3A_107 : memref<1x128xi32, #tpu.memory_space<vmem>> -> memref<128xi32, #tpu.memory_space<vmem>>
        %dma_start3A_109 = arith.constant 0 : i32
        %dma_start3A_110 = arith.constant 0 : i32
        %dma_start3A_111 = tpu.memref_slice %arg11[%dma_start3A_109, %dma_start3A_110] : memref<10240x128xf32, #tpu.memory_space<vmem_shared>> -> memref<10240x128xf32, #tpu.memory_space<vmem_shared>>
        tpu.enqueue_indirect_dma source(%arg9 : memref<128x128xf32, #tpu.memory_space<vmem>>) target(%dma_start3A_111 : memref<10240x128xf32, #tpu.memory_space<vmem_shared>>) offsets(%dma_start3A_108 : memref<128xi32, #tpu.memory_space<vmem>>) semaphore(%run_scoped3A_105 : memref<!tpu.dma_semaphore, #tpu.memory_space<semaphore_mem>>) {add = true}
        %dma_wait3A_112 = arith.constant 0 : i32
        %dma_wait3A_113 = tpu.memref_slice %arg8[%mul3A_74, %dma_wait3A_112] : memref<40x128xi32, #tpu.memory_space<vmem>> -> memref<1x128xi32, #tpu.memory_space<vmem>>
        %dma_wait3A_114 = tpu.memref_squeeze %dma_wait3A_113 : memref<1x128xi32, #tpu.memory_space<vmem>> -> memref<128xi32, #tpu.memory_space<vmem>>
        %dma_wait3A_115 = arith.constant 0 : i32
        %dma_wait3A_116 = arith.constant 0 : i32
        %dma_wait3A_117 = tpu.memref_slice %arg11[%dma_wait3A_115, %dma_wait3A_116] : memref<10240x128xf32, #tpu.memory_space<vmem_shared>> -> memref<10240x128xf32, #tpu.memory_space<vmem_shared>>
        tpu.wait_indirect_dma semaphore(%run_scoped3A_105 : memref<!tpu.dma_semaphore, #tpu.memory_space<semaphore_mem>>) src(%arg9 : memref<128x128xf32, #tpu.memory_space<vmem>>) dst(%dma_wait3A_117 : memref<10240x128xf32, #tpu.memory_space<vmem_shared>>)
        tpu.yield
      }) : () -> ()
      %add3A_81 = arith.constant 2 : i32
      %add3A_82 = arith.addi %mul3A_74, %add3A_81 : i32
      %dma_start3A_83 = arith.constant 0 : i32
      %dma_start3A_84 = tpu.memref_slice %arg7[%add3A_82, %dma_start3A_83] : memref<40x128xi32, #tpu.memory_space<vmem>> -> memref<1x128xi32, #tpu.memory_space<vmem>>
      %dma_start3A_85 = tpu.memref_squeeze %dma_start3A_84 : memref<1x128xi32, #tpu.memory_space<vmem>> -> memref<128xi32, #tpu.memory_space<vmem>>
      %dma_start3A_86 = arith.constant 0 : i32
      %dma_start3A_87 = arith.constant 0 : i32
      %dma_start3A_88 = tpu.memref_slice %arg4[%dma_start3A_86, %dma_start3A_87] : memref<10240x128xf32, #tpu.memory_space<hbm>> -> memref<10240x128xf32, #tpu.memory_space<hbm>>
      tpu.enqueue_indirect_dma source(%dma_start3A_88 : memref<10240x128xf32, #tpu.memory_space<hbm>>) target(%arg9 : memref<128x128xf32, #tpu.memory_space<vmem>>) offsets(%dma_start3A_85 : memref<128xi32, #tpu.memory_space<vmem>>) semaphore(%arg12 : memref<!tpu.dma_semaphore, #tpu.memory_space<semaphore_mem>>)
      %add3A_89 = arith.constant 1 : i32
      %add3A_90 = arith.addi %mul3A_74, %add3A_89 : i32
      %dma_wait3A_91 = arith.constant 0 : i32
      %dma_wait3A_92 = tpu.memref_slice %arg7[%add3A_90, %dma_wait3A_91] : memref<40x128xi32, #tpu.memory_space<vmem>> -> memref<1x128xi32, #tpu.memory_space<vmem>>
      %dma_wait3A_93 = tpu.memref_squeeze %dma_wait3A_92 : memref<1x128xi32, #tpu.memory_space<vmem>> -> memref<128xi32, #tpu.memory_space<vmem>>
      %dma_wait3A_94 = arith.constant 0 : i32
      %dma_wait3A_95 = arith.constant 0 : i32
      %dma_wait3A_96 = tpu.memref_slice %arg4[%dma_wait3A_94, %dma_wait3A_95] : memref<10240x128xf32, #tpu.memory_space<hbm>> -> memref<10240x128xf32, #tpu.memory_space<hbm>>
      tpu.wait_indirect_dma semaphore(%arg13 : memref<!tpu.dma_semaphore, #tpu.memory_space<semaphore_mem>>) src(%dma_wait3A_96 : memref<10240x128xf32, #tpu.memory_space<hbm>>) dst(%arg10 : memref<128x128xf32, #tpu.memory_space<vmem>>)
      "tpu.region"() ({
        %run_scoped3A_105 = tpu.sem_alloc : memref<!tpu.dma_semaphore, #tpu.memory_space<semaphore_mem>>
        %dma_start3A_106 = arith.constant 0 : i32
        %dma_start3A_107 = tpu.memref_slice %arg8[%add3A_90, %dma_start3A_106] : memref<40x128xi32, #tpu.memory_space<vmem>> -> memref<1x128xi32, #tpu.memory_space<vmem>>
        %dma_start3A_108 = tpu.memref_squeeze %dma_start3A_107 : memref<1x128xi32, #tpu.memory_space<vmem>> -> memref<128xi32, #tpu.memory_space<vmem>>
        %dma_start3A_109 = arith.constant 0 : i32
        %dma_start3A_110 = arith.constant 0 : i32
        %dma_start3A_111 = tpu.memref_slice %arg11[%dma_start3A_109, %dma_start3A_110] : memref<10240x128xf32, #tpu.memory_space<vmem_shared>> -> memref<10240x128xf32, #tpu.memory_space<vmem_shared>>
        tpu.enqueue_indirect_dma source(%arg10 : memref<128x128xf32, #tpu.memory_space<vmem>>) target(%dma_start3A_111 : memref<10240x128xf32, #tpu.memory_space<vmem_shared>>) offsets(%dma_start3A_108 : memref<128xi32, #tpu.memory_space<vmem>>) semaphore(%run_scoped3A_105 : memref<!tpu.dma_semaphore, #tpu.memory_space<semaphore_mem>>) {add = true}
        %dma_wait3A_112 = arith.constant 0 : i32
        %dma_wait3A_113 = tpu.memref_slice %arg8[%add3A_90, %dma_wait3A_112] : memref<40x128xi32, #tpu.memory_space<vmem>> -> memref<1x128xi32, #tpu.memory_space<vmem>>
        %dma_wait3A_114 = tpu.memref_squeeze %dma_wait3A_113 : memref<1x128xi32, #tpu.memory_space<vmem>> -> memref<128xi32, #tpu.memory_space<vmem>>
        %dma_wait3A_115 = arith.constant 0 : i32
        %dma_wait3A_116 = arith.constant 0 : i32
        %dma_wait3A_117 = tpu.memref_slice %arg11[%dma_wait3A_115, %dma_wait3A_116] : memref<10240x128xf32, #tpu.memory_space<vmem_shared>> -> memref<10240x128xf32, #tpu.memory_space<vmem_shared>>
        tpu.wait_indirect_dma semaphore(%run_scoped3A_105 : memref<!tpu.dma_semaphore, #tpu.memory_space<semaphore_mem>>) src(%arg10 : memref<128x128xf32, #tpu.memory_space<vmem>>) dst(%dma_wait3A_117 : memref<10240x128xf32, #tpu.memory_space<vmem_shared>>)
        tpu.yield
      }) : () -> ()
      %add3A_97 = arith.constant 3 : i32
      %add3A_98 = arith.addi %mul3A_74, %add3A_97 : i32
      %dma_start3A_99 = arith.constant 0 : i32
      %dma_start3A_100 = tpu.memref_slice %arg7[%add3A_98, %dma_start3A_99] : memref<40x128xi32, #tpu.memory_space<vmem>> -> memref<1x128xi32, #tpu.memory_space<vmem>>
      %dma_start3A_101 = tpu.memref_squeeze %dma_start3A_100 : memref<1x128xi32, #tpu.memory_space<vmem>> -> memref<128xi32, #tpu.memory_space<vmem>>
      %dma_start3A_102 = arith.constant 0 : i32
      %dma_start3A_103 = arith.constant 0 : i32
      %dma_start3A_104 = tpu.memref_slice %arg4[%dma_start3A_102, %dma_start3A_103] : memref<10240x128xf32, #tpu.memory_space<hbm>> -> memref<10240x128xf32, #tpu.memory_space<hbm>>
      tpu.enqueue_indirect_dma source(%dma_start3A_104 : memref<10240x128xf32, #tpu.memory_space<hbm>>) target(%arg10 : memref<128x128xf32, #tpu.memory_space<vmem>>) offsets(%dma_start3A_101 : memref<128xi32, #tpu.memory_space<vmem>>) semaphore(%arg13 : memref<!tpu.dma_semaphore, #tpu.memory_space<semaphore_mem>>)
    }
    %scan3A_20 = arith.constant 19 : i32
    %dma_wait3A = arith.constant 38 : i32
    %dma_wait3A_21 = arith.constant 0 : i32
    %dma_wait3A_22 = tpu.memref_slice %arg7[%dma_wait3A, %dma_wait3A_21] : memref<40x128xi32, #tpu.memory_space<vmem>> -> memref<1x128xi32, #tpu.memory_space<vmem>>
    %dma_wait3A_23 = tpu.memref_squeeze %dma_wait3A_22 : memref<1x128xi32, #tpu.memory_space<vmem>> -> memref<128xi32, #tpu.memory_space<vmem>>
    %dma_wait3A_24 = arith.constant 0 : i32
    %dma_wait3A_25 = arith.constant 0 : i32
    %dma_wait3A_26 = tpu.memref_slice %arg4[%dma_wait3A_24, %dma_wait3A_25] : memref<10240x128xf32, #tpu.memory_space<hbm>> -> memref<10240x128xf32, #tpu.memory_space<hbm>>
    tpu.wait_indirect_dma semaphore(%arg12 : memref<!tpu.dma_semaphore, #tpu.memory_space<semaphore_mem>>) src(%dma_wait3A_26 : memref<10240x128xf32, #tpu.memory_space<hbm>>) dst(%arg9 : memref<128x128xf32, #tpu.memory_space<vmem>>)
    %run_scoped3A = arith.constant 38 : i32
    "tpu.region"() ({
      %run_scoped3A_72 = tpu.sem_alloc : memref<!tpu.dma_semaphore, #tpu.memory_space<semaphore_mem>>
      %dma_start3A_73 = arith.constant 0 : i32
      %dma_start3A_74 = tpu.memref_slice %arg8[%run_scoped3A, %dma_start3A_73] : memref<40x128xi32, #tpu.memory_space<vmem>> -> memref<1x128xi32, #tpu.memory_space<vmem>>
      %dma_start3A_75 = tpu.memref_squeeze %dma_start3A_74 : memref<1x128xi32, #tpu.memory_space<vmem>> -> memref<128xi32, #tpu.memory_space<vmem>>
      %dma_start3A_76 = arith.constant 0 : i32
      %dma_start3A_77 = arith.constant 0 : i32
      %dma_start3A_78 = tpu.memref_slice %arg11[%dma_start3A_76, %dma_start3A_77] : memref<10240x128xf32, #tpu.memory_space<vmem_shared>> -> memref<10240x128xf32, #tpu.memory_space<vmem_shared>>
      tpu.enqueue_indirect_dma source(%arg9 : memref<128x128xf32, #tpu.memory_space<vmem>>) target(%dma_start3A_78 : memref<10240x128xf32, #tpu.memory_space<vmem_shared>>) offsets(%dma_start3A_75 : memref<128xi32, #tpu.memory_space<vmem>>) semaphore(%run_scoped3A_72 : memref<!tpu.dma_semaphore, #tpu.memory_space<semaphore_mem>>) {add = true}
      %dma_wait3A_79 = arith.constant 0 : i32
      %dma_wait3A_80 = tpu.memref_slice %arg8[%run_scoped3A, %dma_wait3A_79] : memref<40x128xi32, #tpu.memory_space<vmem>> -> memref<1x128xi32, #tpu.memory_space<vmem>>
      %dma_wait3A_81 = tpu.memref_squeeze %dma_wait3A_80 : memref<1x128xi32, #tpu.memory_space<vmem>> -> memref<128xi32, #tpu.memory_space<vmem>>
      %dma_wait3A_82 = arith.constant 0 : i32
      %dma_wait3A_83 = arith.constant 0 : i32
      %dma_wait3A_84 = tpu.memref_slice %arg11[%dma_wait3A_82, %dma_wait3A_83] : memref<10240x128xf32, #tpu.memory_space<vmem_shared>> -> memref<10240x128xf32, #tpu.memory_space<vmem_shared>>
      tpu.wait_indirect_dma semaphore(%run_scoped3A_72 : memref<!tpu.dma_semaphore, #tpu.memory_space<semaphore_mem>>) src(%arg9 : memref<128x128xf32, #tpu.memory_space<vmem>>) dst(%dma_wait3A_84 : memref<10240x128xf32, #tpu.memory_space<vmem_shared>>)
      tpu.yield
    }) : () -> ()
    %dma_wait3A_27 = arith.constant 39 : i32
    %dma_wait3A_28 = arith.constant 0 : i32
    %dma_wait3A_29 = tpu.memref_slice %arg7[%dma_wait3A_27, %dma_wait3A_28] : memref<40x128xi32, #tpu.memory_space<vmem>> -> memref<1x128xi32, #tpu.memory_space<vmem>>
    %dma_wait3A_30 = tpu.memref_squeeze %dma_wait3A_29 : memref<1x128xi32, #tpu.memory_space<vmem>> -> memref<128xi32, #tpu.memory_space<vmem>>
    %dma_wait3A_31 = arith.constant 0 : i32
    %dma_wait3A_32 = arith.constant 0 : i32
    %dma_wait3A_33 = tpu.memref_slice %arg4[%dma_wait3A_31, %dma_wait3A_32] : memref<10240x128xf32, #tpu.memory_space<hbm>> -> memref<10240x128xf32, #tpu.memory_space<hbm>>
    tpu.wait_indirect_dma semaphore(%arg13 : memref<!tpu.dma_semaphore, #tpu.memory_space<semaphore_mem>>) src(%dma_wait3A_33 : memref<10240x128xf32, #tpu.memory_space<hbm>>) dst(%arg10 : memref<128x128xf32, #tpu.memory_space<vmem>>)
    %run_scoped3A_34 = arith.constant 39 : i32
    "tpu.region"() ({
      %run_scoped3A_72 = tpu.sem_alloc : memref<!tpu.dma_semaphore, #tpu.memory_space<semaphore_mem>>
      %dma_start3A_73 = arith.constant 0 : i32
      %dma_start3A_74 = tpu.memref_slice %arg8[%run_scoped3A_34, %dma_start3A_73] : memref<40x128xi32, #tpu.memory_space<vmem>> -> memref<1x128xi32, #tpu.memory_space<vmem>>
      %dma_start3A_75 = tpu.memref_squeeze %dma_start3A_74 : memref<1x128xi32, #tpu.memory_space<vmem>> -> memref<128xi32, #tpu.memory_space<vmem>>
      %dma_start3A_76 = arith.constant 0 : i32
      %dma_start3A_77 = arith.constant 0 : i32
      %dma_start3A_78 = tpu.memref_slice %arg11[%dma_start3A_76, %dma_start3A_77] : memref<10240x128xf32, #tpu.memory_space<vmem_shared>> -> memref<10240x128xf32, #tpu.memory_space<vmem_shared>>
      tpu.enqueue_indirect_dma source(%arg10 : memref<128x128xf32, #tpu.memory_space<vmem>>) target(%dma_start3A_78 : memref<10240x128xf32, #tpu.memory_space<vmem_shared>>) offsets(%dma_start3A_75 : memref<128xi32, #tpu.memory_space<vmem>>) semaphore(%run_scoped3A_72 : memref<!tpu.dma_semaphore, #tpu.memory_space<semaphore_mem>>) {add = true}
      %dma_wait3A_79 = arith.constant 0 : i32
      %dma_wait3A_80 = tpu.memref_slice %arg8[%run_scoped3A_34, %dma_wait3A_79] : memref<40x128xi32, #tpu.memory_space<vmem>> -> memref<1x128xi32, #tpu.memory_space<vmem>>
      %dma_wait3A_81 = tpu.memref_squeeze %dma_wait3A_80 : memref<1x128xi32, #tpu.memory_space<vmem>> -> memref<128xi32, #tpu.memory_space<vmem>>
      %dma_wait3A_82 = arith.constant 0 : i32
      %dma_wait3A_83 = arith.constant 0 : i32
      %dma_wait3A_84 = tpu.memref_slice %arg11[%dma_wait3A_82, %dma_wait3A_83] : memref<10240x128xf32, #tpu.memory_space<vmem_shared>> -> memref<10240x128xf32, #tpu.memory_space<vmem_shared>>
      tpu.wait_indirect_dma semaphore(%run_scoped3A_72 : memref<!tpu.dma_semaphore, #tpu.memory_space<semaphore_mem>>) src(%arg10 : memref<128x128xf32, #tpu.memory_space<vmem>>) dst(%dma_wait3A_84 : memref<10240x128xf32, #tpu.memory_space<vmem_shared>>)
      tpu.yield
    }) : () -> ()
    "tpu.region"() ({
      %run_scoped3A_72 = tpu.sem_alloc : memref<!tpu.dma_semaphore, #tpu.memory_space<semaphore_mem>>
      %dma_start3A_73 = arith.constant 40 : i32
      %dma_start3A_74 = arith.constant 0 : i32
      %dma_start3A_75 = tpu.memref_slice %arg2[%add3A, %dma_start3A_73, %dma_start3A_74] : memref<32x80x128xi32, #tpu.memory_space<hbm>> -> memref<1x40x128xi32, #tpu.memory_space<hbm>>
      %dma_start3A_76 = tpu.memref_squeeze %dma_start3A_75 : memref<1x40x128xi32, #tpu.memory_space<hbm>> -> memref<40x128xi32, #tpu.memory_space<hbm>>
      %dma_start3A_77 = arith.constant 40 : i32
      %dma_start3A_78 = arith.constant 0 : i32
      %dma_start3A_79 = tpu.memref_slice %arg2[%add3A, %dma_start3A_77, %dma_start3A_78] : memref<32x80x128xi32, #tpu.memory_space<hbm>> -> memref<1x40x128xi32, #tpu.memory_space<hbm>>
      %dma_start3A_80 = tpu.memref_squeeze %dma_start3A_79 : memref<1x40x128xi32, #tpu.memory_space<hbm>> -> memref<40x128xi32, #tpu.memory_space<hbm>>
      tpu.enqueue_dma source(%dma_start3A_80 : memref<40x128xi32, #tpu.memory_space<hbm>>) target(%arg7 : memref<40x128xi32, #tpu.memory_space<vmem>>) target_semaphore(%run_scoped3A_72 : memref<!tpu.dma_semaphore, #tpu.memory_space<semaphore_mem>>)
      %dma_wait3A_81 = arith.constant 40 : i32
      %dma_wait3A_82 = arith.constant 0 : i32
      %dma_wait3A_83 = tpu.memref_slice %arg2[%add3A, %dma_wait3A_81, %dma_wait3A_82] : memref<32x80x128xi32, #tpu.memory_space<hbm>> -> memref<1x40x128xi32, #tpu.memory_space<hbm>>
      %dma_wait3A_84 = tpu.memref_squeeze %dma_wait3A_83 : memref<1x40x128xi32, #tpu.memory_space<hbm>> -> memref<40x128xi32, #tpu.memory_space<hbm>>
      %dma_wait3A_85 = arith.constant 40 : i32
      %dma_wait3A_86 = arith.constant 0 : i32
      %dma_wait3A_87 = tpu.memref_slice %arg2[%add3A, %dma_wait3A_85, %dma_wait3A_86] : memref<32x80x128xi32, #tpu.memory_space<hbm>> -> memref<1x40x128xi32, #tpu.memory_space<hbm>>
      %dma_wait3A_88 = tpu.memref_squeeze %dma_wait3A_87 : memref<1x40x128xi32, #tpu.memory_space<hbm>> -> memref<40x128xi32, #tpu.memory_space<hbm>>
      tpu.wait_dma2 semaphore(%run_scoped3A_72 : memref<!tpu.dma_semaphore, #tpu.memory_space<semaphore_mem>>) src(%dma_wait3A_88 : memref<40x128xi32, #tpu.memory_space<hbm>>) dst(%arg7 : memref<40x128xi32, #tpu.memory_space<vmem>>)
      tpu.yield
    }) : () -> ()
    "tpu.region"() ({
      %run_scoped3A_72 = tpu.sem_alloc : memref<!tpu.dma_semaphore, #tpu.memory_space<semaphore_mem>>
      %dma_start3A_73 = arith.constant 40 : i32
      %dma_start3A_74 = arith.constant 0 : i32
      %dma_start3A_75 = tpu.memref_slice %arg3[%add3A, %dma_start3A_73, %dma_start3A_74] : memref<32x80x128xi32, #tpu.memory_space<hbm>> -> memref<1x40x128xi32, #tpu.memory_space<hbm>>
      %dma_start3A_76 = tpu.memref_squeeze %dma_start3A_75 : memref<1x40x128xi32, #tpu.memory_space<hbm>> -> memref<40x128xi32, #tpu.memory_space<hbm>>
      %dma_start3A_77 = arith.constant 40 : i32
      %dma_start3A_78 = arith.constant 0 : i32
      %dma_start3A_79 = tpu.memref_slice %arg3[%add3A, %dma_start3A_77, %dma_start3A_78] : memref<32x80x128xi32, #tpu.memory_space<hbm>> -> memref<1x40x128xi32, #tpu.memory_space<hbm>>
      %dma_start3A_80 = tpu.memref_squeeze %dma_start3A_79 : memref<1x40x128xi32, #tpu.memory_space<hbm>> -> memref<40x128xi32, #tpu.memory_space<hbm>>
      tpu.enqueue_dma source(%dma_start3A_80 : memref<40x128xi32, #tpu.memory_space<hbm>>) target(%arg8 : memref<40x128xi32, #tpu.memory_space<vmem>>) target_semaphore(%run_scoped3A_72 : memref<!tpu.dma_semaphore, #tpu.memory_space<semaphore_mem>>)
      %dma_wait3A_81 = arith.constant 40 : i32
      %dma_wait3A_82 = arith.constant 0 : i32
      %dma_wait3A_83 = tpu.memref_slice %arg3[%add3A, %dma_wait3A_81, %dma_wait3A_82] : memref<32x80x128xi32, #tpu.memory_space<hbm>> -> memref<1x40x128xi32, #tpu.memory_space<hbm>>
      %dma_wait3A_84 = tpu.memref_squeeze %dma_wait3A_83 : memref<1x40x128xi32, #tpu.memory_space<hbm>> -> memref<40x128xi32, #tpu.memory_space<hbm>>
      %dma_wait3A_85 = arith.constant 40 : i32
      %dma_wait3A_86 = arith.constant 0 : i32
      %dma_wait3A_87 = tpu.memref_slice %arg3[%add3A, %dma_wait3A_85, %dma_wait3A_86] : memref<32x80x128xi32, #tpu.memory_space<hbm>> -> memref<1x40x128xi32, #tpu.memory_space<hbm>>
      %dma_wait3A_88 = tpu.memref_squeeze %dma_wait3A_87 : memref<1x40x128xi32, #tpu.memory_space<hbm>> -> memref<40x128xi32, #tpu.memory_space<hbm>>
      tpu.wait_dma2 semaphore(%run_scoped3A_72 : memref<!tpu.dma_semaphore, #tpu.memory_space<semaphore_mem>>) src(%dma_wait3A_88 : memref<40x128xi32, #tpu.memory_space<hbm>>) dst(%arg8 : memref<40x128xi32, #tpu.memory_space<vmem>>)
      tpu.yield
    }) : () -> ()
    %dma_start3A_35 = arith.constant 0 : i32
    %dma_start3A_36 = arith.constant 0 : i32
    %dma_start3A_37 = tpu.memref_slice %arg7[%dma_start3A_35, %dma_start3A_36] : memref<40x128xi32, #tpu.memory_space<vmem>> -> memref<1x128xi32, #tpu.memory_space<vmem>>
    %dma_start3A_38 = tpu.memref_squeeze %dma_start3A_37 : memref<1x128xi32, #tpu.memory_space<vmem>> -> memref<128xi32, #tpu.memory_space<vmem>>
    %dma_start3A_39 = arith.constant 0 : i32
    %dma_start3A_40 = arith.constant 0 : i32
    %dma_start3A_41 = tpu.memref_slice %arg4[%dma_start3A_39, %dma_start3A_40] : memref<10240x128xf32, #tpu.memory_space<hbm>> -> memref<10240x128xf32, #tpu.memory_space<hbm>>
    tpu.enqueue_indirect_dma source(%dma_start3A_41 : memref<10240x128xf32, #tpu.memory_space<hbm>>) target(%arg9 : memref<128x128xf32, #tpu.memory_space<vmem>>) offsets(%dma_start3A_38 : memref<128xi32, #tpu.memory_space<vmem>>) semaphore(%arg12 : memref<!tpu.dma_semaphore, #tpu.memory_space<semaphore_mem>>)
    %dma_start3A_42 = arith.constant 1 : i32
    %dma_start3A_43 = arith.constant 0 : i32
    %dma_start3A_44 = tpu.memref_slice %arg7[%dma_start3A_42, %dma_start3A_43] : memref<40x128xi32, #tpu.memory_space<vmem>> -> memref<1x128xi32, #tpu.memory_space<vmem>>
    %dma_start3A_45 = tpu.memref_squeeze %dma_start3A_44 : memref<1x128xi32, #tpu.memory_space<vmem>> -> memref<128xi32, #tpu.memory_space<vmem>>
    %dma_start3A_46 = arith.constant 0 : i32
    %dma_start3A_47 = arith.constant 0 : i32
    %dma_start3A_48 = tpu.memref_slice %arg4[%dma_start3A_46, %dma_start3A_47] : memref<10240x128xf32, #tpu.memory_space<hbm>> -> memref<10240x128xf32, #tpu.memory_space<hbm>>
    tpu.enqueue_indirect_dma source(%dma_start3A_48 : memref<10240x128xf32, #tpu.memory_space<hbm>>) target(%arg10 : memref<128x128xf32, #tpu.memory_space<vmem>>) offsets(%dma_start3A_45 : memref<128xi32, #tpu.memory_space<vmem>>) semaphore(%arg13 : memref<!tpu.dma_semaphore, #tpu.memory_space<semaphore_mem>>)
    %scan3A_49 = arith.constant 0 : i32
    %scan3A_50 = arith.constant 0 : i32
    %scan3A_51 = arith.constant 19 : i32
    %scan3A_52 = arith.addi %scan3A_50, %scan3A_51 : i32
    %scan3A_53 = arith.constant 1 : i32
    scf.for %scan3A_72 = %scan3A_50 to %scan3A_52 step %scan3A_53  : i32 {
      %mul3A_73 = arith.constant 2 : i32
      %mul3A_74 = arith.muli %mul3A_73, %scan3A_72 : i32
      %dma_wait3A_75 = arith.constant 0 : i32
      %dma_wait3A_76 = tpu.memref_slice %arg7[%mul3A_74, %dma_wait3A_75] : memref<40x128xi32, #tpu.memory_space<vmem>> -> memref<1x128xi32, #tpu.memory_space<vmem>>
      %dma_wait3A_77 = tpu.memref_squeeze %dma_wait3A_76 : memref<1x128xi32, #tpu.memory_space<vmem>> -> memref<128xi32, #tpu.memory_space<vmem>>
      %dma_wait3A_78 = arith.constant 0 : i32
      %dma_wait3A_79 = arith.constant 0 : i32
      %dma_wait3A_80 = tpu.memref_slice %arg4[%dma_wait3A_78, %dma_wait3A_79] : memref<10240x128xf32, #tpu.memory_space<hbm>> -> memref<10240x128xf32, #tpu.memory_space<hbm>>
      tpu.wait_indirect_dma semaphore(%arg12 : memref<!tpu.dma_semaphore, #tpu.memory_space<semaphore_mem>>) src(%dma_wait3A_80 : memref<10240x128xf32, #tpu.memory_space<hbm>>) dst(%arg9 : memref<128x128xf32, #tpu.memory_space<vmem>>)
      "tpu.region"() ({
        %run_scoped3A_105 = tpu.sem_alloc : memref<!tpu.dma_semaphore, #tpu.memory_space<semaphore_mem>>
        %dma_start3A_106 = arith.constant 0 : i32
        %dma_start3A_107 = tpu.memref_slice %arg8[%mul3A_74, %dma_start3A_106] : memref<40x128xi32, #tpu.memory_space<vmem>> -> memref<1x128xi32, #tpu.memory_space<vmem>>
        %dma_start3A_108 = tpu.memref_squeeze %dma_start3A_107 : memref<1x128xi32, #tpu.memory_space<vmem>> -> memref<128xi32, #tpu.memory_space<vmem>>
        %dma_start3A_109 = arith.constant 0 : i32
        %dma_start3A_110 = arith.constant 0 : i32
        %dma_start3A_111 = tpu.memref_slice %arg11[%dma_start3A_109, %dma_start3A_110] : memref<10240x128xf32, #tpu.memory_space<vmem_shared>> -> memref<10240x128xf32, #tpu.memory_space<vmem_shared>>
        tpu.enqueue_indirect_dma source(%arg9 : memref<128x128xf32, #tpu.memory_space<vmem>>) target(%dma_start3A_111 : memref<10240x128xf32, #tpu.memory_space<vmem_shared>>) offsets(%dma_start3A_108 : memref<128xi32, #tpu.memory_space<vmem>>) semaphore(%run_scoped3A_105 : memref<!tpu.dma_semaphore, #tpu.memory_space<semaphore_mem>>) {add = true}
        %dma_wait3A_112 = arith.constant 0 : i32
        %dma_wait3A_113 = tpu.memref_slice %arg8[%mul3A_74, %dma_wait3A_112] : memref<40x128xi32, #tpu.memory_space<vmem>> -> memref<1x128xi32, #tpu.memory_space<vmem>>
        %dma_wait3A_114 = tpu.memref_squeeze %dma_wait3A_113 : memref<1x128xi32, #tpu.memory_space<vmem>> -> memref<128xi32, #tpu.memory_space<vmem>>
        %dma_wait3A_115 = arith.constant 0 : i32
        %dma_wait3A_116 = arith.constant 0 : i32
        %dma_wait3A_117 = tpu.memref_slice %arg11[%dma_wait3A_115, %dma_wait3A_116] : memref<10240x128xf32, #tpu.memory_space<vmem_shared>> -> memref<10240x128xf32, #tpu.memory_space<vmem_shared>>
        tpu.wait_indirect_dma semaphore(%run_scoped3A_105 : memref<!tpu.dma_semaphore, #tpu.memory_space<semaphore_mem>>) src(%arg9 : memref<128x128xf32, #tpu.memory_space<vmem>>) dst(%dma_wait3A_117 : memref<10240x128xf32, #tpu.memory_space<vmem_shared>>)
        tpu.yield
      }) : () -> ()
      %add3A_81 = arith.constant 2 : i32
      %add3A_82 = arith.addi %mul3A_74, %add3A_81 : i32
      %dma_start3A_83 = arith.constant 0 : i32
      %dma_start3A_84 = tpu.memref_slice %arg7[%add3A_82, %dma_start3A_83] : memref<40x128xi32, #tpu.memory_space<vmem>> -> memref<1x128xi32, #tpu.memory_space<vmem>>
      %dma_start3A_85 = tpu.memref_squeeze %dma_start3A_84 : memref<1x128xi32, #tpu.memory_space<vmem>> -> memref<128xi32, #tpu.memory_space<vmem>>
      %dma_start3A_86 = arith.constant 0 : i32
      %dma_start3A_87 = arith.constant 0 : i32
      %dma_start3A_88 = tpu.memref_slice %arg4[%dma_start3A_86, %dma_start3A_87] : memref<10240x128xf32, #tpu.memory_space<hbm>> -> memref<10240x128xf32, #tpu.memory_space<hbm>>
      tpu.enqueue_indirect_dma source(%dma_start3A_88 : memref<10240x128xf32, #tpu.memory_space<hbm>>) target(%arg9 : memref<128x128xf32, #tpu.memory_space<vmem>>) offsets(%dma_start3A_85 : memref<128xi32, #tpu.memory_space<vmem>>) semaphore(%arg12 : memref<!tpu.dma_semaphore, #tpu.memory_space<semaphore_mem>>)
      %add3A_89 = arith.constant 1 : i32
      %add3A_90 = arith.addi %mul3A_74, %add3A_89 : i32
      %dma_wait3A_91 = arith.constant 0 : i32
      %dma_wait3A_92 = tpu.memref_slice %arg7[%add3A_90, %dma_wait3A_91] : memref<40x128xi32, #tpu.memory_space<vmem>> -> memref<1x128xi32, #tpu.memory_space<vmem>>
      %dma_wait3A_93 = tpu.memref_squeeze %dma_wait3A_92 : memref<1x128xi32, #tpu.memory_space<vmem>> -> memref<128xi32, #tpu.memory_space<vmem>>
      %dma_wait3A_94 = arith.constant 0 : i32
      %dma_wait3A_95 = arith.constant 0 : i32
      %dma_wait3A_96 = tpu.memref_slice %arg4[%dma_wait3A_94, %dma_wait3A_95] : memref<10240x128xf32, #tpu.memory_space<hbm>> -> memref<10240x128xf32, #tpu.memory_space<hbm>>
      tpu.wait_indirect_dma semaphore(%arg13 : memref<!tpu.dma_semaphore, #tpu.memory_space<semaphore_mem>>) src(%dma_wait3A_96 : memref<10240x128xf32, #tpu.memory_space<hbm>>) dst(%arg10 : memref<128x128xf32, #tpu.memory_space<vmem>>)
      "tpu.region"() ({
        %run_scoped3A_105 = tpu.sem_alloc : memref<!tpu.dma_semaphore, #tpu.memory_space<semaphore_mem>>
        %dma_start3A_106 = arith.constant 0 : i32
        %dma_start3A_107 = tpu.memref_slice %arg8[%add3A_90, %dma_start3A_106] : memref<40x128xi32, #tpu.memory_space<vmem>> -> memref<1x128xi32, #tpu.memory_space<vmem>>
        %dma_start3A_108 = tpu.memref_squeeze %dma_start3A_107 : memref<1x128xi32, #tpu.memory_space<vmem>> -> memref<128xi32, #tpu.memory_space<vmem>>
        %dma_start3A_109 = arith.constant 0 : i32
        %dma_start3A_110 = arith.constant 0 : i32
        %dma_start3A_111 = tpu.memref_slice %arg11[%dma_start3A_109, %dma_start3A_110] : memref<10240x128xf32, #tpu.memory_space<vmem_shared>> -> memref<10240x128xf32, #tpu.memory_space<vmem_shared>>
        tpu.enqueue_indirect_dma source(%arg10 : memref<128x128xf32, #tpu.memory_space<vmem>>) target(%dma_start3A_111 : memref<10240x128xf32, #tpu.memory_space<vmem_shared>>) offsets(%dma_start3A_108 : memref<128xi32, #tpu.memory_space<vmem>>) semaphore(%run_scoped3A_105 : memref<!tpu.dma_semaphore, #tpu.memory_space<semaphore_mem>>) {add = true}
        %dma_wait3A_112 = arith.constant 0 : i32
        %dma_wait3A_113 = tpu.memref_slice %arg8[%add3A_90, %dma_wait3A_112] : memref<40x128xi32, #tpu.memory_space<vmem>> -> memref<1x128xi32, #tpu.memory_space<vmem>>
        %dma_wait3A_114 = tpu.memref_squeeze %dma_wait3A_113 : memref<1x128xi32, #tpu.memory_space<vmem>> -> memref<128xi32, #tpu.memory_space<vmem>>
        %dma_wait3A_115 = arith.constant 0 : i32
        %dma_wait3A_116 = arith.constant 0 : i32
        %dma_wait3A_117 = tpu.memref_slice %arg11[%dma_wait3A_115, %dma_wait3A_116] : memref<10240x128xf32, #tpu.memory_space<vmem_shared>> -> memref<10240x128xf32, #tpu.memory_space<vmem_shared>>
        tpu.wait_indirect_dma semaphore(%run_scoped3A_105 : memref<!tpu.dma_semaphore, #tpu.memory_space<semaphore_mem>>) src(%arg10 : memref<128x128xf32, #tpu.memory_space<vmem>>) dst(%dma_wait3A_117 : memref<10240x128xf32, #tpu.memory_space<vmem_shared>>)
        tpu.yield
      }) : () -> ()
      %add3A_97 = arith.constant 3 : i32
      %add3A_98 = arith.addi %mul3A_74, %add3A_97 : i32
      %dma_start3A_99 = arith.constant 0 : i32
      %dma_start3A_100 = tpu.memref_slice %arg7[%add3A_98, %dma_start3A_99] : memref<40x128xi32, #tpu.memory_space<vmem>> -> memref<1x128xi32, #tpu.memory_space<vmem>>
      %dma_start3A_101 = tpu.memref_squeeze %dma_start3A_100 : memref<1x128xi32, #tpu.memory_space<vmem>> -> memref<128xi32, #tpu.memory_space<vmem>>
      %dma_start3A_102 = arith.constant 0 : i32
      %dma_start3A_103 = arith.constant 0 : i32
      %dma_start3A_104 = tpu.memref_slice %arg4[%dma_start3A_102, %dma_start3A_103] : memref<10240x128xf32, #tpu.memory_space<hbm>> -> memref<10240x128xf32, #tpu.memory_space<hbm>>
      tpu.enqueue_indirect_dma source(%dma_start3A_104 : memref<10240x128xf32, #tpu.memory_space<hbm>>) target(%arg10 : memref<128x128xf32, #tpu.memory_space<vmem>>) offsets(%dma_start3A_101 : memref<128xi32, #tpu.memory_space<vmem>>) semaphore(%arg13 : memref<!tpu.dma_semaphore, #tpu.memory_space<semaphore_mem>>)
    }
    %scan3A_54 = arith.constant 19 : i32
    %dma_wait3A_55 = arith.constant 38 : i32
    %dma_wait3A_56 = arith.constant 0 : i32
    %dma_wait3A_57 = tpu.memref_slice %arg7[%dma_wait3A_55, %dma_wait3A_56] : memref<40x128xi32, #tpu.memory_space<vmem>> -> memref<1x128xi32, #tpu.memory_space<vmem>>
    %dma_wait3A_58 = tpu.memref_squeeze %dma_wait3A_57 : memref<1x128xi32, #tpu.memory_space<vmem>> -> memref<128xi32, #tpu.memory_space<vmem>>
    %dma_wait3A_59 = arith.constant 0 : i32
    %dma_wait3A_60 = arith.constant 0 : i32
    %dma_wait3A_61 = tpu.memref_slice %arg4[%dma_wait3A_59, %dma_wait3A_60] : memref<10240x128xf32, #tpu.memory_space<hbm>> -> memref<10240x128xf32, #tpu.memory_space<hbm>>
    tpu.wait_indirect_dma semaphore(%arg12 : memref<!tpu.dma_semaphore, #tpu.memory_space<semaphore_mem>>) src(%dma_wait3A_61 : memref<10240x128xf32, #tpu.memory_space<hbm>>) dst(%arg9 : memref<128x128xf32, #tpu.memory_space<vmem>>)
    %run_scoped3A_62 = arith.constant 38 : i32
    "tpu.region"() ({
      %run_scoped3A_72 = tpu.sem_alloc : memref<!tpu.dma_semaphore, #tpu.memory_space<semaphore_mem>>
      %dma_start3A_73 = arith.constant 0 : i32
      %dma_start3A_74 = tpu.memref_slice %arg8[%run_scoped3A_62, %dma_start3A_73] : memref<40x128xi32, #tpu.memory_space<vmem>> -> memref<1x128xi32, #tpu.memory_space<vmem>>
      %dma_start3A_75 = tpu.memref_squeeze %dma_start3A_74 : memref<1x128xi32, #tpu.memory_space<vmem>> -> memref<128xi32, #tpu.memory_space<vmem>>
      %dma_start3A_76 = arith.constant 0 : i32
      %dma_start3A_77 = arith.constant 0 : i32
      %dma_start3A_78 = tpu.memref_slice %arg11[%dma_start3A_76, %dma_start3A_77] : memref<10240x128xf32, #tpu.memory_space<vmem_shared>> -> memref<10240x128xf32, #tpu.memory_space<vmem_shared>>
      tpu.enqueue_indirect_dma source(%arg9 : memref<128x128xf32, #tpu.memory_space<vmem>>) target(%dma_start3A_78 : memref<10240x128xf32, #tpu.memory_space<vmem_shared>>) offsets(%dma_start3A_75 : memref<128xi32, #tpu.memory_space<vmem>>) semaphore(%run_scoped3A_72 : memref<!tpu.dma_semaphore, #tpu.memory_space<semaphore_mem>>) {add = true}
      %dma_wait3A_79 = arith.constant 0 : i32
      %dma_wait3A_80 = tpu.memref_slice %arg8[%run_scoped3A_62, %dma_wait3A_79] : memref<40x128xi32, #tpu.memory_space<vmem>> -> memref<1x128xi32, #tpu.memory_space<vmem>>
      %dma_wait3A_81 = tpu.memref_squeeze %dma_wait3A_80 : memref<1x128xi32, #tpu.memory_space<vmem>> -> memref<128xi32, #tpu.memory_space<vmem>>
      %dma_wait3A_82 = arith.constant 0 : i32
      %dma_wait3A_83 = arith.constant 0 : i32
      %dma_wait3A_84 = tpu.memref_slice %arg11[%dma_wait3A_82, %dma_wait3A_83] : memref<10240x128xf32, #tpu.memory_space<vmem_shared>> -> memref<10240x128xf32, #tpu.memory_space<vmem_shared>>
      tpu.wait_indirect_dma semaphore(%run_scoped3A_72 : memref<!tpu.dma_semaphore, #tpu.memory_space<semaphore_mem>>) src(%arg9 : memref<128x128xf32, #tpu.memory_space<vmem>>) dst(%dma_wait3A_84 : memref<10240x128xf32, #tpu.memory_space<vmem_shared>>)
      tpu.yield
    }) : () -> ()
    %dma_wait3A_63 = arith.constant 39 : i32
    %dma_wait3A_64 = arith.constant 0 : i32
    %dma_wait3A_65 = tpu.memref_slice %arg7[%dma_wait3A_63, %dma_wait3A_64] : memref<40x128xi32, #tpu.memory_space<vmem>> -> memref<1x128xi32, #tpu.memory_space<vmem>>
    %dma_wait3A_66 = tpu.memref_squeeze %dma_wait3A_65 : memref<1x128xi32, #tpu.memory_space<vmem>> -> memref<128xi32, #tpu.memory_space<vmem>>
    %dma_wait3A_67 = arith.constant 0 : i32
    %dma_wait3A_68 = arith.constant 0 : i32
    %dma_wait3A_69 = tpu.memref_slice %arg4[%dma_wait3A_67, %dma_wait3A_68] : memref<10240x128xf32, #tpu.memory_space<hbm>> -> memref<10240x128xf32, #tpu.memory_space<hbm>>
    tpu.wait_indirect_dma semaphore(%arg13 : memref<!tpu.dma_semaphore, #tpu.memory_space<semaphore_mem>>) src(%dma_wait3A_69 : memref<10240x128xf32, #tpu.memory_space<hbm>>) dst(%arg10 : memref<128x128xf32, #tpu.memory_space<vmem>>)
    %run_scoped3A_70 = arith.constant 39 : i32
    "tpu.region"() ({
      %run_scoped3A_72 = tpu.sem_alloc : memref<!tpu.dma_semaphore, #tpu.memory_space<semaphore_mem>>
      %dma_start3A_73 = arith.constant 0 : i32
      %dma_start3A_74 = tpu.memref_slice %arg8[%run_scoped3A_70, %dma_start3A_73] : memref<40x128xi32, #tpu.memory_space<vmem>> -> memref<1x128xi32, #tpu.memory_space<vmem>>
      %dma_start3A_75 = tpu.memref_squeeze %dma_start3A_74 : memref<1x128xi32, #tpu.memory_space<vmem>> -> memref<128xi32, #tpu.memory_space<vmem>>
      %dma_start3A_76 = arith.constant 0 : i32
      %dma_start3A_77 = arith.constant 0 : i32
      %dma_start3A_78 = tpu.memref_slice %arg11[%dma_start3A_76, %dma_start3A_77] : memref<10240x128xf32, #tpu.memory_space<vmem_shared>> -> memref<10240x128xf32, #tpu.memory_space<vmem_shared>>
      tpu.enqueue_indirect_dma source(%arg10 : memref<128x128xf32, #tpu.memory_space<vmem>>) target(%dma_start3A_78 : memref<10240x128xf32, #tpu.memory_space<vmem_shared>>) offsets(%dma_start3A_75 : memref<128xi32, #tpu.memory_space<vmem>>) semaphore(%run_scoped3A_72 : memref<!tpu.dma_semaphore, #tpu.memory_space<semaphore_mem>>) {add = true}
      %dma_wait3A_79 = arith.constant 0 : i32
      %dma_wait3A_80 = tpu.memref_slice %arg8[%run_scoped3A_70, %dma_wait3A_79] : memref<40x128xi32, #tpu.memory_space<vmem>> -> memref<1x128xi32, #tpu.memory_space<vmem>>
      %dma_wait3A_81 = tpu.memref_squeeze %dma_wait3A_80 : memref<1x128xi32, #tpu.memory_space<vmem>> -> memref<128xi32, #tpu.memory_space<vmem>>
      %dma_wait3A_82 = arith.constant 0 : i32
      %dma_wait3A_83 = arith.constant 0 : i32
      %dma_wait3A_84 = tpu.memref_slice %arg11[%dma_wait3A_82, %dma_wait3A_83] : memref<10240x128xf32, #tpu.memory_space<vmem_shared>> -> memref<10240x128xf32, #tpu.memory_space<vmem_shared>>
      tpu.wait_indirect_dma semaphore(%run_scoped3A_72 : memref<!tpu.dma_semaphore, #tpu.memory_space<semaphore_mem>>) src(%arg10 : memref<128x128xf32, #tpu.memory_space<vmem>>) dst(%dma_wait3A_84 : memref<10240x128xf32, #tpu.memory_space<vmem_shared>>)
      tpu.yield
    }) : () -> ()
    %barrier3A_71 = arith.constant 0 : index
    tpu.barrier barrier_id(%barrier3A_71)
    "tpu.region"() ({
      %run_scoped3A_72 = tpu.sem_alloc : memref<!tpu.dma_semaphore, #tpu.memory_space<semaphore_mem>>
      %dma_start3A_73 = arith.constant 0 : i32
      %dma_start3A_74 = tpu.memref_slice %arg6[%arg0, %mul3A_2, %dma_start3A_73] : memref<2x10240x128xf32, #tpu.memory_space<hbm>> -> memref<1x640x128xf32, #tpu.memory_space<hbm>>
      %dma_start3A_75 = tpu.memref_squeeze %dma_start3A_74 : memref<1x640x128xf32, #tpu.memory_space<hbm>> -> memref<640x128xf32, #tpu.memory_space<hbm>>
      %dma_start3A_76 = arith.constant 0 : i32
      %dma_start3A_77 = tpu.memref_slice %arg11[%mul3A_2, %dma_start3A_76] : memref<10240x128xf32, #tpu.memory_space<vmem_shared>> -> memref<640x128xf32, #tpu.memory_space<vmem_shared>>
      tpu.enqueue_dma source(%dma_start3A_77 : memref<640x128xf32, #tpu.memory_space<vmem_shared>>) target(%dma_start3A_75 : memref<640x128xf32, #tpu.memory_space<hbm>>) target_semaphore(%run_scoped3A_72 : memref<!tpu.dma_semaphore, #tpu.memory_space<semaphore_mem>>)
      %dma_wait3A_78 = arith.constant 0 : i32
      %dma_wait3A_79 = tpu.memref_slice %arg6[%arg0, %mul3A_2, %dma_wait3A_78] : memref<2x10240x128xf32, #tpu.memory_space<hbm>> -> memref<1x640x128xf32, #tpu.memory_space<hbm>>
      %dma_wait3A_80 = tpu.memref_squeeze %dma_wait3A_79 : memref<1x640x128xf32, #tpu.memory_space<hbm>> -> memref<640x128xf32, #tpu.memory_space<hbm>>
      %dma_wait3A_81 = arith.constant 0 : i32
      %dma_wait3A_82 = tpu.memref_slice %arg11[%mul3A_2, %dma_wait3A_81] : memref<10240x128xf32, #tpu.memory_space<vmem_shared>> -> memref<640x128xf32, #tpu.memory_space<vmem_shared>>
      tpu.wait_dma2 semaphore(%run_scoped3A_72 : memref<!tpu.dma_semaphore, #tpu.memory_space<semaphore_mem>>) src(%dma_wait3A_82 : memref<640x128xf32, #tpu.memory_space<vmem_shared>>) dst(%dma_wait3A_80 : memref<640x128xf32, #tpu.memory_space<hbm>>)
      tpu.yield
    }) : () -> ()
    return
  }
}

module attributes {stable_mosaic.version = 14 : i64} {
  func.func @_tcgate_body(%arg0: i32, %arg1: memref<1024x128xf32, #tpu.memory_space<vmem>>, %arg2: memref<128x128xf32, #tpu.memory_space<vmem>>, %arg3: memref<1x128xf32, #tpu.memory_space<vmem>>, %arg4: memref<1024x128xf32, #tpu.memory_space<vmem>>) attributes {dimension_semantics = [#tpu.dimension_semantics<arbitrary>], iteration_bounds = array<i64: 10>, scalar_prefetch = 0 : i64, scratch_operands = 0 : i64, tpu.core_type = #tpu.core_type<tc>, window_params = [{transform_indices = @transform_0, window_bounds = array<i64: 1024, 128>}, {pipeline_mode = #tpu.pipeline_mode<synchronous>, transform_indices = @transform_1, window_bounds = array<i64: 128, 128>}, {pipeline_mode = #tpu.pipeline_mode<synchronous>, transform_indices = @transform_2, window_bounds = array<i64: 1, 128>}, {transform_indices = @transform_3, window_bounds = array<i64: 1024, 128>}]} {
    %get3A = arith.constant 0 : index
    %get3A_0 = arith.constant 0 : index
    %get3A_1 = vector.load %arg1[%get3A, %get3A_0] : memref<1024x128xf32, #tpu.memory_space<vmem>>, vector<1024x128xf32>
    %get3A_2 = arith.constant 0 : index
    %get3A_3 = arith.constant 0 : index
    %get3A_4 = vector.load %arg2[%get3A_2, %get3A_3] : memref<128x128xf32, #tpu.memory_space<vmem>>, vector<128x128xf32>
    %dot_general3A = arith.constant dense<0.000000e+00> : vector<1024x128xf32>
    %dot_general3A_5 = tpu.matmul %get3A_1, %get3A_4, %dot_general3A {dimension_numbers = #tpu.dot_dimension_numbers<[1], [0], [0], [1], [0, 0, 1, 1], [], []>, precision = #tpu.contract_precision<fp32>, transpose_lhs_hint = false} : vector<1024x128xf32>, vector<128x128xf32>, vector<1024x128xf32> -> vector<1024x128xf32>
    %get3A_6 = arith.constant 0 : index
    %get3A_7 = arith.constant 0 : index
    %get3A_8 = vector.load %arg3[%get3A_6, %get3A_7] : memref<1x128xf32, #tpu.memory_space<vmem>>, vector<1x128xf32>
    %add3A = vector.broadcast %get3A_8 : vector<1x128xf32> to vector<1024x128xf32>
    %add3A_9 = arith.addf %dot_general3A_5, %add3A : vector<1024x128xf32>
    %logistic3A = arith.negf %add3A_9 : vector<1024x128xf32>
    %logistic3A_10 = math.exp %logistic3A : vector<1024x128xf32>
    %logistic3A_11 = arith.constant 1.000000e+00 : f32
    %logistic3A_12 = vector.broadcast %logistic3A_11 : f32 to vector<1024x128xf32>
    %logistic3A_13 = arith.addf %logistic3A_12, %logistic3A_10 : vector<1024x128xf32>
    %logistic3A_14 = arith.divf %logistic3A_12, %logistic3A_13 : vector<1024x128xf32>
    %iota3A = tpu.iota {dimensions = array<i32: 0>} : vector<1024x1xi32>
    %mul3A = arith.constant 1024 : i32
    %mul3A_15 = arith.muli %arg0, %mul3A : i32
    %add3A_16 = vector.broadcast %mul3A_15 : i32 to vector<1024x1xi32>
    %add3A_17 = arith.addi %iota3A, %add3A_16 : vector<1024x1xi32>
    %lt3A = arith.constant 10000 : i32
    %lt3A_18 = vector.broadcast %lt3A : i32 to vector<1024x1xi32>
    %lt3A_19 = arith.cmpi slt, %add3A_17, %lt3A_18 : vector<1024x1xi32>
    %jit3A = arith.constant 0.000000e+00 : f32
    %broadcast_in_dim3A = vector.shape_cast %lt3A_19 : vector<1024x1xi1> to vector<1024x1xi1>
    %broadcast_in_dim3A_20 = vector.broadcast %broadcast_in_dim3A : vector<1024x1xi1> to vector<1024x128xi1>
    %broadcast_in_dim3A_21 = vector.broadcast %jit3A : f32 to vector<1024x128xf32>
    %select_n3A = arith.select %broadcast_in_dim3A_20, %logistic3A_14, %broadcast_in_dim3A_21 : vector<1024x128xi1>, vector<1024x128xf32>
    %swap3A = arith.constant 0 : index
    %swap3A_22 = arith.constant 0 : index
    %swap3A_23 = vector.load %arg4[%swap3A, %swap3A_22] : memref<1024x128xf32, #tpu.memory_space<vmem>>, vector<1024x128xf32>
    tpu.vector_store %arg4[%swap3A, %swap3A_22], %select_n3A {strides = array<i32>} : memref<1024x128xf32, #tpu.memory_space<vmem>>, vector<1024x128xf32>,
    return
  }
  func.func @transform_0(%arg0: i32) -> (i32, i32) {
    %c0_i32 = arith.constant 0 : i32
    %c0_i32_0 = arith.constant 0 : i32
    return %arg0, %c0_i32 : i32, i32
  }
  func.func @transform_1(%arg0: i32) -> (i32, i32) {
    %c0_i32 = arith.constant 0 : i32
    %c0_i32_0 = arith.constant 0 : i32
    %c0_i32_1 = arith.constant 0 : i32
    return %c0_i32, %c0_i32_0 : i32, i32
  }
  func.func @transform_2(%arg0: i32) -> (i32, i32) {
    %c0_i32 = arith.constant 0 : i32
    %c0_i32_0 = arith.constant 0 : i32
    %c0_i32_1 = arith.constant 0 : i32
    return %c0_i32, %c0_i32_0 : i32, i32
  }
  func.func @transform_3(%arg0: i32) -> (i32, i32) {
    %c0_i32 = arith.constant 0 : i32
    %c0_i32_0 = arith.constant 0 : i32
    return %arg0, %c0_i32 : i32, i32
  }
}

module attributes {stable_mosaic.version = 14 : i64} {
  func.func @_tcnorm_body(%arg0: i32, %arg1: memref<2x1024x128xf32, #tpu.memory_space<vmem>>, %arg2: memref<1024x128xf32, #tpu.memory_space<vmem>>, %arg3: memref<1024x128xf32, #tpu.memory_space<vmem>>, %arg4: memref<1024x128xf32, #tpu.memory_space<vmem>>) attributes {dimension_semantics = [#tpu.dimension_semantics<arbitrary>], iteration_bounds = array<i64: 10>, scalar_prefetch = 0 : i64, scratch_operands = 0 : i64, tpu.core_type = #tpu.core_type<tc>, window_params = [{transform_indices = @transform_0, window_bounds = array<i64: 2, 1024, 128>}, {transform_indices = @transform_1, window_bounds = array<i64: 1024, 128>}, {transform_indices = @transform_2, window_bounds = array<i64: 1024, 128>}, {transform_indices = @transform_3, window_bounds = array<i64: 1024, 128>}]} {
    %get3A = arith.constant 0 : index
    %get3A_0 = arith.constant 0 : index
    %get3A_1 = arith.constant 0 : index
    %get3A_2 = vector.load %arg1[%get3A, %get3A_0, %get3A_1] : memref<2x1024x128xf32, #tpu.memory_space<vmem>>, vector<1x1024x1xf32>
    %get3A_3 = vector.shape_cast %get3A_2 : vector<1x1024x1xf32> to vector<1024x1xf32>
    %get3A_4 = arith.constant 1 : index
    %get3A_5 = arith.constant 0 : index
    %get3A_6 = arith.constant 0 : index
    %get3A_7 = vector.load %arg1[%get3A_4, %get3A_5, %get3A_6] : memref<2x1024x128xf32, #tpu.memory_space<vmem>>, vector<1x1024x1xf32>
    %get3A_8 = vector.shape_cast %get3A_7 : vector<1x1024x1xf32> to vector<1024x1xf32>
    %add3A = arith.addf %get3A_3, %get3A_8 : vector<1024x1xf32>
    %max3A = arith.constant 1.000000e+00 : f32
    %max3A_9 = vector.broadcast %max3A : f32 to vector<1024x1xf32>
    %max3A_10 = arith.maximumf %add3A, %max3A_9 : vector<1024x1xf32>
    %rsqrt3A = math.rsqrt %max3A_10 : vector<1024x1xf32>
    %get3A_11 = arith.constant 0 : index
    %get3A_12 = arith.constant 0 : index
    %get3A_13 = vector.load %arg2[%get3A_11, %get3A_12] : memref<1024x128xf32, #tpu.memory_space<vmem>>, vector<1024x128xf32>
    %mul3A = vector.broadcast %rsqrt3A : vector<1024x1xf32> to vector<1024x128xf32>
    %mul3A_14 = arith.mulf %get3A_13, %mul3A : vector<1024x128xf32>
    %swap3A = arith.constant 0 : index
    %swap3A_15 = arith.constant 0 : index
    %swap3A_16 = vector.load %arg3[%swap3A, %swap3A_15] : memref<1024x128xf32, #tpu.memory_space<vmem>>, vector<1024x128xf32>
    tpu.vector_store %arg3[%swap3A, %swap3A_15], %mul3A_14 {strides = array<i32>} : memref<1024x128xf32, #tpu.memory_space<vmem>>, vector<1024x128xf32>,
    %broadcast_in_dim3A = vector.shape_cast %rsqrt3A : vector<1024x1xf32> to vector<1024x1xf32>
    %broadcast_in_dim3A_17 = vector.broadcast %broadcast_in_dim3A : vector<1024x1xf32> to vector<1024x128xf32>
    %swap3A_18 = arith.constant 0 : index
    %swap3A_19 = arith.constant 0 : index
    %swap3A_20 = vector.load %arg4[%swap3A_18, %swap3A_19] : memref<1024x128xf32, #tpu.memory_space<vmem>>, vector<1024x128xf32>
    tpu.vector_store %arg4[%swap3A_18, %swap3A_19], %broadcast_in_dim3A_17 {strides = array<i32>} : memref<1024x128xf32, #tpu.memory_space<vmem>>, vector<1024x128xf32>,
    return
  }
  func.func @transform_0(%arg0: i32) -> (i32, i32, i32) {
    %c0_i32 = arith.constant 0 : i32
    %c0_i32_0 = arith.constant 0 : i32
    %c0_i32_1 = arith.constant 0 : i32
    return %c0_i32, %arg0, %c0_i32_0 : i32, i32, i32
  }
  func.func @transform_1(%arg0: i32) -> (i32, i32) {
    %c0_i32 = arith.constant 0 : i32
    %c0_i32_0 = arith.constant 0 : i32
    return %arg0, %c0_i32 : i32, i32
  }
  func.func @transform_2(%arg0: i32) -> (i32, i32) {
    %c0_i32 = arith.constant 0 : i32
    %c0_i32_0 = arith.constant 0 : i32
    return %arg0, %c0_i32 : i32, i32
  }
  func.func @transform_3(%arg0: i32) -> (i32, i32) {
    %c0_i32 = arith.constant 0 : i32
    %c0_i32_0 = arith.constant 0 : i32
    return %arg0, %c0_i32 : i32, i32
  }
}

module attributes {stable_mosaic.version = 14 : i64} {
  func.func @_tcscale_body(%arg0: i32, %arg1: memref<1024x128xf32, #tpu.memory_space<vmem>>, %arg2: memref<2x1024x128xf32, #tpu.memory_space<vmem>>, %arg3: memref<1024x128xf32, #tpu.memory_space<vmem>>, %arg4: memref<1024x128xf32, #tpu.memory_space<vmem>>) attributes {dimension_semantics = [#tpu.dimension_semantics<arbitrary>], iteration_bounds = array<i64: 10>, scalar_prefetch = 0 : i64, scratch_operands = 0 : i64, tpu.core_type = #tpu.core_type<tc>, window_params = [{transform_indices = @transform_0, window_bounds = array<i64: 1024, 128>}, {transform_indices = @transform_1, window_bounds = array<i64: 2, 1024, 128>}, {transform_indices = @transform_2, window_bounds = array<i64: 1024, 128>}, {transform_indices = @transform_3, window_bounds = array<i64: 1024, 128>}]} {
    %get3A = arith.constant 0 : index
    %get3A_0 = arith.constant 0 : index
    %get3A_1 = vector.load %arg1[%get3A, %get3A_0] : memref<1024x128xf32, #tpu.memory_space<vmem>>, vector<1024x128xf32>
    %get3A_2 = arith.constant 0 : index
    %get3A_3 = arith.constant 0 : index
    %get3A_4 = arith.constant 0 : index
    %get3A_5 = vector.load %arg2[%get3A_2, %get3A_3, %get3A_4] : memref<2x1024x128xf32, #tpu.memory_space<vmem>>, vector<1x1024x128xf32>
    %get3A_6 = vector.shape_cast %get3A_5 : vector<1x1024x128xf32> to vector<1024x128xf32>
    %get3A_7 = arith.constant 1 : index
    %get3A_8 = arith.constant 0 : index
    %get3A_9 = arith.constant 0 : index
    %get3A_10 = vector.load %arg2[%get3A_7, %get3A_8, %get3A_9] : memref<2x1024x128xf32, #tpu.memory_space<vmem>>, vector<1x1024x128xf32>
    %get3A_11 = vector.shape_cast %get3A_10 : vector<1x1024x128xf32> to vector<1024x128xf32>
    %add3A = arith.addf %get3A_6, %get3A_11 : vector<1024x128xf32>
    %mul3A = arith.mulf %add3A, %get3A_1 : vector<1024x128xf32>
    %swap3A = arith.constant 0 : index
    %swap3A_12 = arith.constant 0 : index
    %swap3A_13 = vector.load %arg3[%swap3A, %swap3A_12] : memref<1024x128xf32, #tpu.memory_space<vmem>>, vector<1024x128xf32>
    tpu.vector_store %arg3[%swap3A, %swap3A_12], %mul3A {strides = array<i32>} : memref<1024x128xf32, #tpu.memory_space<vmem>>, vector<1024x128xf32>,
    %mul3A_14 = arith.mulf %mul3A, %get3A_1 : vector<1024x128xf32>
    %swap3A_15 = arith.constant 0 : index
    %swap3A_16 = arith.constant 0 : index
    %swap3A_17 = vector.load %arg4[%swap3A_15, %swap3A_16] : memref<1024x128xf32, #tpu.memory_space<vmem>>, vector<1024x128xf32>
    tpu.vector_store %arg4[%swap3A_15, %swap3A_16], %mul3A_14 {strides = array<i32>} : memref<1024x128xf32, #tpu.memory_space<vmem>>, vector<1024x128xf32>,
    return
  }
  func.func @transform_0(%arg0: i32) -> (i32, i32) {
    %c0_i32 = arith.constant 0 : i32
    %c0_i32_0 = arith.constant 0 : i32
    return %arg0, %c0_i32 : i32, i32
  }
  func.func @transform_1(%arg0: i32) -> (i32, i32, i32) {
    %c0_i32 = arith.constant 0 : i32
    %c0_i32_0 = arith.constant 0 : i32
    %c0_i32_1 = arith.constant 0 : i32
    return %c0_i32, %arg0, %c0_i32_0 : i32, i32, i32
  }
  func.func @transform_2(%arg0: i32) -> (i32, i32) {
    %c0_i32 = arith.constant 0 : i32
    %c0_i32_0 = arith.constant 0 : i32
    return %arg0, %c0_i32 : i32, i32
  }
  func.func @transform_3(%arg0: i32) -> (i32, i32) {
    %c0_i32 = arith.constant 0 : i32
    %c0_i32_0 = arith.constant 0 : i32
    return %arg0, %c0_i32 : i32, i32
  }
}

module attributes {stable_mosaic.version = 14 : i64} {
  func.func @_tcpre_body(%arg0: i32, %arg1: memref<1024x128xf32, #tpu.memory_space<vmem>>, %arg2: memref<1024x128xf32, #tpu.memory_space<vmem>>, %arg3: memref<384x128xf32, #tpu.memory_space<vmem>>, %arg4: memref<1x128xf32, #tpu.memory_space<vmem>>, %arg5: memref<1024x128xf32, #tpu.memory_space<vmem>>) attributes {dimension_semantics = [#tpu.dimension_semantics<arbitrary>], iteration_bounds = array<i64: 10>, scalar_prefetch = 0 : i64, scratch_operands = 0 : i64, tpu.core_type = #tpu.core_type<tc>, window_params = [{transform_indices = @transform_0, window_bounds = array<i64: 1024, 128>}, {transform_indices = @transform_1, window_bounds = array<i64: 1024, 128>}, {pipeline_mode = #tpu.pipeline_mode<synchronous>, transform_indices = @transform_2, window_bounds = array<i64: 384, 128>}, {pipeline_mode = #tpu.pipeline_mode<synchronous>, transform_indices = @transform_3, window_bounds = array<i64: 1, 128>}, {transform_indices = @transform_4, window_bounds = array<i64: 1024, 128>}]} {
    %get3A = arith.constant 0 : index
    %get3A_0 = arith.constant 0 : index
    %get3A_1 = vector.load %arg3[%get3A, %get3A_0] : memref<384x128xf32, #tpu.memory_space<vmem>>, vector<384x128xf32>
    %get3A_2 = arith.constant 0 : index
    %get3A_3 = arith.constant 0 : index
    %get3A_4 = vector.load %arg1[%get3A_2, %get3A_3] : memref<1024x128xf32, #tpu.memory_space<vmem>>, vector<1024x128xf32>
    %slice3A = vector.extract_strided_slice %get3A_1 {offsets = [0, 0], sizes = [128, 128], strides = [1, 1]} : vector<384x128xf32> to vector<128x128xf32>
    %dot_general3A = arith.constant dense<0.000000e+00> : vector<1024x128xf32>
    %dot_general3A_5 = tpu.matmul %get3A_4, %slice3A, %dot_general3A {dimension_numbers = #tpu.dot_dimension_numbers<[1], [0], [0], [1], [0, 0, 1, 1], [], []>, precision = #tpu.contract_precision<fp32>, transpose_lhs_hint = false} : vector<1024x128xf32>, vector<128x128xf32>, vector<1024x128xf32> -> vector<1024x128xf32>
    %get3A_6 = arith.constant 0 : index
    %get3A_7 = arith.constant 0 : index
    %get3A_8 = vector.load %arg2[%get3A_6, %get3A_7] : memref<1024x128xf32, #tpu.memory_space<vmem>>, vector<1024x128xf32>
    %slice3A_9 = vector.extract_strided_slice %get3A_1 {offsets = [128, 0], sizes = [128, 128], strides = [1, 1]} : vector<384x128xf32> to vector<128x128xf32>
    %dot_general3A_10 = arith.constant dense<0.000000e+00> : vector<1024x128xf32>
    %dot_general3A_11 = tpu.matmul %get3A_8, %slice3A_9, %dot_general3A_10 {dimension_numbers = #tpu.dot_dimension_numbers<[1], [0], [0], [1], [0, 0, 1, 1], [], []>, precision = #tpu.contract_precision<fp32>, transpose_lhs_hint = false} : vector<1024x128xf32>, vector<128x128xf32>, vector<1024x128xf32> -> vector<1024x128xf32>
    %add3A = arith.addf %dot_general3A_5, %dot_general3A_11 : vector<1024x128xf32>
    %get3A_12 = arith.constant 0 : index
    %get3A_13 = arith.constant 0 : index
    %get3A_14 = vector.load %arg4[%get3A_12, %get3A_13] : memref<1x128xf32, #tpu.memory_space<vmem>>, vector<1x128xf32>
    %add3A_15 = vector.broadcast %get3A_14 : vector<1x128xf32> to vector<1024x128xf32>
    %add3A_16 = arith.addf %add3A, %add3A_15 : vector<1024x128xf32>
    %swap3A = arith.constant 0 : index
    %swap3A_17 = arith.constant 0 : index
    %swap3A_18 = vector.load %arg5[%swap3A, %swap3A_17] : memref<1024x128xf32, #tpu.memory_space<vmem>>, vector<1024x128xf32>
    tpu.vector_store %arg5[%swap3A, %swap3A_17], %add3A_16 {strides = array<i32>} : memref<1024x128xf32, #tpu.memory_space<vmem>>, vector<1024x128xf32>,
    return
  }
  func.func @transform_0(%arg0: i32) -> (i32, i32) {
    %c0_i32 = arith.constant 0 : i32
    %c0_i32_0 = arith.constant 0 : i32
    return %arg0, %c0_i32 : i32, i32
  }
  func.func @transform_1(%arg0: i32) -> (i32, i32) {
    %c0_i32 = arith.constant 0 : i32
    %c0_i32_0 = arith.constant 0 : i32
    return %arg0, %c0_i32 : i32, i32
  }
  func.func @transform_2(%arg0: i32) -> (i32, i32) {
    %c0_i32 = arith.constant 0 : i32
    %c0_i32_0 = arith.constant 0 : i32
    %c0_i32_1 = arith.constant 0 : i32
    return %c0_i32, %c0_i32_0 : i32, i32
  }
  func.func @transform_3(%arg0: i32) -> (i32, i32) {
    %c0_i32 = arith.constant 0 : i32
    %c0_i32_0 = arith.constant 0 : i32
    %c0_i32_1 = arith.constant 0 : i32
    return %c0_i32, %c0_i32_0 : i32, i32
  }
  func.func @transform_4(%arg0: i32) -> (i32, i32) {
    %c0_i32 = arith.constant 0 : i32
    %c0_i32_0 = arith.constant 0 : i32
    return %arg0, %c0_i32 : i32, i32
  }
}

module attributes {stable_mosaic.version = 14 : i64} {
  func.func @_tcconv_body(%arg0: i32, %arg1: memref<1024x128xf32, #tpu.memory_space<vmem>>, %arg2: memref<2x1024x128xf32, #tpu.memory_space<vmem>>, %arg3: memref<1024x128xf32, #tpu.memory_space<vmem>>, %arg4: memref<384x128xf32, #tpu.memory_space<vmem>>, %arg5: memref<1024x128xf32, #tpu.memory_space<vmem>>, %arg6: memref<1024x128xf32, #tpu.memory_space<vmem>>) attributes {dimension_semantics = [#tpu.dimension_semantics<arbitrary>], iteration_bounds = array<i64: 10>, scalar_prefetch = 0 : i64, scratch_operands = 0 : i64, tpu.core_type = #tpu.core_type<tc>, window_params = [{transform_indices = @transform_0, window_bounds = array<i64: 1024, 128>}, {transform_indices = @transform_1, window_bounds = array<i64: 2, 1024, 128>}, {transform_indices = @transform_2, window_bounds = array<i64: 1024, 128>}, {pipeline_mode = #tpu.pipeline_mode<synchronous>, transform_indices = @transform_3, window_bounds = array<i64: 384, 128>}, {transform_indices = @transform_4, window_bounds = array<i64: 1024, 128>}, {transform_indices = @transform_5, window_bounds = array<i64: 1024, 128>}]} {
    %get3A = arith.constant 0 : index
    %get3A_0 = arith.constant 0 : index
    %get3A_1 = vector.load %arg1[%get3A, %get3A_0] : memref<1024x128xf32, #tpu.memory_space<vmem>>, vector<1024x128xf32>
    %get3A_2 = arith.constant 0 : index
    %get3A_3 = arith.constant 0 : index
    %get3A_4 = arith.constant 0 : index
    %get3A_5 = vector.load %arg2[%get3A_2, %get3A_3, %get3A_4] : memref<2x1024x128xf32, #tpu.memory_space<vmem>>, vector<1x1024x128xf32>
    %get3A_6 = vector.shape_cast %get3A_5 : vector<1x1024x128xf32> to vector<1024x128xf32>
    %get3A_7 = arith.constant 1 : index
    %get3A_8 = arith.constant 0 : index
    %get3A_9 = arith.constant 0 : index
    %get3A_10 = vector.load %arg2[%get3A_7, %get3A_8, %get3A_9] : memref<2x1024x128xf32, #tpu.memory_space<vmem>>, vector<1x1024x128xf32>
    %get3A_11 = vector.shape_cast %get3A_10 : vector<1x1024x128xf32> to vector<1024x128xf32>
    %add3A = arith.addf %get3A_6, %get3A_11 : vector<1024x128xf32>
    %mul3A = arith.mulf %add3A, %get3A_1 : vector<1024x128xf32>
    %get3A_12 = arith.constant 0 : index
    %get3A_13 = arith.constant 0 : index
    %get3A_14 = vector.load %arg3[%get3A_12, %get3A_13] : memref<1024x128xf32, #tpu.memory_space<vmem>>, vector<1024x128xf32>
    %get3A_15 = arith.constant 256 : index
    %get3A_16 = arith.constant 0 : index
    %get3A_17 = vector.load %arg4[%get3A_15, %get3A_16] : memref<384x128xf32, #tpu.memory_space<vmem>>, vector<128x128xf32>
    %dot_general3A = arith.constant dense<0.000000e+00> : vector<1024x128xf32>
    %dot_general3A_18 = tpu.matmul %mul3A, %get3A_17, %dot_general3A {dimension_numbers = #tpu.dot_dimension_numbers<[1], [0], [0], [1], [0, 0, 1, 1], [], []>, precision = #tpu.contract_precision<fp32>, transpose_lhs_hint = false} : vector<1024x128xf32>, vector<128x128xf32>, vector<1024x128xf32> -> vector<1024x128xf32>
    %add3A_19 = arith.addf %get3A_14, %dot_general3A_18 : vector<1024x128xf32>
    %max3A = arith.constant 0.000000e+00 : f32
    %max3A_20 = vector.broadcast %max3A : f32 to vector<1024x128xf32>
    %max3A_21 = arith.maximumf %add3A_19, %max3A_20 : vector<1024x128xf32>
    %iota3A = tpu.iota {dimensions = array<i32: 0>} : vector<1024x1xi32>
    %mul3A_22 = arith.constant 1024 : i32
    %mul3A_23 = arith.muli %arg0, %mul3A_22 : i32
    %add3A_24 = vector.broadcast %mul3A_23 : i32 to vector<1024x1xi32>
    %add3A_25 = arith.addi %iota3A, %add3A_24 : vector<1024x1xi32>
    %lt3A = arith.constant 10000 : i32
    %lt3A_26 = vector.broadcast %lt3A : i32 to vector<1024x1xi32>
    %lt3A_27 = arith.cmpi slt, %add3A_25, %lt3A_26 : vector<1024x1xi32>
    %jit3A = arith.constant 0.000000e+00 : f32
    %broadcast_in_dim3A = vector.shape_cast %lt3A_27 : vector<1024x1xi1> to vector<1024x1xi1>
    %broadcast_in_dim3A_28 = vector.broadcast %broadcast_in_dim3A : vector<1024x1xi1> to vector<1024x128xi1>
    %broadcast_in_dim3A_29 = vector.broadcast %jit3A : f32 to vector<1024x128xf32>
    %select_n3A = arith.select %broadcast_in_dim3A_28, %max3A_21, %broadcast_in_dim3A_29 : vector<1024x128xi1>, vector<1024x128xf32>
    %swap3A = arith.constant 0 : index
    %swap3A_30 = arith.constant 0 : index
    %swap3A_31 = vector.load %arg5[%swap3A, %swap3A_30] : memref<1024x128xf32, #tpu.memory_space<vmem>>, vector<1024x128xf32>
    tpu.vector_store %arg5[%swap3A, %swap3A_30], %select_n3A {strides = array<i32>} : memref<1024x128xf32, #tpu.memory_space<vmem>>, vector<1024x128xf32>,
    %mul3A_32 = arith.mulf %select_n3A, %get3A_1 : vector<1024x128xf32>
    %swap3A_33 = arith.constant 0 : index
    %swap3A_34 = arith.constant 0 : index
    %swap3A_35 = vector.load %arg6[%swap3A_33, %swap3A_34] : memref<1024x128xf32, #tpu.memory_space<vmem>>, vector<1024x128xf32>
    tpu.vector_store %arg6[%swap3A_33, %swap3A_34], %mul3A_32 {strides = array<i32>} : memref<1024x128xf32, #tpu.memory_space<vmem>>, vector<1024x128xf32>,
    return
  }
  func.func @transform_0(%arg0: i32) -> (i32, i32) {
    %c0_i32 = arith.constant 0 : i32
    %c0_i32_0 = arith.constant 0 : i32
    return %arg0, %c0_i32 : i32, i32
  }
  func.func @transform_1(%arg0: i32) -> (i32, i32, i32) {
    %c0_i32 = arith.constant 0 : i32
    %c0_i32_0 = arith.constant 0 : i32
    %c0_i32_1 = arith.constant 0 : i32
    return %c0_i32, %arg0, %c0_i32_0 : i32, i32, i32
  }
  func.func @transform_2(%arg0: i32) -> (i32, i32) {
    %c0_i32 = arith.constant 0 : i32
    %c0_i32_0 = arith.constant 0 : i32
    return %arg0, %c0_i32 : i32, i32
  }
  func.func @transform_3(%arg0: i32) -> (i32, i32) {
    %c0_i32 = arith.constant 0 : i32
    %c0_i32_0 = arith.constant 0 : i32
    %c0_i32_1 = arith.constant 0 : i32
    return %c0_i32, %c0_i32_0 : i32, i32
  }
  func.func @transform_4(%arg0: i32) -> (i32, i32) {
    %c0_i32 = arith.constant 0 : i32
    %c0_i32_0 = arith.constant 0 : i32
    return %arg0, %c0_i32 : i32, i32
  }
  func.func @transform_5(%arg0: i32) -> (i32, i32) {
    %c0_i32 = arith.constant 0 : i32
    %c0_i32_0 = arith.constant 0 : i32
    return %arg0, %c0_i32 : i32, i32
  }
}

module attributes {stable_mosaic.version = 14 : i64} {
  func.func @_tcfinal_body(%arg0: i32, %arg1: memref<1024x128xf32, #tpu.memory_space<vmem>>, %arg2: memref<2x1024x128xf32, #tpu.memory_space<vmem>>, %arg3: memref<1024x128xf32, #tpu.memory_space<vmem>>, %arg4: memref<384x128xf32, #tpu.memory_space<vmem>>, %arg5: memref<128x128xf32, #tpu.memory_space<vmem>>, %arg6: memref<1x128xf32, #tpu.memory_space<vmem>>, %arg7: memref<128x128xf32, #tpu.memory_space<vmem>>, %arg8: memref<1x128xf32, #tpu.memory_space<vmem>>, %arg9: memref<128x128xf32, #tpu.memory_space<vmem>>, %arg10: memref<1x128xf32, #tpu.memory_space<vmem>>, %arg11: memref<128x128xf32, #tpu.memory_space<vmem>>, %arg12: memref<1x128xf32, #tpu.memory_space<vmem>>, %arg13: memref<128x128xf32, #tpu.memory_space<vmem>>, %arg14: memref<1x128xf32, #tpu.memory_space<vmem>>, %arg15: memref<128x128xf32, #tpu.memory_space<vmem>>, %arg16: memref<1x128xf32, #tpu.memory_space<vmem>>, %arg17: memref<128x128xf32, #tpu.memory_space<vmem>>, %arg18: memref<1x128xf32, #tpu.memory_space<vmem>>, %arg19: memref<1x128xf32, #tpu.memory_space<vmem>>, %arg20: memref<1x128xf32, #tpu.memory_space<vmem>>, %arg21: memref<1x128xf32, #tpu.memory_space<vmem>>, %arg22: memref<1x128xf32, #tpu.memory_space<vmem>>, %arg23: memref<1x128xf32, #tpu.memory_space<vmem>>, %arg24: memref<1x128xf32, #tpu.memory_space<vmem>>) attributes {dimension_semantics = [#tpu.dimension_semantics<arbitrary>], iteration_bounds = array<i64: 10>, scalar_prefetch = 0 : i64, scratch_operands = 0 : i64, tpu.core_type = #tpu.core_type<tc>, window_params = [{transform_indices = @transform_0, window_bounds = array<i64: 1024, 128>}, {transform_indices = @transform_1, window_bounds = array<i64: 2, 1024, 128>}, {transform_indices = @transform_2, window_bounds = array<i64: 1024, 128>}, {pipeline_mode = #tpu.pipeline_mode<synchronous>, transform_indices = @transform_3, window_bounds = array<i64: 384, 128>}, {pipeline_mode = #tpu.pipeline_mode<synchronous>, transform_indices = @transform_4, window_bounds = array<i64: 128, 128>}, {pipeline_mode = #tpu.pipeline_mode<synchronous>, transform_indices = @transform_5, window_bounds = array<i64: 1, 128>}, {pipeline_mode = #tpu.pipeline_mode<synchronous>, transform_indices = @transform_6, window_bounds = array<i64: 128, 128>}, {pipeline_mode = #tpu.pipeline_mode<synchronous>, transform_indices = @transform_7, window_bounds = array<i64: 1, 128>}, {pipeline_mode = #tpu.pipeline_mode<synchronous>, transform_indices = @transform_8, window_bounds = array<i64: 128, 128>}, {pipeline_mode = #tpu.pipeline_mode<synchronous>, transform_indices = @transform_9, window_bounds = array<i64: 1, 128>}, {pipeline_mode = #tpu.pipeline_mode<synchronous>, transform_indices = @transform_10, window_bounds = array<i64: 128, 128>}, {pipeline_mode = #tpu.pipeline_mode<synchronous>, transform_indices = @transform_11, window_bounds = array<i64: 1, 128>}, {pipeline_mode = #tpu.pipeline_mode<synchronous>, transform_indices = @transform_12, window_bounds = array<i64: 128, 128>}, {pipeline_mode = #tpu.pipeline_mode<synchronous>, transform_indices = @transform_13, window_bounds = array<i64: 1, 128>}, {pipeline_mode = #tpu.pipeline_mode<synchronous>, transform_indices = @transform_14, window_bounds = array<i64: 128, 128>}, {pipeline_mode = #tpu.pipeline_mode<synchronous>, transform_indices = @transform_15, window_bounds = array<i64: 1, 128>}, {pipeline_mode = #tpu.pipeline_mode<synchronous>, transform_indices = @transform_16, window_bounds = array<i64: 128, 128>}, {pipeline_mode = #tpu.pipeline_mode<synchronous>, transform_indices = @transform_17, window_bounds = array<i64: 1, 128>}, {pipeline_mode = #tpu.pipeline_mode<synchronous>, transform_indices = @transform_18, window_bounds = array<i64: 1, 128>}, {pipeline_mode = #tpu.pipeline_mode<synchronous>, transform_indices = @transform_19, window_bounds = array<i64: 1, 128>}, {pipeline_mode = #tpu.pipeline_mode<synchronous>, transform_indices = @transform_20, window_bounds = array<i64: 1, 128>}, {pipeline_mode = #tpu.pipeline_mode<synchronous>, transform_indices = @transform_21, window_bounds = array<i64: 1, 128>}, {pipeline_mode = #tpu.pipeline_mode<synchronous>, transform_indices = @transform_22, window_bounds = array<i64: 1, 128>}, {pipeline_mode = #tpu.pipeline_mode<synchronous>, transform_indices = @transform_23, window_bounds = array<i64: 1, 128>}]} {
    %get3A = arith.constant 0 : index
    %get3A_0 = arith.constant 0 : index
    %get3A_1 = vector.load %arg1[%get3A, %get3A_0] : memref<1024x128xf32, #tpu.memory_space<vmem>>, vector<1024x128xf32>
    %get3A_2 = arith.constant 0 : index
    %get3A_3 = arith.constant 0 : index
    %get3A_4 = arith.constant 0 : index
    %get3A_5 = vector.load %arg2[%get3A_2, %get3A_3, %get3A_4] : memref<2x1024x128xf32, #tpu.memory_space<vmem>>, vector<1x1024x128xf32>
    %get3A_6 = vector.shape_cast %get3A_5 : vector<1x1024x128xf32> to vector<1024x128xf32>
    %get3A_7 = arith.constant 1 : index
    %get3A_8 = arith.constant 0 : index
    %get3A_9 = arith.constant 0 : index
    %get3A_10 = vector.load %arg2[%get3A_7, %get3A_8, %get3A_9] : memref<2x1024x128xf32, #tpu.memory_space<vmem>>, vector<1x1024x128xf32>
    %get3A_11 = vector.shape_cast %get3A_10 : vector<1x1024x128xf32> to vector<1024x128xf32>
    %add3A = arith.addf %get3A_6, %get3A_11 : vector<1024x128xf32>
    %mul3A = arith.mulf %add3A, %get3A_1 : vector<1024x128xf32>
    %get3A_12 = arith.constant 0 : index
    %get3A_13 = arith.constant 0 : index
    %get3A_14 = vector.load %arg3[%get3A_12, %get3A_13] : memref<1024x128xf32, #tpu.memory_space<vmem>>, vector<1024x128xf32>
    %get3A_15 = arith.constant 256 : index
    %get3A_16 = arith.constant 0 : index
    %get3A_17 = vector.load %arg4[%get3A_15, %get3A_16] : memref<384x128xf32, #tpu.memory_space<vmem>>, vector<128x128xf32>
    %dot_general3A = arith.constant dense<0.000000e+00> : vector<1024x128xf32>
    %dot_general3A_18 = tpu.matmul %mul3A, %get3A_17, %dot_general3A {dimension_numbers = #tpu.dot_dimension_numbers<[1], [0], [0], [1], [0, 0, 1, 1], [], []>, precision = #tpu.contract_precision<fp32>, transpose_lhs_hint = false} : vector<1024x128xf32>, vector<128x128xf32>, vector<1024x128xf32> -> vector<1024x128xf32>
    %add3A_19 = arith.addf %get3A_14, %dot_general3A_18 : vector<1024x128xf32>
    %max3A = arith.constant 0.000000e+00 : f32
    %max3A_20 = vector.broadcast %max3A : f32 to vector<1024x128xf32>
    %max3A_21 = arith.maximumf %add3A_19, %max3A_20 : vector<1024x128xf32>
    %get3A_22 = arith.constant 0 : index
    %get3A_23 = arith.constant 0 : index
    %get3A_24 = vector.load %arg5[%get3A_22, %get3A_23] : memref<128x128xf32, #tpu.memory_space<vmem>>, vector<128x128xf32>
    %dot_general3A_25 = arith.constant dense<0.000000e+00> : vector<1024x128xf32>
    %dot_general3A_26 = tpu.matmul %max3A_21, %get3A_24, %dot_general3A_25 {dimension_numbers = #tpu.dot_dimension_numbers<[1], [0], [0], [1], [0, 0, 1, 1], [], []>, precision = #tpu.contract_precision<fp32>, transpose_lhs_hint = false} : vector<1024x128xf32>, vector<128x128xf32>, vector<1024x128xf32> -> vector<1024x128xf32>
    %get3A_27 = arith.constant 0 : index
    %get3A_28 = arith.constant 0 : index
    %get3A_29 = vector.load %arg6[%get3A_27, %get3A_28] : memref<1x128xf32, #tpu.memory_space<vmem>>, vector<1x128xf32>
    %add3A_30 = vector.broadcast %get3A_29 : vector<1x128xf32> to vector<1024x128xf32>
    %add3A_31 = arith.addf %dot_general3A_26, %add3A_30 : vector<1024x128xf32>
    %iota3A = tpu.iota {dimensions = array<i32: 0>} : vector<1024x1xi32>
    %mul3A_32 = arith.constant 1024 : i32
    %mul3A_33 = arith.muli %arg0, %mul3A_32 : i32
    %add3A_34 = vector.broadcast %mul3A_33 : i32 to vector<1024x1xi32>
    %add3A_35 = arith.addi %iota3A, %add3A_34 : vector<1024x1xi32>
    %lt3A = arith.constant 10000 : i32
    %lt3A_36 = vector.broadcast %lt3A : i32 to vector<1024x1xi32>
    %lt3A_37 = arith.cmpi slt, %add3A_35, %lt3A_36 : vector<1024x1xi32>
    %jit3A = arith.constant 0.000000e+00 : f32
    %broadcast_in_dim3A = vector.shape_cast %lt3A_37 : vector<1024x1xi1> to vector<1024x1xi1>
    %broadcast_in_dim3A_38 = vector.broadcast %broadcast_in_dim3A : vector<1024x1xi1> to vector<1024x128xi1>
    %broadcast_in_dim3A_39 = vector.broadcast %jit3A : f32 to vector<1024x128xf32>
    %select_n3A = arith.select %broadcast_in_dim3A_38, %add3A_31, %broadcast_in_dim3A_39 : vector<1024x128xi1>, vector<1024x128xf32>
    %eq3A = arith.constant 0 : i32
    %eq3A_40 = arith.cmpi eq, %arg0, %eq3A : i32
    %convert_element_type3A = arith.extui %eq3A_40 : i1 to i32
    %cond3A = arith.constant 0 : i32
    %cond3A_41 = arith.cmpi ne, %convert_element_type3A, %cond3A : i32
    scf.if %cond3A_41 {
      %broadcast_in_dim3A_55 = arith.constant 0.000000e+00 : f32
      %broadcast_in_dim3A_56 = vector.broadcast %broadcast_in_dim3A_55 : f32 to vector<1x128xf32>
      %swap3A_57 = arith.constant 0 : index
      %swap3A_58 = arith.constant 0 : index
      %swap3A_59 = vector.load %arg21[%swap3A_57, %swap3A_58] : memref<1x128xf32, #tpu.memory_space<vmem>>, vector<1x128xf32>
      tpu.vector_store %arg21[%swap3A_57, %swap3A_58], %broadcast_in_dim3A_56 {strides = array<i32>} : memref<1x128xf32, #tpu.memory_space<vmem>>, vector<1x128xf32>,
    } else {
    }
    %get3A_42 = arith.constant 0 : index
    %get3A_43 = arith.constant 0 : index
    %get3A_44 = vector.load %arg21[%get3A_42, %get3A_43] : memref<1x128xf32, #tpu.memory_space<vmem>>, vector<1x128xf32>
    %reduce_sum3A = arith.constant dense<0.000000e+00> : vector<128xf32>
    %reduce_sum3A_45 = vector.multi_reduction <add>, %select_n3A, %reduce_sum3A [0] : vector<1024x128xf32> to vector<128xf32>
    %broadcast_in_dim3A_46 = vector.shape_cast %reduce_sum3A_45 : vector<128xf32> to vector<1x128xf32>
    %add3A_47 = arith.addf %get3A_44, %broadcast_in_dim3A_46 : vector<1x128xf32>
    %swap3A = arith.constant 0 : index
    %swap3A_48 = arith.constant 0 : index
    %swap3A_49 = vector.load %arg21[%swap3A, %swap3A_48] : memref<1x128xf32, #tpu.memory_space<vmem>>, vector<1x128xf32>
    tpu.vector_store %arg21[%swap3A, %swap3A_48], %add3A_47 {strides = array<i32>} : memref<1x128xf32, #tpu.memory_space<vmem>>, vector<1x128xf32>,
    %eq3A_50 = arith.constant 9 : i32
    %eq3A_51 = arith.cmpi eq, %arg0, %eq3A_50 : i32
    %convert_element_type3A_52 = arith.extui %eq3A_51 : i1 to i32
    %cond3A_53 = arith.constant 0 : i32
    %cond3A_54 = arith.cmpi ne, %convert_element_type3A_52, %cond3A_53 : i32
    scf.if %cond3A_54 {
      %get3A_55 = arith.constant 0 : index
      %get3A_56 = arith.constant 0 : index
      %get3A_57 = vector.load %arg21[%get3A_55, %get3A_56] : memref<1x128xf32, #tpu.memory_space<vmem>>, vector<1x128xf32>
      %mul3A_58 = arith.constant 9.99999974E-5 : f32
      %mul3A_59 = vector.broadcast %mul3A_58 : f32 to vector<1x128xf32>
      %mul3A_60 = arith.mulf %get3A_57, %mul3A_59 : vector<1x128xf32>
      %get3A_61 = arith.constant 0 : index
      %get3A_62 = arith.constant 0 : index
      %get3A_63 = vector.load %arg7[%get3A_61, %get3A_62] : memref<128x128xf32, #tpu.memory_space<vmem>>, vector<128x128xf32>
      %dot_general3A_64 = arith.constant dense<0.000000e+00> : vector<1x128xf32>
      %dot_general3A_65 = tpu.matmul %mul3A_60, %get3A_63, %dot_general3A_64 {dimension_numbers = #tpu.dot_dimension_numbers<[1], [0], [0], [1], [0, 0, 1, 1], [], []>, precision = #tpu.contract_precision<fp32>, transpose_lhs_hint = false} : vector<1x128xf32>, vector<128x128xf32>, vector<1x128xf32> -> vector<1x128xf32>
      %get3A_66 = arith.constant 0 : index
      %get3A_67 = arith.constant 0 : index
      %get3A_68 = vector.load %arg8[%get3A_66, %get3A_67] : memref<1x128xf32, #tpu.memory_space<vmem>>, vector<1x128xf32>
      %add3A_69 = arith.addf %dot_general3A_65, %get3A_68 : vector<1x128xf32>
      %max3A_70 = arith.constant 0.000000e+00 : f32
      %max3A_71 = vector.broadcast %max3A_70 : f32 to vector<1x128xf32>
      %max3A_72 = arith.maximumf %add3A_69, %max3A_71 : vector<1x128xf32>
      %get3A_73 = arith.constant 0 : index
      %get3A_74 = arith.constant 0 : index
      %get3A_75 = vector.load %arg9[%get3A_73, %get3A_74] : memref<128x128xf32, #tpu.memory_space<vmem>>, vector<128x128xf32>
      %dot_general3A_76 = arith.constant dense<0.000000e+00> : vector<1x128xf32>
      %dot_general3A_77 = tpu.matmul %max3A_72, %get3A_75, %dot_general3A_76 {dimension_numbers = #tpu.dot_dimension_numbers<[1], [0], [0], [1], [0, 0, 1, 1], [], []>, precision = #tpu.contract_precision<fp32>, transpose_lhs_hint = false} : vector<1x128xf32>, vector<128x128xf32>, vector<1x128xf32> -> vector<1x128xf32>
      %get3A_78 = arith.constant 0 : index
      %get3A_79 = arith.constant 0 : index
      %get3A_80 = vector.load %arg10[%get3A_78, %get3A_79] : memref<1x128xf32, #tpu.memory_space<vmem>>, vector<1x128xf32>
      %add3A_81 = arith.addf %dot_general3A_77, %get3A_80 : vector<1x128xf32>
      %get3A_82 = arith.constant 0 : index
      %get3A_83 = arith.constant 0 : index
      %get3A_84 = vector.load %arg11[%get3A_82, %get3A_83] : memref<128x128xf32, #tpu.memory_space<vmem>>, vector<128x128xf32>
      %dot_general3A_85 = arith.constant dense<0.000000e+00> : vector<1x128xf32>
      %dot_general3A_86 = tpu.matmul %max3A_72, %get3A_84, %dot_general3A_85 {dimension_numbers = #tpu.dot_dimension_numbers<[1], [0], [0], [1], [0, 0, 1, 1], [], []>, precision = #tpu.contract_precision<fp32>, transpose_lhs_hint = false} : vector<1x128xf32>, vector<128x128xf32>, vector<1x128xf32> -> vector<1x128xf32>
      %get3A_87 = arith.constant 0 : index
      %get3A_88 = arith.constant 0 : index
      %get3A_89 = vector.load %arg12[%get3A_87, %get3A_88] : memref<1x128xf32, #tpu.memory_space<vmem>>, vector<1x128xf32>
      %add3A_90 = arith.addf %dot_general3A_86, %get3A_89 : vector<1x128xf32>
      %get3A_91 = arith.constant 0 : index
      %get3A_92 = arith.constant 0 : index
      %get3A_93 = vector.load %arg19[%get3A_91, %get3A_92] : memref<1x128xf32, #tpu.memory_space<vmem>>, vector<1x128xf32>
      %mul3A_94 = arith.constant 5.000000e-01 : f32
      %mul3A_95 = vector.broadcast %mul3A_94 : f32 to vector<1x128xf32>
      %mul3A_96 = arith.mulf %mul3A_95, %add3A_90 : vector<1x128xf32>
      %exp3A = math.exp %mul3A_96 : vector<1x128xf32>
      %mul3A_97 = arith.mulf %get3A_93, %exp3A : vector<1x128xf32>
      %add3A_98 = arith.addf %add3A_81, %mul3A_97 : vector<1x128xf32>
      %get3A_99 = arith.constant 0 : index
      %get3A_100 = arith.constant 0 : index
      %get3A_101 = vector.load %arg13[%get3A_99, %get3A_100] : memref<128x128xf32, #tpu.memory_space<vmem>>, vector<128x128xf32>
      %dot_general3A_102 = arith.constant dense<0.000000e+00> : vector<1x128xf32>
      %dot_general3A_103 = tpu.matmul %add3A_98, %get3A_101, %dot_general3A_102 {dimension_numbers = #tpu.dot_dimension_numbers<[1], [0], [0], [1], [0, 0, 1, 1], [], []>, precision = #tpu.contract_precision<fp32>, transpose_lhs_hint = false} : vector<1x128xf32>, vector<128x128xf32>, vector<1x128xf32> -> vector<1x128xf32>
      %get3A_104 = arith.constant 0 : index
      %get3A_105 = arith.constant 0 : index
      %get3A_106 = vector.load %arg14[%get3A_104, %get3A_105] : memref<1x128xf32, #tpu.memory_space<vmem>>, vector<1x128xf32>
      %add3A_107 = arith.addf %dot_general3A_103, %get3A_106 : vector<1x128xf32>
      %max3A_108 = arith.constant 0.000000e+00 : f32
      %max3A_109 = vector.broadcast %max3A_108 : f32 to vector<1x128xf32>
      %max3A_110 = arith.maximumf %add3A_107, %max3A_109 : vector<1x128xf32>
      %get3A_111 = arith.constant 0 : index
      %get3A_112 = arith.constant 0 : index
      %get3A_113 = vector.load %arg15[%get3A_111, %get3A_112] : memref<128x128xf32, #tpu.memory_space<vmem>>, vector<128x128xf32>
      %dot_general3A_114 = arith.constant dense<0.000000e+00> : vector<1x128xf32>
      %dot_general3A_115 = tpu.matmul %max3A_110, %get3A_113, %dot_general3A_114 {dimension_numbers = #tpu.dot_dimension_numbers<[1], [0], [0], [1], [0, 0, 1, 1], [], []>, precision = #tpu.contract_precision<fp32>, transpose_lhs_hint = false} : vector<1x128xf32>, vector<128x128xf32>, vector<1x128xf32> -> vector<1x128xf32>
      %get3A_116 = arith.constant 0 : index
      %get3A_117 = arith.constant 0 : index
      %get3A_118 = vector.load %arg16[%get3A_116, %get3A_117] : memref<1x128xf32, #tpu.memory_space<vmem>>, vector<1x128xf32>
      %add3A_119 = arith.addf %dot_general3A_115, %get3A_118 : vector<1x128xf32>
      %get3A_120 = arith.constant 0 : index
      %get3A_121 = arith.constant 0 : index
      %get3A_122 = vector.load %arg17[%get3A_120, %get3A_121] : memref<128x128xf32, #tpu.memory_space<vmem>>, vector<128x128xf32>
      %dot_general3A_123 = arith.constant dense<0.000000e+00> : vector<1x128xf32>
      %dot_general3A_124 = tpu.matmul %max3A_110, %get3A_122, %dot_general3A_123 {dimension_numbers = #tpu.dot_dimension_numbers<[1], [0], [0], [1], [0, 0, 1, 1], [], []>, precision = #tpu.contract_precision<fp32>, transpose_lhs_hint = false} : vector<1x128xf32>, vector<128x128xf32>, vector<1x128xf32> -> vector<1x128xf32>
      %get3A_125 = arith.constant 0 : index
      %get3A_126 = arith.constant 0 : index
      %get3A_127 = vector.load %arg18[%get3A_125, %get3A_126] : memref<1x128xf32, #tpu.memory_space<vmem>>, vector<1x128xf32>
      %add3A_128 = arith.addf %dot_general3A_124, %get3A_127 : vector<1x128xf32>
      %get3A_129 = arith.constant 0 : index
      %get3A_130 = arith.constant 0 : index
      %get3A_131 = vector.load %arg20[%get3A_129, %get3A_130] : memref<1x128xf32, #tpu.memory_space<vmem>>, vector<1x128xf32>
      %mul3A_132 = arith.constant 5.000000e-01 : f32
      %mul3A_133 = vector.broadcast %mul3A_132 : f32 to vector<1x128xf32>
      %mul3A_134 = arith.mulf %mul3A_133, %add3A_128 : vector<1x128xf32>
      %exp3A_135 = math.exp %mul3A_134 : vector<1x128xf32>
      %mul3A_136 = arith.mulf %get3A_131, %exp3A_135 : vector<1x128xf32>
      %add3A_137 = arith.addf %add3A_119, %mul3A_136 : vector<1x128xf32>
      %swap3A_138 = arith.constant 0 : index
      %swap3A_139 = arith.constant 0 : index
      %swap3A_140 = vector.load %arg22[%swap3A_138, %swap3A_139] : memref<1x128xf32, #tpu.memory_space<vmem>>, vector<1x128xf32>
      tpu.vector_store %arg22[%swap3A_138, %swap3A_139], %add3A_137 {strides = array<i32>} : memref<1x128xf32, #tpu.memory_space<vmem>>, vector<1x128xf32>,
      %add3A_141 = arith.constant 1.65149617 : f32
      %add3A_142 = vector.broadcast %add3A_141 : f32 to vector<1x128xf32>
      %add3A_143 = arith.addf %add3A_142, %add3A_128 : vector<1x128xf32>
      %sub3A = arith.subf %mul3A_60, %add3A_119 : vector<1x128xf32>
      %integer_pow3A = arith.mulf %sub3A, %sub3A : vector<1x128xf32>
      %exp3A_144 = math.exp %add3A_128 : vector<1x128xf32>
      %mul3A_145 = arith.constant 2.000000e+00 : f32
      %mul3A_146 = vector.broadcast %mul3A_145 : f32 to vector<1x128xf32>
      %mul3A_147 = arith.mulf %mul3A_146, %exp3A_144 : vector<1x128xf32>
      %div3A = arith.divf %integer_pow3A, %mul3A_147 : vector<1x128xf32>
      %add3A_148 = arith.addf %add3A_143, %div3A : vector<1x128xf32>
      %swap3A_149 = arith.constant 0 : index
      %swap3A_150 = arith.constant 0 : index
      %swap3A_151 = vector.load %arg23[%swap3A_149, %swap3A_150] : memref<1x128xf32, #tpu.memory_space<vmem>>, vector<1x128xf32>
      tpu.vector_store %arg23[%swap3A_149, %swap3A_150], %add3A_148 {strides = array<i32>} : memref<1x128xf32, #tpu.memory_space<vmem>>, vector<1x128xf32>,
      %add3A_152 = arith.constant 1.000000e+00 : f32
      %add3A_153 = vector.broadcast %add3A_152 : f32 to vector<1x128xf32>
      %add3A_154 = arith.addf %add3A_153, %add3A_90 : vector<1x128xf32>
      %integer_pow3A_155 = arith.mulf %add3A_81, %add3A_81 : vector<1x128xf32>
      %sub3A_156 = arith.subf %add3A_154, %integer_pow3A_155 : vector<1x128xf32>
      %exp3A_157 = math.exp %add3A_90 : vector<1x128xf32>
      %sub3A_158 = arith.subf %sub3A_156, %exp3A_157 : vector<1x128xf32>
      %reduce_sum3A_159 = vector.shape_cast %sub3A_158 : vector<1x128xf32> to vector<1x1x128xf32>
      %reduce_sum3A_160 = arith.constant dense<0.000000e+00> : vector<1xf32>
      %reduce_sum3A_161 = vector.multi_reduction <add>, %reduce_sum3A_159, %reduce_sum3A_160 [1, 2] : vector<1x1x128xf32> to vector<1xf32>
      %reduce_sum3A_162 = vector.shape_cast %reduce_sum3A_161 : vector<1xf32> to vector<1x1x1xf32>
      %reduce_sum3A_163 = vector.extract %reduce_sum3A_162[0, 0, 0] : f32 from vector<1x1x1xf32>
      %mul3A_164 = arith.constant -5.000000e-01 : f32
      %mul3A_165 = arith.mulf %mul3A_164, %reduce_sum3A_163 : f32
      %broadcast_in_dim3A_166 = vector.broadcast %mul3A_165 : f32 to vector<1x128xf32>
      %swap3A_167 = arith.constant 0 : index
      %swap3A_168 = arith.constant 0 : index
      %swap3A_169 = vector.load %arg24[%swap3A_167, %swap3A_168] : memref<1x128xf32, #tpu.memory_space<vmem>>, vector<1x128xf32>
      tpu.vector_store %arg24[%swap3A_167, %swap3A_168], %broadcast_in_dim3A_166 {strides = array<i32>} : memref<1x128xf32, #tpu.memory_space<vmem>>, vector<1x128xf32>,
    } else {
    }
    return
  }
  func.func @transform_0(%arg0: i32) -> (i32, i32) {
    %c0_i32 = arith.constant 0 : i32
    %c0_i32_0 = arith.constant 0 : i32
    return %arg0, %c0_i32 : i32, i32
  }
  func.func @transform_1(%arg0: i32) -> (i32, i32, i32) {
    %c0_i32 = arith.constant 0 : i32
    %c0_i32_0 = arith.constant 0 : i32
    %c0_i32_1 = arith.constant 0 : i32
    return %c0_i32, %arg0, %c0_i32_0 : i32, i32, i32
  }
  func.func @transform_2(%arg0: i32) -> (i32, i32) {
    %c0_i32 = arith.constant 0 : i32
    %c0_i32_0 = arith.constant 0 : i32
    return %arg0, %c0_i32 : i32, i32
  }
  func.func @transform_3(%arg0: i32) -> (i32, i32) {
    %c0_i32 = arith.constant 0 : i32
    %c0_i32_0 = arith.constant 0 : i32
    %c0_i32_1 = arith.constant 0 : i32
    return %c0_i32, %c0_i32_0 : i32, i32
  }
  func.func @transform_4(%arg0: i32) -> (i32, i32) {
    %c0_i32 = arith.constant 0 : i32
    %c0_i32_0 = arith.constant 0 : i32
    %c0_i32_1 = arith.constant 0 : i32
    return %c0_i32, %c0_i32_0 : i32, i32
  }
  func.func @transform_5(%arg0: i32) -> (i32, i32) {
    %c0_i32 = arith.constant 0 : i32
    %c0_i32_0 = arith.constant 0 : i32
    %c0_i32_1 = arith.constant 0 : i32
    return %c0_i32, %c0_i32_0 : i32, i32
  }
  func.func @transform_6(%arg0: i32) -> (i32, i32) {
    %c0_i32 = arith.constant 0 : i32
    %c0_i32_0 = arith.constant 0 : i32
    %c0_i32_1 = arith.constant 0 : i32
    return %c0_i32, %c0_i32_0 : i32, i32
  }
  func.func @transform_7(%arg0: i32) -> (i32, i32) {
    %c0_i32 = arith.constant 0 : i32
    %c0_i32_0 = arith.constant 0 : i32
    %c0_i32_1 = arith.constant 0 : i32
    return %c0_i32, %c0_i32_0 : i32, i32
  }
  func.func @transform_8(%arg0: i32) -> (i32, i32) {
    %c0_i32 = arith.constant 0 : i32
    %c0_i32_0 = arith.constant 0 : i32
    %c0_i32_1 = arith.constant 0 : i32
    return %c0_i32, %c0_i32_0 : i32, i32
  }
  func.func @transform_9(%arg0: i32) -> (i32, i32) {
    %c0_i32 = arith.constant 0 : i32
    %c0_i32_0 = arith.constant 0 : i32
    %c0_i32_1 = arith.constant 0 : i32
    return %c0_i32, %c0_i32_0 : i32, i32
  }
  func.func @transform_10(%arg0: i32) -> (i32, i32) {
    %c0_i32 = arith.constant 0 : i32
    %c0_i32_0 = arith.constant 0 : i32
    %c0_i32_1 = arith.constant 0 : i32
    return %c0_i32, %c0_i32_0 : i32, i32
  }
  func.func @transform_11(%arg0: i32) -> (i32, i32) {
    %c0_i32 = arith.constant 0 : i32
    %c0_i32_0 = arith.constant 0 : i32
    %c0_i32_1 = arith.constant 0 : i32
    return %c0_i32, %c0_i32_0 : i32, i32
  }
  func.func @transform_12(%arg0: i32) -> (i32, i32) {
    %c0_i32 = arith.constant 0 : i32
    %c0_i32_0 = arith.constant 0 : i32
    %c0_i32_1 = arith.constant 0 : i32
    return %c0_i32, %c0_i32_0 : i32, i32
  }
  func.func @transform_13(%arg0: i32) -> (i32, i32) {
    %c0_i32 = arith.constant 0 : i32
    %c0_i32_0 = arith.constant 0 : i32
    %c0_i32_1 = arith.constant 0 : i32
    return %c0_i32, %c0_i32_0 : i32, i32
  }
  func.func @transform_14(%arg0: i32) -> (i32, i32) {
    %c0_i32 = arith.constant 0 : i32
    %c0_i32_0 = arith.constant 0 : i32
    %c0_i32_1 = arith.constant 0 : i32
    return %c0_i32, %c0_i32_0 : i32, i32
  }
  func.func @transform_15(%arg0: i32) -> (i32, i32) {
    %c0_i32 = arith.constant 0 : i32
    %c0_i32_0 = arith.constant 0 : i32
    %c0_i32_1 = arith.constant 0 : i32
    return %c0_i32, %c0_i32_0 : i32, i32
  }
  func.func @transform_16(%arg0: i32) -> (i32, i32) {
    %c0_i32 = arith.constant 0 : i32
    %c0_i32_0 = arith.constant 0 : i32
    %c0_i32_1 = arith.constant 0 : i32
    return %c0_i32, %c0_i32_0 : i32, i32
  }
  func.func @transform_17(%arg0: i32) -> (i32, i32) {
    %c0_i32 = arith.constant 0 : i32
    %c0_i32_0 = arith.constant 0 : i32
    %c0_i32_1 = arith.constant 0 : i32
    return %c0_i32, %c0_i32_0 : i32, i32
  }
  func.func @transform_18(%arg0: i32) -> (i32, i32) {
    %c0_i32 = arith.constant 0 : i32
    %c0_i32_0 = arith.constant 0 : i32
    %c0_i32_1 = arith.constant 0 : i32
    return %c0_i32, %c0_i32_0 : i32, i32
  }
  func.func @transform_19(%arg0: i32) -> (i32, i32) {
    %c0_i32 = arith.constant 0 : i32
    %c0_i32_0 = arith.constant 0 : i32
    %c0_i32_1 = arith.constant 0 : i32
    return %c0_i32, %c0_i32_0 : i32, i32
  }
  func.func @transform_20(%arg0: i32) -> (i32, i32) {
    %c0_i32 = arith.constant 0 : i32
    %c0_i32_0 = arith.constant 0 : i32
    %c0_i32_1 = arith.constant 0 : i32
    return %c0_i32, %c0_i32_0 : i32, i32
  }
  func.func @transform_21(%arg0: i32) -> (i32, i32) {
    %c0_i32 = arith.constant 0 : i32
    %c0_i32_0 = arith.constant 0 : i32
    %c0_i32_1 = arith.constant 0 : i32
    return %c0_i32, %c0_i32_0 : i32, i32
  }
  func.func @transform_22(%arg0: i32) -> (i32, i32) {
    %c0_i32 = arith.constant 0 : i32
    %c0_i32_0 = arith.constant 0 : i32
    %c0_i32_1 = arith.constant 0 : i32
    return %c0_i32, %c0_i32_0 : i32, i32
  }
  func.func @transform_23(%arg0: i32) -> (i32, i32) {
    %c0_i32 = arith.constant 0 : i32
    %c0_i32_0 = arith.constant 0 : i32
    %c0_i32_1 = arith.constant 0 : i32
    return %c0_i32, %c0_i32_0 : i32, i32
  }
}

</mosaic_0001>

<sc_bundles>
// kernel: kernel.15.cloned.1.call-start
scs
__scs_entry_jumppad:
0x0: {  	(pc) =	sbr.rel $0x88, $3  }
0x1: {  	(tag) =	ssettag $0x0;
	lr =	simm.s32 $0x1  }
0x2: {  	[smem:$0x3F8B] =	sst lr;
	_ =	strace $0xD0000000  }
0x3: {  	_ = 	snop  }
0x4: {  	_ = 	snop  }
0x5: {  	_ = 	snop  }
0x6: {  	_ = 	snop  }
0x7: {  	_ = 	snop  }
__scs_overlays_trampoline_lowered:
0x8: {  	[smem:$0x3F9A] =	sst s0  }
0x9: {  	[smem:$0x3F9B] =	sst s1  }
0xa: {  	[smem:$0x3F9C] =	sst s2  }
0xb: {  	[smem:$0x3F9D] =	sst s3  }
0xc: {  	[smem:$0x3F9E] =	sst s4  }
0xd: {  	[smem:$0x3F9F] =	sst s5  }
0xe: {  	[smem:$0x3FA0] =	sst s6  }
0xf: {  	[smem:$0x3FA1] =	sst s7  }
0x10: {  	[smem:$0x3FA2] =	sst s8  }
0x11: {  	[smem:$0x3FA3] =	sst s9;
	s0 =	simm.s32 @!p0 $0x0  }
0x12: {  	s1 =	sld [smem:$0x3F89];
	s0 =	simm.s32 @p0 $0x1  }
0x13: {  	[smem:$0x3FA4] =	sst s0;
	s0 =	simm.s32 @!p1 $0x0  }
0x14: {  	s2 =	sld [smem:$0x3F88];
	s0 =	simm.s32 @p1 $0x1  }
0x15: {  	[smem:$0x3FA5] =	sst s0;
	s0 =	simm.s32 @!p2 $0x0  }
0x16: {  	s3 =	sld [smem:$0x3FDB];
	s0 =	simm.s32 @p2 $0x1  }
0x17: {  	s4 =	simm.s32 $0x1BF5;
	[smem:$0x3FA7] =	sst s0  }
0x18: {  	s0 =	sld [smem:$0x3F8A];
	_ =	swait.ge [sflag:s4], $0x0  }
0x19: {  	s7 =	sld [smem:$0x3F8B]  }
0x1a: {  	s8 =	sadd.s32 $0xFFFFE003, lr  }
0x1b: {  	s9 =	sadd.s32 $0xFFFFFEF7, lr;
	s5 =	simm.s32 $0xFFFFFFFF;
	p2 =	slt.u32 s8, $0xFFFFF086  }
0x1c: {  	p1 =	slt.u32 s9, $0xF7A;
	s5 =	simm.s32 @!p2 $0x0  }
0x1d: {  	s5 =	simm.s32 @p1 $0x1;
	p0 =	seq.s32 s7, s2  }
0x1e: {  	s7 =	smul.u32 @!p0 $0xF7A, s2;
	p2 =	seq.s32 @!p0 s5, $0x0  }
0x1f: {  	s9 =	smul.u32 $0xF7A, s1;
	s8 =	simm.s32 @!p0 $0x1BF5;
	p2 =	por !p2, p0  }
0x20: {  	[sflag:s8] =	ssyncset.s32 @!p0 $0xFFFFF086;
	s6 =	sadd.s32 @!p0 s3, s7;
	s7 =	simm.s32 @!p0 $0x108  }
0x21: {  	s3 =	sadd.s32 s3, s9;
	s6 =	sadd.s32 @!p0 $0x88, s6;
	s7 =	simm.s32 @p2 $0x1082  }
0x22: {  	[simem:s7], [sflag:s8] =	dma.local @!p0 [hbm:s6], $0xF7A  }
0x23: {  	s9 =	sor.u32 $0xD0000000, s2;
	s6 =	simm.s32 $0x108;
	_ =	swait.ge @!p0 [sflag:s8], $0x0  }
0x24: {  	s3 =	sadd.s32 $0x88, s3;
	s6 =	simm.s32 @!p1 $0x1082;
	[sflag:s4] =	ssyncset.s32 $0xFFFFF086  }
0x25: {  	[simem:s6], [sflag:s4] =	dma.local [hbm:s3], $0xF7A  }
0x26: {  	[smem:$0x3F8B] =	sst s1;
	(tag) =	ssettag s2;
	_ =	strace s9  }
0x27: {  	s1 =	sld [smem:$0x3F9B]  }
0x28: {  	s2 =	sld [smem:$0x3F9C]  }
0x29: {  	s4 =	sld [smem:$0x3F9E]  }
0x2a: {  	p0 =	seq.s32 s5, $0x0;
	s5 =	sld [smem:$0x3F9F]  }
0x2b: {  	s6 =	sld [smem:$0x3FA0]  }
0x2c: {  	s7 =	sld [smem:$0x3FA1]  }
0x2d: {  	s3 =	simm.s32 $0x108;
	s8 =	sld [smem:$0x3FA2]  }
0x2e: {  	s3 =	simm.s32 @!p0 $0x1082;
	s9 =	sld [smem:$0x3FA3]  }
0x2f: {  	lr =	sadd.s32 s0, s3;
	s0 =	sld [smem:$0x3F9A]  }
0x30: {  	s3 =	sld [smem:$0x3F9D]  }
0x31: {  	[smem:$0x3FA6] =	sst s10  }
0x32: {  	s10 =	sld [smem:$0x3FA4];
	_ =	sdelay $0x3  }
0x33: {  	p0 =	seq.s32 s10, $0x1;
	s10 =	sld [smem:$0x3FA6];
	_ =	sdelay $0x3  }
0x34: {  	[smem:$0x3FA6] =	sst s10  }
0x35: {  	s10 =	sld [smem:$0x3FA5];
	_ =	sdelay $0x3  }
0x36: {  	p1 =	seq.s32 s10, $0x1;
	s10 =	sld [smem:$0x3FA6];
	_ =	sdelay $0x3  }
0x37: {  	[smem:$0x3FA6] =	sst s10  }
0x38: {  	s10 =	sld [smem:$0x3FA7]  }
0x39: {  	_ = 	snop;
	(pc) =	sbr.ind lr, $3  }
0x3a: {  	_ = 	snop  }
0x3b: {  	_ = 	snop  }
0x3c: {  	p2 =	seq.s32 s10, $0x1;
	s10 =	sld [smem:$0x3FA6]  }
0x3d: {  	_ =	shalt  }
0x3e: {  	_ =	shalt  }
0x3f: {  	_ =	shalt  }
0x40: {  	_ =	shalt  }
0x41: {  	_ =	shalt  }
0x42: {  	_ =	shalt  }
0x43: {  	_ =	shalt  }
0x44: {  	_ =	shalt  }
0x45: {  	_ =	shalt  }
0x46: {  	_ =	shalt  }
0x47: {  	_ =	shalt  }
0x48: {  	_ =	shalt  }
0x49: {  	_ =	shalt  }
0x4a: {  	_ =	shalt  }
0x4b: {  	_ =	shalt  }
0x4c: {  	_ =	shalt  }
0x4d: {  	_ =	shalt  }
0x4e: {  	_ =	shalt  }
0x4f: {  	_ =	shalt  }
0x50: {  	_ =	shalt  }
0x51: {  	_ =	shalt  }
0x52: {  	_ =	shalt  }
0x53: {  	_ =	shalt  }
0x54: {  	_ =	shalt  }
0x55: {  	_ =	shalt  }
0x56: {  	_ =	shalt  }
0x57: {  	_ =	shalt  }
0x58: {  	_ =	shalt  }
0x59: {  	_ =	shalt  }
0x5a: {  	_ =	shalt  }
0x5b: {  	_ =	shalt  }
0x5c: {  	_ =	shalt  }
0x5d: {  	_ =	shalt  }
0x5e: {  	_ =	shalt  }
0x5f: {  	_ =	shalt  }
0x60: {  	_ =	shalt  }
0x61: {  	_ =	shalt  }
0x62: {  	_ =	shalt  }
0x63: {  	_ =	shalt  }
0x64: {  	_ =	shalt  }
0x65: {  	_ =	shalt  }
0x66: {  	_ =	shalt  }
0x67: {  	_ =	shalt  }
0x68: {  	_ =	shalt  }
0x69: {  	_ =	shalt  }
0x6a: {  	_ =	shalt  }
0x6b: {  	_ =	shalt  }
0x6c: {  	_ =	shalt  }
0x6d: {  	_ =	shalt  }
0x6e: {  	_ =	shalt  }
0x6f: {  	_ =	shalt  }
0x70: {  	_ =	shalt  }
0x71: {  	_ =	shalt  }
0x72: {  	_ =	shalt  }
0x73: {  	_ =	shalt  }
0x74: {  	_ =	shalt  }
0x75: {  	_ =	shalt  }
0x76: {  	_ =	shalt  }
0x77: {  	_ =	shalt  }
0x78: {  	_ =	shalt  }
0x79: {  	_ =	shalt  }
0x7a: {  	_ =	shalt  }
0x7b: {  	_ =	shalt  }
0x7c: {  	_ =	shalt  }
0x7d: {  	_ =	shalt  }
0x7e: {  	_ =	shalt  }
0x7f: {  	_ =	shalt  }
0x80: {  	_ =	shalt  }
0x81: {  	_ =	shalt  }
0x82: {  	_ =	shalt  }
0x83: {  	_ =	shalt  }
0x84: {  	_ =	shalt  }
0x85: {  	_ =	shalt  }
0x86: {  	_ =	shalt  }
0x87: {  	_ =	shalt  }
.Lfunc_end0:
.L_simem_size_0:
called_computation_lowered:
.L_overlay_start_0:
0x88: {  	s2 =	sld [smem:$0x3FD9]  }
0x89: {  	s3 =	sld [smem:$0x3FFE];
	_ =	sdelay $0x1  }
0x8a: {  	s1 =	srdreg.scid  }
0x8b: {  	s0 =	sand.u32 $0x1, s1  }
0x8c: {  	s16 =	sshll.u32 s0, $0xA;
	s2 =	sadd.s32 s3, s2  }
0x8d: {  	s2 =	sadd.s32 s2, s16  }
0x8e: {  	[smem:$0x3FB2] =	sst s2  }
0x8f: {  	_ = 	snop  }
0x90: {  	(tm) =	ssettm $0x1  }
0x91: {  	s17 =	sld [smem:$0x3FFB];
	_ =	sdelay $0x3  }
0x92: {  	_ =	strace s17  }
0x93: {  	s2 =	sld [smem:$0x3FFC];
	_ =	sdelay $0x3  }
0x94: {  	_ =	strace s2  }
0x95: {  	s2 =	sld [smem:$0x3FFD];
	_ =	sdelay $0x3  }
0x96: {  	_ =	strace s2  }
0x97: {  	_ =	strace $0x8FFFFFFF  }
0x98: {  	s18 =	sld [smem:$0x3FDB];
	_ =	sdelay $0x1  }
0x99: {  	s19 =	simm.s32 $_scs_section_size  }
0x9a: {  	s4 =	simm.s32 $_size__tile_overlayer_lowered;
	s5 =	simm.s32 $_tile_overlayer_lowered  }
0x9b: {  	s22 =	simm.s32 $0x1BFF;
	s21 =	sshll.u32 s5, $0x1;
	s2 =	sadd.s32 s19, s18  }
0x9c: {  	s6 =	simm.s32 $0x0;
	s20 =	sshll.u32 s4, $0x1;
	s4 =	sadd.s32 s21, s2  }
0x9d: {  	[timem:s6], [sflag:s22] =	dma.local [hbm:s4], s20  }
0x9e: {  	_ =	swait.ge [sflag:s22], s20  }
0x9f: {  	s3 =	ssub.s32 $0x0, s20;
	[sflag:s22] =	ssyncset.done $0x0  }
0xa0: {  	[sflag:s22] =	ssyncadd.s32 s3;
	_ =	sdelay $0x1  }
0xa1: {  	s23 =	simm.s32 $0x1B8B  }
0xa2: {  	_ =	swait.ge [sflag:s23], $0x1  }
0xa3: {  	[sflag:s23] =	ssyncset.done $0x0  }
0xa4: {  	s25 =	simm.s32 $0x1B8E;
	s24 =	sld [smem:$0x3FFE];
	[sflag:s23] =	ssyncadd.s32 $0xFFFFFFFF  }
0xa5: {  	s26 =	simm.s32 $execute0_lowered;
	[smem:$0x3FD2] =	sst s25  }
0xa6: {  	s4 =	sshll.u32 s26, $0x1;
	_ =	strace $0x80000046;
	[dreg:$0x1] =	wrdreg $0xFFFFFFFF  }
0xa7: {  	s28 =	simm.s32 $_size_execute0_lowered;
	s2 =	sadd.s32 s2, s4;
	[dreg:$0x0] =	wrdreg $0x0  }
0xa8: {  	s4 =	sshll.u32 s28, $0x1;
	[dreg:$0x2] =	wrdreg s2  }
0xa9: {  	[dreg:$0x3] =	wrdreg s4  }
0xaa: {  	[dreg:$0x4] =	wrdreg $0xC0  }
0xab: {  	_ =	task [dreg:s6], $0x5FFFF  }
0xac: {  	[dreg:$0x1] =	wrdreg $0xFFFFFFFF  }
0xad: {  	[dreg:$0x0] =	wrdreg $0x60  }
0xae: {  	[dreg:$0x2] =	wrdreg s24  }
0xaf: {  	[dreg:$0x3] =	wrdreg $0x68000  }
0xb0: {  	[dreg:$0x4] =	wrdreg $0x9  }
0xb1: {  	_ =	task.clear_ibuf [dreg:s6], $0x5FFFF;
	_ =	strace $0x90000046  }
0xb2: {  	s29 =	simm.s32 $0x9;
	_ =	strace $0x80000048  }
0xb3: {  	_ =	swait.ge [sflag:s29], $0x1  }
0xb4: {  	[sflag:s29] =	ssyncadd.s32 $0xFFFFFFFF  }
0xb5: {  	_ =	strace $0x90000048  }
0xb6: {  	_ =	sfence  }
0xb7: {  	s30 =	sld [smem:$0x0];
	_ =	sdelay $0x2  }
0xb8: {  	s31 =	sshll.u32 s1, $0xD;
	s1 =	sshrl.u32 s1, $0x2  }
0xb9: {  	s3 =	sand.u32 $0x4000, s31;
	s1 =	sadd.s32 s1, s30  }
0xba: {  	s0 =	sor.u32 s3, s0;
	s1 =	sshll.u32 s1, $0x11  }
0xbb: {  	s0 =	sor.u32 s1, s0  }
0xbc: {  	s0 =	sadd.s32 $0x8F2B, s0  }
0xbd: {  	[sflag:s0] =	ssyncadd.remote.s32 $0x1  }
0xbe: {  	_ =	sfence.sel $0xFFFF  }
0xbf: {  	[dreg:$0x0] =	wrdreg $0xFFFFFFFF;
	(pc) =	sbr.abs _section_cstart, $3  }
0xc0: {  	[dreg:$0x1] =	wrdreg $0xFFFFFFFF  }
0xc1: {  	_ =	task.clear_ibuf [dreg:s6], $0x2FFFF;
	_ =	strace $0x9FFFFFFF  }
0xc2: {  	(tm) =	ssettm $0x7FFFFFFF  }
0xc3: {  	_ =	shalt  }
tec
execute0_lowered:
.L_overlay_start_1:
0x0: {  	(tag) =	ssettag $0x1  }
0x1: {  	s5 =	rddreg [dreg:$0x0]  }
0x2: {  	s0 =	srdreg.scid;
	s2 =	rddreg [dreg:$0x1]  }
0x3: {  	s3 =	simm.s32 $0x0;
	s14 =	simm.s32 $0x100;
	s15 =	simm.s32 $0x180  }
0x4: {  	s16 =	simm.s32 $0x200;
	s17 =	simm.s32 $0x280;
	s18 =	simm.s32 $0x300  }
0x5: {  	s19 =	simm.s32 $0x380;
	s4 =	sand.u32 $0x1, s0;
	s0 =	stileid.u32  }
0x6: {  	s20 =	simm.s32 $0x1;
	s21 =	simm.s32 $0x0;
	s7 =	smul.u32 $0x14000, s0  }
0x7: {  	[smem:$0x7FF] =	sst s3;
	s1 =	sshll.u32 s4, $0x4;
	s8 =	smul.u32 $0x140000, s4  }
0x8: {  	s26 =	ssub.s32 $0x2, s4;
	s28 =	smul.u32 $0x50000, s0;
	s4 =	sadd.s32 $0x41400, s5  }
0x9: {  	s31 =	sshll.u32 s0, $0x6;
	s1 =	sor.u32 s0, s1;
	s29 =	sshrl.u32 s26, $0x1  }
0xa: {  	s6 =	smul.u32 $0x500, s1;
	s1 =	rddreg [dreg:$0x2];
	_ =	strace $0x80000047  }
0xb: {  	s9 =	sshrl.u32 s7, $0x3;
	s7 =	sadd.s32 s7, s8;
	s12 =	ssub.s32 s26, s29  }
0xc: {  	s30 =	sshrl.u32 s28, $0x2;
	s25 =	sadd.s32 s9, s5;
	s7 =	sshrl.u32 s7, $0x3  }
0xd: {  	s13 =	sadd.s32 s30, s2;
	s9 =	smax.u32 s12, $0x1;
	s12 =	simm.s32 $0x2800  }
0xe: {  	s10 =	sadd.s32 s6, s5;
	s11 =	sadd.s32 s7, s5;
	s5 =	sadd.s32 $0x19400, s25  }
0xf: {  	s6 =	sor.u32 $0x1C02, s31;
	s7 =	sadd.s32 $0xF400, s10;
	s8 =	sadd.s32 $0x41C00, s11  }
0x10: {  	s10 =	sshrl.u32 s13, $0x3;
	s11 =	simm.s32 $0x2;
	s13 =	simm.s32 $0x80  }
.LBB2_1:
0x11: {  	[spmem:s10], [sflag:s6] =	dma.local [hbm:s5], $0x2800  }
0x12: {  	_ =	swait.ge [sflag:s11], $0x2800  }
0x13: {  	[sflag:s11] =	ssyncset.done $0x0  }
0x14: {  	[sflag:s11] =	ssyncadd.s32 $0xFFFFD800  }
0x15: {  	[tilespmem:s12], [sflag:$0x2] =	stream.linear.gather [hbm4b:s4+s3], $0x4000, $0x38;
	[tilespmem:$0x1A800] =	vst v63  }
0x16: {  	_ =	swait.ge [sflag:s11], $0x4000  }
0x17: {  	[sflag:s11] =	ssyncset.done $0x0  }
0x18: {  	[sflag:s11] =	ssyncadd.s32 $0xFFFFC000  }
0x19: {  	[tilespmem:s3], [sflag:$0x2] =	stream.linear.gather [hbm4b:s7+s3], $0x2800, $0x38;
	[tilespmem:$0x1A800] =	vst v63  }
0x1a: {  	_ =	swait.ge [sflag:s11], $0x2800  }
0x1b: {  	[sflag:s11] =	ssyncset.done $0x0  }
0x1c: {  	[sflag:s11] =	ssyncadd.s32 $0xFFFFD800  }
0x1d: {  	[bflag:$0x0] =	sbarrier.arrive $0xFFFF  }
0x1e: {  	[spmem:s2] =	stream.indirect.scatter.add.f32 [tilespmem:s12], [sflag:$0x1], $0x80, s3, s13, $0xb8;
	[tilespmem:$0x1A800] =	vst v63  }
0x1f: {  	_ = 	snop  }
0x20: {  	[spmem:s2] =	stream.indirect.scatter.add.f32 [tilespmem:s12], [sflag:$0x1], $0x80, s13, s13, $0xb8;
	[tilespmem:$0x1A800] =	vst v63  }
0x21: {  	_ = 	snop  }
0x22: {  	[spmem:s2] =	stream.indirect.scatter.add.f32 [tilespmem:s12], [sflag:$0x1], $0x80, s14, s13, $0xb8;
	[tilespmem:$0x1A800] =	vst v63  }
0x23: {  	_ = 	snop  }
0x24: {  	[spmem:s2] =	stream.indirect.scatter.add.f32 [tilespmem:s12], [sflag:$0x1], $0x80, s15, s13, $0xb8;
	[tilespmem:$0x1A800] =	vst v63  }
0x25: {  	_ = 	snop  }
0x26: {  	[spmem:s2] =	stream.indirect.scatter.add.f32 [tilespmem:s12], [sflag:$0x1], $0x80, s16, s13, $0xb8;
	[tilespmem:$0x1A800] =	vst v63  }
0x27: {  	_ = 	snop  }
0x28: {  	[spmem:s2] =	stream.indirect.scatter.add.f32 [tilespmem:s12], [sflag:$0x1], $0x80, s17, s13, $0xb8;
	[tilespmem:$0x1A800] =	vst v63  }
0x29: {  	_ = 	snop  }
0x2a: {  	[spmem:s2] =	stream.indirect.scatter.add.f32 [tilespmem:s12], [sflag:$0x1], $0x80, s18, s13, $0xb8;
	[tilespmem:$0x1A800] =	vst v63  }
0x2b: {  	_ = 	snop  }
0x2c: {  	[spmem:s2] =	stream.indirect.scatter.add.f32 [tilespmem:s12], [sflag:$0x1], $0x80, s19, s13, $0xb8;
	[tilespmem:$0x1A800] =	vst v63  }
0x2d: {  	s22 =	simm.s32 $0x400  }
0x2e: {  	[spmem:s2] =	stream.indirect.scatter.add.f32 [tilespmem:s12], [sflag:$0x1], $0x80, s22, s13, $0xb8;
	[tilespmem:$0x1A800] =	vst v63  }
0x2f: {  	_ =	swait.ge [sflag:s20], $0x4000  }
0x30: {  	s22 =	simm.s32 $0x1200;
	[sflag:s20] =	ssyncset.done $0x0  }
.LBB2_2:
0x31: {  	s23 =	sshra.s32 s22, $0x2;
	[sflag:s20] =	ssyncadd.s32 $0xFFFFC000;
	p0 =	sne.s32 s22, $0x9E00  }
0x32: {  	[spmem:s2] =	stream.indirect.scatter.add.f32 [tilespmem:s12], [sflag:$0x1], $0x80, s23, s13, $0xb8;
	[tilespmem:$0x1A800] =	vst v63  }
.Ltmp0:
0x33: {  	_ = 	snop;
	(pc) =	sbr.rel @p0 .LBB2_2-.Ltmp0, $4  }
0x34: {  	_ = 	snop  }
0x35: {  	s22 =	sadd.s32 $0x200, s22  }
0x36: {  	_ =	swait.ge [sflag:s20], $0x4000  }
0x37: {  	[sflag:s20] =	ssyncset.done $0x0  }
0x38: {  	[sflag:s20] =	ssyncadd.s32 $0xFFFFC000  }
0x39: {  	_ =	swait.ge [sflag:s20], $0x4000  }
0x3a: {  	[sflag:s20] =	ssyncset.done $0x0  }
0x3b: {  	[sflag:s20] =	ssyncadd.s32 $0xFFFFC000  }
0x3c: {  	_ =	swait.ge [sflag:s20], $0x4000  }
0x3d: {  	[sflag:s20] =	ssyncset.done $0x0  }
0x3e: {  	[sflag:s20] =	ssyncadd.s32 $0xFFFFC000  }
0x3f: {  	_ =	swait.ge [sflag:s20], $0x4000  }
0x40: {  	[sflag:s20] =	ssyncset.done $0x0  }
0x41: {  	[sflag:s20] =	ssyncadd.s32 $0xFFFFC000  }
0x42: {  	_ =	swait.ge [sflag:s20], $0x4000  }
0x43: {  	[sflag:s20] =	ssyncset.done $0x0  }
0x44: {  	[sflag:s20] =	ssyncadd.s32 $0xFFFFC000  }
0x45: {  	_ =	swait.ge [sflag:s20], $0x4000  }
0x46: {  	[sflag:s20] =	ssyncset.done $0x0  }
0x47: {  	[sflag:s20] =	ssyncadd.s32 $0xFFFFC000  }
0x48: {  	_ =	swait.ge [sflag:s20], $0x4000  }
0x49: {  	[sflag:s20] =	ssyncset.done $0x0  }
0x4a: {  	[sflag:s20] =	ssyncadd.s32 $0xFFFFC000  }
0x4b: {  	_ =	swait.ge [sflag:s20], $0x4000  }
0x4c: {  	[sflag:s20] =	ssyncset.done $0x0  }
0x4d: {  	[sflag:s20] =	ssyncadd.s32 $0xFFFFC000  }
0x4e: {  	_ =	swait.ge [sflag:s20], $0x4000  }
0x4f: {  	s21 =	sadd.s32 $0x1, s21;
	[sflag:s20] =	ssyncset.done $0x0  }
0x50: {  	p0 =	sne.s32 s21, s9;
	[sflag:s20] =	ssyncadd.s32 $0xFFFFC000  }
.Ltmp1:
0x51: {  	[bflag:$0x0] =	sbarrier.arrive $0xFFFF;
	(pc) =	sbr.rel @p0 .LBB2_1-.Ltmp1, $4  }
0x52: {  	[hbm:s8], [sflag:s6] =	dma.local [spmem:s10], $0x2800  }
0x53: {  	_ =	swait.ge [sflag:s11], $0x2800  }
0x54: {  	[sflag:s11] =	ssyncset.done $0x0  }
0x55: {  	[sflag:s11] =	ssyncadd.s32 $0xFFFFD800  }
0x56: {  	_ =	sfence.sel $0x180000  }
0x57: {  	[bflag:$0x0] =	sbarrier.arrive $0xFFFF  }
0x58: {  	p0 =	sne.s32 s0, $0x0;
	_ =	strace $0x90000047  }
0x59: {  	s0 =	sadd.s32 @!p0 $0x100000, s1;
	[bflag:$0x2] =	sbarrier.arrive $0xFFFF  }
0x5a: {  	[sflag:s0] =	ssyncadd.tile.s32 @!p0 $0x1;
	_ =	shalt  }
.Lfunc_end2:
_tile_overlayer_lowered:
.L_overlay_start_2:
0x5b: {  	(tag) =	ssettag $0x2  }
0x5c: {  	s0 =	rddreg [dreg:$0x0];
	s2 =	stileid.u32  }
0x5d: {  	s1 =	rddreg [dreg:$0x1];
	p0 =	sne.s32 s2, $0x0  }
0x5e: {  	s3 =	rddreg [dreg:$0x2];
	[bflag:$0x3] =	sbarrier.arrive $0xFFFF;
	s2 =	simm.s32 @!p0 $0x1C02  }
0x5f: {  	[timem:s3], [sflag:s2] =	dma.local @!p0 [hbm:s0], s1  }
0x60: {  	s0 =	simm.s32 @!p0 $0x2  }
0x61: {  	_ =	swait.ge @!p0 [sflag:s0], s1  }
0x62: {  	s1 =	ssub.s32 @!p0 $0x0, s1;
	[sflag:s0] =	ssyncset.done @!p0 $0x0  }
0x63: {  	[sflag:s0] =	ssyncadd.s32 @!p0 s1  }
0x64: {  	[bflag:$0x3] =	sbarrier.arrive $0xFFFF  }
0x65: {  	_ =	shalt  }

// kernel: kernel.18.cloned.1.call-start
scs
__scs_entry_jumppad:
0x0: {  	(pc) =	sbr.rel $0x88, $3  }
0x1: {  	(tag) =	ssettag $0x0;
	lr =	simm.s32 $0x1  }
0x2: {  	[smem:$0x3F8B] =	sst lr;
	_ =	strace $0xD0000000  }
0x3: {  	_ = 	snop  }
0x4: {  	_ = 	snop  }
0x5: {  	_ = 	snop  }
0x6: {  	_ = 	snop  }
0x7: {  	_ = 	snop  }
__scs_overlays_trampoline_lowered:
0x8: {  	[smem:$0x3F9A] =	sst s0  }
0x9: {  	[smem:$0x3F9B] =	sst s1  }
0xa: {  	[smem:$0x3F9C] =	sst s2  }
0xb: {  	[smem:$0x3F9D] =	sst s3  }
0xc: {  	[smem:$0x3F9E] =	sst s4  }
0xd: {  	[smem:$0x3F9F] =	sst s5  }
0xe: {  	[smem:$0x3FA0] =	sst s6  }
0xf: {  	[smem:$0x3FA1] =	sst s7  }
0x10: {  	[smem:$0x3FA2] =	sst s8  }
0x11: {  	[smem:$0x3FA3] =	sst s9;
	s0 =	simm.s32 @!p0 $0x0  }
0x12: {  	s1 =	sld [smem:$0x3F89];
	s0 =	simm.s32 @p0 $0x1  }
0x13: {  	[smem:$0x3FA4] =	sst s0;
	s0 =	simm.s32 @!p1 $0x0  }
0x14: {  	s2 =	sld [smem:$0x3F88];
	s0 =	simm.s32 @p1 $0x1  }
0x15: {  	[smem:$0x3FA5] =	sst s0;
	s0 =	simm.s32 @!p2 $0x0  }
0x16: {  	s3 =	sld [smem:$0x3FDB];
	s0 =	simm.s32 @p2 $0x1  }
0x17: {  	s4 =	simm.s32 $0x1BF5;
	[smem:$0x3FA7] =	sst s0  }
0x18: {  	s0 =	sld [smem:$0x3F8A];
	_ =	swait.ge [sflag:s4], $0x0  }
0x19: {  	s7 =	sld [smem:$0x3F8B]  }
0x1a: {  	s8 =	sadd.s32 $0xFFFFE003, lr  }
0x1b: {  	s9 =	sadd.s32 $0xFFFFFEF7, lr;
	s5 =	simm.s32 $0xFFFFFFFF;
	p2 =	slt.u32 s8, $0xFFFFF086  }
0x1c: {  	p1 =	slt.u32 s9, $0xF7A;
	s5 =	simm.s32 @!p2 $0x0  }
0x1d: {  	s5 =	simm.s32 @p1 $0x1;
	p0 =	seq.s32 s7, s2  }
0x1e: {  	s7 =	smul.u32 @!p0 $0xF7A, s2;
	p2 =	seq.s32 @!p0 s5, $0x0  }
0x1f: {  	s9 =	smul.u32 $0xF7A, s1;
	s8 =	simm.s32 @!p0 $0x1BF5;
	p2 =	por !p2, p0  }
0x20: {  	[sflag:s8] =	ssyncset.s32 @!p0 $0xFFFFF086;
	s6 =	sadd.s32 @!p0 s3, s7;
	s7 =	simm.s32 @!p0 $0x108  }
0x21: {  	s3 =	sadd.s32 s3, s9;
	s6 =	sadd.s32 @!p0 $0x88, s6;
	s7 =	simm.s32 @p2 $0x1082  }
0x22: {  	[simem:s7], [sflag:s8] =	dma.local @!p0 [hbm:s6], $0xF7A  }
0x23: {  	s9 =	sor.u32 $0xD0000000, s2;
	s6 =	simm.s32 $0x108;
	_ =	swait.ge @!p0 [sflag:s8], $0x0  }
0x24: {  	s3 =	sadd.s32 $0x88, s3;
	s6 =	simm.s32 @!p1 $0x1082;
	[sflag:s4] =	ssyncset.s32 $0xFFFFF086  }
0x25: {  	[simem:s6], [sflag:s4] =	dma.local [hbm:s3], $0xF7A  }
0x26: {  	[smem:$0x3F8B] =	sst s1;
	(tag) =	ssettag s2;
	_ =	strace s9  }
0x27: {  	s1 =	sld [smem:$0x3F9B]  }
0x28: {  	s2 =	sld [smem:$0x3F9C]  }
0x29: {  	s4 =	sld [smem:$0x3F9E]  }
0x2a: {  	p0 =	seq.s32 s5, $0x0;
	s5 =	sld [smem:$0x3F9F]  }
0x2b: {  	s6 =	sld [smem:$0x3FA0]  }
0x2c: {  	s7 =	sld [smem:$0x3FA1]  }
0x2d: {  	s3 =	simm.s32 $0x108;
	s8 =	sld [smem:$0x3FA2]  }
0x2e: {  	s3 =	simm.s32 @!p0 $0x1082;
	s9 =	sld [smem:$0x3FA3]  }
0x2f: {  	lr =	sadd.s32 s0, s3;
	s0 =	sld [smem:$0x3F9A]  }
0x30: {  	s3 =	sld [smem:$0x3F9D]  }
0x31: {  	[smem:$0x3FA6] =	sst s10  }
0x32: {  	s10 =	sld [smem:$0x3FA4];
	_ =	sdelay $0x3  }
0x33: {  	p0 =	seq.s32 s10, $0x1;
	s10 =	sld [smem:$0x3FA6];
	_ =	sdelay $0x3  }
0x34: {  	[smem:$0x3FA6] =	sst s10  }
0x35: {  	s10 =	sld [smem:$0x3FA5];
	_ =	sdelay $0x3  }
0x36: {  	p1 =	seq.s32 s10, $0x1;
	s10 =	sld [smem:$0x3FA6];
	_ =	sdelay $0x3  }
0x37: {  	[smem:$0x3FA6] =	sst s10  }
0x38: {  	s10 =	sld [smem:$0x3FA7]  }
0x39: {  	_ = 	snop;
	(pc) =	sbr.ind lr, $3  }
0x3a: {  	_ = 	snop  }
0x3b: {  	_ = 	snop  }
0x3c: {  	p2 =	seq.s32 s10, $0x1;
	s10 =	sld [smem:$0x3FA6]  }
0x3d: {  	_ =	shalt  }
0x3e: {  	_ =	shalt  }
0x3f: {  	_ =	shalt  }
0x40: {  	_ =	shalt  }
0x41: {  	_ =	shalt  }
0x42: {  	_ =	shalt  }
0x43: {  	_ =	shalt  }
0x44: {  	_ =	shalt  }
0x45: {  	_ =	shalt  }
0x46: {  	_ =	shalt  }
0x47: {  	_ =	shalt  }
0x48: {  	_ =	shalt  }
0x49: {  	_ =	shalt  }
0x4a: {  	_ =	shalt  }
0x4b: {  	_ =	shalt  }
0x4c: {  	_ =	shalt  }
0x4d: {  	_ =	shalt  }
0x4e: {  	_ =	shalt  }
0x4f: {  	_ =	shalt  }
0x50: {  	_ =	shalt  }
0x51: {  	_ =	shalt  }
0x52: {  	_ =	shalt  }
0x53: {  	_ =	shalt  }
0x54: {  	_ =	shalt  }
0x55: {  	_ =	shalt  }
0x56: {  	_ =	shalt  }
0x57: {  	_ =	shalt  }
0x58: {  	_ =	shalt  }
0x59: {  	_ =	shalt  }
0x5a: {  	_ =	shalt  }
0x5b: {  	_ =	shalt  }
0x5c: {  	_ =	shalt  }
0x5d: {  	_ =	shalt  }
0x5e: {  	_ =	shalt  }
0x5f: {  	_ =	shalt  }
0x60: {  	_ =	shalt  }
0x61: {  	_ =	shalt  }
0x62: {  	_ =	shalt  }
0x63: {  	_ =	shalt  }
0x64: {  	_ =	shalt  }
0x65: {  	_ =	shalt  }
0x66: {  	_ =	shalt  }
0x67: {  	_ =	shalt  }
0x68: {  	_ =	shalt  }
0x69: {  	_ =	shalt  }
0x6a: {  	_ =	shalt  }
0x6b: {  	_ =	shalt  }
0x6c: {  	_ =	shalt  }
0x6d: {  	_ =	shalt  }
0x6e: {  	_ =	shalt  }
0x6f: {  	_ =	shalt  }
0x70: {  	_ =	shalt  }
0x71: {  	_ =	shalt  }
0x72: {  	_ =	shalt  }
0x73: {  	_ =	shalt  }
0x74: {  	_ =	shalt  }
0x75: {  	_ =	shalt  }
0x76: {  	_ =	shalt  }
0x77: {  	_ =	shalt  }
0x78: {  	_ =	shalt  }
0x79: {  	_ =	shalt  }
0x7a: {  	_ =	shalt  }
0x7b: {  	_ =	shalt  }
0x7c: {  	_ =	shalt  }
0x7d: {  	_ =	shalt  }
0x7e: {  	_ =	shalt  }
0x7f: {  	_ =	shalt  }
0x80: {  	_ =	shalt  }
0x81: {  	_ =	shalt  }
0x82: {  	_ =	shalt  }
0x83: {  	_ =	shalt  }
0x84: {  	_ =	shalt  }
0x85: {  	_ =	shalt  }
0x86: {  	_ =	shalt  }
0x87: {  	_ =	shalt  }
.Lfunc_end0:
.L_simem_size_0:
called_computation.1_lowered:
.L_overlay_start_0:
0x88: {  	s2 =	sld [smem:$0x3FD9]  }
0x89: {  	s3 =	sld [smem:$0x3FFE];
	_ =	sdelay $0x1  }
0x8a: {  	s1 =	srdreg.scid  }
0x8b: {  	s0 =	sand.u32 $0x1, s1  }
0x8c: {  	s16 =	sshll.u32 s0, $0xA;
	s2 =	sadd.s32 s3, s2  }
0x8d: {  	s2 =	sadd.s32 s2, s16  }
0x8e: {  	[smem:$0x3FB2] =	sst s2  }
0x8f: {  	_ = 	snop  }
0x90: {  	(tm) =	ssettm $0x1  }
0x91: {  	s17 =	sld [smem:$0x3FFB];
	_ =	sdelay $0x3  }
0x92: {  	_ =	strace s17  }
0x93: {  	s2 =	sld [smem:$0x3FFC];
	_ =	sdelay $0x3  }
0x94: {  	_ =	strace s2  }
0x95: {  	s2 =	sld [smem:$0x3FFD];
	_ =	sdelay $0x3  }
0x96: {  	_ =	strace s2  }
0x97: {  	_ =	strace $0x8FFFFFFF  }
0x98: {  	s18 =	sld [smem:$0x3FDB];
	_ =	sdelay $0x1  }
0x99: {  	s19 =	simm.s32 $_scs_section_size  }
0x9a: {  	s4 =	simm.s32 $_size__tile_overlayer_lowered;
	s5 =	simm.s32 $_tile_overlayer_lowered  }
0x9b: {  	s22 =	simm.s32 $0x1BFF;
	s21 =	sshll.u32 s5, $0x1;
	s2 =	sadd.s32 s19, s18  }
0x9c: {  	s6 =	simm.s32 $0x0;
	s20 =	sshll.u32 s4, $0x1;
	s4 =	sadd.s32 s21, s2  }
0x9d: {  	[timem:s6], [sflag:s22] =	dma.local [hbm:s4], s20  }
0x9e: {  	_ =	swait.ge [sflag:s22], s20  }
0x9f: {  	s3 =	ssub.s32 $0x0, s20;
	[sflag:s22] =	ssyncset.done $0x0  }
0xa0: {  	[sflag:s22] =	ssyncadd.s32 s3;
	_ =	sdelay $0x1  }
0xa1: {  	s23 =	simm.s32 $0x1B8B  }
0xa2: {  	_ =	swait.ge [sflag:s23], $0x1  }
0xa3: {  	[sflag:s23] =	ssyncset.done $0x0  }
0xa4: {  	s25 =	simm.s32 $0x1B8E;
	s24 =	sld [smem:$0x3FFE];
	[sflag:s23] =	ssyncadd.s32 $0xFFFFFFFF  }
0xa5: {  	s26 =	simm.s32 $execute0_lowered;
	[smem:$0x3FD2] =	sst s25  }
0xa6: {  	s4 =	sshll.u32 s26, $0x1;
	_ =	strace $0x80000049;
	[dreg:$0x1] =	wrdreg $0xFFFFFFFF  }
0xa7: {  	s28 =	simm.s32 $_size_execute0_lowered;
	s2 =	sadd.s32 s2, s4;
	[dreg:$0x0] =	wrdreg $0x0  }
0xa8: {  	s4 =	sshll.u32 s28, $0x1;
	[dreg:$0x2] =	wrdreg s2  }
0xa9: {  	[dreg:$0x3] =	wrdreg s4  }
0xaa: {  	[dreg:$0x4] =	wrdreg $0xC0  }
0xab: {  	_ =	task [dreg:s6], $0x5FFFF  }
0xac: {  	[dreg:$0x1] =	wrdreg $0xFFFFFFFF  }
0xad: {  	[dreg:$0x0] =	wrdreg $0x60  }
0xae: {  	[dreg:$0x2] =	wrdreg s24  }
0xaf: {  	[dreg:$0x3] =	wrdreg $0xA8000  }
0xb0: {  	[dreg:$0x4] =	wrdreg $0x9  }
0xb1: {  	_ =	task.clear_ibuf [dreg:s6], $0x5FFFF;
	_ =	strace $0x90000049  }
0xb2: {  	s29 =	simm.s32 $0x9;
	_ =	strace $0x8000004B  }
0xb3: {  	_ =	swait.ge [sflag:s29], $0x1  }
0xb4: {  	[sflag:s29] =	ssyncadd.s32 $0xFFFFFFFF  }
0xb5: {  	_ =	strace $0x9000004B  }
0xb6: {  	_ =	sfence  }
0xb7: {  	s30 =	sld [smem:$0x0];
	_ =	sdelay $0x2  }
0xb8: {  	s31 =	sshll.u32 s1, $0xD;
	s1 =	sshrl.u32 s1, $0x2  }
0xb9: {  	s3 =	sand.u32 $0x4000, s31;
	s1 =	sadd.s32 s1, s30  }
0xba: {  	s0 =	sor.u32 s3, s0;
	s1 =	sshll.u32 s1, $0x11  }
0xbb: {  	s0 =	sor.u32 s1, s0  }
0xbc: {  	s0 =	sadd.s32 $0x8F2B, s0  }
0xbd: {  	[sflag:s0] =	ssyncadd.remote.s32 $0x1  }
0xbe: {  	_ =	sfence.sel $0xFFFF  }
0xbf: {  	[dreg:$0x0] =	wrdreg $0xFFFFFFFF;
	(pc) =	sbr.abs _section_cstart, $3  }
0xc0: {  	[dreg:$0x1] =	wrdreg $0xFFFFFFFF  }
0xc1: {  	_ =	task.clear_ibuf [dreg:s6], $0x2FFFF;
	_ =	strace $0x9FFFFFFF  }
0xc2: {  	(tm) =	ssettm $0x7FFFFFFF  }
0xc3: {  	_ =	shalt  }
tec
execute0_lowered:
.L_overlay_start_1:
0x0: {  	(tag) =	ssettag $0x1  }
0x1: {  	s5 =	rddreg [dreg:$0x0]  }
0x2: {  	s1 =	rddreg [dreg:$0x1]  }
0x3: {  	s0 =	rddreg [dreg:$0x2];
	s3 =	simm.s32 $0x0;
	s2 =	stileid.u32  }
0x4: {  	s4 =	srdreg.scid;
	s15 =	simm.s32 $0x2800;
	s16 =	simm.s32 $0x6800  }
0x5: {  	s19 =	simm.s32 $0x1;
	s20 =	simm.s32 $0x2;
	s21 =	simm.s32 $0x2700  }
0x6: {  	s22 =	simm.s32 $0x2780;
	s23 =	simm.s32 $0x0;
	[smem:$0x7FF] =	sst s3  }
0x7: {  	s8 =	sadd.s32 $0x5400, s5;
	s6 =	smul.u32 $0x14000, s2;
	s7 =	sand.u32 $0x1, s4  }
0x8: {  	s9 =	sadd.s32 $0xF400, s5;
	s4 =	sadd.s32 $0x41400, s5;
	s29 =	smul.u32 $0x50000, s2  }
0x9: {  	s17 =	sshll.u32 s2, $0x6;
	_ =	strace $0x8000004A;
	s10 =	smul.u32 $0x140000, s7  }
0xa: {  	s11 =	sshll.u32 s7, $0x4;
	s7 =	ssub.s32 $0x2, s7;
	s17 =	sor.u32 $0x1C03, s17  }
0xb: {  	s12 =	sshrl.u32 s6, $0x3;
	s11 =	sor.u32 s2, s11;
	s30 =	sshrl.u32 s7, $0x1  }
0xc: {  	s31 =	sshrl.u32 s29, $0x2;
	s12 =	sadd.s32 s12, s5;
	s6 =	sadd.s32 s6, s10  }
0xd: {  	s28 =	smul.u32 $0x2800, s11;
	s14 =	ssub.s32 s7, s30;
	s18 =	sadd.s32 s31, s1  }
0xe: {  	s6 =	sshrl.u32 s6, $0x3;
	s7 =	sadd.s32 $0x19400, s12;
	s11 =	smax.u32 s14, $0x1  }
0xf: {  	s12 =	simm.s32 $0x3;
	s13 =	sadd.s32 s6, s5;
	s10 =	sshrl.u32 s28, $0x3  }
0x10: {  	s5 =	sadd.s32 s8, s10;
	s6 =	sadd.s32 s9, s10;
	s10 =	sadd.s32 $0x280, s10  }
0x11: {  	s14 =	simm.s32 $0x80;
	s18 =	sshrl.u32 s18, $0x3;
	s8 =	sadd.s32 s8, s10  }
0x12: {  	s9 =	sadd.s32 s9, s10;
	s10 =	sadd.s32 $0x69400, s13;
	s13 =	simm.s32 $0x1400  }
.LBB2_1:
0x13: {  	[tilespmem:s3], [sflag:$0x3] =	stream.linear.gather [hbm4b:s5+s3], $0x1400, $0x38;
	[tilespmem:$0x1E800] =	vst v63  }
0x14: {  	_ =	swait.ge [sflag:s12], $0x1400  }
0x15: {  	[sflag:s12] =	ssyncset.done $0x0  }
0x16: {  	[sflag:s12] =	ssyncadd.s32 $0xFFFFEC00  }
0x17: {  	[tilespmem:s13], [sflag:$0x3] =	stream.linear.gather [hbm4b:s6+s3], $0x1400, $0x38;
	[tilespmem:$0x1E800] =	vst v63  }
0x18: {  	_ =	swait.ge [sflag:s12], $0x1400  }
0x19: {  	[sflag:s12] =	ssyncset.done $0x0  }
0x1a: {  	[sflag:s12] =	ssyncadd.s32 $0xFFFFEC00  }
0x1b: {  	[tilespmem:s15], [sflag:$0x1] =	stream.indirect.gather [hbm4b:s4+s14], $0x80, s3, s14, $0xb8;
	[tilespmem:$0x1E800] =	vst v63  }
0x1c: {  	_ = 	snop  }
0x1d: {  	[tilespmem:s16], [sflag:$0x2] =	stream.indirect.gather [hbm4b:s4+s14], $0x80, s14, s14, $0xb8;
	[tilespmem:$0x1E800] =	vst v63  }
0x1e: {  	[spmem:s18], [sflag:s17] =	dma.local [hbm:s7], $0x2800  }
0x1f: {  	_ =	swait.ge [sflag:s12], $0x2800  }
0x20: {  	[sflag:s12] =	ssyncset.done $0x0  }
0x21: {  	[sflag:s12] =	ssyncadd.s32 $0xFFFFD800  }
0x22: {  	[bflag:$0x0] =	sbarrier.arrive $0xFFFF  }
0x23: {  	_ =	swait.ge [sflag:s19], $0x4000  }
0x24: {  	[sflag:s19] =	ssyncset.done $0x0  }
0x25: {  	s24 =	simm.s32 $0x1400;
	[sflag:s19] =	ssyncadd.s32 $0xFFFFC000  }
0x26: {  	[spmem:s1] =	stream.indirect.scatter.add.f32 [tilespmem:s15], [sflag:$0x3], $0x80, s24, s14, $0xb8;
	[tilespmem:$0x1E800] =	vst v63  }
0x27: {  	_ =	swait.ge [sflag:s12], $0x4000  }
0x28: {  	[sflag:s12] =	ssyncset.done $0x0  }
0x29: {  	s30 =	simm.s32 $0x100;
	[sflag:s12] =	ssyncadd.s32 $0xFFFFC000  }
0x2a: {  	[tilespmem:s15], [sflag:$0x1] =	stream.indirect.gather [hbm4b:s4+s14], $0x80, s30, s14, $0xb8;
	[tilespmem:$0x1E800] =	vst v63  }
0x2b: {  	_ =	swait.ge [sflag:s20], $0x4000  }
0x2c: {  	[sflag:s20] =	ssyncset.done $0x0  }
0x2d: {  	s31 =	simm.s32 $0x1480;
	[sflag:s20] =	ssyncadd.s32 $0xFFFFC000  }
0x2e: {  	[spmem:s1] =	stream.indirect.scatter.add.f32 [tilespmem:s16], [sflag:$0x3], $0x80, s31, s14, $0xb8;
	[tilespmem:$0x1E800] =	vst v63  }
0x2f: {  	_ =	swait.ge [sflag:s12], $0x4000  }
0x30: {  	[sflag:s12] =	ssyncset.done $0x0  }
0x31: {  	s25 =	simm.s32 $0x180;
	s24 =	simm.s32 $0x400;
	[sflag:s12] =	ssyncadd.s32 $0xFFFFC000  }
.LBB2_2:
0x32: {  	[tilespmem:s16], [sflag:$0x2] =	stream.indirect.gather [hbm4b:s4+s14], $0x80, s25, s14, $0xb8;
	[tilespmem:$0x1E800] =	vst v63  }
0x33: {  	s25 =	smov.u32 s24  }
0x34: {  	p0 =	sne.s32 s24, $0x4800;
	s24 =	sadd.s32 $0x400, s24;
	_ =	swait.ge [sflag:s19], $0x4000  }
0x35: {  	s25 =	sshra.s32 s25, $0x2;
	[sflag:s19] =	ssyncset.done $0x0  }
0x36: {  	s26 =	sadd.s32 $0x1400, s25;
	[sflag:s19] =	ssyncadd.s32 $0xFFFFC000  }
0x37: {  	[spmem:s1] =	stream.indirect.scatter.add.f32 [tilespmem:s15], [sflag:$0x3], $0x80, s26, s14, $0xb8;
	[tilespmem:$0x1E800] =	vst v63  }
0x38: {  	_ =	swait.ge [sflag:s12], $0x4000  }
0x39: {  	[sflag:s12] =	ssyncset.done $0x0  }
0x3a: {  	s26 =	sadd.s32 $0x100, s25;
	[sflag:s12] =	ssyncadd.s32 $0xFFFFC000  }
0x3b: {  	[tilespmem:s15], [sflag:$0x1] =	stream.indirect.gather [hbm4b:s4+s14], $0x80, s26, s14, $0xb8;
	[tilespmem:$0x1E800] =	vst v63  }
0x3c: {  	_ =	swait.ge [sflag:s20], $0x4000  }
0x3d: {  	[sflag:s20] =	ssyncset.done $0x0  }
.Ltmp0:
0x3e: {  	s26 =	sadd.s32 $0x1480, s25;
	[sflag:s20] =	ssyncadd.s32 $0xFFFFC000;
	(pc) =	sbr.rel @p0 .LBB2_2-.Ltmp0, $4  }
0x3f: {  	[spmem:s1] =	stream.indirect.scatter.add.f32 [tilespmem:s16], [sflag:$0x3], $0x80, s26, s14, $0xb8;
	[tilespmem:$0x1E800] =	vst v63  }
0x40: {  	_ =	swait.ge [sflag:s12], $0x4000  }
0x41: {  	[sflag:s12] =	ssyncset.done $0x0  }
0x42: {  	s25 =	sadd.s32 $0x180, s25;
	[sflag:s12] =	ssyncadd.s32 $0xFFFFC000  }
0x43: {  	[tilespmem:s16], [sflag:$0x2] =	stream.indirect.gather [hbm4b:s4+s14], $0x80, s25, s14, $0xb8;
	[tilespmem:$0x1E800] =	vst v63  }
0x44: {  	_ =	swait.ge [sflag:s19], $0x4000  }
0x45: {  	[sflag:s19] =	ssyncset.done $0x0  }
0x46: {  	[sflag:s19] =	ssyncadd.s32 $0xFFFFC000  }
0x47: {  	[spmem:s1] =	stream.indirect.scatter.add.f32 [tilespmem:s15], [sflag:$0x3], $0x80, s21, s14, $0xb8;
	[tilespmem:$0x1E800] =	vst v63  }
0x48: {  	_ =	swait.ge [sflag:s12], $0x4000  }
0x49: {  	[sflag:s12] =	ssyncset.done $0x0  }
0x4a: {  	[sflag:s12] =	ssyncadd.s32 $0xFFFFC000  }
0x4b: {  	_ =	swait.ge [sflag:s20], $0x4000  }
0x4c: {  	[sflag:s20] =	ssyncset.done $0x0  }
0x4d: {  	[sflag:s20] =	ssyncadd.s32 $0xFFFFC000  }
0x4e: {  	[spmem:s1] =	stream.indirect.scatter.add.f32 [tilespmem:s16], [sflag:$0x3], $0x80, s22, s14, $0xb8;
	[tilespmem:$0x1E800] =	vst v63  }
0x4f: {  	_ =	swait.ge [sflag:s12], $0x4000  }
0x50: {  	[sflag:s12] =	ssyncset.done $0x0  }
0x51: {  	s24 =	simm.s32 $0x0;
	[sflag:s12] =	ssyncadd.s32 $0xFFFFC000  }
0x52: {  	[tilespmem:s24], [sflag:$0x3] =	stream.linear.gather [hbm4b:s8+s24], $0x1400, $0x38;
	[tilespmem:$0x1E800] =	vst v63  }
0x53: {  	_ =	swait.ge [sflag:s12], $0x1400  }
0x54: {  	[sflag:s12] =	ssyncset.done $0x0  }
0x55: {  	[sflag:s12] =	ssyncadd.s32 $0xFFFFEC00  }
0x56: {  	[tilespmem:s13], [sflag:$0x3] =	stream.linear.gather [hbm4b:s9+s24], $0x1400, $0x38;
	[tilespmem:$0x1E800] =	vst v63  }
0x57: {  	_ =	swait.ge [sflag:s12], $0x1400  }
0x58: {  	[sflag:s12] =	ssyncset.done $0x0  }
0x59: {  	[sflag:s12] =	ssyncadd.s32 $0xFFFFEC00  }
0x5a: {  	[tilespmem:s15], [sflag:$0x1] =	stream.indirect.gather [hbm4b:s4+s14], $0x80, s24, s14, $0xb8;
	[tilespmem:$0x1E800] =	vst v63  }
0x5b: {  	_ = 	snop  }
0x5c: {  	[tilespmem:s16], [sflag:$0x2] =	stream.indirect.gather [hbm4b:s4+s14], $0x80, s14, s14, $0xb8;
	[tilespmem:$0x1E800] =	vst v63  }
0x5d: {  	_ =	swait.ge [sflag:s19], $0x4000  }
0x5e: {  	[sflag:s19] =	ssyncset.done $0x0  }
0x5f: {  	s29 =	simm.s32 $0x1400;
	[sflag:s19] =	ssyncadd.s32 $0xFFFFC000  }
0x60: {  	[spmem:s1] =	stream.indirect.scatter.add.f32 [tilespmem:s15], [sflag:$0x3], $0x80, s29, s14, $0xb8;
	[tilespmem:$0x1E800] =	vst v63  }
0x61: {  	_ =	swait.ge [sflag:s12], $0x4000  }
0x62: {  	[sflag:s12] =	ssyncset.done $0x0  }
0x63: {  	s30 =	simm.s32 $0x100;
	[sflag:s12] =	ssyncadd.s32 $0xFFFFC000  }
0x64: {  	[tilespmem:s15], [sflag:$0x1] =	stream.indirect.gather [hbm4b:s4+s14], $0x80, s30, s14, $0xb8;
	[tilespmem:$0x1E800] =	vst v63  }
0x65: {  	_ =	swait.ge [sflag:s20], $0x4000  }
0x66: {  	[sflag:s20] =	ssyncset.done $0x0  }
0x67: {  	s31 =	simm.s32 $0x1480;
	[sflag:s20] =	ssyncadd.s32 $0xFFFFC000  }
0x68: {  	[spmem:s1] =	stream.indirect.scatter.add.f32 [tilespmem:s16], [sflag:$0x3], $0x80, s31, s14, $0xb8;
	[tilespmem:$0x1E800] =	vst v63  }
0x69: {  	_ =	swait.ge [sflag:s12], $0x4000  }
0x6a: {  	[sflag:s12] =	ssyncset.done $0x0  }
0x6b: {  	s25 =	simm.s32 $0x180;
	s24 =	simm.s32 $0x400;
	[sflag:s12] =	ssyncadd.s32 $0xFFFFC000  }
.LBB2_4:
0x6c: {  	[tilespmem:s16], [sflag:$0x2] =	stream.indirect.gather [hbm4b:s4+s14], $0x80, s25, s14, $0xb8;
	[tilespmem:$0x1E800] =	vst v63  }
0x6d: {  	s25 =	smov.u32 s24  }
0x6e: {  	p0 =	sne.s32 s24, $0x4800;
	s24 =	sadd.s32 $0x400, s24;
	_ =	swait.ge [sflag:s19], $0x4000  }
0x6f: {  	s25 =	sshra.s32 s25, $0x2;
	[sflag:s19] =	ssyncset.done $0x0  }
0x70: {  	s26 =	sadd.s32 $0x1400, s25;
	[sflag:s19] =	ssyncadd.s32 $0xFFFFC000  }
0x71: {  	[spmem:s1] =	stream.indirect.scatter.add.f32 [tilespmem:s15], [sflag:$0x3], $0x80, s26, s14, $0xb8;
	[tilespmem:$0x1E800] =	vst v63  }
0x72: {  	_ =	swait.ge [sflag:s12], $0x4000  }
0x73: {  	[sflag:s12] =	ssyncset.done $0x0  }
0x74: {  	s26 =	sadd.s32 $0x100, s25;
	[sflag:s12] =	ssyncadd.s32 $0xFFFFC000  }
0x75: {  	[tilespmem:s15], [sflag:$0x1] =	stream.indirect.gather [hbm4b:s4+s14], $0x80, s26, s14, $0xb8;
	[tilespmem:$0x1E800] =	vst v63  }
0x76: {  	_ =	swait.ge [sflag:s20], $0x4000  }
0x77: {  	[sflag:s20] =	ssyncset.done $0x0  }
.Ltmp1:
0x78: {  	s26 =	sadd.s32 $0x1480, s25;
	[sflag:s20] =	ssyncadd.s32 $0xFFFFC000;
	(pc) =	sbr.rel @p0 .LBB2_4-.Ltmp1, $4  }
0x79: {  	[spmem:s1] =	stream.indirect.scatter.add.f32 [tilespmem:s16], [sflag:$0x3], $0x80, s26, s14, $0xb8;
	[tilespmem:$0x1E800] =	vst v63  }
0x7a: {  	_ =	swait.ge [sflag:s12], $0x4000  }
0x7b: {  	[sflag:s12] =	ssyncset.done $0x0  }
0x7c: {  	s25 =	sadd.s32 $0x180, s25;
	[sflag:s12] =	ssyncadd.s32 $0xFFFFC000  }
0x7d: {  	[tilespmem:s16], [sflag:$0x2] =	stream.indirect.gather [hbm4b:s4+s14], $0x80, s25, s14, $0xb8;
	[tilespmem:$0x1E800] =	vst v63  }
0x7e: {  	_ =	swait.ge [sflag:s19], $0x4000  }
0x7f: {  	[sflag:s19] =	ssyncset.done $0x0  }
0x80: {  	[sflag:s19] =	ssyncadd.s32 $0xFFFFC000  }
0x81: {  	[spmem:s1] =	stream.indirect.scatter.add.f32 [tilespmem:s15], [sflag:$0x3], $0x80, s21, s14, $0xb8;
	[tilespmem:$0x1E800] =	vst v63  }
0x82: {  	_ =	swait.ge [sflag:s12], $0x4000  }
0x83: {  	[sflag:s12] =	ssyncset.done $0x0  }
0x84: {  	[sflag:s12] =	ssyncadd.s32 $0xFFFFC000  }
0x85: {  	_ =	swait.ge [sflag:s20], $0x4000  }
0x86: {  	[sflag:s20] =	ssyncset.done $0x0  }
0x87: {  	[sflag:s20] =	ssyncadd.s32 $0xFFFFC000  }
0x88: {  	[spmem:s1] =	stream.indirect.scatter.add.f32 [tilespmem:s16], [sflag:$0x3], $0x80, s22, s14, $0xb8;
	[tilespmem:$0x1E800] =	vst v63  }
0x89: {  	_ =	swait.ge [sflag:s12], $0x4000  }
0x8a: {  	s23 =	sadd.s32 $0x1, s23;
	[sflag:s12] =	ssyncset.done $0x0  }
0x8b: {  	p0 =	sne.s32 s23, s11;
	[sflag:s12] =	ssyncadd.s32 $0xFFFFC000  }
.Ltmp2:
0x8c: {  	[bflag:$0x0] =	sbarrier.arrive $0xFFFF;
	(pc) =	sbr.rel @p0 .LBB2_1-.Ltmp2, $4  }
0x8d: {  	[hbm:s10], [sflag:s17] =	dma.local [spmem:s18], $0x2800  }
0x8e: {  	_ =	swait.ge [sflag:s12], $0x2800  }
0x8f: {  	[sflag:s12] =	ssyncset.done $0x0  }
0x90: {  	[sflag:s12] =	ssyncadd.s32 $0xFFFFD800  }
0x91: {  	_ =	sfence.sel $0x180000  }
0x92: {  	[bflag:$0x0] =	sbarrier.arrive $0xFFFF  }
0x93: {  	p0 =	sne.s32 s2, $0x0;
	_ =	strace $0x9000004A  }
0x94: {  	s0 =	sadd.s32 @!p0 $0x100000, s0;
	[bflag:$0x2] =	sbarrier.arrive $0xFFFF  }
0x95: {  	[sflag:s0] =	ssyncadd.tile.s32 @!p0 $0x1;
	_ =	shalt  }
.Lfunc_end2:
_tile_overlayer_lowered:
.L_overlay_start_2:
0x96: {  	(tag) =	ssettag $0x2  }
0x97: {  	s0 =	rddreg [dreg:$0x0];
	s2 =	stileid.u32  }
0x98: {  	s1 =	rddreg [dreg:$0x1];
	p0 =	sne.s32 s2, $0x0  }
0x99: {  	s3 =	rddreg [dreg:$0x2];
	[bflag:$0x3] =	sbarrier.arrive $0xFFFF;
	s2 =	simm.s32 @!p0 $0x1C03  }
0x9a: {  	[timem:s3], [sflag:s2] =	dma.local @!p0 [hbm:s0], s1  }
0x9b: {  	s0 =	simm.s32 @!p0 $0x3  }
0x9c: {  	_ =	swait.ge @!p0 [sflag:s0], s1  }
0x9d: {  	s1 =	ssub.s32 @!p0 $0x0, s1;
	[sflag:s0] =	ssyncset.done @!p0 $0x0  }
0x9e: {  	[sflag:s0] =	ssyncadd.s32 @!p0 s1  }
0x9f: {  	[bflag:$0x3] =	sbarrier.arrive $0xFFFF  }
0xa0: {  	_ =	shalt  }

// kernel: kernel.21.cloned.1.call-start
scs
__scs_entry_jumppad:
0x0: {  	(pc) =	sbr.rel $0x88, $3  }
0x1: {  	(tag) =	ssettag $0x0;
	lr =	simm.s32 $0x1  }
0x2: {  	[smem:$0x3F8B] =	sst lr;
	_ =	strace $0xD0000000  }
0x3: {  	_ = 	snop  }
0x4: {  	_ = 	snop  }
0x5: {  	_ = 	snop  }
0x6: {  	_ = 	snop  }
0x7: {  	_ = 	snop  }
__scs_overlays_trampoline_lowered:
0x8: {  	[smem:$0x3F9A] =	sst s0  }
0x9: {  	[smem:$0x3F9B] =	sst s1  }
0xa: {  	[smem:$0x3F9C] =	sst s2  }
0xb: {  	[smem:$0x3F9D] =	sst s3  }
0xc: {  	[smem:$0x3F9E] =	sst s4  }
0xd: {  	[smem:$0x3F9F] =	sst s5  }
0xe: {  	[smem:$0x3FA0] =	sst s6  }
0xf: {  	[smem:$0x3FA1] =	sst s7  }
0x10: {  	[smem:$0x3FA2] =	sst s8  }
0x11: {  	[smem:$0x3FA3] =	sst s9;
	s0 =	simm.s32 @!p0 $0x0  }
0x12: {  	s1 =	sld [smem:$0x3F89];
	s0 =	simm.s32 @p0 $0x1  }
0x13: {  	[smem:$0x3FA4] =	sst s0;
	s0 =	simm.s32 @!p1 $0x0  }
0x14: {  	s2 =	sld [smem:$0x3F88];
	s0 =	simm.s32 @p1 $0x1  }
0x15: {  	[smem:$0x3FA5] =	sst s0;
	s0 =	simm.s32 @!p2 $0x0  }
0x16: {  	s3 =	sld [smem:$0x3FDB];
	s0 =	simm.s32 @p2 $0x1  }
0x17: {  	s4 =	simm.s32 $0x1BF5;
	[smem:$0x3FA7] =	sst s0  }
0x18: {  	s0 =	sld [smem:$0x3F8A];
	_ =	swait.ge [sflag:s4], $0x0  }
0x19: {  	s7 =	sld [smem:$0x3F8B]  }
0x1a: {  	s8 =	sadd.s32 $0xFFFFE003, lr  }
0x1b: {  	s9 =	sadd.s32 $0xFFFFFEF7, lr;
	s5 =	simm.s32 $0xFFFFFFFF;
	p2 =	slt.u32 s8, $0xFFFFF086  }
0x1c: {  	p1 =	slt.u32 s9, $0xF7A;
	s5 =	simm.s32 @!p2 $0x0  }
0x1d: {  	s5 =	simm.s32 @p1 $0x1;
	p0 =	seq.s32 s7, s2  }
0x1e: {  	s7 =	smul.u32 @!p0 $0xF7A, s2;
	p2 =	seq.s32 @!p0 s5, $0x0  }
0x1f: {  	s9 =	smul.u32 $0xF7A, s1;
	s8 =	simm.s32 @!p0 $0x1BF5;
	p2 =	por !p2, p0  }
0x20: {  	[sflag:s8] =	ssyncset.s32 @!p0 $0xFFFFF086;
	s6 =	sadd.s32 @!p0 s3, s7;
	s7 =	simm.s32 @!p0 $0x108  }
0x21: {  	s3 =	sadd.s32 s3, s9;
	s6 =	sadd.s32 @!p0 $0x88, s6;
	s7 =	simm.s32 @p2 $0x1082  }
0x22: {  	[simem:s7], [sflag:s8] =	dma.local @!p0 [hbm:s6], $0xF7A  }
0x23: {  	s9 =	sor.u32 $0xD0000000, s2;
	s6 =	simm.s32 $0x108;
	_ =	swait.ge @!p0 [sflag:s8], $0x0  }
0x24: {  	s3 =	sadd.s32 $0x88, s3;
	s6 =	simm.s32 @!p1 $0x1082;
	[sflag:s4] =	ssyncset.s32 $0xFFFFF086  }
0x25: {  	[simem:s6], [sflag:s4] =	dma.local [hbm:s3], $0xF7A  }
0x26: {  	[smem:$0x3F8B] =	sst s1;
	(tag) =	ssettag s2;
	_ =	strace s9  }
0x27: {  	s1 =	sld [smem:$0x3F9B]  }
0x28: {  	s2 =	sld [smem:$0x3F9C]  }
0x29: {  	s4 =	sld [smem:$0x3F9E]  }
0x2a: {  	p0 =	seq.s32 s5, $0x0;
	s5 =	sld [smem:$0x3F9F]  }
0x2b: {  	s6 =	sld [smem:$0x3FA0]  }
0x2c: {  	s7 =	sld [smem:$0x3FA1]  }
0x2d: {  	s3 =	simm.s32 $0x108;
	s8 =	sld [smem:$0x3FA2]  }
0x2e: {  	s3 =	simm.s32 @!p0 $0x1082;
	s9 =	sld [smem:$0x3FA3]  }
0x2f: {  	lr =	sadd.s32 s0, s3;
	s0 =	sld [smem:$0x3F9A]  }
0x30: {  	s3 =	sld [smem:$0x3F9D]  }
0x31: {  	[smem:$0x3FA6] =	sst s10  }
0x32: {  	s10 =	sld [smem:$0x3FA4];
	_ =	sdelay $0x3  }
0x33: {  	p0 =	seq.s32 s10, $0x1;
	s10 =	sld [smem:$0x3FA6];
	_ =	sdelay $0x3  }
0x34: {  	[smem:$0x3FA6] =	sst s10  }
0x35: {  	s10 =	sld [smem:$0x3FA5];
	_ =	sdelay $0x3  }
0x36: {  	p1 =	seq.s32 s10, $0x1;
	s10 =	sld [smem:$0x3FA6];
	_ =	sdelay $0x3  }
0x37: {  	[smem:$0x3FA6] =	sst s10  }
0x38: {  	s10 =	sld [smem:$0x3FA7]  }
0x39: {  	_ = 	snop;
	(pc) =	sbr.ind lr, $3  }
0x3a: {  	_ = 	snop  }
0x3b: {  	_ = 	snop  }
0x3c: {  	p2 =	seq.s32 s10, $0x1;
	s10 =	sld [smem:$0x3FA6]  }
0x3d: {  	_ =	shalt  }
0x3e: {  	_ =	shalt  }
0x3f: {  	_ =	shalt  }
0x40: {  	_ =	shalt  }
0x41: {  	_ =	shalt  }
0x42: {  	_ =	shalt  }
0x43: {  	_ =	shalt  }
0x44: {  	_ =	shalt  }
0x45: {  	_ =	shalt  }
0x46: {  	_ =	shalt  }
0x47: {  	_ =	shalt  }
0x48: {  	_ =	shalt  }
0x49: {  	_ =	shalt  }
0x4a: {  	_ =	shalt  }
0x4b: {  	_ =	shalt  }
0x4c: {  	_ =	shalt  }
0x4d: {  	_ =	shalt  }
0x4e: {  	_ =	shalt  }
0x4f: {  	_ =	shalt  }
0x50: {  	_ =	shalt  }
0x51: {  	_ =	shalt  }
0x52: {  	_ =	shalt  }
0x53: {  	_ =	shalt  }
0x54: {  	_ =	shalt  }
0x55: {  	_ =	shalt  }
0x56: {  	_ =	shalt  }
0x57: {  	_ =	shalt  }
0x58: {  	_ =	shalt  }
0x59: {  	_ =	shalt  }
0x5a: {  	_ =	shalt  }
0x5b: {  	_ =	shalt  }
0x5c: {  	_ =	shalt  }
0x5d: {  	_ =	shalt  }
0x5e: {  	_ =	shalt  }
0x5f: {  	_ =	shalt  }
0x60: {  	_ =	shalt  }
0x61: {  	_ =	shalt  }
0x62: {  	_ =	shalt  }
0x63: {  	_ =	shalt  }
0x64: {  	_ =	shalt  }
0x65: {  	_ =	shalt  }
0x66: {  	_ =	shalt  }
0x67: {  	_ =	shalt  }
0x68: {  	_ =	shalt  }
0x69: {  	_ =	shalt  }
0x6a: {  	_ =	shalt  }
0x6b: {  	_ =	shalt  }
0x6c: {  	_ =	shalt  }
0x6d: {  	_ =	shalt  }
0x6e: {  	_ =	shalt  }
0x6f: {  	_ =	shalt  }
0x70: {  	_ =	shalt  }
0x71: {  	_ =	shalt  }
0x72: {  	_ =	shalt  }
0x73: {  	_ =	shalt  }
0x74: {  	_ =	shalt  }
0x75: {  	_ =	shalt  }
0x76: {  	_ =	shalt  }
0x77: {  	_ =	shalt  }
0x78: {  	_ =	shalt  }
0x79: {  	_ =	shalt  }
0x7a: {  	_ =	shalt  }
0x7b: {  	_ =	shalt  }
0x7c: {  	_ =	shalt  }
0x7d: {  	_ =	shalt  }
0x7e: {  	_ =	shalt  }
0x7f: {  	_ =	shalt  }
0x80: {  	_ =	shalt  }
0x81: {  	_ =	shalt  }
0x82: {  	_ =	shalt  }
0x83: {  	_ =	shalt  }
0x84: {  	_ =	shalt  }
0x85: {  	_ =	shalt  }
0x86: {  	_ =	shalt  }
0x87: {  	_ =	shalt  }
.Lfunc_end0:
.L_simem_size_0:
called_computation.2_lowered:
.L_overlay_start_0:
0x88: {  	s2 =	sld [smem:$0x3FD9]  }
0x89: {  	s3 =	sld [smem:$0x3FFE];
	_ =	sdelay $0x1  }
0x8a: {  	s1 =	srdreg.scid  }
0x8b: {  	s0 =	sand.u32 $0x1, s1  }
0x8c: {  	s16 =	sshll.u32 s0, $0xA;
	s2 =	sadd.s32 s3, s2  }
0x8d: {  	s2 =	sadd.s32 s2, s16  }
0x8e: {  	[smem:$0x3FB2] =	sst s2  }
0x8f: {  	_ = 	snop  }
0x90: {  	(tm) =	ssettm $0x1  }
0x91: {  	s17 =	sld [smem:$0x3FFB];
	_ =	sdelay $0x3  }
0x92: {  	_ =	strace s17  }
0x93: {  	s2 =	sld [smem:$0x3FFC];
	_ =	sdelay $0x3  }
0x94: {  	_ =	strace s2  }
0x95: {  	s2 =	sld [smem:$0x3FFD];
	_ =	sdelay $0x3  }
0x96: {  	_ =	strace s2  }
0x97: {  	_ =	strace $0x8FFFFFFF  }
0x98: {  	s18 =	sld [smem:$0x3FDB];
	_ =	sdelay $0x1  }
0x99: {  	s19 =	simm.s32 $_scs_section_size  }
0x9a: {  	s4 =	simm.s32 $_size__tile_overlayer_lowered;
	s5 =	simm.s32 $_tile_overlayer_lowered  }
0x9b: {  	s22 =	simm.s32 $0x1BFF;
	s21 =	sshll.u32 s5, $0x1;
	s2 =	sadd.s32 s19, s18  }
0x9c: {  	s6 =	simm.s32 $0x0;
	s20 =	sshll.u32 s4, $0x1;
	s4 =	sadd.s32 s21, s2  }
0x9d: {  	[timem:s6], [sflag:s22] =	dma.local [hbm:s4], s20  }
0x9e: {  	_ =	swait.ge [sflag:s22], s20  }
0x9f: {  	s3 =	ssub.s32 $0x0, s20;
	[sflag:s22] =	ssyncset.done $0x0  }
0xa0: {  	[sflag:s22] =	ssyncadd.s32 s3;
	_ =	sdelay $0x1  }
0xa1: {  	s23 =	simm.s32 $0x1B8B  }
0xa2: {  	_ =	swait.ge [sflag:s23], $0x1  }
0xa3: {  	[sflag:s23] =	ssyncset.done $0x0  }
0xa4: {  	s25 =	simm.s32 $0x1B8E;
	s24 =	sld [smem:$0x3FFE];
	[sflag:s23] =	ssyncadd.s32 $0xFFFFFFFF  }
0xa5: {  	s26 =	simm.s32 $execute0_lowered;
	[smem:$0x3FD2] =	sst s25  }
0xa6: {  	s4 =	sshll.u32 s26, $0x1;
	_ =	strace $0x8000004C;
	[dreg:$0x1] =	wrdreg $0xFFFFFFFF  }
0xa7: {  	s28 =	simm.s32 $_size_execute0_lowered;
	s2 =	sadd.s32 s2, s4;
	[dreg:$0x0] =	wrdreg $0x0  }
0xa8: {  	s4 =	sshll.u32 s28, $0x1;
	[dreg:$0x2] =	wrdreg s2  }
0xa9: {  	[dreg:$0x3] =	wrdreg s4  }
0xaa: {  	[dreg:$0x4] =	wrdreg $0xC0  }
0xab: {  	_ =	task [dreg:s6], $0x5FFFF  }
0xac: {  	[dreg:$0x1] =	wrdreg $0xFFFFFFFF  }
0xad: {  	[dreg:$0x0] =	wrdreg $0x60  }
0xae: {  	[dreg:$0x2] =	wrdreg s24  }
0xaf: {  	[dreg:$0x3] =	wrdreg $0xA8000  }
0xb0: {  	[dreg:$0x4] =	wrdreg $0x9  }
0xb1: {  	_ =	task.clear_ibuf [dreg:s6], $0x5FFFF;
	_ =	strace $0x9000004C  }
0xb2: {  	s29 =	simm.s32 $0x9;
	_ =	strace $0x8000004E  }
0xb3: {  	_ =	swait.ge [sflag:s29], $0x1  }
0xb4: {  	[sflag:s29] =	ssyncadd.s32 $0xFFFFFFFF  }
0xb5: {  	_ =	strace $0x9000004E  }
0xb6: {  	_ =	sfence  }
0xb7: {  	s30 =	sld [smem:$0x0];
	_ =	sdelay $0x2  }
0xb8: {  	s31 =	sshll.u32 s1, $0xD;
	s1 =	sshrl.u32 s1, $0x2  }
0xb9: {  	s3 =	sand.u32 $0x4000, s31;
	s1 =	sadd.s32 s1, s30  }
0xba: {  	s0 =	sor.u32 s3, s0;
	s1 =	sshll.u32 s1, $0x11  }
0xbb: {  	s0 =	sor.u32 s1, s0  }
0xbc: {  	s0 =	sadd.s32 $0x8F2B, s0  }
0xbd: {  	[sflag:s0] =	ssyncadd.remote.s32 $0x1  }
0xbe: {  	_ =	sfence.sel $0xFFFF  }
0xbf: {  	[dreg:$0x0] =	wrdreg $0xFFFFFFFF;
	(pc) =	sbr.abs _section_cstart, $3  }
0xc0: {  	[dreg:$0x1] =	wrdreg $0xFFFFFFFF  }
0xc1: {  	_ =	task.clear_ibuf [dreg:s6], $0x2FFFF;
	_ =	strace $0x9FFFFFFF  }
0xc2: {  	(tm) =	ssettm $0x7FFFFFFF  }
0xc3: {  	_ =	shalt  }
tec
execute0_lowered:
.L_overlay_start_1:
0x0: {  	(tag) =	ssettag $0x1  }
0x1: {  	s5 =	rddreg [dreg:$0x0]  }
0x2: {  	s1 =	rddreg [dreg:$0x1]  }
0x3: {  	s0 =	rddreg [dreg:$0x2];
	s3 =	simm.s32 $0x0;
	s2 =	stileid.u32  }
0x4: {  	s4 =	srdreg.scid;
	s15 =	simm.s32 $0x2800;
	s16 =	simm.s32 $0x6800  }
0x5: {  	s19 =	simm.s32 $0x1;
	s20 =	simm.s32 $0x2;
	s21 =	simm.s32 $0x2700  }
0x6: {  	s22 =	simm.s32 $0x2780;
	s23 =	simm.s32 $0x0;
	[smem:$0x7FF] =	sst s3  }
0x7: {  	s8 =	sadd.s32 $0x5400, s5;
	s6 =	smul.u32 $0x14000, s2;
	s7 =	sand.u32 $0x1, s4  }
0x8: {  	s9 =	sadd.s32 $0xF400, s5;
	s4 =	sadd.s32 $0x41400, s5;
	s29 =	smul.u32 $0x50000, s2  }
0x9: {  	s17 =	sshll.u32 s2, $0x6;
	_ =	strace $0x8000004D;
	s10 =	smul.u32 $0x140000, s7  }
0xa: {  	s11 =	sshll.u32 s7, $0x4;
	s7 =	ssub.s32 $0x2, s7;
	s17 =	sor.u32 $0x1C03, s17  }
0xb: {  	s12 =	sshrl.u32 s6, $0x3;
	s11 =	sor.u32 s2, s11;
	s30 =	sshrl.u32 s7, $0x1  }
0xc: {  	s31 =	sshrl.u32 s29, $0x2;
	s12 =	sadd.s32 s12, s5;
	s6 =	sadd.s32 s6, s10  }
0xd: {  	s28 =	smul.u32 $0x2800, s11;
	s14 =	ssub.s32 s7, s30;
	s18 =	sadd.s32 s31, s1  }
0xe: {  	s6 =	sshrl.u32 s6, $0x3;
	s7 =	sadd.s32 $0x19400, s12;
	s11 =	smax.u32 s14, $0x1  }
0xf: {  	s12 =	simm.s32 $0x3;
	s13 =	sadd.s32 s6, s5;
	s10 =	sshrl.u32 s28, $0x3  }
0x10: {  	s5 =	sadd.s32 s8, s10;
	s6 =	sadd.s32 s9, s10;
	s10 =	sadd.s32 $0x280, s10  }
0x11: {  	s14 =	simm.s32 $0x80;
	s18 =	sshrl.u32 s18, $0x3;
	s8 =	sadd.s32 s8, s10  }
0x12: {  	s9 =	sadd.s32 s9, s10;
	s10 =	sadd.s32 $0x69400, s13;
	s13 =	simm.s32 $0x1400  }
.LBB2_1:
0x13: {  	[tilespmem:s3], [sflag:$0x3] =	stream.linear.gather [hbm4b:s5+s3], $0x1400, $0x38;
	[tilespmem:$0x1E800] =	vst v63  }
0x14: {  	_ =	swait.ge [sflag:s12], $0x1400  }
0x15: {  	[sflag:s12] =	ssyncset.done $0x0  }
0x16: {  	[sflag:s12] =	ssyncadd.s32 $0xFFFFEC00  }
0x17: {  	[tilespmem:s13], [sflag:$0x3] =	stream.linear.gather [hbm4b:s6+s3], $0x1400, $0x38;
	[tilespmem:$0x1E800] =	vst v63  }
0x18: {  	_ =	swait.ge [sflag:s12], $0x1400  }
0x19: {  	[sflag:s12] =	ssyncset.done $0x0  }
0x1a: {  	[sflag:s12] =	ssyncadd.s32 $0xFFFFEC00  }
0x1b: {  	[tilespmem:s15], [sflag:$0x1] =	stream.indirect.gather [hbm4b:s4+s14], $0x80, s3, s14, $0xb8;
	[tilespmem:$0x1E800] =	vst v63  }
0x1c: {  	_ = 	snop  }
0x1d: {  	[tilespmem:s16], [sflag:$0x2] =	stream.indirect.gather [hbm4b:s4+s14], $0x80, s14, s14, $0xb8;
	[tilespmem:$0x1E800] =	vst v63  }
0x1e: {  	[spmem:s18], [sflag:s17] =	dma.local [hbm:s7], $0x2800  }
0x1f: {  	_ =	swait.ge [sflag:s12], $0x2800  }
0x20: {  	[sflag:s12] =	ssyncset.done $0x0  }
0x21: {  	[sflag:s12] =	ssyncadd.s32 $0xFFFFD800  }
0x22: {  	[bflag:$0x0] =	sbarrier.arrive $0xFFFF  }
0x23: {  	_ =	swait.ge [sflag:s19], $0x4000  }
0x24: {  	[sflag:s19] =	ssyncset.done $0x0  }
0x25: {  	s24 =	simm.s32 $0x1400;
	[sflag:s19] =	ssyncadd.s32 $0xFFFFC000  }
0x26: {  	[spmem:s1] =	stream.indirect.scatter.add.f32 [tilespmem:s15], [sflag:$0x3], $0x80, s24, s14, $0xb8;
	[tilespmem:$0x1E800] =	vst v63  }
0x27: {  	_ =	swait.ge [sflag:s12], $0x4000  }
0x28: {  	[sflag:s12] =	ssyncset.done $0x0  }
0x29: {  	s30 =	simm.s32 $0x100;
	[sflag:s12] =	ssyncadd.s32 $0xFFFFC000  }
0x2a: {  	[tilespmem:s15], [sflag:$0x1] =	stream.indirect.gather [hbm4b:s4+s14], $0x80, s30, s14, $0xb8;
	[tilespmem:$0x1E800] =	vst v63  }
0x2b: {  	_ =	swait.ge [sflag:s20], $0x4000  }
0x2c: {  	[sflag:s20] =	ssyncset.done $0x0  }
0x2d: {  	s31 =	simm.s32 $0x1480;
	[sflag:s20] =	ssyncadd.s32 $0xFFFFC000  }
0x2e: {  	[spmem:s1] =	stream.indirect.scatter.add.f32 [tilespmem:s16], [sflag:$0x3], $0x80, s31, s14, $0xb8;
	[tilespmem:$0x1E800] =	vst v63  }
0x2f: {  	_ =	swait.ge [sflag:s12], $0x4000  }
0x30: {  	[sflag:s12] =	ssyncset.done $0x0  }
0x31: {  	s25 =	simm.s32 $0x180;
	s24 =	simm.s32 $0x400;
	[sflag:s12] =	ssyncadd.s32 $0xFFFFC000  }
.LBB2_2:
0x32: {  	[tilespmem:s16], [sflag:$0x2] =	stream.indirect.gather [hbm4b:s4+s14], $0x80, s25, s14, $0xb8;
	[tilespmem:$0x1E800] =	vst v63  }
0x33: {  	s25 =	smov.u32 s24  }
0x34: {  	p0 =	sne.s32 s24, $0x4800;
	s24 =	sadd.s32 $0x400, s24;
	_ =	swait.ge [sflag:s19], $0x4000  }
0x35: {  	s25 =	sshra.s32 s25, $0x2;
	[sflag:s19] =	ssyncset.done $0x0  }
0x36: {  	s26 =	sadd.s32 $0x1400, s25;
	[sflag:s19] =	ssyncadd.s32 $0xFFFFC000  }
0x37: {  	[spmem:s1] =	stream.indirect.scatter.add.f32 [tilespmem:s15], [sflag:$0x3], $0x80, s26, s14, $0xb8;
	[tilespmem:$0x1E800] =	vst v63  }
0x38: {  	_ =	swait.ge [sflag:s12], $0x4000  }
0x39: {  	[sflag:s12] =	ssyncset.done $0x0  }
0x3a: {  	s26 =	sadd.s32 $0x100, s25;
	[sflag:s12] =	ssyncadd.s32 $0xFFFFC000  }
0x3b: {  	[tilespmem:s15], [sflag:$0x1] =	stream.indirect.gather [hbm4b:s4+s14], $0x80, s26, s14, $0xb8;
	[tilespmem:$0x1E800] =	vst v63  }
0x3c: {  	_ =	swait.ge [sflag:s20], $0x4000  }
0x3d: {  	[sflag:s20] =	ssyncset.done $0x0  }
.Ltmp0:
0x3e: {  	s26 =	sadd.s32 $0x1480, s25;
	[sflag:s20] =	ssyncadd.s32 $0xFFFFC000;
	(pc) =	sbr.rel @p0 .LBB2_2-.Ltmp0, $4  }
0x3f: {  	[spmem:s1] =	stream.indirect.scatter.add.f32 [tilespmem:s16], [sflag:$0x3], $0x80, s26, s14, $0xb8;
	[tilespmem:$0x1E800] =	vst v63  }
0x40: {  	_ =	swait.ge [sflag:s12], $0x4000  }
0x41: {  	[sflag:s12] =	ssyncset.done $0x0  }
0x42: {  	s25 =	sadd.s32 $0x180, s25;
	[sflag:s12] =	ssyncadd.s32 $0xFFFFC000  }
0x43: {  	[tilespmem:s16], [sflag:$0x2] =	stream.indirect.gather [hbm4b:s4+s14], $0x80, s25, s14, $0xb8;
	[tilespmem:$0x1E800] =	vst v63  }
0x44: {  	_ =	swait.ge [sflag:s19], $0x4000  }
0x45: {  	[sflag:s19] =	ssyncset.done $0x0  }
0x46: {  	[sflag:s19] =	ssyncadd.s32 $0xFFFFC000  }
0x47: {  	[spmem:s1] =	stream.indirect.scatter.add.f32 [tilespmem:s15], [sflag:$0x3], $0x80, s21, s14, $0xb8;
	[tilespmem:$0x1E800] =	vst v63  }
0x48: {  	_ =	swait.ge [sflag:s12], $0x4000  }
0x49: {  	[sflag:s12] =	ssyncset.done $0x0  }
0x4a: {  	[sflag:s12] =	ssyncadd.s32 $0xFFFFC000  }
0x4b: {  	_ =	swait.ge [sflag:s20], $0x4000  }
0x4c: {  	[sflag:s20] =	ssyncset.done $0x0  }
0x4d: {  	[sflag:s20] =	ssyncadd.s32 $0xFFFFC000  }
0x4e: {  	[spmem:s1] =	stream.indirect.scatter.add.f32 [tilespmem:s16], [sflag:$0x3], $0x80, s22, s14, $0xb8;
	[tilespmem:$0x1E800] =	vst v63  }
0x4f: {  	_ =	swait.ge [sflag:s12], $0x4000  }
0x50: {  	[sflag:s12] =	ssyncset.done $0x0  }
0x51: {  	s24 =	simm.s32 $0x0;
	[sflag:s12] =	ssyncadd.s32 $0xFFFFC000  }
0x52: {  	[tilespmem:s24], [sflag:$0x3] =	stream.linear.gather [hbm4b:s8+s24], $0x1400, $0x38;
	[tilespmem:$0x1E800] =	vst v63  }
0x53: {  	_ =	swait.ge [sflag:s12], $0x1400  }
0x54: {  	[sflag:s12] =	ssyncset.done $0x0  }
0x55: {  	[sflag:s12] =	ssyncadd.s32 $0xFFFFEC00  }
0x56: {  	[tilespmem:s13], [sflag:$0x3] =	stream.linear.gather [hbm4b:s9+s24], $0x1400, $0x38;
	[tilespmem:$0x1E800] =	vst v63  }
0x57: {  	_ =	swait.ge [sflag:s12], $0x1400  }
0x58: {  	[sflag:s12] =	ssyncset.done $0x0  }
0x59: {  	[sflag:s12] =	ssyncadd.s32 $0xFFFFEC00  }
0x5a: {  	[tilespmem:s15], [sflag:$0x1] =	stream.indirect.gather [hbm4b:s4+s14], $0x80, s24, s14, $0xb8;
	[tilespmem:$0x1E800] =	vst v63  }
0x5b: {  	_ = 	snop  }
0x5c: {  	[tilespmem:s16], [sflag:$0x2] =	stream.indirect.gather [hbm4b:s4+s14], $0x80, s14, s14, $0xb8;
	[tilespmem:$0x1E800] =	vst v63  }
0x5d: {  	_ =	swait.ge [sflag:s19], $0x4000  }
0x5e: {  	[sflag:s19] =	ssyncset.done $0x0  }
0x5f: {  	s29 =	simm.s32 $0x1400;
	[sflag:s19] =	ssyncadd.s32 $0xFFFFC000  }
0x60: {  	[spmem:s1] =	stream.indirect.scatter.add.f32 [tilespmem:s15], [sflag:$0x3], $0x80, s29, s14, $0xb8;
	[tilespmem:$0x1E800] =	vst v63  }
0x61: {  	_ =	swait.ge [sflag:s12], $0x4000  }
0x62: {  	[sflag:s12] =	ssyncset.done $0x0  }
0x63: {  	s30 =	simm.s32 $0x100;
	[sflag:s12] =	ssyncadd.s32 $0xFFFFC000  }
0x64: {  	[tilespmem:s15], [sflag:$0x1] =	stream.indirect.gather [hbm4b:s4+s14], $0x80, s30, s14, $0xb8;
	[tilespmem:$0x1E800] =	vst v63  }
0x65: {  	_ =	swait.ge [sflag:s20], $0x4000  }
0x66: {  	[sflag:s20] =	ssyncset.done $0x0  }
0x67: {  	s31 =	simm.s32 $0x1480;
	[sflag:s20] =	ssyncadd.s32 $0xFFFFC000  }
0x68: {  	[spmem:s1] =	stream.indirect.scatter.add.f32 [tilespmem:s16], [sflag:$0x3], $0x80, s31, s14, $0xb8;
	[tilespmem:$0x1E800] =	vst v63  }
0x69: {  	_ =	swait.ge [sflag:s12], $0x4000  }
0x6a: {  	[sflag:s12] =	ssyncset.done $0x0  }
0x6b: {  	s25 =	simm.s32 $0x180;
	s24 =	simm.s32 $0x400;
	[sflag:s12] =	ssyncadd.s32 $0xFFFFC000  }
.LBB2_4:
0x6c: {  	[tilespmem:s16], [sflag:$0x2] =	stream.indirect.gather [hbm4b:s4+s14], $0x80, s25, s14, $0xb8;
	[tilespmem:$0x1E800] =	vst v63  }
0x6d: {  	s25 =	smov.u32 s24  }
0x6e: {  	p0 =	sne.s32 s24, $0x4800;
	s24 =	sadd.s32 $0x400, s24;
	_ =	swait.ge [sflag:s19], $0x4000  }
0x6f: {  	s25 =	sshra.s32 s25, $0x2;
	[sflag:s19] =	ssyncset.done $0x0  }
0x70: {  	s26 =	sadd.s32 $0x1400, s25;
	[sflag:s19] =	ssyncadd.s32 $0xFFFFC000  }
0x71: {  	[spmem:s1] =	stream.indirect.scatter.add.f32 [tilespmem:s15], [sflag:$0x3], $0x80, s26, s14, $0xb8;
	[tilespmem:$0x1E800] =	vst v63  }
0x72: {  	_ =	swait.ge [sflag:s12], $0x4000  }
0x73: {  	[sflag:s12] =	ssyncset.done $0x0  }
0x74: {  	s26 =	sadd.s32 $0x100, s25;
	[sflag:s12] =	ssyncadd.s32 $0xFFFFC000  }
0x75: {  	[tilespmem:s15], [sflag:$0x1] =	stream.indirect.gather [hbm4b:s4+s14], $0x80, s26, s14, $0xb8;
	[tilespmem:$0x1E800] =	vst v63  }
0x76: {  	_ =	swait.ge [sflag:s20], $0x4000  }
0x77: {  	[sflag:s20] =	ssyncset.done $0x0  }
.Ltmp1:
0x78: {  	s26 =	sadd.s32 $0x1480, s25;
	[sflag:s20] =	ssyncadd.s32 $0xFFFFC000;
	(pc) =	sbr.rel @p0 .LBB2_4-.Ltmp1, $4  }
0x79: {  	[spmem:s1] =	stream.indirect.scatter.add.f32 [tilespmem:s16], [sflag:$0x3], $0x80, s26, s14, $0xb8;
	[tilespmem:$0x1E800] =	vst v63  }
0x7a: {  	_ =	swait.ge [sflag:s12], $0x4000  }
0x7b: {  	[sflag:s12] =	ssyncset.done $0x0  }
0x7c: {  	s25 =	sadd.s32 $0x180, s25;
	[sflag:s12] =	ssyncadd.s32 $0xFFFFC000  }
0x7d: {  	[tilespmem:s16], [sflag:$0x2] =	stream.indirect.gather [hbm4b:s4+s14], $0x80, s25, s14, $0xb8;
	[tilespmem:$0x1E800] =	vst v63  }
0x7e: {  	_ =	swait.ge [sflag:s19], $0x4000  }
0x7f: {  	[sflag:s19] =	ssyncset.done $0x0  }
0x80: {  	[sflag:s19] =	ssyncadd.s32 $0xFFFFC000  }
0x81: {  	[spmem:s1] =	stream.indirect.scatter.add.f32 [tilespmem:s15], [sflag:$0x3], $0x80, s21, s14, $0xb8;
	[tilespmem:$0x1E800] =	vst v63  }
0x82: {  	_ =	swait.ge [sflag:s12], $0x4000  }
0x83: {  	[sflag:s12] =	ssyncset.done $0x0  }
0x84: {  	[sflag:s12] =	ssyncadd.s32 $0xFFFFC000  }
0x85: {  	_ =	swait.ge [sflag:s20], $0x4000  }
0x86: {  	[sflag:s20] =	ssyncset.done $0x0  }
0x87: {  	[sflag:s20] =	ssyncadd.s32 $0xFFFFC000  }
0x88: {  	[spmem:s1] =	stream.indirect.scatter.add.f32 [tilespmem:s16], [sflag:$0x3], $0x80, s22, s14, $0xb8;
	[tilespmem:$0x1E800] =	vst v63  }
0x89: {  	_ =	swait.ge [sflag:s12], $0x4000  }
0x8a: {  	s23 =	sadd.s32 $0x1, s23;
	[sflag:s12] =	ssyncset.done $0x0  }
0x8b: {  	p0 =	sne.s32 s23, s11;
	[sflag:s12] =	ssyncadd.s32 $0xFFFFC000  }
.Ltmp2:
0x8c: {  	[bflag:$0x0] =	sbarrier.arrive $0xFFFF;
	(pc) =	sbr.rel @p0 .LBB2_1-.Ltmp2, $4  }
0x8d: {  	[hbm:s10], [sflag:s17] =	dma.local [spmem:s18], $0x2800  }
0x8e: {  	_ =	swait.ge [sflag:s12], $0x2800  }
0x8f: {  	[sflag:s12] =	ssyncset.done $0x0  }
0x90: {  	[sflag:s12] =	ssyncadd.s32 $0xFFFFD800  }
0x91: {  	_ =	sfence.sel $0x180000  }
0x92: {  	[bflag:$0x0] =	sbarrier.arrive $0xFFFF  }
0x93: {  	p0 =	sne.s32 s2, $0x0;
	_ =	strace $0x9000004D  }
0x94: {  	s0 =	sadd.s32 @!p0 $0x100000, s0;
	[bflag:$0x2] =	sbarrier.arrive $0xFFFF  }
0x95: {  	[sflag:s0] =	ssyncadd.tile.s32 @!p0 $0x1;
	_ =	shalt  }
.Lfunc_end2:
_tile_overlayer_lowered:
.L_overlay_start_2:
0x96: {  	(tag) =	ssettag $0x2  }
0x97: {  	s0 =	rddreg [dreg:$0x0];
	s2 =	stileid.u32  }
0x98: {  	s1 =	rddreg [dreg:$0x1];
	p0 =	sne.s32 s2, $0x0  }
0x99: {  	s3 =	rddreg [dreg:$0x2];
	[bflag:$0x3] =	sbarrier.arrive $0xFFFF;
	s2 =	simm.s32 @!p0 $0x1C03  }
0x9a: {  	[timem:s3], [sflag:s2] =	dma.local @!p0 [hbm:s0], s1  }
0x9b: {  	s0 =	simm.s32 @!p0 $0x3  }
0x9c: {  	_ =	swait.ge @!p0 [sflag:s0], s1  }
0x9d: {  	s1 =	ssub.s32 @!p0 $0x0, s1;
	[sflag:s0] =	ssyncset.done @!p0 $0x0  }
0x9e: {  	[sflag:s0] =	ssyncadd.s32 @!p0 s1  }
0x9f: {  	[bflag:$0x3] =	sbarrier.arrive $0xFFFF  }
0xa0: {  	_ =	shalt  }

// kernel: kernel.24.cloned.1.call-start
scs
__scs_entry_jumppad:
0x0: {  	(pc) =	sbr.rel $0x88, $3  }
0x1: {  	(tag) =	ssettag $0x0;
	lr =	simm.s32 $0x1  }
0x2: {  	[smem:$0x3F8B] =	sst lr;
	_ =	strace $0xD0000000  }
0x3: {  	_ = 	snop  }
0x4: {  	_ = 	snop  }
0x5: {  	_ = 	snop  }
0x6: {  	_ = 	snop  }
0x7: {  	_ = 	snop  }
__scs_overlays_trampoline_lowered:
0x8: {  	[smem:$0x3F9A] =	sst s0  }
0x9: {  	[smem:$0x3F9B] =	sst s1  }
0xa: {  	[smem:$0x3F9C] =	sst s2  }
0xb: {  	[smem:$0x3F9D] =	sst s3  }
0xc: {  	[smem:$0x3F9E] =	sst s4  }
0xd: {  	[smem:$0x3F9F] =	sst s5  }
0xe: {  	[smem:$0x3FA0] =	sst s6  }
0xf: {  	[smem:$0x3FA1] =	sst s7  }
0x10: {  	[smem:$0x3FA2] =	sst s8  }
0x11: {  	[smem:$0x3FA3] =	sst s9;
	s0 =	simm.s32 @!p0 $0x0  }
0x12: {  	s1 =	sld [smem:$0x3F89];
	s0 =	simm.s32 @p0 $0x1  }
0x13: {  	[smem:$0x3FA4] =	sst s0;
	s0 =	simm.s32 @!p1 $0x0  }
0x14: {  	s2 =	sld [smem:$0x3F88];
	s0 =	simm.s32 @p1 $0x1  }
0x15: {  	[smem:$0x3FA5] =	sst s0;
	s0 =	simm.s32 @!p2 $0x0  }
0x16: {  	s3 =	sld [smem:$0x3FDB];
	s0 =	simm.s32 @p2 $0x1  }
0x17: {  	s4 =	simm.s32 $0x1BF5;
	[smem:$0x3FA7] =	sst s0  }
0x18: {  	s0 =	sld [smem:$0x3F8A];
	_ =	swait.ge [sflag:s4], $0x0  }
0x19: {  	s7 =	sld [smem:$0x3F8B]  }
0x1a: {  	s8 =	sadd.s32 $0xFFFFE003, lr  }
0x1b: {  	s9 =	sadd.s32 $0xFFFFFEF7, lr;
	s5 =	simm.s32 $0xFFFFFFFF;
	p2 =	slt.u32 s8, $0xFFFFF086  }
0x1c: {  	p1 =	slt.u32 s9, $0xF7A;
	s5 =	simm.s32 @!p2 $0x0  }
0x1d: {  	s5 =	simm.s32 @p1 $0x1;
	p0 =	seq.s32 s7, s2  }
0x1e: {  	s7 =	smul.u32 @!p0 $0xF7A, s2;
	p2 =	seq.s32 @!p0 s5, $0x0  }
0x1f: {  	s9 =	smul.u32 $0xF7A, s1;
	s8 =	simm.s32 @!p0 $0x1BF5;
	p2 =	por !p2, p0  }
0x20: {  	[sflag:s8] =	ssyncset.s32 @!p0 $0xFFFFF086;
	s6 =	sadd.s32 @!p0 s3, s7;
	s7 =	simm.s32 @!p0 $0x108  }
0x21: {  	s3 =	sadd.s32 s3, s9;
	s6 =	sadd.s32 @!p0 $0x88, s6;
	s7 =	simm.s32 @p2 $0x1082  }
0x22: {  	[simem:s7], [sflag:s8] =	dma.local @!p0 [hbm:s6], $0xF7A  }
0x23: {  	s9 =	sor.u32 $0xD0000000, s2;
	s6 =	simm.s32 $0x108;
	_ =	swait.ge @!p0 [sflag:s8], $0x0  }
0x24: {  	s3 =	sadd.s32 $0x88, s3;
	s6 =	simm.s32 @!p1 $0x1082;
	[sflag:s4] =	ssyncset.s32 $0xFFFFF086  }
0x25: {  	[simem:s6], [sflag:s4] =	dma.local [hbm:s3], $0xF7A  }
0x26: {  	[smem:$0x3F8B] =	sst s1;
	(tag) =	ssettag s2;
	_ =	strace s9  }
0x27: {  	s1 =	sld [smem:$0x3F9B]  }
0x28: {  	s2 =	sld [smem:$0x3F9C]  }
0x29: {  	s4 =	sld [smem:$0x3F9E]  }
0x2a: {  	p0 =	seq.s32 s5, $0x0;
	s5 =	sld [smem:$0x3F9F]  }
0x2b: {  	s6 =	sld [smem:$0x3FA0]  }
0x2c: {  	s7 =	sld [smem:$0x3FA1]  }
0x2d: {  	s3 =	simm.s32 $0x108;
	s8 =	sld [smem:$0x3FA2]  }
0x2e: {  	s3 =	simm.s32 @!p0 $0x1082;
	s9 =	sld [smem:$0x3FA3]  }
0x2f: {  	lr =	sadd.s32 s0, s3;
	s0 =	sld [smem:$0x3F9A]  }
0x30: {  	s3 =	sld [smem:$0x3F9D]  }
0x31: {  	[smem:$0x3FA6] =	sst s10  }
0x32: {  	s10 =	sld [smem:$0x3FA4];
	_ =	sdelay $0x3  }
0x33: {  	p0 =	seq.s32 s10, $0x1;
	s10 =	sld [smem:$0x3FA6];
	_ =	sdelay $0x3  }
0x34: {  	[smem:$0x3FA6] =	sst s10  }
0x35: {  	s10 =	sld [smem:$0x3FA5];
	_ =	sdelay $0x3  }
0x36: {  	p1 =	seq.s32 s10, $0x1;
	s10 =	sld [smem:$0x3FA6];
	_ =	sdelay $0x3  }
0x37: {  	[smem:$0x3FA6] =	sst s10  }
0x38: {  	s10 =	sld [smem:$0x3FA7]  }
0x39: {  	_ = 	snop;
	(pc) =	sbr.ind lr, $3  }
0x3a: {  	_ = 	snop  }
0x3b: {  	_ = 	snop  }
0x3c: {  	p2 =	seq.s32 s10, $0x1;
	s10 =	sld [smem:$0x3FA6]  }
0x3d: {  	_ =	shalt  }
0x3e: {  	_ =	shalt  }
0x3f: {  	_ =	shalt  }
0x40: {  	_ =	shalt  }
0x41: {  	_ =	shalt  }
0x42: {  	_ =	shalt  }
0x43: {  	_ =	shalt  }
0x44: {  	_ =	shalt  }
0x45: {  	_ =	shalt  }
0x46: {  	_ =	shalt  }
0x47: {  	_ =	shalt  }
0x48: {  	_ =	shalt  }
0x49: {  	_ =	shalt  }
0x4a: {  	_ =	shalt  }
0x4b: {  	_ =	shalt  }
0x4c: {  	_ =	shalt  }
0x4d: {  	_ =	shalt  }
0x4e: {  	_ =	shalt  }
0x4f: {  	_ =	shalt  }
0x50: {  	_ =	shalt  }
0x51: {  	_ =	shalt  }
0x52: {  	_ =	shalt  }
0x53: {  	_ =	shalt  }
0x54: {  	_ =	shalt  }
0x55: {  	_ =	shalt  }
0x56: {  	_ =	shalt  }
0x57: {  	_ =	shalt  }
0x58: {  	_ =	shalt  }
0x59: {  	_ =	shalt  }
0x5a: {  	_ =	shalt  }
0x5b: {  	_ =	shalt  }
0x5c: {  	_ =	shalt  }
0x5d: {  	_ =	shalt  }
0x5e: {  	_ =	shalt  }
0x5f: {  	_ =	shalt  }
0x60: {  	_ =	shalt  }
0x61: {  	_ =	shalt  }
0x62: {  	_ =	shalt  }
0x63: {  	_ =	shalt  }
0x64: {  	_ =	shalt  }
0x65: {  	_ =	shalt  }
0x66: {  	_ =	shalt  }
0x67: {  	_ =	shalt  }
0x68: {  	_ =	shalt  }
0x69: {  	_ =	shalt  }
0x6a: {  	_ =	shalt  }
0x6b: {  	_ =	shalt  }
0x6c: {  	_ =	shalt  }
0x6d: {  	_ =	shalt  }
0x6e: {  	_ =	shalt  }
0x6f: {  	_ =	shalt  }
0x70: {  	_ =	shalt  }
0x71: {  	_ =	shalt  }
0x72: {  	_ =	shalt  }
0x73: {  	_ =	shalt  }
0x74: {  	_ =	shalt  }
0x75: {  	_ =	shalt  }
0x76: {  	_ =	shalt  }
0x77: {  	_ =	shalt  }
0x78: {  	_ =	shalt  }
0x79: {  	_ =	shalt  }
0x7a: {  	_ =	shalt  }
0x7b: {  	_ =	shalt  }
0x7c: {  	_ =	shalt  }
0x7d: {  	_ =	shalt  }
0x7e: {  	_ =	shalt  }
0x7f: {  	_ =	shalt  }
0x80: {  	_ =	shalt  }
0x81: {  	_ =	shalt  }
0x82: {  	_ =	shalt  }
0x83: {  	_ =	shalt  }
0x84: {  	_ =	shalt  }
0x85: {  	_ =	shalt  }
0x86: {  	_ =	shalt  }
0x87: {  	_ =	shalt  }
.Lfunc_end0:
.L_simem_size_0:
called_computation.3_lowered:
.L_overlay_start_0:
0x88: {  	s2 =	sld [smem:$0x3FD9]  }
0x89: {  	s3 =	sld [smem:$0x3FFE];
	_ =	sdelay $0x1  }
0x8a: {  	s1 =	srdreg.scid  }
0x8b: {  	s0 =	sand.u32 $0x1, s1  }
0x8c: {  	s16 =	sshll.u32 s0, $0xA;
	s2 =	sadd.s32 s3, s2  }
0x8d: {  	s2 =	sadd.s32 s2, s16  }
0x8e: {  	[smem:$0x3FB2] =	sst s2  }
0x8f: {  	_ = 	snop  }
0x90: {  	(tm) =	ssettm $0x1  }
0x91: {  	s17 =	sld [smem:$0x3FFB];
	_ =	sdelay $0x3  }
0x92: {  	_ =	strace s17  }
0x93: {  	s2 =	sld [smem:$0x3FFC];
	_ =	sdelay $0x3  }
0x94: {  	_ =	strace s2  }
0x95: {  	s2 =	sld [smem:$0x3FFD];
	_ =	sdelay $0x3  }
0x96: {  	_ =	strace s2  }
0x97: {  	_ =	strace $0x8FFFFFFF  }
0x98: {  	s18 =	sld [smem:$0x3FDB];
	_ =	sdelay $0x1  }
0x99: {  	s19 =	simm.s32 $_scs_section_size  }
0x9a: {  	s4 =	simm.s32 $_size__tile_overlayer_lowered;
	s5 =	simm.s32 $_tile_overlayer_lowered  }
0x9b: {  	s22 =	simm.s32 $0x1BFF;
	s21 =	sshll.u32 s5, $0x1;
	s2 =	sadd.s32 s19, s18  }
0x9c: {  	s6 =	simm.s32 $0x0;
	s20 =	sshll.u32 s4, $0x1;
	s4 =	sadd.s32 s21, s2  }
0x9d: {  	[timem:s6], [sflag:s22] =	dma.local [hbm:s4], s20  }
0x9e: {  	_ =	swait.ge [sflag:s22], s20  }
0x9f: {  	s3 =	ssub.s32 $0x0, s20;
	[sflag:s22] =	ssyncset.done $0x0  }
0xa0: {  	[sflag:s22] =	ssyncadd.s32 s3;
	_ =	sdelay $0x1  }
0xa1: {  	s23 =	simm.s32 $0x1B8B  }
0xa2: {  	_ =	swait.ge [sflag:s23], $0x1  }
0xa3: {  	[sflag:s23] =	ssyncset.done $0x0  }
0xa4: {  	s25 =	simm.s32 $0x1B8E;
	s24 =	sld [smem:$0x3FFE];
	[sflag:s23] =	ssyncadd.s32 $0xFFFFFFFF  }
0xa5: {  	s26 =	simm.s32 $execute0_lowered;
	[smem:$0x3FD2] =	sst s25  }
0xa6: {  	s4 =	sshll.u32 s26, $0x1;
	_ =	strace $0x8000004F;
	[dreg:$0x1] =	wrdreg $0xFFFFFFFF  }
0xa7: {  	s28 =	simm.s32 $_size_execute0_lowered;
	s2 =	sadd.s32 s2, s4;
	[dreg:$0x0] =	wrdreg $0x0  }
0xa8: {  	s4 =	sshll.u32 s28, $0x1;
	[dreg:$0x2] =	wrdreg s2  }
0xa9: {  	[dreg:$0x3] =	wrdreg s4  }
0xaa: {  	[dreg:$0x4] =	wrdreg $0xC0  }
0xab: {  	_ =	task [dreg:s6], $0x5FFFF  }
0xac: {  	[dreg:$0x1] =	wrdreg $0xFFFFFFFF  }
0xad: {  	[dreg:$0x0] =	wrdreg $0x60  }
0xae: {  	[dreg:$0x2] =	wrdreg s24  }
0xaf: {  	[dreg:$0x3] =	wrdreg $0xA8000  }
0xb0: {  	[dreg:$0x4] =	wrdreg $0x9  }
0xb1: {  	_ =	task.clear_ibuf [dreg:s6], $0x5FFFF;
	_ =	strace $0x9000004F  }
0xb2: {  	s29 =	simm.s32 $0x9;
	_ =	strace $0x80000051  }
0xb3: {  	_ =	swait.ge [sflag:s29], $0x1  }
0xb4: {  	[sflag:s29] =	ssyncadd.s32 $0xFFFFFFFF  }
0xb5: {  	_ =	strace $0x90000051  }
0xb6: {  	_ =	sfence  }
0xb7: {  	s30 =	sld [smem:$0x0];
	_ =	sdelay $0x2  }
0xb8: {  	s31 =	sshll.u32 s1, $0xD;
	s1 =	sshrl.u32 s1, $0x2  }
0xb9: {  	s3 =	sand.u32 $0x4000, s31;
	s1 =	sadd.s32 s1, s30  }
0xba: {  	s0 =	sor.u32 s3, s0;
	s1 =	sshll.u32 s1, $0x11  }
0xbb: {  	s0 =	sor.u32 s1, s0  }
0xbc: {  	s0 =	sadd.s32 $0x8F2B, s0  }
0xbd: {  	[sflag:s0] =	ssyncadd.remote.s32 $0x1  }
0xbe: {  	_ =	sfence.sel $0xFFFF  }
0xbf: {  	[dreg:$0x0] =	wrdreg $0xFFFFFFFF;
	(pc) =	sbr.abs _section_cstart, $3  }
0xc0: {  	[dreg:$0x1] =	wrdreg $0xFFFFFFFF  }
0xc1: {  	_ =	task.clear_ibuf [dreg:s6], $0x2FFFF;
	_ =	strace $0x9FFFFFFF  }
0xc2: {  	(tm) =	ssettm $0x7FFFFFFF  }
0xc3: {  	_ =	shalt  }
tec
execute0_lowered:
.L_overlay_start_1:
0x0: {  	(tag) =	ssettag $0x1  }
0x1: {  	s5 =	rddreg [dreg:$0x0]  }
0x2: {  	s1 =	rddreg [dreg:$0x1]  }
0x3: {  	s0 =	rddreg [dreg:$0x2];
	s3 =	simm.s32 $0x0;
	s2 =	stileid.u32  }
0x4: {  	s4 =	srdreg.scid;
	s15 =	simm.s32 $0x2800;
	s16 =	simm.s32 $0x6800  }
0x5: {  	s19 =	simm.s32 $0x1;
	s20 =	simm.s32 $0x2;
	s21 =	simm.s32 $0x2700  }
0x6: {  	s22 =	simm.s32 $0x2780;
	s23 =	simm.s32 $0x0;
	[smem:$0x7FF] =	sst s3  }
0x7: {  	s8 =	sadd.s32 $0x5400, s5;
	s6 =	smul.u32 $0x14000, s2;
	s7 =	sand.u32 $0x1, s4  }
0x8: {  	s9 =	sadd.s32 $0xF400, s5;
	s4 =	sadd.s32 $0x41400, s5;
	s29 =	smul.u32 $0x50000, s2  }
0x9: {  	s17 =	sshll.u32 s2, $0x6;
	_ =	strace $0x80000050;
	s10 =	smul.u32 $0x140000, s7  }
0xa: {  	s11 =	sshll.u32 s7, $0x4;
	s7 =	ssub.s32 $0x2, s7;
	s17 =	sor.u32 $0x1C03, s17  }
0xb: {  	s12 =	sshrl.u32 s6, $0x3;
	s11 =	sor.u32 s2, s11;
	s30 =	sshrl.u32 s7, $0x1  }
0xc: {  	s31 =	sshrl.u32 s29, $0x2;
	s12 =	sadd.s32 s12, s5;
	s6 =	sadd.s32 s6, s10  }
0xd: {  	s28 =	smul.u32 $0x2800, s11;
	s14 =	ssub.s32 s7, s30;
	s18 =	sadd.s32 s31, s1  }
0xe: {  	s6 =	sshrl.u32 s6, $0x3;
	s7 =	sadd.s32 $0x19400, s12;
	s11 =	smax.u32 s14, $0x1  }
0xf: {  	s12 =	simm.s32 $0x3;
	s13 =	sadd.s32 s6, s5;
	s10 =	sshrl.u32 s28, $0x3  }
0x10: {  	s5 =	sadd.s32 s8, s10;
	s6 =	sadd.s32 s9, s10;
	s10 =	sadd.s32 $0x280, s10  }
0x11: {  	s14 =	simm.s32 $0x80;
	s18 =	sshrl.u32 s18, $0x3;
	s8 =	sadd.s32 s8, s10  }
0x12: {  	s9 =	sadd.s32 s9, s10;
	s10 =	sadd.s32 $0x91400, s13;
	s13 =	simm.s32 $0x1400  }
.LBB2_1:
0x13: {  	[tilespmem:s3], [sflag:$0x3] =	stream.linear.gather [hbm4b:s5+s3], $0x1400, $0x38;
	[tilespmem:$0x1E800] =	vst v63  }
0x14: {  	_ =	swait.ge [sflag:s12], $0x1400  }
0x15: {  	[sflag:s12] =	ssyncset.done $0x0  }
0x16: {  	[sflag:s12] =	ssyncadd.s32 $0xFFFFEC00  }
0x17: {  	[tilespmem:s13], [sflag:$0x3] =	stream.linear.gather [hbm4b:s6+s3], $0x1400, $0x38;
	[tilespmem:$0x1E800] =	vst v63  }
0x18: {  	_ =	swait.ge [sflag:s12], $0x1400  }
0x19: {  	[sflag:s12] =	ssyncset.done $0x0  }
0x1a: {  	[sflag:s12] =	ssyncadd.s32 $0xFFFFEC00  }
0x1b: {  	[tilespmem:s15], [sflag:$0x1] =	stream.indirect.gather [hbm4b:s4+s14], $0x80, s3, s14, $0xb8;
	[tilespmem:$0x1E800] =	vst v63  }
0x1c: {  	_ = 	snop  }
0x1d: {  	[tilespmem:s16], [sflag:$0x2] =	stream.indirect.gather [hbm4b:s4+s14], $0x80, s14, s14, $0xb8;
	[tilespmem:$0x1E800] =	vst v63  }
0x1e: {  	[spmem:s18], [sflag:s17] =	dma.local [hbm:s7], $0x2800  }
0x1f: {  	_ =	swait.ge [sflag:s12], $0x2800  }
0x20: {  	[sflag:s12] =	ssyncset.done $0x0  }
0x21: {  	[sflag:s12] =	ssyncadd.s32 $0xFFFFD800  }
0x22: {  	[bflag:$0x0] =	sbarrier.arrive $0xFFFF  }
0x23: {  	_ =	swait.ge [sflag:s19], $0x4000  }
0x24: {  	[sflag:s19] =	ssyncset.done $0x0  }
0x25: {  	s24 =	simm.s32 $0x1400;
	[sflag:s19] =	ssyncadd.s32 $0xFFFFC000  }
0x26: {  	[spmem:s1] =	stream.indirect.scatter.add.f32 [tilespmem:s15], [sflag:$0x3], $0x80, s24, s14, $0xb8;
	[tilespmem:$0x1E800] =	vst v63  }
0x27: {  	_ =	swait.ge [sflag:s12], $0x4000  }
0x28: {  	[sflag:s12] =	ssyncset.done $0x0  }
0x29: {  	s30 =	simm.s32 $0x100;
	[sflag:s12] =	ssyncadd.s32 $0xFFFFC000  }
0x2a: {  	[tilespmem:s15], [sflag:$0x1] =	stream.indirect.gather [hbm4b:s4+s14], $0x80, s30, s14, $0xb8;
	[tilespmem:$0x1E800] =	vst v63  }
0x2b: {  	_ =	swait.ge [sflag:s20], $0x4000  }
0x2c: {  	[sflag:s20] =	ssyncset.done $0x0  }
0x2d: {  	s31 =	simm.s32 $0x1480;
	[sflag:s20] =	ssyncadd.s32 $0xFFFFC000  }
0x2e: {  	[spmem:s1] =	stream.indirect.scatter.add.f32 [tilespmem:s16], [sflag:$0x3], $0x80, s31, s14, $0xb8;
	[tilespmem:$0x1E800] =	vst v63  }
0x2f: {  	_ =	swait.ge [sflag:s12], $0x4000  }
0x30: {  	[sflag:s12] =	ssyncset.done $0x0  }
0x31: {  	s25 =	simm.s32 $0x180;
	s24 =	simm.s32 $0x400;
	[sflag:s12] =	ssyncadd.s32 $0xFFFFC000  }
.LBB2_2:
0x32: {  	[tilespmem:s16], [sflag:$0x2] =	stream.indirect.gather [hbm4b:s4+s14], $0x80, s25, s14, $0xb8;
	[tilespmem:$0x1E800] =	vst v63  }
0x33: {  	s25 =	smov.u32 s24  }
0x34: {  	p0 =	sne.s32 s24, $0x4800;
	s24 =	sadd.s32 $0x400, s24;
	_ =	swait.ge [sflag:s19], $0x4000  }
0x35: {  	s25 =	sshra.s32 s25, $0x2;
	[sflag:s19] =	ssyncset.done $0x0  }
0x36: {  	s26 =	sadd.s32 $0x1400, s25;
	[sflag:s19] =	ssyncadd.s32 $0xFFFFC000  }
0x37: {  	[spmem:s1] =	stream.indirect.scatter.add.f32 [tilespmem:s15], [sflag:$0x3], $0x80, s26, s14, $0xb8;
	[tilespmem:$0x1E800] =	vst v63  }
0x38: {  	_ =	swait.ge [sflag:s12], $0x4000  }
0x39: {  	[sflag:s12] =	ssyncset.done $0x0  }
0x3a: {  	s26 =	sadd.s32 $0x100, s25;
	[sflag:s12] =	ssyncadd.s32 $0xFFFFC000  }
0x3b: {  	[tilespmem:s15], [sflag:$0x1] =	stream.indirect.gather [hbm4b:s4+s14], $0x80, s26, s14, $0xb8;
	[tilespmem:$0x1E800] =	vst v63  }
0x3c: {  	_ =	swait.ge [sflag:s20], $0x4000  }
0x3d: {  	[sflag:s20] =	ssyncset.done $0x0  }
.Ltmp0:
0x3e: {  	s26 =	sadd.s32 $0x1480, s25;
	[sflag:s20] =	ssyncadd.s32 $0xFFFFC000;
	(pc) =	sbr.rel @p0 .LBB2_2-.Ltmp0, $4  }
0x3f: {  	[spmem:s1] =	stream.indirect.scatter.add.f32 [tilespmem:s16], [sflag:$0x3], $0x80, s26, s14, $0xb8;
	[tilespmem:$0x1E800] =	vst v63  }
0x40: {  	_ =	swait.ge [sflag:s12], $0x4000  }
0x41: {  	[sflag:s12] =	ssyncset.done $0x0  }
0x42: {  	s25 =	sadd.s32 $0x180, s25;
	[sflag:s12] =	ssyncadd.s32 $0xFFFFC000  }
0x43: {  	[tilespmem:s16], [sflag:$0x2] =	stream.indirect.gather [hbm4b:s4+s14], $0x80, s25, s14, $0xb8;
	[tilespmem:$0x1E800] =	vst v63  }
0x44: {  	_ =	swait.ge [sflag:s19], $0x4000  }
0x45: {  	[sflag:s19] =	ssyncset.done $0x0  }
0x46: {  	[sflag:s19] =	ssyncadd.s32 $0xFFFFC000  }
0x47: {  	[spmem:s1] =	stream.indirect.scatter.add.f32 [tilespmem:s15], [sflag:$0x3], $0x80, s21, s14, $0xb8;
	[tilespmem:$0x1E800] =	vst v63  }
0x48: {  	_ =	swait.ge [sflag:s12], $0x4000  }
0x49: {  	[sflag:s12] =	ssyncset.done $0x0  }
0x4a: {  	[sflag:s12] =	ssyncadd.s32 $0xFFFFC000  }
0x4b: {  	_ =	swait.ge [sflag:s20], $0x4000  }
0x4c: {  	[sflag:s20] =	ssyncset.done $0x0  }
0x4d: {  	[sflag:s20] =	ssyncadd.s32 $0xFFFFC000  }
0x4e: {  	[spmem:s1] =	stream.indirect.scatter.add.f32 [tilespmem:s16], [sflag:$0x3], $0x80, s22, s14, $0xb8;
	[tilespmem:$0x1E800] =	vst v63  }
0x4f: {  	_ =	swait.ge [sflag:s12], $0x4000  }
0x50: {  	[sflag:s12] =	ssyncset.done $0x0  }
0x51: {  	s24 =	simm.s32 $0x0;
	[sflag:s12] =	ssyncadd.s32 $0xFFFFC000  }
0x52: {  	[tilespmem:s24], [sflag:$0x3] =	stream.linear.gather [hbm4b:s8+s24], $0x1400, $0x38;
	[tilespmem:$0x1E800] =	vst v63  }
0x53: {  	_ =	swait.ge [sflag:s12], $0x1400  }
0x54: {  	[sflag:s12] =	ssyncset.done $0x0  }
0x55: {  	[sflag:s12] =	ssyncadd.s32 $0xFFFFEC00  }
0x56: {  	[tilespmem:s13], [sflag:$0x3] =	stream.linear.gather [hbm4b:s9+s24], $0x1400, $0x38;
	[tilespmem:$0x1E800] =	vst v63  }
0x57: {  	_ =	swait.ge [sflag:s12], $0x1400  }
0x58: {  	[sflag:s12] =	ssyncset.done $0x0  }
0x59: {  	[sflag:s12] =	ssyncadd.s32 $0xFFFFEC00  }
0x5a: {  	[tilespmem:s15], [sflag:$0x1] =	stream.indirect.gather [hbm4b:s4+s14], $0x80, s24, s14, $0xb8;
	[tilespmem:$0x1E800] =	vst v63  }
0x5b: {  	_ = 	snop  }
0x5c: {  	[tilespmem:s16], [sflag:$0x2] =	stream.indirect.gather [hbm4b:s4+s14], $0x80, s14, s14, $0xb8;
	[tilespmem:$0x1E800] =	vst v63  }
0x5d: {  	_ =	swait.ge [sflag:s19], $0x4000  }
0x5e: {  	[sflag:s19] =	ssyncset.done $0x0  }
0x5f: {  	s29 =	simm.s32 $0x1400;
	[sflag:s19] =	ssyncadd.s32 $0xFFFFC000  }
0x60: {  	[spmem:s1] =	stream.indirect.scatter.add.f32 [tilespmem:s15], [sflag:$0x3], $0x80, s29, s14, $0xb8;
	[tilespmem:$0x1E800] =	vst v63  }
0x61: {  	_ =	swait.ge [sflag:s12], $0x4000  }
0x62: {  	[sflag:s12] =	ssyncset.done $0x0  }
0x63: {  	s30 =	simm.s32 $0x100;
	[sflag:s12] =	ssyncadd.s32 $0xFFFFC000  }
0x64: {  	[tilespmem:s15], [sflag:$0x1] =	stream.indirect.gather [hbm4b:s4+s14], $0x80, s30, s14, $0xb8;
	[tilespmem:$0x1E800] =	vst v63  }
0x65: {  	_ =	swait.ge [sflag:s20], $0x4000  }
0x66: {  	[sflag:s20] =	ssyncset.done $0x0  }
0x67: {  	s31 =	simm.s32 $0x1480;
	[sflag:s20] =	ssyncadd.s32 $0xFFFFC000  }
0x68: {  	[spmem:s1] =	stream.indirect.scatter.add.f32 [tilespmem:s16], [sflag:$0x3], $0x80, s31, s14, $0xb8;
	[tilespmem:$0x1E800] =	vst v63  }
0x69: {  	_ =	swait.ge [sflag:s12], $0x4000  }
0x6a: {  	[sflag:s12] =	ssyncset.done $0x0  }
0x6b: {  	s25 =	simm.s32 $0x180;
	s24 =	simm.s32 $0x400;
	[sflag:s12] =	ssyncadd.s32 $0xFFFFC000  }
.LBB2_4:
0x6c: {  	[tilespmem:s16], [sflag:$0x2] =	stream.indirect.gather [hbm4b:s4+s14], $0x80, s25, s14, $0xb8;
	[tilespmem:$0x1E800] =	vst v63  }
0x6d: {  	s25 =	smov.u32 s24  }
0x6e: {  	p0 =	sne.s32 s24, $0x4800;
	s24 =	sadd.s32 $0x400, s24;
	_ =	swait.ge [sflag:s19], $0x4000  }
0x6f: {  	s25 =	sshra.s32 s25, $0x2;
	[sflag:s19] =	ssyncset.done $0x0  }
0x70: {  	s26 =	sadd.s32 $0x1400, s25;
	[sflag:s19] =	ssyncadd.s32 $0xFFFFC000  }
0x71: {  	[spmem:s1] =	stream.indirect.scatter.add.f32 [tilespmem:s15], [sflag:$0x3], $0x80, s26, s14, $0xb8;
	[tilespmem:$0x1E800] =	vst v63  }
0x72: {  	_ =	swait.ge [sflag:s12], $0x4000  }
0x73: {  	[sflag:s12] =	ssyncset.done $0x0  }
0x74: {  	s26 =	sadd.s32 $0x100, s25;
	[sflag:s12] =	ssyncadd.s32 $0xFFFFC000  }
0x75: {  	[tilespmem:s15], [sflag:$0x1] =	stream.indirect.gather [hbm4b:s4+s14], $0x80, s26, s14, $0xb8;
	[tilespmem:$0x1E800] =	vst v63  }
0x76: {  	_ =	swait.ge [sflag:s20], $0x4000  }
0x77: {  	[sflag:s20] =	ssyncset.done $0x0  }
.Ltmp1:
0x78: {  	s26 =	sadd.s32 $0x1480, s25;
	[sflag:s20] =	ssyncadd.s32 $0xFFFFC000;
	(pc) =	sbr.rel @p0 .LBB2_4-.Ltmp1, $4  }
0x79: {  	[spmem:s1] =	stream.indirect.scatter.add.f32 [tilespmem:s16], [sflag:$0x3], $0x80, s26, s14, $0xb8;
	[tilespmem:$0x1E800] =	vst v63  }
0x7a: {  	_ =	swait.ge [sflag:s12], $0x4000  }
0x7b: {  	[sflag:s12] =	ssyncset.done $0x0  }
0x7c: {  	s25 =	sadd.s32 $0x180, s25;
	[sflag:s12] =	ssyncadd.s32 $0xFFFFC000  }
0x7d: {  	[tilespmem:s16], [sflag:$0x2] =	stream.indirect.gather [hbm4b:s4+s14], $0x80, s25, s14, $0xb8;
	[tilespmem:$0x1E800] =	vst v63  }
0x7e: {  	_ =	swait.ge [sflag:s19], $0x4000  }
0x7f: {  	[sflag:s19] =	ssyncset.done $0x0  }
0x80: {  	[sflag:s19] =	ssyncadd.s32 $0xFFFFC000  }
0x81: {  	[spmem:s1] =	stream.indirect.scatter.add.f32 [tilespmem:s15], [sflag:$0x3], $0x80, s21, s14, $0xb8;
	[tilespmem:$0x1E800] =	vst v63  }
0x82: {  	_ =	swait.ge [sflag:s12], $0x4000  }
0x83: {  	[sflag:s12] =	ssyncset.done $0x0  }
0x84: {  	[sflag:s12] =	ssyncadd.s32 $0xFFFFC000  }
0x85: {  	_ =	swait.ge [sflag:s20], $0x4000  }
0x86: {  	[sflag:s20] =	ssyncset.done $0x0  }
0x87: {  	[sflag:s20] =	ssyncadd.s32 $0xFFFFC000  }
0x88: {  	[spmem:s1] =	stream.indirect.scatter.add.f32 [tilespmem:s16], [sflag:$0x3], $0x80, s22, s14, $0xb8;
	[tilespmem:$0x1E800] =	vst v63  }
0x89: {  	_ =	swait.ge [sflag:s12], $0x4000  }
0x8a: {  	s23 =	sadd.s32 $0x1, s23;
	[sflag:s12] =	ssyncset.done $0x0  }
0x8b: {  	p0 =	sne.s32 s23, s11;
	[sflag:s12] =	ssyncadd.s32 $0xFFFFC000  }
.Ltmp2:
0x8c: {  	[bflag:$0x0] =	sbarrier.arrive $0xFFFF;
	(pc) =	sbr.rel @p0 .LBB2_1-.Ltmp2, $4  }
0x8d: {  	[hbm:s10], [sflag:s17] =	dma.local [spmem:s18], $0x2800  }
0x8e: {  	_ =	swait.ge [sflag:s12], $0x2800  }
0x8f: {  	[sflag:s12] =	ssyncset.done $0x0  }
0x90: {  	[sflag:s12] =	ssyncadd.s32 $0xFFFFD800  }
0x91: {  	_ =	sfence.sel $0x180000  }
0x92: {  	[bflag:$0x0] =	sbarrier.arrive $0xFFFF  }
0x93: {  	p0 =	sne.s32 s2, $0x0;
	_ =	strace $0x90000050  }
0x94: {  	s0 =	sadd.s32 @!p0 $0x100000, s0;
	[bflag:$0x2] =	sbarrier.arrive $0xFFFF  }
0x95: {  	[sflag:s0] =	ssyncadd.tile.s32 @!p0 $0x1;
	_ =	shalt  }
.Lfunc_end2:
_tile_overlayer_lowered:
.L_overlay_start_2:
0x96: {  	(tag) =	ssettag $0x2  }
0x97: {  	s0 =	rddreg [dreg:$0x0];
	s2 =	stileid.u32  }
0x98: {  	s1 =	rddreg [dreg:$0x1];
	p0 =	sne.s32 s2, $0x0  }
0x99: {  	s3 =	rddreg [dreg:$0x2];
	[bflag:$0x3] =	sbarrier.arrive $0xFFFF;
	s2 =	simm.s32 @!p0 $0x1C03  }
0x9a: {  	[timem:s3], [sflag:s2] =	dma.local @!p0 [hbm:s0], s1  }
0x9b: {  	s0 =	simm.s32 @!p0 $0x3  }
0x9c: {  	_ =	swait.ge @!p0 [sflag:s0], s1  }
0x9d: {  	s1 =	ssub.s32 @!p0 $0x0, s1;
	[sflag:s0] =	ssyncset.done @!p0 $0x0  }
0x9e: {  	[sflag:s0] =	ssyncadd.s32 @!p0 s1  }
0x9f: {  	[bflag:$0x3] =	sbarrier.arrive $0xFFFF  }
0xa0: {  	_ =	shalt  }

// kernel: kernel.27.cloned.1.call-start
scs
__scs_entry_jumppad:
0x0: {  	(pc) =	sbr.rel $0x88, $3  }
0x1: {  	(tag) =	ssettag $0x0;
	lr =	simm.s32 $0x1  }
0x2: {  	[smem:$0x3F8B] =	sst lr;
	_ =	strace $0xD0000000  }
0x3: {  	_ = 	snop  }
0x4: {  	_ = 	snop  }
0x5: {  	_ = 	snop  }
0x6: {  	_ = 	snop  }
0x7: {  	_ = 	snop  }
__scs_overlays_trampoline_lowered:
0x8: {  	[smem:$0x3F9A] =	sst s0  }
0x9: {  	[smem:$0x3F9B] =	sst s1  }
0xa: {  	[smem:$0x3F9C] =	sst s2  }
0xb: {  	[smem:$0x3F9D] =	sst s3  }
0xc: {  	[smem:$0x3F9E] =	sst s4  }
0xd: {  	[smem:$0x3F9F] =	sst s5  }
0xe: {  	[smem:$0x3FA0] =	sst s6  }
0xf: {  	[smem:$0x3FA1] =	sst s7  }
0x10: {  	[smem:$0x3FA2] =	sst s8  }
0x11: {  	[smem:$0x3FA3] =	sst s9;
	s0 =	simm.s32 @!p0 $0x0  }
0x12: {  	s1 =	sld [smem:$0x3F89];
	s0 =	simm.s32 @p0 $0x1  }
0x13: {  	[smem:$0x3FA4] =	sst s0;
	s0 =	simm.s32 @!p1 $0x0  }
0x14: {  	s2 =	sld [smem:$0x3F88];
	s0 =	simm.s32 @p1 $0x1  }
0x15: {  	[smem:$0x3FA5] =	sst s0;
	s0 =	simm.s32 @!p2 $0x0  }
0x16: {  	s3 =	sld [smem:$0x3FDB];
	s0 =	simm.s32 @p2 $0x1  }
0x17: {  	s4 =	simm.s32 $0x1BF5;
	[smem:$0x3FA7] =	sst s0  }
0x18: {  	s0 =	sld [smem:$0x3F8A];
	_ =	swait.ge [sflag:s4], $0x0  }
0x19: {  	s7 =	sld [smem:$0x3F8B]  }
0x1a: {  	s8 =	sadd.s32 $0xFFFFE003, lr  }
0x1b: {  	s9 =	sadd.s32 $0xFFFFFEF7, lr;
	s5 =	simm.s32 $0xFFFFFFFF;
	p2 =	slt.u32 s8, $0xFFFFF086  }
0x1c: {  	p1 =	slt.u32 s9, $0xF7A;
	s5 =	simm.s32 @!p2 $0x0  }
0x1d: {  	s5 =	simm.s32 @p1 $0x1;
	p0 =	seq.s32 s7, s2  }
0x1e: {  	s7 =	smul.u32 @!p0 $0xF7A, s2;
	p2 =	seq.s32 @!p0 s5, $0x0  }
0x1f: {  	s9 =	smul.u32 $0xF7A, s1;
	s8 =	simm.s32 @!p0 $0x1BF5;
	p2 =	por !p2, p0  }
0x20: {  	[sflag:s8] =	ssyncset.s32 @!p0 $0xFFFFF086;
	s6 =	sadd.s32 @!p0 s3, s7;
	s7 =	simm.s32 @!p0 $0x108  }
0x21: {  	s3 =	sadd.s32 s3, s9;
	s6 =	sadd.s32 @!p0 $0x88, s6;
	s7 =	simm.s32 @p2 $0x1082  }
0x22: {  	[simem:s7], [sflag:s8] =	dma.local @!p0 [hbm:s6], $0xF7A  }
0x23: {  	s9 =	sor.u32 $0xD0000000, s2;
	s6 =	simm.s32 $0x108;
	_ =	swait.ge @!p0 [sflag:s8], $0x0  }
0x24: {  	s3 =	sadd.s32 $0x88, s3;
	s6 =	simm.s32 @!p1 $0x1082;
	[sflag:s4] =	ssyncset.s32 $0xFFFFF086  }
0x25: {  	[simem:s6], [sflag:s4] =	dma.local [hbm:s3], $0xF7A  }
0x26: {  	[smem:$0x3F8B] =	sst s1;
	(tag) =	ssettag s2;
	_ =	strace s9  }
0x27: {  	s1 =	sld [smem:$0x3F9B]  }
0x28: {  	s2 =	sld [smem:$0x3F9C]  }
0x29: {  	s4 =	sld [smem:$0x3F9E]  }
0x2a: {  	p0 =	seq.s32 s5, $0x0;
	s5 =	sld [smem:$0x3F9F]  }
0x2b: {  	s6 =	sld [smem:$0x3FA0]  }
0x2c: {  	s7 =	sld [smem:$0x3FA1]  }
0x2d: {  	s3 =	simm.s32 $0x108;
	s8 =	sld [smem:$0x3FA2]  }
0x2e: {  	s3 =	simm.s32 @!p0 $0x1082;
	s9 =	sld [smem:$0x3FA3]  }
0x2f: {  	lr =	sadd.s32 s0, s3;
	s0 =	sld [smem:$0x3F9A]  }
0x30: {  	s3 =	sld [smem:$0x3F9D]  }
0x31: {  	[smem:$0x3FA6] =	sst s10  }
0x32: {  	s10 =	sld [smem:$0x3FA4];
	_ =	sdelay $0x3  }
0x33: {  	p0 =	seq.s32 s10, $0x1;
	s10 =	sld [smem:$0x3FA6];
	_ =	sdelay $0x3  }
0x34: {  	[smem:$0x3FA6] =	sst s10  }
0x35: {  	s10 =	sld [smem:$0x3FA5];
	_ =	sdelay $0x3  }
0x36: {  	p1 =	seq.s32 s10, $0x1;
	s10 =	sld [smem:$0x3FA6];
	_ =	sdelay $0x3  }
0x37: {  	[smem:$0x3FA6] =	sst s10  }
0x38: {  	s10 =	sld [smem:$0x3FA7]  }
0x39: {  	_ = 	snop;
	(pc) =	sbr.ind lr, $3  }
0x3a: {  	_ = 	snop  }
0x3b: {  	_ = 	snop  }
0x3c: {  	p2 =	seq.s32 s10, $0x1;
	s10 =	sld [smem:$0x3FA6]  }
0x3d: {  	_ =	shalt  }
0x3e: {  	_ =	shalt  }
0x3f: {  	_ =	shalt  }
0x40: {  	_ =	shalt  }
0x41: {  	_ =	shalt  }
0x42: {  	_ =	shalt  }
0x43: {  	_ =	shalt  }
0x44: {  	_ =	shalt  }
0x45: {  	_ =	shalt  }
0x46: {  	_ =	shalt  }
0x47: {  	_ =	shalt  }
0x48: {  	_ =	shalt  }
0x49: {  	_ =	shalt  }
0x4a: {  	_ =	shalt  }
0x4b: {  	_ =	shalt  }
0x4c: {  	_ =	shalt  }
0x4d: {  	_ =	shalt  }
0x4e: {  	_ =	shalt  }
0x4f: {  	_ =	shalt  }
0x50: {  	_ =	shalt  }
0x51: {  	_ =	shalt  }
0x52: {  	_ =	shalt  }
0x53: {  	_ =	shalt  }
0x54: {  	_ =	shalt  }
0x55: {  	_ =	shalt  }
0x56: {  	_ =	shalt  }
0x57: {  	_ =	shalt  }
0x58: {  	_ =	shalt  }
0x59: {  	_ =	shalt  }
0x5a: {  	_ =	shalt  }
0x5b: {  	_ =	shalt  }
0x5c: {  	_ =	shalt  }
0x5d: {  	_ =	shalt  }
0x5e: {  	_ =	shalt  }
0x5f: {  	_ =	shalt  }
0x60: {  	_ =	shalt  }
0x61: {  	_ =	shalt  }
0x62: {  	_ =	shalt  }
0x63: {  	_ =	shalt  }
0x64: {  	_ =	shalt  }
0x65: {  	_ =	shalt  }
0x66: {  	_ =	shalt  }
0x67: {  	_ =	shalt  }
0x68: {  	_ =	shalt  }
0x69: {  	_ =	shalt  }
0x6a: {  	_ =	shalt  }
0x6b: {  	_ =	shalt  }
0x6c: {  	_ =	shalt  }
0x6d: {  	_ =	shalt  }
0x6e: {  	_ =	shalt  }
0x6f: {  	_ =	shalt  }
0x70: {  	_ =	shalt  }
0x71: {  	_ =	shalt  }
0x72: {  	_ =	shalt  }
0x73: {  	_ =	shalt  }
0x74: {  	_ =	shalt  }
0x75: {  	_ =	shalt  }
0x76: {  	_ =	shalt  }
0x77: {  	_ =	shalt  }
0x78: {  	_ =	shalt  }
0x79: {  	_ =	shalt  }
0x7a: {  	_ =	shalt  }
0x7b: {  	_ =	shalt  }
0x7c: {  	_ =	shalt  }
0x7d: {  	_ =	shalt  }
0x7e: {  	_ =	shalt  }
0x7f: {  	_ =	shalt  }
0x80: {  	_ =	shalt  }
0x81: {  	_ =	shalt  }
0x82: {  	_ =	shalt  }
0x83: {  	_ =	shalt  }
0x84: {  	_ =	shalt  }
0x85: {  	_ =	shalt  }
0x86: {  	_ =	shalt  }
0x87: {  	_ =	shalt  }
.Lfunc_end0:
.L_simem_size_0:
called_computation.4_lowered:
.L_overlay_start_0:
0x88: {  	s2 =	sld [smem:$0x3FD9]  }
0x89: {  	s3 =	sld [smem:$0x3FFE];
	_ =	sdelay $0x1  }
0x8a: {  	s1 =	srdreg.scid  }
0x8b: {  	s0 =	sand.u32 $0x1, s1  }
0x8c: {  	s16 =	sshll.u32 s0, $0xA;
	s2 =	sadd.s32 s3, s2  }
0x8d: {  	s2 =	sadd.s32 s2, s16  }
0x8e: {  	[smem:$0x3FB2] =	sst s2  }
0x8f: {  	_ = 	snop  }
0x90: {  	(tm) =	ssettm $0x1  }
0x91: {  	s17 =	sld [smem:$0x3FFB];
	_ =	sdelay $0x3  }
0x92: {  	_ =	strace s17  }
0x93: {  	s2 =	sld [smem:$0x3FFC];
	_ =	sdelay $0x3  }
0x94: {  	_ =	strace s2  }
0x95: {  	s2 =	sld [smem:$0x3FFD];
	_ =	sdelay $0x3  }
0x96: {  	_ =	strace s2  }
0x97: {  	_ =	strace $0x8FFFFFFF  }
0x98: {  	s18 =	sld [smem:$0x3FDB];
	_ =	sdelay $0x1  }
0x99: {  	s19 =	simm.s32 $_scs_section_size  }
0x9a: {  	s4 =	simm.s32 $_size__tile_overlayer_lowered;
	s5 =	simm.s32 $_tile_overlayer_lowered  }
0x9b: {  	s22 =	simm.s32 $0x1BFF;
	s21 =	sshll.u32 s5, $0x1;
	s2 =	sadd.s32 s19, s18  }
0x9c: {  	s6 =	simm.s32 $0x0;
	s20 =	sshll.u32 s4, $0x1;
	s4 =	sadd.s32 s21, s2  }
0x9d: {  	[timem:s6], [sflag:s22] =	dma.local [hbm:s4], s20  }
0x9e: {  	_ =	swait.ge [sflag:s22], s20  }
0x9f: {  	s3 =	ssub.s32 $0x0, s20;
	[sflag:s22] =	ssyncset.done $0x0  }
0xa0: {  	[sflag:s22] =	ssyncadd.s32 s3;
	_ =	sdelay $0x1  }
0xa1: {  	s23 =	simm.s32 $0x1B8B  }
0xa2: {  	_ =	swait.ge [sflag:s23], $0x1  }
0xa3: {  	[sflag:s23] =	ssyncset.done $0x0  }
0xa4: {  	s25 =	simm.s32 $0x1B8E;
	s24 =	sld [smem:$0x3FFE];
	[sflag:s23] =	ssyncadd.s32 $0xFFFFFFFF  }
0xa5: {  	s26 =	simm.s32 $execute0_lowered;
	[smem:$0x3FD2] =	sst s25  }
0xa6: {  	s4 =	sshll.u32 s26, $0x1;
	_ =	strace $0x80000052;
	[dreg:$0x1] =	wrdreg $0xFFFFFFFF  }
0xa7: {  	s28 =	simm.s32 $_size_execute0_lowered;
	s2 =	sadd.s32 s2, s4;
	[dreg:$0x0] =	wrdreg $0x0  }
0xa8: {  	s4 =	sshll.u32 s28, $0x1;
	[dreg:$0x2] =	wrdreg s2  }
0xa9: {  	[dreg:$0x3] =	wrdreg s4  }
0xaa: {  	[dreg:$0x4] =	wrdreg $0xC0  }
0xab: {  	_ =	task [dreg:s6], $0x5FFFF  }
0xac: {  	[dreg:$0x1] =	wrdreg $0xFFFFFFFF  }
0xad: {  	[dreg:$0x0] =	wrdreg $0x60  }
0xae: {  	[dreg:$0x2] =	wrdreg s24  }
0xaf: {  	[dreg:$0x3] =	wrdreg $0xA8000  }
0xb0: {  	[dreg:$0x4] =	wrdreg $0x9  }
0xb1: {  	_ =	task.clear_ibuf [dreg:s6], $0x5FFFF;
	_ =	strace $0x90000052  }
0xb2: {  	s29 =	simm.s32 $0x9;
	_ =	strace $0x80000054  }
0xb3: {  	_ =	swait.ge [sflag:s29], $0x1  }
0xb4: {  	[sflag:s29] =	ssyncadd.s32 $0xFFFFFFFF  }
0xb5: {  	_ =	strace $0x90000054  }
0xb6: {  	_ =	sfence  }
0xb7: {  	s30 =	sld [smem:$0x0];
	_ =	sdelay $0x2  }
0xb8: {  	s31 =	sshll.u32 s1, $0xD;
	s1 =	sshrl.u32 s1, $0x2  }
0xb9: {  	s3 =	sand.u32 $0x4000, s31;
	s1 =	sadd.s32 s1, s30  }
0xba: {  	s0 =	sor.u32 s3, s0;
	s1 =	sshll.u32 s1, $0x11  }
0xbb: {  	s0 =	sor.u32 s1, s0  }
0xbc: {  	s0 =	sadd.s32 $0x8F2B, s0  }
0xbd: {  	[sflag:s0] =	ssyncadd.remote.s32 $0x1  }
0xbe: {  	_ =	sfence.sel $0xFFFF  }
0xbf: {  	[dreg:$0x0] =	wrdreg $0xFFFFFFFF;
	(pc) =	sbr.abs _section_cstart, $3  }
0xc0: {  	[dreg:$0x1] =	wrdreg $0xFFFFFFFF  }
0xc1: {  	_ =	task.clear_ibuf [dreg:s6], $0x2FFFF;
	_ =	strace $0x9FFFFFFF  }
0xc2: {  	(tm) =	ssettm $0x7FFFFFFF  }
0xc3: {  	_ =	shalt  }
tec
execute0_lowered:
.L_overlay_start_1:
0x0: {  	(tag) =	ssettag $0x1  }
0x1: {  	s5 =	rddreg [dreg:$0x0]  }
0x2: {  	s1 =	rddreg [dreg:$0x1]  }
0x3: {  	s0 =	rddreg [dreg:$0x2];
	s3 =	simm.s32 $0x0;
	s2 =	stileid.u32  }
0x4: {  	s4 =	srdreg.scid;
	s15 =	simm.s32 $0x2800;
	s16 =	simm.s32 $0x6800  }
0x5: {  	s19 =	simm.s32 $0x1;
	s20 =	simm.s32 $0x2;
	s21 =	simm.s32 $0x2700  }
0x6: {  	s22 =	simm.s32 $0x2780;
	s23 =	simm.s32 $0x0;
	[smem:$0x7FF] =	sst s3  }
0x7: {  	s8 =	sadd.s32 $0x5400, s5;
	s6 =	smul.u32 $0x14000, s2;
	s7 =	sand.u32 $0x1, s4  }
0x8: {  	s9 =	sadd.s32 $0xF400, s5;
	s4 =	sadd.s32 $0x41400, s5;
	s29 =	smul.u32 $0x50000, s2  }
0x9: {  	s17 =	sshll.u32 s2, $0x6;
	_ =	strace $0x80000053;
	s10 =	smul.u32 $0x140000, s7  }
0xa: {  	s11 =	sshll.u32 s7, $0x4;
	s7 =	ssub.s32 $0x2, s7;
	s17 =	sor.u32 $0x1C03, s17  }
0xb: {  	s12 =	sshrl.u32 s6, $0x3;
	s11 =	sor.u32 s2, s11;
	s30 =	sshrl.u32 s7, $0x1  }
0xc: {  	s31 =	sshrl.u32 s29, $0x2;
	s12 =	sadd.s32 s12, s5;
	s6 =	sadd.s32 s6, s10  }
0xd: {  	s28 =	smul.u32 $0x2800, s11;
	s14 =	ssub.s32 s7, s30;
	s18 =	sadd.s32 s31, s1  }
0xe: {  	s6 =	sshrl.u32 s6, $0x3;
	s7 =	sadd.s32 $0x19400, s12;
	s11 =	smax.u32 s14, $0x1  }
0xf: {  	s12 =	simm.s32 $0x3;
	s13 =	sadd.s32 s6, s5;
	s10 =	sshrl.u32 s28, $0x3  }
0x10: {  	s5 =	sadd.s32 s8, s10;
	s6 =	sadd.s32 s9, s10;
	s10 =	sadd.s32 $0x280, s10  }
0x11: {  	s14 =	simm.s32 $0x80;
	s18 =	sshrl.u32 s18, $0x3;
	s8 =	sadd.s32 s8, s10  }
0x12: {  	s9 =	sadd.s32 s9, s10;
	s10 =	sadd.s32 $0x91400, s13;
	s13 =	simm.s32 $0x1400  }
.LBB2_1:
0x13: {  	[tilespmem:s3], [sflag:$0x3] =	stream.linear.gather [hbm4b:s5+s3], $0x1400, $0x38;
	[tilespmem:$0x1E800] =	vst v63  }
0x14: {  	_ =	swait.ge [sflag:s12], $0x1400  }
0x15: {  	[sflag:s12] =	ssyncset.done $0x0  }
0x16: {  	[sflag:s12] =	ssyncadd.s32 $0xFFFFEC00  }
0x17: {  	[tilespmem:s13], [sflag:$0x3] =	stream.linear.gather [hbm4b:s6+s3], $0x1400, $0x38;
	[tilespmem:$0x1E800] =	vst v63  }
0x18: {  	_ =	swait.ge [sflag:s12], $0x1400  }
0x19: {  	[sflag:s12] =	ssyncset.done $0x0  }
0x1a: {  	[sflag:s12] =	ssyncadd.s32 $0xFFFFEC00  }
0x1b: {  	[tilespmem:s15], [sflag:$0x1] =	stream.indirect.gather [hbm4b:s4+s14], $0x80, s3, s14, $0xb8;
	[tilespmem:$0x1E800] =	vst v63  }
0x1c: {  	_ = 	snop  }
0x1d: {  	[tilespmem:s16], [sflag:$0x2] =	stream.indirect.gather [hbm4b:s4+s14], $0x80, s14, s14, $0xb8;
	[tilespmem:$0x1E800] =	vst v63  }
0x1e: {  	[spmem:s18], [sflag:s17] =	dma.local [hbm:s7], $0x2800  }
0x1f: {  	_ =	swait.ge [sflag:s12], $0x2800  }
0x20: {  	[sflag:s12] =	ssyncset.done $0x0  }
0x21: {  	[sflag:s12] =	ssyncadd.s32 $0xFFFFD800  }
0x22: {  	[bflag:$0x0] =	sbarrier.arrive $0xFFFF  }
0x23: {  	_ =	swait.ge [sflag:s19], $0x4000  }
0x24: {  	[sflag:s19] =	ssyncset.done $0x0  }
0x25: {  	s24 =	simm.s32 $0x1400;
	[sflag:s19] =	ssyncadd.s32 $0xFFFFC000  }
0x26: {  	[spmem:s1] =	stream.indirect.scatter.add.f32 [tilespmem:s15], [sflag:$0x3], $0x80, s24, s14, $0xb8;
	[tilespmem:$0x1E800] =	vst v63  }
0x27: {  	_ =	swait.ge [sflag:s12], $0x4000  }
0x28: {  	[sflag:s12] =	ssyncset.done $0x0  }
0x29: {  	s30 =	simm.s32 $0x100;
	[sflag:s12] =	ssyncadd.s32 $0xFFFFC000  }
0x2a: {  	[tilespmem:s15], [sflag:$0x1] =	stream.indirect.gather [hbm4b:s4+s14], $0x80, s30, s14, $0xb8;
	[tilespmem:$0x1E800] =	vst v63  }
0x2b: {  	_ =	swait.ge [sflag:s20], $0x4000  }
0x2c: {  	[sflag:s20] =	ssyncset.done $0x0  }
0x2d: {  	s31 =	simm.s32 $0x1480;
	[sflag:s20] =	ssyncadd.s32 $0xFFFFC000  }
0x2e: {  	[spmem:s1] =	stream.indirect.scatter.add.f32 [tilespmem:s16], [sflag:$0x3], $0x80, s31, s14, $0xb8;
	[tilespmem:$0x1E800] =	vst v63  }
0x2f: {  	_ =	swait.ge [sflag:s12], $0x4000  }
0x30: {  	[sflag:s12] =	ssyncset.done $0x0  }
0x31: {  	s25 =	simm.s32 $0x180;
	s24 =	simm.s32 $0x400;
	[sflag:s12] =	ssyncadd.s32 $0xFFFFC000  }
.LBB2_2:
0x32: {  	[tilespmem:s16], [sflag:$0x2] =	stream.indirect.gather [hbm4b:s4+s14], $0x80, s25, s14, $0xb8;
	[tilespmem:$0x1E800] =	vst v63  }
0x33: {  	s25 =	smov.u32 s24  }
0x34: {  	p0 =	sne.s32 s24, $0x4800;
	s24 =	sadd.s32 $0x400, s24;
	_ =	swait.ge [sflag:s19], $0x4000  }
0x35: {  	s25 =	sshra.s32 s25, $0x2;
	[sflag:s19] =	ssyncset.done $0x0  }
0x36: {  	s26 =	sadd.s32 $0x1400, s25;
	[sflag:s19] =	ssyncadd.s32 $0xFFFFC000  }
0x37: {  	[spmem:s1] =	stream.indirect.scatter.add.f32 [tilespmem:s15], [sflag:$0x3], $0x80, s26, s14, $0xb8;
	[tilespmem:$0x1E800] =	vst v63  }
0x38: {  	_ =	swait.ge [sflag:s12], $0x4000  }
0x39: {  	[sflag:s12] =	ssyncset.done $0x0  }
0x3a: {  	s26 =	sadd.s32 $0x100, s25;
	[sflag:s12] =	ssyncadd.s32 $0xFFFFC000  }
0x3b: {  	[tilespmem:s15], [sflag:$0x1] =	stream.indirect.gather [hbm4b:s4+s14], $0x80, s26, s14, $0xb8;
	[tilespmem:$0x1E800] =	vst v63  }
0x3c: {  	_ =	swait.ge [sflag:s20], $0x4000  }
0x3d: {  	[sflag:s20] =	ssyncset.done $0x0  }
.Ltmp0:
0x3e: {  	s26 =	sadd.s32 $0x1480, s25;
	[sflag:s20] =	ssyncadd.s32 $0xFFFFC000;
	(pc) =	sbr.rel @p0 .LBB2_2-.Ltmp0, $4  }
0x3f: {  	[spmem:s1] =	stream.indirect.scatter.add.f32 [tilespmem:s16], [sflag:$0x3], $0x80, s26, s14, $0xb8;
	[tilespmem:$0x1E800] =	vst v63  }
0x40: {  	_ =	swait.ge [sflag:s12], $0x4000  }
0x41: {  	[sflag:s12] =	ssyncset.done $0x0  }
0x42: {  	s25 =	sadd.s32 $0x180, s25;
	[sflag:s12] =	ssyncadd.s32 $0xFFFFC000  }
0x43: {  	[tilespmem:s16], [sflag:$0x2] =	stream.indirect.gather [hbm4b:s4+s14], $0x80, s25, s14, $0xb8;
	[tilespmem:$0x1E800] =	vst v63  }
0x44: {  	_ =	swait.ge [sflag:s19], $0x4000  }
0x45: {  	[sflag:s19] =	ssyncset.done $0x0  }
0x46: {  	[sflag:s19] =	ssyncadd.s32 $0xFFFFC000  }
0x47: {  	[spmem:s1] =	stream.indirect.scatter.add.f32 [tilespmem:s15], [sflag:$0x3], $0x80, s21, s14, $0xb8;
	[tilespmem:$0x1E800] =	vst v63  }
0x48: {  	_ =	swait.ge [sflag:s12], $0x4000  }
0x49: {  	[sflag:s12] =	ssyncset.done $0x0  }
0x4a: {  	[sflag:s12] =	ssyncadd.s32 $0xFFFFC000  }
0x4b: {  	_ =	swait.ge [sflag:s20], $0x4000  }
0x4c: {  	[sflag:s20] =	ssyncset.done $0x0  }
0x4d: {  	[sflag:s20] =	ssyncadd.s32 $0xFFFFC000  }
0x4e: {  	[spmem:s1] =	stream.indirect.scatter.add.f32 [tilespmem:s16], [sflag:$0x3], $0x80, s22, s14, $0xb8;
	[tilespmem:$0x1E800] =	vst v63  }
0x4f: {  	_ =	swait.ge [sflag:s12], $0x4000  }
0x50: {  	[sflag:s12] =	ssyncset.done $0x0  }
0x51: {  	s24 =	simm.s32 $0x0;
	[sflag:s12] =	ssyncadd.s32 $0xFFFFC000  }
0x52: {  	[tilespmem:s24], [sflag:$0x3] =	stream.linear.gather [hbm4b:s8+s24], $0x1400, $0x38;
	[tilespmem:$0x1E800] =	vst v63  }
0x53: {  	_ =	swait.ge [sflag:s12], $0x1400  }
0x54: {  	[sflag:s12] =	ssyncset.done $0x0  }
0x55: {  	[sflag:s12] =	ssyncadd.s32 $0xFFFFEC00  }
0x56: {  	[tilespmem:s13], [sflag:$0x3] =	stream.linear.gather [hbm4b:s9+s24], $0x1400, $0x38;
	[tilespmem:$0x1E800] =	vst v63  }
0x57: {  	_ =	swait.ge [sflag:s12], $0x1400  }
0x58: {  	[sflag:s12] =	ssyncset.done $0x0  }
0x59: {  	[sflag:s12] =	ssyncadd.s32 $0xFFFFEC00  }
0x5a: {  	[tilespmem:s15], [sflag:$0x1] =	stream.indirect.gather [hbm4b:s4+s14], $0x80, s24, s14, $0xb8;
	[tilespmem:$0x1E800] =	vst v63  }
0x5b: {  	_ = 	snop  }
0x5c: {  	[tilespmem:s16], [sflag:$0x2] =	stream.indirect.gather [hbm4b:s4+s14], $0x80, s14, s14, $0xb8;
	[tilespmem:$0x1E800] =	vst v63  }
0x5d: {  	_ =	swait.ge [sflag:s19], $0x4000  }
0x5e: {  	[sflag:s19] =	ssyncset.done $0x0  }
0x5f: {  	s29 =	simm.s32 $0x1400;
	[sflag:s19] =	ssyncadd.s32 $0xFFFFC000  }
0x60: {  	[spmem:s1] =	stream.indirect.scatter.add.f32 [tilespmem:s15], [sflag:$0x3], $0x80, s29, s14, $0xb8;
	[tilespmem:$0x1E800] =	vst v63  }
0x61: {  	_ =	swait.ge [sflag:s12], $0x4000  }
0x62: {  	[sflag:s12] =	ssyncset.done $0x0  }
0x63: {  	s30 =	simm.s32 $0x100;
	[sflag:s12] =	ssyncadd.s32 $0xFFFFC000  }
0x64: {  	[tilespmem:s15], [sflag:$0x1] =	stream.indirect.gather [hbm4b:s4+s14], $0x80, s30, s14, $0xb8;
	[tilespmem:$0x1E800] =	vst v63  }
0x65: {  	_ =	swait.ge [sflag:s20], $0x4000  }
0x66: {  	[sflag:s20] =	ssyncset.done $0x0  }
0x67: {  	s31 =	simm.s32 $0x1480;
	[sflag:s20] =	ssyncadd.s32 $0xFFFFC000  }
0x68: {  	[spmem:s1] =	stream.indirect.scatter.add.f32 [tilespmem:s16], [sflag:$0x3], $0x80, s31, s14, $0xb8;
	[tilespmem:$0x1E800] =	vst v63  }
0x69: {  	_ =	swait.ge [sflag:s12], $0x4000  }
0x6a: {  	[sflag:s12] =	ssyncset.done $0x0  }
0x6b: {  	s25 =	simm.s32 $0x180;
	s24 =	simm.s32 $0x400;
	[sflag:s12] =	ssyncadd.s32 $0xFFFFC000  }
.LBB2_4:
0x6c: {  	[tilespmem:s16], [sflag:$0x2] =	stream.indirect.gather [hbm4b:s4+s14], $0x80, s25, s14, $0xb8;
	[tilespmem:$0x1E800] =	vst v63  }
0x6d: {  	s25 =	smov.u32 s24  }
0x6e: {  	p0 =	sne.s32 s24, $0x4800;
	s24 =	sadd.s32 $0x400, s24;
	_ =	swait.ge [sflag:s19], $0x4000  }
0x6f: {  	s25 =	sshra.s32 s25, $0x2;
	[sflag:s19] =	ssyncset.done $0x0  }
0x70: {  	s26 =	sadd.s32 $0x1400, s25;
	[sflag:s19] =	ssyncadd.s32 $0xFFFFC000  }
0x71: {  	[spmem:s1] =	stream.indirect.scatter.add.f32 [tilespmem:s15], [sflag:$0x3], $0x80, s26, s14, $0xb8;
	[tilespmem:$0x1E800] =	vst v63  }
0x72: {  	_ =	swait.ge [sflag:s12], $0x4000  }
0x73: {  	[sflag:s12] =	ssyncset.done $0x0  }
0x74: {  	s26 =	sadd.s32 $0x100, s25;
	[sflag:s12] =	ssyncadd.s32 $0xFFFFC000  }
0x75: {  	[tilespmem:s15], [sflag:$0x1] =	stream.indirect.gather [hbm4b:s4+s14], $0x80, s26, s14, $0xb8;
	[tilespmem:$0x1E800] =	vst v63  }
0x76: {  	_ =	swait.ge [sflag:s20], $0x4000  }
0x77: {  	[sflag:s20] =	ssyncset.done $0x0  }
.Ltmp1:
0x78: {  	s26 =	sadd.s32 $0x1480, s25;
	[sflag:s20] =	ssyncadd.s32 $0xFFFFC000;
	(pc) =	sbr.rel @p0 .LBB2_4-.Ltmp1, $4  }
0x79: {  	[spmem:s1] =	stream.indirect.scatter.add.f32 [tilespmem:s16], [sflag:$0x3], $0x80, s26, s14, $0xb8;
	[tilespmem:$0x1E800] =	vst v63  }
0x7a: {  	_ =	swait.ge [sflag:s12], $0x4000  }
0x7b: {  	[sflag:s12] =	ssyncset.done $0x0  }
0x7c: {  	s25 =	sadd.s32 $0x180, s25;
	[sflag:s12] =	ssyncadd.s32 $0xFFFFC000  }
0x7d: {  	[tilespmem:s16], [sflag:$0x2] =	stream.indirect.gather [hbm4b:s4+s14], $0x80, s25, s14, $0xb8;
	[tilespmem:$0x1E800] =	vst v63  }
0x7e: {  	_ =	swait.ge [sflag:s19], $0x4000  }
0x7f: {  	[sflag:s19] =	ssyncset.done $0x0  }
0x80: {  	[sflag:s19] =	ssyncadd.s32 $0xFFFFC000  }
0x81: {  	[spmem:s1] =	stream.indirect.scatter.add.f32 [tilespmem:s15], [sflag:$0x3], $0x80, s21, s14, $0xb8;
	[tilespmem:$0x1E800] =	vst v63  }
0x82: {  	_ =	swait.ge [sflag:s12], $0x4000  }
0x83: {  	[sflag:s12] =	ssyncset.done $0x0  }
0x84: {  	[sflag:s12] =	ssyncadd.s32 $0xFFFFC000  }
0x85: {  	_ =	swait.ge [sflag:s20], $0x4000  }
0x86: {  	[sflag:s20] =	ssyncset.done $0x0  }
0x87: {  	[sflag:s20] =	ssyncadd.s32 $0xFFFFC000  }
0x88: {  	[spmem:s1] =	stream.indirect.scatter.add.f32 [tilespmem:s16], [sflag:$0x3], $0x80, s22, s14, $0xb8;
	[tilespmem:$0x1E800] =	vst v63  }
0x89: {  	_ =	swait.ge [sflag:s12], $0x4000  }
0x8a: {  	s23 =	sadd.s32 $0x1, s23;
	[sflag:s12] =	ssyncset.done $0x0  }
0x8b: {  	p0 =	sne.s32 s23, s11;
	[sflag:s12] =	ssyncadd.s32 $0xFFFFC000  }
.Ltmp2:
0x8c: {  	[bflag:$0x0] =	sbarrier.arrive $0xFFFF;
	(pc) =	sbr.rel @p0 .LBB2_1-.Ltmp2, $4  }
0x8d: {  	[hbm:s10], [sflag:s17] =	dma.local [spmem:s18], $0x2800  }
0x8e: {  	_ =	swait.ge [sflag:s12], $0x2800  }
0x8f: {  	[sflag:s12] =	ssyncset.done $0x0  }
0x90: {  	[sflag:s12] =	ssyncadd.s32 $0xFFFFD800  }
0x91: {  	_ =	sfence.sel $0x180000  }
0x92: {  	[bflag:$0x0] =	sbarrier.arrive $0xFFFF  }
0x93: {  	p0 =	sne.s32 s2, $0x0;
	_ =	strace $0x90000053  }
0x94: {  	s0 =	sadd.s32 @!p0 $0x100000, s0;
	[bflag:$0x2] =	sbarrier.arrive $0xFFFF  }
0x95: {  	[sflag:s0] =	ssyncadd.tile.s32 @!p0 $0x1;
	_ =	shalt  }
.Lfunc_end2:
_tile_overlayer_lowered:
.L_overlay_start_2:
0x96: {  	(tag) =	ssettag $0x2  }
0x97: {  	s0 =	rddreg [dreg:$0x0];
	s2 =	stileid.u32  }
0x98: {  	s1 =	rddreg [dreg:$0x1];
	p0 =	sne.s32 s2, $0x0  }
0x99: {  	s3 =	rddreg [dreg:$0x2];
	[bflag:$0x3] =	sbarrier.arrive $0xFFFF;
	s2 =	simm.s32 @!p0 $0x1C03  }
0x9a: {  	[timem:s3], [sflag:s2] =	dma.local @!p0 [hbm:s0], s1  }
0x9b: {  	s0 =	simm.s32 @!p0 $0x3  }
0x9c: {  	_ =	swait.ge @!p0 [sflag:s0], s1  }
0x9d: {  	s1 =	ssub.s32 @!p0 $0x0, s1;
	[sflag:s0] =	ssyncset.done @!p0 $0x0  }
0x9e: {  	[sflag:s0] =	ssyncadd.s32 @!p0 s1  }
0x9f: {  	[bflag:$0x3] =	sbarrier.arrive $0xFFFF  }
0xa0: {  	_ =	shalt  }

</sc_bundles>
